<compile_context>
chip_gen: v7x
topology: tpu7x:2x2x1
jax: 0.10.2.dev20260603
libtpu: 0.0.44.dev20260713+nightly
codegen_flags: <defaults>
</compile_context>

<pallas_src>
import functools

import jax
import jax.numpy as jnp
from jax import lax
from jax.experimental import pallas as pl
from jax.experimental.pallas import tpu as pltpu
from jax.experimental.pallas import tpu_sc as plsc

N = 10000
E = 320000
D = 128
R = 3
C = 4

NC = 2
NS = 16
NHALF = N // NC
NLOCP = 5120
T = R * NLOCP
EPT = E // NS
G = 64
NRING = 4
QCAP = G + 32
SUP = 512
NSUP = 40
EPT_PAD = (NSUP + 1) * SUP
ZROWS = 32

ACC_A = 2 * NLOCP
TPT_A = ACC_A // NS
TPT_B = NLOCP // NS


def _zero_buffers(zrow, zcnt):
    def zr(i, carry):
        zrow[i // 8, pl.ds((i % 8) * 16, 16)] = jnp.zeros((16,), jnp.float32)
        return carry
    lax.fori_loop(0, ZROWS * 8, zr, 0)

    def zc(i, carry):
        zcnt[pl.ds(i * 16, 16)] = jnp.zeros((16,), jnp.float32)
        return carry
    lax.fori_loop(0, TPT_A // 16, zc, 0)


def _phase(phase_b, s, nb, x, epack, acc_s, cnt_s, meta, rows, gidx,
           sidq, qsrc, qsid, stg_s, stg_d, ones, gsem, ssem, csem, msem):
    iota = lax.iota(jnp.int32, 16)
    SPS = SUP // 16

    def fire_parity(p, fcnt):
        @pl.when(fcnt >= NRING)
        def _():
            pltpu.make_async_copy(rows[p], acc_s.at[sidq[p]],
                                  ssem[p]).wait()
            pltpu.make_async_copy(ones, cnt_s.at[sidq[p]], csem[p]).wait()
        for k in range(G // 16):
            gidx[p][pl.ds(k * 16, 16)] = qsrc[pl.ds(k * 16, 16)]
            sidq[p][pl.ds(k * 16, 16)] = qsid[pl.ds(k * 16, 16)]
        pltpu.async_copy(x.at[gidx[p]], rows[p], gsem[p])
        p2 = (p + NRING - 2) % NRING
        @pl.when(fcnt >= 2)
        def _():
            pltpu.make_async_copy(x.at[gidx[p2]], rows[p2],
                                  gsem[p2]).wait()
            pltpu.async_copy(rows[p2], acc_s.at[sidq[p2]],
                             ssem[p2], add=True)
            pltpu.async_copy(ones, cnt_s.at[sidq[p2]], csem[p2],
                             add=True)

    def fire(fcnt):
        for p in range(NRING):
            @pl.when(lax.rem(fcnt, NRING) == p)
            def _(p=p):
                fire_parity(p, fcnt)
        qsrc[pl.ds(0, 16)] = qsrc[pl.ds(G, 16)]
        qsid[pl.ds(0, 16)] = qsid[pl.ds(G, 16)]

    def scan_step(i, mb, j, qn, fcnt):
        col = i * 16
        s16 = mb[0, pl.ds(col, 16)]
        d16 = mb[1, pl.ds(col, 16)]
        t16 = mb[2, pl.ds(col, 16)]
        pos = j * SUP + col + iota
        valid = pos < EPT
        inhalf = (d16 >= nb) & (d16 < nb + NHALF)
        if phase_b:
            match = valid & inhalf & (t16 == 2)
            sid = d16 - nb
        else:
            match = valid & inhalf & (t16 < 2)
            sid = t16 * NLOCP + (d16 - nb)
        plsc.store_compressed(stg_s.at[pl.ds(0, 16)], s16, mask=match)
        plsc.store_compressed(stg_d.at[pl.ds(0, 16)], sid, mask=match)
        qsrc[pl.ds(qn, 16)] = stg_s[pl.ds(0, 16)]
        qsid[pl.ds(qn, 16)] = stg_d[pl.ds(0, 16)]
        qn = qn + jnp.max(plsc.all_reduce_population_count(match))
        fire_pred = qn >= G
        pl.when(fire_pred)(lambda: fire(fcnt))
        qn = jnp.where(fire_pred, qn - G, qn)
        fcnt = fcnt + fire_pred.astype(jnp.int32)
        return qn, fcnt

    pltpu.sync_copy(epack.at[s, :, pl.ds(0, SUP)], meta[0])

    def super_pair(j2, carry):
        qn, fcnt = carry
        for jj in range(2):
            j = j2 * 2 + jj
            mb = meta[jj]
            mbn = meta[1 - jj]
            pltpu.async_copy(epack.at[s, :, pl.ds((j + 1) * SUP, SUP)],
                             mbn, msem)

            def step(i, c):
                return scan_step(i, mb, j, *c)
            qn, fcnt = lax.fori_loop(0, SPS, step, (qn, fcnt))
            pltpu.make_async_copy(epack.at[s, :, pl.ds((j + 1) * SUP, SUP)],
                                  mbn, msem).wait()
        return qn, fcnt

    qn, fcnt = lax.fori_loop(0, NSUP // 2, super_pair,
                             (jnp.int32(0), jnp.int32(0)))

    for k in range(G // 16):
        posk = k * 16 + iota
        keep = posk < qn
        gq = jnp.where(keep, qsrc[pl.ds(k * 16, 16)], 0)
        sq = jnp.where(keep, qsid[pl.ds(k * 16, 16)],
                       NHALF + (posk & 63))
        qsrc[pl.ds(k * 16, 16)] = gq
        qsid[pl.ds(k * 16, 16)] = sq
    fire(fcnt)
    fcnt = fcnt + 1

    for p in range(NRING):
        @pl.when((fcnt >= 1) & (lax.rem(fcnt - 1, NRING) == p))
        def _(p=p):
            pltpu.make_async_copy(x.at[gidx[p]], rows[p], gsem[p]).wait()
            pltpu.async_copy(rows[p], acc_s.at[sidq[p]], ssem[p],
                             add=True)
            pltpu.async_copy(ones, cnt_s.at[sidq[p]], csem[p], add=True)

        @pl.when((fcnt >= 2) & (lax.rem(fcnt - 2, NRING) == p))
        def _(p=p):
            pltpu.make_async_copy(x.at[gidx[p]], rows[p], gsem[p]).wait()
            pltpu.async_copy(rows[p], acc_s.at[sidq[p]], ssem[p],
                             add=True)
            pltpu.async_copy(ones, cnt_s.at[sidq[p]], csem[p], add=True)
    for p in range(NRING):
        @pl.when(fcnt >= p + 1)
        def _(p=p):
            pltpu.make_async_copy(rows[p], acc_s.at[sidq[p]],
                                  ssem[p]).wait()
            pltpu.make_async_copy(ones, cnt_s.at[sidq[p]], csem[p]).wait()


def _sc_tile(epack, x, acc_out, cnt_out, acc_s, cnt_s, *scr):
    meta = scr[0:2]
    rows = scr[2:2 + NRING]
    gidx = scr[2 + NRING:2 + 2 * NRING]
    sidq = scr[2 + 2 * NRING:2 + 3 * NRING]
    qsrc = scr[2 + 3 * NRING]
    qsid = scr[3 + 3 * NRING]
    stg_s = scr[4 + 3 * NRING]
    stg_d = scr[5 + 3 * NRING]
    ones = scr[6 + 3 * NRING]
    zrow = scr[7 + 3 * NRING]
    zcnt = scr[8 + 3 * NRING]
    gsem = scr[9 + 3 * NRING:9 + 4 * NRING]
    ssem = scr[9 + 4 * NRING:9 + 5 * NRING]
    csem = scr[9 + 5 * NRING:9 + 6 * NRING]
    msem = scr[9 + 6 * NRING]

    c = lax.axis_index("c")
    s = lax.axis_index("s")
    nb = c * NHALF

    _zero_buffers(zrow, zcnt)

    def oinit(i, carry):
        ones[pl.ds(i * 16, 16)] = jnp.ones((16,), jnp.float32)
        return carry
    lax.fori_loop(0, G // 16, oinit, 0)

    def za(t, carry):
        pltpu.sync_copy(zrow, acc_s.at[pl.ds(s * TPT_A + t * ZROWS, ZROWS)])
        return carry
    lax.fori_loop(0, TPT_A // ZROWS, za, 0)
    pltpu.sync_copy(zcnt, cnt_s.at[pl.ds(s * TPT_A, TPT_A)])
    plsc.subcore_barrier()

    _phase(False, s, nb, x, epack, acc_s, cnt_s, meta, rows, gidx,
           sidq, qsrc, qsid, stg_s, stg_d, ones, gsem, ssem, csem, msem)
    plsc.subcore_barrier()

    def cpa(t, carry):
        pltpu.sync_copy(acc_s.at[pl.ds(s * TPT_A + t * ZROWS, ZROWS)], zrow)
        pltpu.sync_copy(zrow,
                        acc_out.at[c, pl.ds(s * TPT_A + t * ZROWS, ZROWS)])
        return carry
    lax.fori_loop(0, TPT_A // ZROWS, cpa, 0)
    pltpu.sync_copy(cnt_s.at[pl.ds(s * TPT_A, TPT_A)], zcnt)
    pltpu.sync_copy(zcnt, cnt_out.at[pl.ds(c * T + s * TPT_A, TPT_A)])
    plsc.subcore_barrier()

    _zero_buffers(zrow, zcnt)

    def zb(t, carry):
        pltpu.sync_copy(zrow, acc_s.at[pl.ds(s * TPT_B + t * ZROWS, ZROWS)])
        return carry
    lax.fori_loop(0, TPT_B // ZROWS, zb, 0)
    pltpu.sync_copy(zcnt.at[pl.ds(0, TPT_B)],
                    cnt_s.at[pl.ds(s * TPT_B, TPT_B)])
    plsc.subcore_barrier()

    _phase(True, s, nb, x, epack, acc_s, cnt_s, meta, rows, gidx,
           sidq, qsrc, qsid, stg_s, stg_d, ones, gsem, ssem, csem, msem)
    plsc.subcore_barrier()

    def cpb(t, carry):
        pltpu.sync_copy(acc_s.at[pl.ds(s * TPT_B + t * ZROWS, ZROWS)], zrow)
        pltpu.sync_copy(
            zrow, acc_out.at[c, pl.ds(ACC_A + s * TPT_B + t * ZROWS, ZROWS)])
        return carry
    lax.fori_loop(0, TPT_B // ZROWS, cpb, 0)
    pltpu.sync_copy(cnt_s.at[pl.ds(s * TPT_B, TPT_B)],
                    zcnt.at[pl.ds(0, TPT_B)])
    pltpu.sync_copy(zcnt.at[pl.ds(0, TPT_B)],
                    cnt_out.at[pl.ds(c * T + ACC_A + s * TPT_B, TPT_B)])


def _sc_body(epack, x, acc_out, cnt_out, acc_s, cnt_s):
    scratch = (
        [pltpu.VMEM((3, SUP), jnp.int32)] * 2
        + [pltpu.VMEM((G, D), jnp.float32)] * NRING
        + [pltpu.VMEM((G,), jnp.int32)] * NRING
        + [pltpu.VMEM((G,), jnp.int32)] * NRING
        + [pltpu.VMEM((QCAP,), jnp.int32)]
        + [pltpu.VMEM((QCAP,), jnp.int32)]
        + [pltpu.VMEM((16,), jnp.int32)]
        + [pltpu.VMEM((16,), jnp.int32)]
        + [pltpu.VMEM((G,), jnp.float32)]
        + [pltpu.VMEM((ZROWS, D), jnp.float32)]
        + [pltpu.VMEM((TPT_A,), jnp.float32)]
        + [pltpu.SemaphoreType.DMA] * NRING
        + [pltpu.SemaphoreType.DMA] * NRING
        + [pltpu.SemaphoreType.DMA] * NRING
        + [pltpu.SemaphoreType.DMA]
    )
    pl.run_scoped(
        functools.partial(_sc_tile, epack, x, acc_out, cnt_out,
                          acc_s, cnt_s),
        *scratch,
    )


_MESH = plsc.VectorSubcoreMesh(core_axis_name="c", subcore_axis_name="s")

_sc_scatter = functools.partial(
    pl.kernel,
    mesh=_MESH,
    compiler_params=pltpu.CompilerParams(needs_layout_passes=False),
    out_type=[
        jax.ShapeDtypeStruct((NC, T, D), jnp.float32),
        jax.ShapeDtypeStruct((NC * T,), jnp.float32),
    ],
    scratch_types=[
        pltpu.VMEM_SHARED((ACC_A, D), jnp.float32) @ _MESH,
        pltpu.VMEM_SHARED((ACC_A,), jnp.float32) @ _MESH,
    ],
)(_sc_body)


def _tc_body(x_ref, acc_ref, cnt_ref, W1_ref, root1_ref, b1_ref,
             Wout_ref, bout_ref, o_ref):
    xb = x_ref[...]
    h = jnp.dot(xb, root1_ref[...], preferred_element_type=jnp.float32)
    h = h + b1_ref[0]
    cnt = cnt_ref[0].reshape(T)
    for r in range(R):
        A = acc_ref[0, r * NLOCP:r * NLOCP + NHALF, :]
        cr = jnp.maximum(cnt[r * NLOCP:r * NLOCP + NHALF], 1.0)
        h = h + jnp.dot(A / cr[:, None], W1_ref[r],
                        preferred_element_type=jnp.float32)
    h = jnp.maximum(h, 0.0)
    o_ref[...] = jnp.dot(h, Wout_ref[...],
                         preferred_element_type=jnp.float32) + bout_ref[0]


def kernel(x_content, edge_index, edge_type, W0, root0, b0,
           W1, root1, b1, Wout, bout):
    src = edge_index[0]
    dst = edge_index[1]

    def padtile(a):
        return jnp.pad(a.reshape(NS, EPT), ((0, 0), (0, EPT_PAD - EPT)))

    epack = jnp.stack(
        [padtile(src), padtile(dst), padtile(edge_type)], axis=1)

    acc, cnt = _sc_scatter(epack, x_content)
    cnt3 = cnt.reshape(NC, T // 128, 128)
    out = pl.pallas_call(
        _tc_body,
        grid=(NC,),
        in_specs=[
            pl.BlockSpec((NHALF, D), lambda c: (c, 0)),
            pl.BlockSpec((1, T, D), lambda c: (c, 0, 0)),
            pl.BlockSpec((1, T // 128, 128), lambda c: (c, 0, 0)),
            pl.BlockSpec((R, D, D), lambda c: (0, 0, 0)),
            pl.BlockSpec((D, D), lambda c: (0, 0)),
            pl.BlockSpec((1, D), lambda c: (0, 0)),
            pl.BlockSpec((D, C), lambda c: (0, 0)),
            pl.BlockSpec((1, C), lambda c: (0, 0)),
        ],
        out_specs=pl.BlockSpec((NHALF, C), lambda c: (c, 0)),
        out_shape=jax.ShapeDtypeStruct((N, C), jnp.float32),
    )(x_content, acc, cnt3, W1, root1, b1.reshape(1, D),
      Wout, bout.reshape(1, C))
    return out

# --- scband reference (transcript-rebuilt; emitter-appended) ---
"""Pipeline reference for scband-fnrgcn-19567871001290 (READ-ONLY COPY).

The authoritative reference and input builder live on the scoring server;
editing this copy changes nothing except your own understanding.
"""

import jax, jax.numpy as jnp
import numpy as np

N = 10000
E = 320000
D = 128
H1 = 128
H2 = 128
C = 4
R = 3


def setup_inputs(seed: int = 0) -> dict:
    key = jax.random.key(seed)
    ks = jax.random.split(key, 12)
    x_content = jax.random.normal(ks[0], (N, D), dtype=jnp.float32)
    edge_index = jax.random.randint(ks[1], (2, E), 0, N, dtype=jnp.int32)
    edge_type = jax.random.randint(ks[2], (E,), 0, R, dtype=jnp.int32)
    s1 = 1.0 / np.sqrt(D)
    s2 = 1.0 / np.sqrt(H1)
    s3 = 1.0 / np.sqrt(H2)
    W0 = jax.random.normal(ks[3], (R, D, H1), dtype=jnp.float32) * s1
    root0 = jax.random.normal(ks[4], (D, H1), dtype=jnp.float32) * s1
    b0 = jnp.zeros((H1,), dtype=jnp.float32)
    W1 = jax.random.normal(ks[5], (R, H1, H2), dtype=jnp.float32) * s2
    root1 = jax.random.normal(ks[6], (H1, H2), dtype=jnp.float32) * s2
    b1 = jnp.zeros((H2,), dtype=jnp.float32)
    Wout = jax.random.normal(ks[7], (H2, C), dtype=jnp.float32) * s3
    bout = jnp.zeros((C,), dtype=jnp.float32)
    return {"x_content": x_content, "edge_index": edge_index, "edge_type": edge_type,
            "W0": W0, "root0": root0, "b0": b0,
            "W1": W1, "root1": root1, "b1": b1,
            "Wout": Wout, "bout": bout}


def _rgcn_conv(x, edge_index, edge_type, W, root, b):
    # PyG RGCNConv (num_relations=3, aggr='mean'):
    # out = x @ root + b + sum_r mean_aggr(x_j over edges of type r) @ W[r]
    src = edge_index[0]
    dst = edge_index[1]
    n = x.shape[0]
    out = x @ root + b
    xs = x[src]  # gather: [E, d]
    for r in range(R):
        mask = (edge_type == r).astype(x.dtype)
        msg = xs * mask[:, None]
        agg = jnp.zeros((n, x.shape[1]), x.dtype).at[dst].add(msg)
        cnt = jnp.zeros((n,), x.dtype).at[dst].add(mask)
        agg = agg / jnp.clip(cnt, 1.0, None)[:, None]
        out = out + agg @ W[r]
    return out


def reference(x_content, edge_index, edge_type, W0, root0, b0, W1, root1, b1, Wout, bout):
    # Faithful translation of FNRGCN.forward (note: original re-feeds x_content to
    # every conv layer, so only the last conv's output reaches the classifier).
    # Dropout omitted (eval mode / training=False).
    x = jax.nn.relu(_rgcn_conv(x_content, edge_index, edge_type, W0, root0, b0))
    x = jax.nn.relu(_rgcn_conv(x_content, edge_index, edge_type, W1, root1, b1))
    return x @ Wout + bout

if __name__ == "__main__":
    import jax
    _d = setup_inputs()
    print(jax.jit(kernel)(*tuple(_d.values())))

</pallas_src>

<mosaic_0001>
#map = affine_map<(d0, d1) -> (0, 0, 0)>
#map1 = affine_map<(d0, d1) -> (0, 0)>
#map2 = affine_map<(d0, d1) -> (0)>
module attributes {stable_mosaic.version = 14 : i64} {
  func.func @_sc_body(%arg0: i32, %arg1: i32, %arg2: memref<16x3x20992xi32, #tpu.memory_space<hbm>>, %arg3: memref<10000x128xf32, #tpu.memory_space<hbm>>, %arg4: memref<2x15360x128xf32, #tpu.memory_space<hbm>>, %arg5: memref<30720xf32, #tpu.memory_space<hbm>>, %arg6: memref<10240x128xf32, #tpu.memory_space<vmem_shared>>, %arg7: memref<10240xf32, #tpu.memory_space<vmem_shared>>) attributes {dimension_semantics = [#tpu.dimension_semantics<core_parallel>, #tpu.dimension_semantics<subcore_parallel>], iteration_bounds = array<i64: 2, 16>, scalar_prefetch = 0 : i64, scratch_operands = 2 : i64, tpu.core_type = #tpu.core_type<sc_vector_subcore>, window_params = [{transform_indices = #map}, {transform_indices = #map1}, {transform_indices = #map}, {transform_indices = #map2}]} {
    "tpu.region"() ({
      %run_scoped3A = memref.alloca() : memref<3x512xi32, #tpu.memory_space<vmem>>
      %run_scoped3A_0 = memref.alloca() : memref<3x512xi32, #tpu.memory_space<vmem>>
      %run_scoped3A_1 = memref.alloca() : memref<64x128xf32, #tpu.memory_space<vmem>>
      %run_scoped3A_2 = memref.alloca() : memref<64x128xf32, #tpu.memory_space<vmem>>
      %run_scoped3A_3 = memref.alloca() : memref<64x128xf32, #tpu.memory_space<vmem>>
      %run_scoped3A_4 = memref.alloca() : memref<64x128xf32, #tpu.memory_space<vmem>>
      %run_scoped3A_5 = memref.alloca() : memref<64xi32, #tpu.memory_space<vmem>>
      %run_scoped3A_6 = memref.alloca() : memref<64xi32, #tpu.memory_space<vmem>>
      %run_scoped3A_7 = memref.alloca() : memref<64xi32, #tpu.memory_space<vmem>>
      %run_scoped3A_8 = memref.alloca() : memref<64xi32, #tpu.memory_space<vmem>>
      %run_scoped3A_9 = memref.alloca() : memref<64xi32, #tpu.memory_space<vmem>>
      %run_scoped3A_10 = memref.alloca() : memref<64xi32, #tpu.memory_space<vmem>>
      %run_scoped3A_11 = memref.alloca() : memref<64xi32, #tpu.memory_space<vmem>>
      %run_scoped3A_12 = memref.alloca() : memref<64xi32, #tpu.memory_space<vmem>>
      %run_scoped3A_13 = memref.alloca() : memref<96xi32, #tpu.memory_space<vmem>>
      %run_scoped3A_14 = memref.alloca() : memref<96xi32, #tpu.memory_space<vmem>>
      %run_scoped3A_15 = memref.alloca() : memref<16xi32, #tpu.memory_space<vmem>>
      %run_scoped3A_16 = memref.alloca() : memref<16xi32, #tpu.memory_space<vmem>>
      %run_scoped3A_17 = memref.alloca() : memref<64xf32, #tpu.memory_space<vmem>>
      %run_scoped3A_18 = memref.alloca() : memref<32x128xf32, #tpu.memory_space<vmem>>
      %run_scoped3A_19 = memref.alloca() : memref<640xf32, #tpu.memory_space<vmem>>
      %run_scoped3A_20 = tpu.sem_alloc : memref<!tpu.dma_semaphore, #tpu.memory_space<semaphore_mem>>
      %run_scoped3A_21 = tpu.sem_alloc : memref<!tpu.dma_semaphore, #tpu.memory_space<semaphore_mem>>
      %run_scoped3A_22 = tpu.sem_alloc : memref<!tpu.dma_semaphore, #tpu.memory_space<semaphore_mem>>
      %run_scoped3A_23 = tpu.sem_alloc : memref<!tpu.dma_semaphore, #tpu.memory_space<semaphore_mem>>
      %run_scoped3A_24 = tpu.sem_alloc : memref<!tpu.dma_semaphore, #tpu.memory_space<semaphore_mem>>
      %run_scoped3A_25 = tpu.sem_alloc : memref<!tpu.dma_semaphore, #tpu.memory_space<semaphore_mem>>
      %run_scoped3A_26 = tpu.sem_alloc : memref<!tpu.dma_semaphore, #tpu.memory_space<semaphore_mem>>
      %run_scoped3A_27 = tpu.sem_alloc : memref<!tpu.dma_semaphore, #tpu.memory_space<semaphore_mem>>
      %run_scoped3A_28 = tpu.sem_alloc : memref<!tpu.dma_semaphore, #tpu.memory_space<semaphore_mem>>
      %run_scoped3A_29 = tpu.sem_alloc : memref<!tpu.dma_semaphore, #tpu.memory_space<semaphore_mem>>
      %run_scoped3A_30 = tpu.sem_alloc : memref<!tpu.dma_semaphore, #tpu.memory_space<semaphore_mem>>
      %run_scoped3A_31 = tpu.sem_alloc : memref<!tpu.dma_semaphore, #tpu.memory_space<semaphore_mem>>
      %run_scoped3A_32 = tpu.sem_alloc : memref<!tpu.dma_semaphore, #tpu.memory_space<semaphore_mem>>
      %mul3A = arith.constant 5000 : i32
      %mul3A_33 = arith.muli %arg0, %mul3A : i32
      %scan3A = arith.constant 0 : i32
      %scan3A_34 = arith.constant 0 : i32
      %scan3A_35 = arith.constant 256 : i32
      %scan3A_36 = arith.addi %scan3A_34, %scan3A_35 : i32
      %scan3A_37 = arith.constant 1 : i32
      scf.for %scan3A_606 = %scan3A_34 to %scan3A_36 step %scan3A_37  : i32 {
        %broadcast_in_dim3A_607 = arith.constant 0.000000e+00 : f32
        %broadcast_in_dim3A_608 = vector.broadcast %broadcast_in_dim3A_607 : f32 to vector<16xf32>
        %jit3A_609 = arith.constant 8 : i32
        %div3A = arith.divsi %scan3A_606, %jit3A_609 : i32
        %sign3A = arith.constant 0 : i32
        %sign3A_610 = arith.cmpi sgt, %scan3A_606, %sign3A : i32
        %sign3A_611 = arith.extui %sign3A_610 : i1 to i32
        %sign3A_612 = arith.constant 0 : i32
        %sign3A_613 = arith.cmpi slt, %scan3A_606, %sign3A_612 : i32
        %sign3A_614 = arith.extui %sign3A_613 : i1 to i32
        %sign3A_615 = arith.subi %sign3A_611, %sign3A_614 : i32
        %sign3A_616 = arith.constant 0 : i32
        %sign3A_617 = arith.cmpi sgt, %jit3A_609, %sign3A_616 : i32
        %sign3A_618 = arith.extui %sign3A_617 : i1 to i32
        %sign3A_619 = arith.constant 0 : i32
        %sign3A_620 = arith.cmpi slt, %jit3A_609, %sign3A_619 : i32
        %sign3A_621 = arith.extui %sign3A_620 : i1 to i32
        %sign3A_622 = arith.subi %sign3A_618, %sign3A_621 : i32
        %ne3A = arith.cmpi ne, %sign3A_615, %sign3A_622 : i32
        %rem3A_623 = arith.remsi %scan3A_606, %jit3A_609 : i32
        %ne3A_624 = arith.constant 0 : i32
        %ne3A_625 = arith.cmpi ne, %rem3A_623, %ne3A_624 : i32
        %and3A_626 = arith.andi %ne3A, %ne3A_625 : i1
        %sub3A_627 = arith.constant 1 : i32
        %sub3A_628 = arith.subi %div3A, %sub3A_627 : i32
        %select_n3A_629 = arith.select %and3A_626, %sub3A_628, %div3A : i32
        %jit3A_630 = arith.constant 8 : i32
        %eq3A_631 = arith.constant 0 : i32
        %eq3A_632 = arith.cmpi eq, %jit3A_630, %eq3A_631 : i32
        %jit3A_633 = arith.constant 1 : i32
        %select_n3A_634 = arith.select %eq3A_632, %jit3A_633, %jit3A_630 : i32
        %rem3A_635 = arith.remsi %scan3A_606, %select_n3A_634 : i32
        %ne3A_636 = arith.constant 0 : i32
        %ne3A_637 = arith.cmpi ne, %rem3A_635, %ne3A_636 : i32
        %lt3A_638 = arith.constant 0 : i32
        %lt3A_639 = arith.cmpi slt, %rem3A_635, %lt3A_638 : i32
        %lt3A_640 = arith.constant 0 : i32
        %lt3A_641 = arith.cmpi slt, %select_n3A_634, %lt3A_640 : i32
        %ne3A_642 = arith.xori %lt3A_639, %lt3A_641 : i1
        %and3A_643 = arith.andi %ne3A_642, %ne3A_637 : i1
        %add3A_644 = arith.addi %rem3A_635, %select_n3A_634 : i32
        %select_n3A_645 = arith.select %and3A_643, %add3A_644, %rem3A_635 : i32
        %mul3A_646 = arith.constant 16 : i32
        %mul3A_647 = arith.muli %select_n3A_645, %mul3A_646 : i32
        %swap3A_648 = arith.index_cast %select_n3A_629 : i32 to index
        %swap3A_649 = arith.index_cast %mul3A_647 : i32 to index
        %swap3A_650 = tpu.vector_load %run_scoped3A_18[%swap3A_648, %swap3A_649] {strides = array<i32>} : memref<32x128xf32, #tpu.memory_space<vmem>>, vector<16xf32>,
        tpu.vector_store %run_scoped3A_18[%swap3A_648, %swap3A_649], %broadcast_in_dim3A_608 {strides = array<i32>} : memref<32x128xf32, #tpu.memory_space<vmem>>, vector<16xf32>,
      }
      %scan3A_38 = arith.constant 256 : i32
      %scan3A_39 = arith.constant 0 : i32
      %scan3A_40 = arith.constant 0 : i32
      %scan3A_41 = arith.constant 40 : i32
      %scan3A_42 = arith.addi %scan3A_40, %scan3A_41 : i32
      %scan3A_43 = arith.constant 1 : i32
      scf.for %scan3A_606 = %scan3A_40 to %scan3A_42 step %scan3A_43  : i32 {
        %broadcast_in_dim3A_607 = arith.constant 0.000000e+00 : f32
        %broadcast_in_dim3A_608 = vector.broadcast %broadcast_in_dim3A_607 : f32 to vector<16xf32>
        %mul3A_609 = arith.constant 16 : i32
        %mul3A_610 = arith.muli %scan3A_606, %mul3A_609 : i32
        %swap3A_611 = arith.index_cast %mul3A_610 : i32 to index
        %swap3A_612 = tpu.vector_load %run_scoped3A_19[%swap3A_611] {strides = array<i32>} : memref<640xf32, #tpu.memory_space<vmem>>, vector<16xf32>,
        tpu.vector_store %run_scoped3A_19[%swap3A_611], %broadcast_in_dim3A_608 {strides = array<i32>} : memref<640xf32, #tpu.memory_space<vmem>>, vector<16xf32>,
      }
      %scan3A_44 = arith.constant 40 : i32
      %scan3A_45 = arith.constant 0 : i32
      %scan3A_46 = arith.constant 0 : i32
      %scan3A_47 = arith.constant 4 : i32
      %scan3A_48 = arith.addi %scan3A_46, %scan3A_47 : i32
      %scan3A_49 = arith.constant 1 : i32
      scf.for %scan3A_606 = %scan3A_46 to %scan3A_48 step %scan3A_49  : i32 {
        %broadcast_in_dim3A_607 = arith.constant 1.000000e+00 : f32
        %broadcast_in_dim3A_608 = vector.broadcast %broadcast_in_dim3A_607 : f32 to vector<16xf32>
        %mul3A_609 = arith.constant 16 : i32
        %mul3A_610 = arith.muli %scan3A_606, %mul3A_609 : i32
        %swap3A_611 = arith.index_cast %mul3A_610 : i32 to index
        %swap3A_612 = tpu.vector_load %run_scoped3A_17[%swap3A_611] {strides = array<i32>} : memref<64xf32, #tpu.memory_space<vmem>>, vector<16xf32>,
        tpu.vector_store %run_scoped3A_17[%swap3A_611], %broadcast_in_dim3A_608 {strides = array<i32>} : memref<64xf32, #tpu.memory_space<vmem>>, vector<16xf32>,
      }
      %scan3A_50 = arith.constant 4 : i32
      %scan3A_51 = arith.constant 0 : i32
      %scan3A_52 = arith.constant 0 : i32
      %scan3A_53 = arith.constant 20 : i32
      %scan3A_54 = arith.addi %scan3A_52, %scan3A_53 : i32
      %scan3A_55 = arith.constant 1 : i32
      scf.for %scan3A_606 = %scan3A_52 to %scan3A_54 step %scan3A_55  : i32 {
        %mul3A_607 = arith.constant 640 : i32
        %mul3A_608 = arith.muli %arg1, %mul3A_607 : i32
        %mul3A_609 = arith.constant 32 : i32
        %mul3A_610 = arith.muli %scan3A_606, %mul3A_609 : i32
        %add3A_611 = arith.addi %mul3A_608, %mul3A_610 : i32
        "tpu.region"() ({
          %run_scoped3A_612 = tpu.sem_alloc : memref<!tpu.dma_semaphore, #tpu.memory_space<semaphore_mem>>
          %dma_start3A = arith.constant 0 : i32
          %dma_start3A_613 = tpu.memref_slice %arg6[%add3A_611, %dma_start3A] : memref<10240x128xf32, #tpu.memory_space<vmem_shared>> -> memref<32x128xf32, #tpu.memory_space<vmem_shared>>
          %dma_start3A_614 = arith.constant 0 : i32
          %dma_start3A_615 = tpu.memref_slice %arg6[%add3A_611, %dma_start3A_614] : memref<10240x128xf32, #tpu.memory_space<vmem_shared>> -> memref<32x128xf32, #tpu.memory_space<vmem_shared>>
          tpu.enqueue_dma source(%run_scoped3A_18 : memref<32x128xf32, #tpu.memory_space<vmem>>) target(%dma_start3A_615 : memref<32x128xf32, #tpu.memory_space<vmem_shared>>) target_semaphore(%run_scoped3A_612 : memref<!tpu.dma_semaphore, #tpu.memory_space<semaphore_mem>>)
          %dma_wait3A = arith.constant 0 : i32
          %dma_wait3A_616 = tpu.memref_slice %arg6[%add3A_611, %dma_wait3A] : memref<10240x128xf32, #tpu.memory_space<vmem_shared>> -> memref<32x128xf32, #tpu.memory_space<vmem_shared>>
          %dma_wait3A_617 = arith.constant 0 : i32
          %dma_wait3A_618 = tpu.memref_slice %arg6[%add3A_611, %dma_wait3A_617] : memref<10240x128xf32, #tpu.memory_space<vmem_shared>> -> memref<32x128xf32, #tpu.memory_space<vmem_shared>>
          tpu.wait_dma2 semaphore(%run_scoped3A_612 : memref<!tpu.dma_semaphore, #tpu.memory_space<semaphore_mem>>) src(%run_scoped3A_18 : memref<32x128xf32, #tpu.memory_space<vmem>>) dst(%dma_wait3A_618 : memref<32x128xf32, #tpu.memory_space<vmem_shared>>)
          tpu.yield
        }) : () -> ()
      }
      %scan3A_56 = arith.constant 20 : i32
      %mul3A_57 = arith.constant 640 : i32
      %mul3A_58 = arith.muli %arg1, %mul3A_57 : i32
      "tpu.region"() ({
        %run_scoped3A_606 = tpu.sem_alloc : memref<!tpu.dma_semaphore, #tpu.memory_space<semaphore_mem>>
        %dma_start3A = tpu.memref_slice %arg7[%mul3A_58] : memref<10240xf32, #tpu.memory_space<vmem_shared>> -> memref<640xf32, #tpu.memory_space<vmem_shared>>
        %dma_start3A_607 = tpu.memref_slice %arg7[%mul3A_58] : memref<10240xf32, #tpu.memory_space<vmem_shared>> -> memref<640xf32, #tpu.memory_space<vmem_shared>>
        tpu.enqueue_dma source(%run_scoped3A_19 : memref<640xf32, #tpu.memory_space<vmem>>) target(%dma_start3A_607 : memref<640xf32, #tpu.memory_space<vmem_shared>>) target_semaphore(%run_scoped3A_606 : memref<!tpu.dma_semaphore, #tpu.memory_space<semaphore_mem>>)
        %dma_wait3A = tpu.memref_slice %arg7[%mul3A_58] : memref<10240xf32, #tpu.memory_space<vmem_shared>> -> memref<640xf32, #tpu.memory_space<vmem_shared>>
        %dma_wait3A_608 = tpu.memref_slice %arg7[%mul3A_58] : memref<10240xf32, #tpu.memory_space<vmem_shared>> -> memref<640xf32, #tpu.memory_space<vmem_shared>>
        tpu.wait_dma2 semaphore(%run_scoped3A_606 : memref<!tpu.dma_semaphore, #tpu.memory_space<semaphore_mem>>) src(%run_scoped3A_19 : memref<640xf32, #tpu.memory_space<vmem>>) dst(%dma_wait3A_608 : memref<640xf32, #tpu.memory_space<vmem_shared>>)
        tpu.yield
      }) : () -> ()
      %barrier3A = arith.constant 0 : index
      tpu.barrier barrier_id(%barrier3A)
      %iota3A = tpu.iota {dimensions = array<i32: 0>} : vector<16xi32>
      "tpu.region"() ({
        %run_scoped3A_606 = tpu.sem_alloc : memref<!tpu.dma_semaphore, #tpu.memory_space<semaphore_mem>>
        %dma_start3A = arith.constant 0 : i32
        %dma_start3A_607 = arith.constant 0 : i32
        %dma_start3A_608 = tpu.memref_slice %arg2[%arg1, %dma_start3A, %dma_start3A_607] : memref<16x3x20992xi32, #tpu.memory_space<hbm>> -> memref<1x3x512xi32, #tpu.memory_space<hbm>>
        %dma_start3A_609 = tpu.memref_squeeze %dma_start3A_608 : memref<1x3x512xi32, #tpu.memory_space<hbm>> -> memref<3x512xi32, #tpu.memory_space<hbm>>
        %dma_start3A_610 = arith.constant 0 : i32
        %dma_start3A_611 = arith.constant 0 : i32
        %dma_start3A_612 = tpu.memref_slice %arg2[%arg1, %dma_start3A_610, %dma_start3A_611] : memref<16x3x20992xi32, #tpu.memory_space<hbm>> -> memref<1x3x512xi32, #tpu.memory_space<hbm>>
        %dma_start3A_613 = tpu.memref_squeeze %dma_start3A_612 : memref<1x3x512xi32, #tpu.memory_space<hbm>> -> memref<3x512xi32, #tpu.memory_space<hbm>>
        tpu.enqueue_dma source(%dma_start3A_613 : memref<3x512xi32, #tpu.memory_space<hbm>>) target(%run_scoped3A : memref<3x512xi32, #tpu.memory_space<vmem>>) target_semaphore(%run_scoped3A_606 : memref<!tpu.dma_semaphore, #tpu.memory_space<semaphore_mem>>)
        %dma_wait3A = arith.constant 0 : i32
        %dma_wait3A_614 = arith.constant 0 : i32
        %dma_wait3A_615 = tpu.memref_slice %arg2[%arg1, %dma_wait3A, %dma_wait3A_614] : memref<16x3x20992xi32, #tpu.memory_space<hbm>> -> memref<1x3x512xi32, #tpu.memory_space<hbm>>
        %dma_wait3A_616 = tpu.memref_squeeze %dma_wait3A_615 : memref<1x3x512xi32, #tpu.memory_space<hbm>> -> memref<3x512xi32, #tpu.memory_space<hbm>>
        %dma_wait3A_617 = arith.constant 0 : i32
        %dma_wait3A_618 = arith.constant 0 : i32
        %dma_wait3A_619 = tpu.memref_slice %arg2[%arg1, %dma_wait3A_617, %dma_wait3A_618] : memref<16x3x20992xi32, #tpu.memory_space<hbm>> -> memref<1x3x512xi32, #tpu.memory_space<hbm>>
        %dma_wait3A_620 = tpu.memref_squeeze %dma_wait3A_619 : memref<1x3x512xi32, #tpu.memory_space<hbm>> -> memref<3x512xi32, #tpu.memory_space<hbm>>
        tpu.wait_dma2 semaphore(%run_scoped3A_606 : memref<!tpu.dma_semaphore, #tpu.memory_space<semaphore_mem>>) src(%dma_wait3A_620 : memref<3x512xi32, #tpu.memory_space<hbm>>) dst(%run_scoped3A : memref<3x512xi32, #tpu.memory_space<vmem>>)
        tpu.yield
      }) : () -> ()
      %scan3A_59 = arith.constant 0 : i32
      %scan3A_60 = arith.constant 0 : i32
      %scan3A_61 = arith.constant 0 : i32
      %scan3A_62 = arith.constant 20 : i32
      %scan3A_63 = arith.addi %scan3A_61, %scan3A_62 : i32
      %scan3A_64 = arith.constant 1 : i32
      %scan3A_65:2 = scf.for %scan3A_606 = %scan3A_61 to %scan3A_63 step %scan3A_64 iter_args(%scan3A_607 = %scan3A_59, %scan3A_608 = %scan3A_60) -> (i32, i32)  : i32 {
        %mul3A_609 = arith.constant 2 : i32
        %mul3A_610 = arith.muli %scan3A_606, %mul3A_609 : i32
        %add3A_611 = arith.constant 0 : i32
        %add3A_612 = arith.addi %mul3A_610, %add3A_611 : i32
        %add3A_613 = arith.constant 1 : i32
        %add3A_614 = arith.addi %add3A_612, %add3A_613 : i32
        %mul3A_615 = arith.constant 512 : i32
        %mul3A_616 = arith.muli %add3A_614, %mul3A_615 : i32
        %dma_start3A = arith.constant 0 : i32
        %dma_start3A_617 = tpu.memref_slice %arg2[%arg1, %dma_start3A, %mul3A_616] : memref<16x3x20992xi32, #tpu.memory_space<hbm>> -> memref<1x3x512xi32, #tpu.memory_space<hbm>>
        %dma_start3A_618 = tpu.memref_squeeze %dma_start3A_617 : memref<1x3x512xi32, #tpu.memory_space<hbm>> -> memref<3x512xi32, #tpu.memory_space<hbm>>
        %dma_start3A_619 = arith.constant 0 : i32
        %dma_start3A_620 = tpu.memref_slice %arg2[%arg1, %dma_start3A_619, %mul3A_616] : memref<16x3x20992xi32, #tpu.memory_space<hbm>> -> memref<1x3x512xi32, #tpu.memory_space<hbm>>
        %dma_start3A_621 = tpu.memref_squeeze %dma_start3A_620 : memref<1x3x512xi32, #tpu.memory_space<hbm>> -> memref<3x512xi32, #tpu.memory_space<hbm>>
        tpu.enqueue_dma source(%dma_start3A_621 : memref<3x512xi32, #tpu.memory_space<hbm>>) target(%run_scoped3A_0 : memref<3x512xi32, #tpu.memory_space<vmem>>) target_semaphore(%run_scoped3A_32 : memref<!tpu.dma_semaphore, #tpu.memory_space<semaphore_mem>>)
        %scan3A_622 = arith.constant 0 : i32
        %scan3A_623 = arith.constant 32 : i32
        %scan3A_624 = arith.addi %scan3A_622, %scan3A_623 : i32
        %scan3A_625 = arith.constant 1 : i32
        %scan3A_626:2 = scf.for %scan3A_667 = %scan3A_622 to %scan3A_624 step %scan3A_625 iter_args(%scan3A_668 = %scan3A_607, %scan3A_669 = %scan3A_608) -> (i32, i32)  : i32 {
          %mul3A_670 = arith.constant 16 : i32
          %mul3A_671 = arith.muli %scan3A_667, %mul3A_670 : i32
          %get3A_672 = arith.constant 0 : i32
          %get3A_673 = arith.index_cast %get3A_672 : i32 to index
          %get3A_674 = arith.index_cast %mul3A_671 : i32 to index
          %get3A_675 = tpu.vector_load %run_scoped3A[%get3A_673, %get3A_674] {strides = array<i32>} : memref<3x512xi32, #tpu.memory_space<vmem>>, vector<16xi32>,
          %get3A_676 = arith.constant 1 : i32
          %get3A_677 = arith.index_cast %get3A_676 : i32 to index
          %get3A_678 = arith.index_cast %mul3A_671 : i32 to index
          %get3A_679 = tpu.vector_load %run_scoped3A[%get3A_677, %get3A_678] {strides = array<i32>} : memref<3x512xi32, #tpu.memory_space<vmem>>, vector<16xi32>,
          %get3A_680 = arith.constant 2 : i32
          %get3A_681 = arith.index_cast %get3A_680 : i32 to index
          %get3A_682 = arith.index_cast %mul3A_671 : i32 to index
          %get3A_683 = tpu.vector_load %run_scoped3A[%get3A_681, %get3A_682] {strides = array<i32>} : memref<3x512xi32, #tpu.memory_space<vmem>>, vector<16xi32>,
          %mul3A_684 = arith.constant 512 : i32
          %mul3A_685 = arith.muli %add3A_612, %mul3A_684 : i32
          %add3A_686 = arith.addi %mul3A_685, %mul3A_671 : i32
          %add3A_687 = vector.broadcast %add3A_686 : i32 to vector<16xi32>
          %add3A_688 = arith.addi %add3A_687, %iota3A : vector<16xi32>
          %lt3A_689 = arith.constant 20000 : i32
          %lt3A_690 = vector.broadcast %lt3A_689 : i32 to vector<16xi32>
          %lt3A_691 = arith.cmpi slt, %add3A_688, %lt3A_690 : vector<16xi32>
          %ge3A_692 = vector.broadcast %mul3A_33 : i32 to vector<16xi32>
          %ge3A_693 = arith.cmpi sge, %get3A_679, %ge3A_692 : vector<16xi32>
          %add3A_694 = arith.constant 5000 : i32
          %add3A_695 = arith.addi %mul3A_33, %add3A_694 : i32
          %lt3A_696 = vector.broadcast %add3A_695 : i32 to vector<16xi32>
          %lt3A_697 = arith.cmpi slt, %get3A_679, %lt3A_696 : vector<16xi32>
          %and3A_698 = arith.andi %ge3A_693, %lt3A_697 : vector<16xi1>
          %and3A_699 = arith.andi %lt3A_691, %and3A_698 : vector<16xi1>
          %lt3A_700 = arith.constant 2 : i32
          %lt3A_701 = vector.broadcast %lt3A_700 : i32 to vector<16xi32>
          %lt3A_702 = arith.cmpi slt, %get3A_683, %lt3A_701 : vector<16xi32>
          %and3A_703 = arith.andi %and3A_699, %lt3A_702 : vector<16xi1>
          %mul3A_704 = arith.constant 5120 : i32
          %mul3A_705 = vector.broadcast %mul3A_704 : i32 to vector<16xi32>
          %mul3A_706 = arith.muli %get3A_683, %mul3A_705 : vector<16xi32>
          %sub3A_707 = vector.broadcast %mul3A_33 : i32 to vector<16xi32>
          %sub3A_708 = arith.subi %get3A_679, %sub3A_707 : vector<16xi32>
          %add3A_709 = arith.addi %mul3A_706, %sub3A_708 : vector<16xi32>
          %swap3A_710 = arith.constant 0 : index
          %swap3A_711 = tpu.vector_load %run_scoped3A_15[%swap3A_710] masked %and3A_703 {strides = array<i32>} : memref<16xi32, #tpu.memory_space<vmem>>, vector<16xi32>, vector<16xi1>
          tpu.vector_store %run_scoped3A_15[%swap3A_710], %get3A_675 masked %and3A_703 {strides = array<i32>} : memref<16xi32, #tpu.memory_space<vmem>>, vector<16xi32>, vector<16xi1>
          %swap3A_712 = arith.constant 0 : index
          %swap3A_713 = tpu.vector_load %run_scoped3A_16[%swap3A_712] masked %and3A_703 {strides = array<i32>} : memref<16xi32, #tpu.memory_space<vmem>>, vector<16xi32>, vector<16xi1>
          tpu.vector_store %run_scoped3A_16[%swap3A_712], %add3A_709 masked %and3A_703 {strides = array<i32>} : memref<16xi32, #tpu.memory_space<vmem>>, vector<16xi32>, vector<16xi1>
          %get3A_714 = arith.constant 0 : index
          %get3A_715 = tpu.vector_load %run_scoped3A_15[%get3A_714] {strides = array<i32>} : memref<16xi32, #tpu.memory_space<vmem>>, vector<16xi32>,
          %swap3A_716 = arith.index_cast %scan3A_668 : i32 to index
          %swap3A_717 = tpu.vector_load %run_scoped3A_13[%swap3A_716] {strides = array<i32>} : memref<96xi32, #tpu.memory_space<vmem>>, vector<16xi32>,
          tpu.vector_store %run_scoped3A_13[%swap3A_716], %get3A_715 {strides = array<i32>} : memref<96xi32, #tpu.memory_space<vmem>>, vector<16xi32>,
          %get3A_718 = arith.constant 0 : index
          %get3A_719 = tpu.vector_load %run_scoped3A_16[%get3A_718] {strides = array<i32>} : memref<16xi32, #tpu.memory_space<vmem>>, vector<16xi32>,
          %swap3A_720 = arith.index_cast %scan3A_668 : i32 to index
          %swap3A_721 = tpu.vector_load %run_scoped3A_14[%swap3A_720] {strides = array<i32>} : memref<96xi32, #tpu.memory_space<vmem>>, vector<16xi32>,
          tpu.vector_store %run_scoped3A_14[%swap3A_720], %get3A_719 {strides = array<i32>} : memref<96xi32, #tpu.memory_space<vmem>>, vector<16xi32>,
          %all_reduce_population_count3A = tpu.all_reduce %and3A_703 {dim = 0 : i64, kind = #tpu.reduction_kind<sum>} : vector<16xi1> -> vector<16xi32>
          %reduce_max3A = arith.constant true
          %reduce_max3A_722 = vector.broadcast %reduce_max3A : i1 to vector<16xi1>
          %reduce_max3A_723 = arith.constant -2147483648 : i32
          %reduce_max3A_724 = vector.broadcast %reduce_max3A_723 : i32 to vector<16xi32>
          %reduce_max3A_725 = arith.xori %all_reduce_population_count3A, %reduce_max3A_724 : vector<16xi32>
          %reduce_max3A_726 = tpu.scan <max>, %reduce_max3A_725 masked %reduce_max3A_722 : vector<16xi32>, vector<16xi1> -> vector<16xi32>
          %reduce_max3A_727 = arith.xori %reduce_max3A_726, %reduce_max3A_724 : vector<16xi32>
          %reduce_max3A_728 = vector.extract %reduce_max3A_727[15] : i32 from vector<16xi32>
          %add3A_729 = arith.addi %scan3A_668, %reduce_max3A_728 : i32
          %ge3A_730 = arith.constant 64 : i32
          %ge3A_731 = arith.cmpi sge, %add3A_729, %ge3A_730 : i32
          %convert_element_type3A_732 = arith.extui %ge3A_731 : i1 to i32
          %cond3A_733 = arith.constant 0 : i32
          %cond3A_734 = arith.cmpi ne, %convert_element_type3A_732, %cond3A_733 : i32
          scf.if %cond3A_734 {
            %rem3A_740 = arith.constant 4 : i32
            %rem3A_741 = arith.remsi %scan3A_669, %rem3A_740 : i32
            %eq3A_742 = arith.constant 0 : i32
            %eq3A_743 = arith.cmpi eq, %rem3A_741, %eq3A_742 : i32
            %convert_element_type3A_744 = arith.extui %eq3A_743 : i1 to i32
            %cond3A_745 = arith.constant 0 : i32
            %cond3A_746 = arith.cmpi ne, %convert_element_type3A_744, %cond3A_745 : i32
            scf.if %cond3A_746 {
              %ge3A_776 = arith.constant 4 : i32
              %ge3A_777 = arith.cmpi sge, %scan3A_669, %ge3A_776 : i32
              %convert_element_type3A_778 = arith.extui %ge3A_777 : i1 to i32
              %cond3A_779 = arith.constant 0 : i32
              %cond3A_780 = arith.cmpi ne, %convert_element_type3A_778, %cond3A_779 : i32
              scf.if %cond3A_780 {
                %dma_wait3A_821 = arith.constant 0 : i32
                %dma_wait3A_822 = arith.constant 0 : i32
                %dma_wait3A_823 = tpu.memref_slice %arg6[%dma_wait3A_821, %dma_wait3A_822] : memref<10240x128xf32, #tpu.memory_space<vmem_shared>> -> memref<10240x128xf32, #tpu.memory_space<vmem_shared>>
                tpu.wait_indirect_dma semaphore(%run_scoped3A_24 : memref<!tpu.dma_semaphore, #tpu.memory_space<semaphore_mem>>) src(%run_scoped3A_1 : memref<64x128xf32, #tpu.memory_space<vmem>>) dst(%dma_wait3A_823 : memref<10240x128xf32, #tpu.memory_space<vmem_shared>>)
                %dma_wait3A_824 = arith.constant 0 : i32
                %dma_wait3A_825 = tpu.memref_slice %arg7[%dma_wait3A_824] : memref<10240xf32, #tpu.memory_space<vmem_shared>> -> memref<10240xf32, #tpu.memory_space<vmem_shared>>
                tpu.wait_indirect_dma semaphore(%run_scoped3A_28 : memref<!tpu.dma_semaphore, #tpu.memory_space<semaphore_mem>>) src(%run_scoped3A_17 : memref<64xf32, #tpu.memory_space<vmem>>) dst(%dma_wait3A_825 : memref<10240xf32, #tpu.memory_space<vmem_shared>>)
              } else {
              }
              %get3A_781 = arith.constant 0 : index
              %get3A_782 = tpu.vector_load %run_scoped3A_13[%get3A_781] {strides = array<i32>} : memref<96xi32, #tpu.memory_space<vmem>>, vector<16xi32>,
              %swap3A_783 = arith.constant 0 : index
              %swap3A_784 = tpu.vector_load %run_scoped3A_5[%swap3A_783] {strides = array<i32>} : memref<64xi32, #tpu.memory_space<vmem>>, vector<16xi32>,
              tpu.vector_store %run_scoped3A_5[%swap3A_783], %get3A_782 {strides = array<i32>} : memref<64xi32, #tpu.memory_space<vmem>>, vector<16xi32>,
              %get3A_785 = arith.constant 0 : index
              %get3A_786 = tpu.vector_load %run_scoped3A_14[%get3A_785] {strides = array<i32>} : memref<96xi32, #tpu.memory_space<vmem>>, vector<16xi32>,
              %swap3A_787 = arith.constant 0 : index
              %swap3A_788 = tpu.vector_load %run_scoped3A_9[%swap3A_787] {strides = array<i32>} : memref<64xi32, #tpu.memory_space<vmem>>, vector<16xi32>,
              tpu.vector_store %run_scoped3A_9[%swap3A_787], %get3A_786 {strides = array<i32>} : memref<64xi32, #tpu.memory_space<vmem>>, vector<16xi32>,
              %get3A_789 = arith.constant 16 : index
              %get3A_790 = tpu.vector_load %run_scoped3A_13[%get3A_789] {strides = array<i32>} : memref<96xi32, #tpu.memory_space<vmem>>, vector<16xi32>,
              %swap3A_791 = arith.constant 16 : index
              %swap3A_792 = tpu.vector_load %run_scoped3A_5[%swap3A_791] {strides = array<i32>} : memref<64xi32, #tpu.memory_space<vmem>>, vector<16xi32>,
              tpu.vector_store %run_scoped3A_5[%swap3A_791], %get3A_790 {strides = array<i32>} : memref<64xi32, #tpu.memory_space<vmem>>, vector<16xi32>,
              %get3A_793 = arith.constant 16 : index
              %get3A_794 = tpu.vector_load %run_scoped3A_14[%get3A_793] {strides = array<i32>} : memref<96xi32, #tpu.memory_space<vmem>>, vector<16xi32>,
              %swap3A_795 = arith.constant 16 : index
              %swap3A_796 = tpu.vector_load %run_scoped3A_9[%swap3A_795] {strides = array<i32>} : memref<64xi32, #tpu.memory_space<vmem>>, vector<16xi32>,
              tpu.vector_store %run_scoped3A_9[%swap3A_795], %get3A_794 {strides = array<i32>} : memref<64xi32, #tpu.memory_space<vmem>>, vector<16xi32>,
              %get3A_797 = arith.constant 32 : index
              %get3A_798 = tpu.vector_load %run_scoped3A_13[%get3A_797] {strides = array<i32>} : memref<96xi32, #tpu.memory_space<vmem>>, vector<16xi32>,
              %swap3A_799 = arith.constant 32 : index
              %swap3A_800 = tpu.vector_load %run_scoped3A_5[%swap3A_799] {strides = array<i32>} : memref<64xi32, #tpu.memory_space<vmem>>, vector<16xi32>,
              tpu.vector_store %run_scoped3A_5[%swap3A_799], %get3A_798 {strides = array<i32>} : memref<64xi32, #tpu.memory_space<vmem>>, vector<16xi32>,
              %get3A_801 = arith.constant 32 : index
              %get3A_802 = tpu.vector_load %run_scoped3A_14[%get3A_801] {strides = array<i32>} : memref<96xi32, #tpu.memory_space<vmem>>, vector<16xi32>,
              %swap3A_803 = arith.constant 32 : index
              %swap3A_804 = tpu.vector_load %run_scoped3A_9[%swap3A_803] {strides = array<i32>} : memref<64xi32, #tpu.memory_space<vmem>>, vector<16xi32>,
              tpu.vector_store %run_scoped3A_9[%swap3A_803], %get3A_802 {strides = array<i32>} : memref<64xi32, #tpu.memory_space<vmem>>, vector<16xi32>,
              %get3A_805 = arith.constant 48 : index
              %get3A_806 = tpu.vector_load %run_scoped3A_13[%get3A_805] {strides = array<i32>} : memref<96xi32, #tpu.memory_space<vmem>>, vector<16xi32>,
              %swap3A_807 = arith.constant 48 : index
              %swap3A_808 = tpu.vector_load %run_scoped3A_5[%swap3A_807] {strides = array<i32>} : memref<64xi32, #tpu.memory_space<vmem>>, vector<16xi32>,
              tpu.vector_store %run_scoped3A_5[%swap3A_807], %get3A_806 {strides = array<i32>} : memref<64xi32, #tpu.memory_space<vmem>>, vector<16xi32>,
              %get3A_809 = arith.constant 48 : index
              %get3A_810 = tpu.vector_load %run_scoped3A_14[%get3A_809] {strides = array<i32>} : memref<96xi32, #tpu.memory_space<vmem>>, vector<16xi32>,
              %swap3A_811 = arith.constant 48 : index
              %swap3A_812 = tpu.vector_load %run_scoped3A_9[%swap3A_811] {strides = array<i32>} : memref<64xi32, #tpu.memory_space<vmem>>, vector<16xi32>,
              tpu.vector_store %run_scoped3A_9[%swap3A_811], %get3A_810 {strides = array<i32>} : memref<64xi32, #tpu.memory_space<vmem>>, vector<16xi32>,
              %dma_start3A_813 = arith.constant 0 : i32
              %dma_start3A_814 = arith.constant 0 : i32
              %dma_start3A_815 = tpu.memref_slice %arg3[%dma_start3A_813, %dma_start3A_814] : memref<10000x128xf32, #tpu.memory_space<hbm>> -> memref<10000x128xf32, #tpu.memory_space<hbm>>
              tpu.enqueue_indirect_dma source(%dma_start3A_815 : memref<10000x128xf32, #tpu.memory_space<hbm>>) target(%run_scoped3A_1 : memref<64x128xf32, #tpu.memory_space<vmem>>) offsets(%run_scoped3A_5 : memref<64xi32, #tpu.memory_space<vmem>>) semaphore(%run_scoped3A_20 : memref<!tpu.dma_semaphore, #tpu.memory_space<semaphore_mem>>)
              %ge3A_816 = arith.constant 2 : i32
              %ge3A_817 = arith.cmpi sge, %scan3A_669, %ge3A_816 : i32
              %convert_element_type3A_818 = arith.extui %ge3A_817 : i1 to i32
              %cond3A_819 = arith.constant 0 : i32
              %cond3A_820 = arith.cmpi ne, %convert_element_type3A_818, %cond3A_819 : i32
              scf.if %cond3A_820 {
                %dma_wait3A_821 = arith.constant 0 : i32
                %dma_wait3A_822 = arith.constant 0 : i32
                %dma_wait3A_823 = tpu.memref_slice %arg3[%dma_wait3A_821, %dma_wait3A_822] : memref<10000x128xf32, #tpu.memory_space<hbm>> -> memref<10000x128xf32, #tpu.memory_space<hbm>>
                tpu.wait_indirect_dma semaphore(%run_scoped3A_22 : memref<!tpu.dma_semaphore, #tpu.memory_space<semaphore_mem>>) src(%dma_wait3A_823 : memref<10000x128xf32, #tpu.memory_space<hbm>>) dst(%run_scoped3A_3 : memref<64x128xf32, #tpu.memory_space<vmem>>)
                %dma_start3A_824 = arith.constant 0 : i32
                %dma_start3A_825 = arith.constant 0 : i32
                %dma_start3A_826 = tpu.memref_slice %arg6[%dma_start3A_824, %dma_start3A_825] : memref<10240x128xf32, #tpu.memory_space<vmem_shared>> -> memref<10240x128xf32, #tpu.memory_space<vmem_shared>>
                tpu.enqueue_indirect_dma source(%run_scoped3A_3 : memref<64x128xf32, #tpu.memory_space<vmem>>) target(%dma_start3A_826 : memref<10240x128xf32, #tpu.memory_space<vmem_shared>>) offsets(%run_scoped3A_11 : memref<64xi32, #tpu.memory_space<vmem>>) semaphore(%run_scoped3A_26 : memref<!tpu.dma_semaphore, #tpu.memory_space<semaphore_mem>>) {add = true}
                %dma_start3A_827 = arith.constant 0 : i32
                %dma_start3A_828 = tpu.memref_slice %arg7[%dma_start3A_827] : memref<10240xf32, #tpu.memory_space<vmem_shared>> -> memref<10240xf32, #tpu.memory_space<vmem_shared>>
                tpu.enqueue_indirect_dma source(%run_scoped3A_17 : memref<64xf32, #tpu.memory_space<vmem>>) target(%dma_start3A_828 : memref<10240xf32, #tpu.memory_space<vmem_shared>>) offsets(%run_scoped3A_11 : memref<64xi32, #tpu.memory_space<vmem>>) semaphore(%run_scoped3A_30 : memref<!tpu.dma_semaphore, #tpu.memory_space<semaphore_mem>>) {add = true}
              } else {
              }
            } else {
            }
            %rem3A_747 = arith.constant 4 : i32
            %rem3A_748 = arith.remsi %scan3A_669, %rem3A_747 : i32
            %eq3A_749 = arith.constant 1 : i32
            %eq3A_750 = arith.cmpi eq, %rem3A_748, %eq3A_749 : i32
            %convert_element_type3A_751 = arith.extui %eq3A_750 : i1 to i32
            %cond3A_752 = arith.constant 0 : i32
            %cond3A_753 = arith.cmpi ne, %convert_element_type3A_751, %cond3A_752 : i32
            scf.if %cond3A_753 {
              %ge3A_776 = arith.constant 4 : i32
              %ge3A_777 = arith.cmpi sge, %scan3A_669, %ge3A_776 : i32
              %convert_element_type3A_778 = arith.extui %ge3A_777 : i1 to i32
              %cond3A_779 = arith.constant 0 : i32
              %cond3A_780 = arith.cmpi ne, %convert_element_type3A_778, %cond3A_779 : i32
              scf.if %cond3A_780 {
                %dma_wait3A_821 = arith.constant 0 : i32
                %dma_wait3A_822 = arith.constant 0 : i32
                %dma_wait3A_823 = tpu.memref_slice %arg6[%dma_wait3A_821, %dma_wait3A_822] : memref<10240x128xf32, #tpu.memory_space<vmem_shared>> -> memref<10240x128xf32, #tpu.memory_space<vmem_shared>>
                tpu.wait_indirect_dma semaphore(%run_scoped3A_25 : memref<!tpu.dma_semaphore, #tpu.memory_space<semaphore_mem>>) src(%run_scoped3A_2 : memref<64x128xf32, #tpu.memory_space<vmem>>) dst(%dma_wait3A_823 : memref<10240x128xf32, #tpu.memory_space<vmem_shared>>)
                %dma_wait3A_824 = arith.constant 0 : i32
                %dma_wait3A_825 = tpu.memref_slice %arg7[%dma_wait3A_824] : memref<10240xf32, #tpu.memory_space<vmem_shared>> -> memref<10240xf32, #tpu.memory_space<vmem_shared>>
                tpu.wait_indirect_dma semaphore(%run_scoped3A_29 : memref<!tpu.dma_semaphore, #tpu.memory_space<semaphore_mem>>) src(%run_scoped3A_17 : memref<64xf32, #tpu.memory_space<vmem>>) dst(%dma_wait3A_825 : memref<10240xf32, #tpu.memory_space<vmem_shared>>)
              } else {
              }
              %get3A_781 = arith.constant 0 : index
              %get3A_782 = tpu.vector_load %run_scoped3A_13[%get3A_781] {strides = array<i32>} : memref<96xi32, #tpu.memory_space<vmem>>, vector<16xi32>,
              %swap3A_783 = arith.constant 0 : index
              %swap3A_784 = tpu.vector_load %run_scoped3A_6[%swap3A_783] {strides = array<i32>} : memref<64xi32, #tpu.memory_space<vmem>>, vector<16xi32>,
              tpu.vector_store %run_scoped3A_6[%swap3A_783], %get3A_782 {strides = array<i32>} : memref<64xi32, #tpu.memory_space<vmem>>, vector<16xi32>,
              %get3A_785 = arith.constant 0 : index
              %get3A_786 = tpu.vector_load %run_scoped3A_14[%get3A_785] {strides = array<i32>} : memref<96xi32, #tpu.memory_space<vmem>>, vector<16xi32>,
              %swap3A_787 = arith.constant 0 : index
              %swap3A_788 = tpu.vector_load %run_scoped3A_10[%swap3A_787] {strides = array<i32>} : memref<64xi32, #tpu.memory_space<vmem>>, vector<16xi32>,
              tpu.vector_store %run_scoped3A_10[%swap3A_787], %get3A_786 {strides = array<i32>} : memref<64xi32, #tpu.memory_space<vmem>>, vector<16xi32>,
              %get3A_789 = arith.constant 16 : index
              %get3A_790 = tpu.vector_load %run_scoped3A_13[%get3A_789] {strides = array<i32>} : memref<96xi32, #tpu.memory_space<vmem>>, vector<16xi32>,
              %swap3A_791 = arith.constant 16 : index
              %swap3A_792 = tpu.vector_load %run_scoped3A_6[%swap3A_791] {strides = array<i32>} : memref<64xi32, #tpu.memory_space<vmem>>, vector<16xi32>,
              tpu.vector_store %run_scoped3A_6[%swap3A_791], %get3A_790 {strides = array<i32>} : memref<64xi32, #tpu.memory_space<vmem>>, vector<16xi32>,
              %get3A_793 = arith.constant 16 : index
              %get3A_794 = tpu.vector_load %run_scoped3A_14[%get3A_793] {strides = array<i32>} : memref<96xi32, #tpu.memory_space<vmem>>, vector<16xi32>,
              %swap3A_795 = arith.constant 16 : index
              %swap3A_796 = tpu.vector_load %run_scoped3A_10[%swap3A_795] {strides = array<i32>} : memref<64xi32, #tpu.memory_space<vmem>>, vector<16xi32>,
              tpu.vector_store %run_scoped3A_10[%swap3A_795], %get3A_794 {strides = array<i32>} : memref<64xi32, #tpu.memory_space<vmem>>, vector<16xi32>,
              %get3A_797 = arith.constant 32 : index
              %get3A_798 = tpu.vector_load %run_scoped3A_13[%get3A_797] {strides = array<i32>} : memref<96xi32, #tpu.memory_space<vmem>>, vector<16xi32>,
              %swap3A_799 = arith.constant 32 : index
              %swap3A_800 = tpu.vector_load %run_scoped3A_6[%swap3A_799] {strides = array<i32>} : memref<64xi32, #tpu.memory_space<vmem>>, vector<16xi32>,
              tpu.vector_store %run_scoped3A_6[%swap3A_799], %get3A_798 {strides = array<i32>} : memref<64xi32, #tpu.memory_space<vmem>>, vector<16xi32>,
              %get3A_801 = arith.constant 32 : index
              %get3A_802 = tpu.vector_load %run_scoped3A_14[%get3A_801] {strides = array<i32>} : memref<96xi32, #tpu.memory_space<vmem>>, vector<16xi32>,
              %swap3A_803 = arith.constant 32 : index
              %swap3A_804 = tpu.vector_load %run_scoped3A_10[%swap3A_803] {strides = array<i32>} : memref<64xi32, #tpu.memory_space<vmem>>, vector<16xi32>,
              tpu.vector_store %run_scoped3A_10[%swap3A_803], %get3A_802 {strides = array<i32>} : memref<64xi32, #tpu.memory_space<vmem>>, vector<16xi32>,
              %get3A_805 = arith.constant 48 : index
              %get3A_806 = tpu.vector_load %run_scoped3A_13[%get3A_805] {strides = array<i32>} : memref<96xi32, #tpu.memory_space<vmem>>, vector<16xi32>,
              %swap3A_807 = arith.constant 48 : index
              %swap3A_808 = tpu.vector_load %run_scoped3A_6[%swap3A_807] {strides = array<i32>} : memref<64xi32, #tpu.memory_space<vmem>>, vector<16xi32>,
              tpu.vector_store %run_scoped3A_6[%swap3A_807], %get3A_806 {strides = array<i32>} : memref<64xi32, #tpu.memory_space<vmem>>, vector<16xi32>,
              %get3A_809 = arith.constant 48 : index
              %get3A_810 = tpu.vector_load %run_scoped3A_14[%get3A_809] {strides = array<i32>} : memref<96xi32, #tpu.memory_space<vmem>>, vector<16xi32>,
              %swap3A_811 = arith.constant 48 : index
              %swap3A_812 = tpu.vector_load %run_scoped3A_10[%swap3A_811] {strides = array<i32>} : memref<64xi32, #tpu.memory_space<vmem>>, vector<16xi32>,
              tpu.vector_store %run_scoped3A_10[%swap3A_811], %get3A_810 {strides = array<i32>} : memref<64xi32, #tpu.memory_space<vmem>>, vector<16xi32>,
              %dma_start3A_813 = arith.constant 0 : i32
              %dma_start3A_814 = arith.constant 0 : i32
              %dma_start3A_815 = tpu.memref_slice %arg3[%dma_start3A_813, %dma_start3A_814] : memref<10000x128xf32, #tpu.memory_space<hbm>> -> memref<10000x128xf32, #tpu.memory_space<hbm>>
              tpu.enqueue_indirect_dma source(%dma_start3A_815 : memref<10000x128xf32, #tpu.memory_space<hbm>>) target(%run_scoped3A_2 : memref<64x128xf32, #tpu.memory_space<vmem>>) offsets(%run_scoped3A_6 : memref<64xi32, #tpu.memory_space<vmem>>) semaphore(%run_scoped3A_21 : memref<!tpu.dma_semaphore, #tpu.memory_space<semaphore_mem>>)
              %ge3A_816 = arith.constant 2 : i32
              %ge3A_817 = arith.cmpi sge, %scan3A_669, %ge3A_816 : i32
              %convert_element_type3A_818 = arith.extui %ge3A_817 : i1 to i32
              %cond3A_819 = arith.constant 0 : i32
              %cond3A_820 = arith.cmpi ne, %convert_element_type3A_818, %cond3A_819 : i32
              scf.if %cond3A_820 {
                %dma_wait3A_821 = arith.constant 0 : i32
                %dma_wait3A_822 = arith.constant 0 : i32
                %dma_wait3A_823 = tpu.memref_slice %arg3[%dma_wait3A_821, %dma_wait3A_822] : memref<10000x128xf32, #tpu.memory_space<hbm>> -> memref<10000x128xf32, #tpu.memory_space<hbm>>
                tpu.wait_indirect_dma semaphore(%run_scoped3A_23 : memref<!tpu.dma_semaphore, #tpu.memory_space<semaphore_mem>>) src(%dma_wait3A_823 : memref<10000x128xf32, #tpu.memory_space<hbm>>) dst(%run_scoped3A_4 : memref<64x128xf32, #tpu.memory_space<vmem>>)
                %dma_start3A_824 = arith.constant 0 : i32
                %dma_start3A_825 = arith.constant 0 : i32
                %dma_start3A_826 = tpu.memref_slice %arg6[%dma_start3A_824, %dma_start3A_825] : memref<10240x128xf32, #tpu.memory_space<vmem_shared>> -> memref<10240x128xf32, #tpu.memory_space<vmem_shared>>
                tpu.enqueue_indirect_dma source(%run_scoped3A_4 : memref<64x128xf32, #tpu.memory_space<vmem>>) target(%dma_start3A_826 : memref<10240x128xf32, #tpu.memory_space<vmem_shared>>) offsets(%run_scoped3A_12 : memref<64xi32, #tpu.memory_space<vmem>>) semaphore(%run_scoped3A_27 : memref<!tpu.dma_semaphore, #tpu.memory_space<semaphore_mem>>) {add = true}
                %dma_start3A_827 = arith.constant 0 : i32
                %dma_start3A_828 = tpu.memref_slice %arg7[%dma_start3A_827] : memref<10240xf32, #tpu.memory_space<vmem_shared>> -> memref<10240xf32, #tpu.memory_space<vmem_shared>>
                tpu.enqueue_indirect_dma source(%run_scoped3A_17 : memref<64xf32, #tpu.memory_space<vmem>>) target(%dma_start3A_828 : memref<10240xf32, #tpu.memory_space<vmem_shared>>) offsets(%run_scoped3A_12 : memref<64xi32, #tpu.memory_space<vmem>>) semaphore(%run_scoped3A_31 : memref<!tpu.dma_semaphore, #tpu.memory_space<semaphore_mem>>) {add = true}
              } else {
              }
            } else {
            }
            %rem3A_754 = arith.constant 4 : i32
            %rem3A_755 = arith.remsi %scan3A_669, %rem3A_754 : i32
            %eq3A_756 = arith.constant 2 : i32
            %eq3A_757 = arith.cmpi eq, %rem3A_755, %eq3A_756 : i32
            %convert_element_type3A_758 = arith.extui %eq3A_757 : i1 to i32
            %cond3A_759 = arith.constant 0 : i32
            %cond3A_760 = arith.cmpi ne, %convert_element_type3A_758, %cond3A_759 : i32
            scf.if %cond3A_760 {
              %ge3A_776 = arith.constant 4 : i32
              %ge3A_777 = arith.cmpi sge, %scan3A_669, %ge3A_776 : i32
              %convert_element_type3A_778 = arith.extui %ge3A_777 : i1 to i32
              %cond3A_779 = arith.constant 0 : i32
              %cond3A_780 = arith.cmpi ne, %convert_element_type3A_778, %cond3A_779 : i32
              scf.if %cond3A_780 {
                %dma_wait3A_821 = arith.constant 0 : i32
                %dma_wait3A_822 = arith.constant 0 : i32
                %dma_wait3A_823 = tpu.memref_slice %arg6[%dma_wait3A_821, %dma_wait3A_822] : memref<10240x128xf32, #tpu.memory_space<vmem_shared>> -> memref<10240x128xf32, #tpu.memory_space<vmem_shared>>
                tpu.wait_indirect_dma semaphore(%run_scoped3A_26 : memref<!tpu.dma_semaphore, #tpu.memory_space<semaphore_mem>>) src(%run_scoped3A_3 : memref<64x128xf32, #tpu.memory_space<vmem>>) dst(%dma_wait3A_823 : memref<10240x128xf32, #tpu.memory_space<vmem_shared>>)
                %dma_wait3A_824 = arith.constant 0 : i32
                %dma_wait3A_825 = tpu.memref_slice %arg7[%dma_wait3A_824] : memref<10240xf32, #tpu.memory_space<vmem_shared>> -> memref<10240xf32, #tpu.memory_space<vmem_shared>>
                tpu.wait_indirect_dma semaphore(%run_scoped3A_30 : memref<!tpu.dma_semaphore, #tpu.memory_space<semaphore_mem>>) src(%run_scoped3A_17 : memref<64xf32, #tpu.memory_space<vmem>>) dst(%dma_wait3A_825 : memref<10240xf32, #tpu.memory_space<vmem_shared>>)
              } else {
              }
              %get3A_781 = arith.constant 0 : index
              %get3A_782 = tpu.vector_load %run_scoped3A_13[%get3A_781] {strides = array<i32>} : memref<96xi32, #tpu.memory_space<vmem>>, vector<16xi32>,
              %swap3A_783 = arith.constant 0 : index
              %swap3A_784 = tpu.vector_load %run_scoped3A_7[%swap3A_783] {strides = array<i32>} : memref<64xi32, #tpu.memory_space<vmem>>, vector<16xi32>,
              tpu.vector_store %run_scoped3A_7[%swap3A_783], %get3A_782 {strides = array<i32>} : memref<64xi32, #tpu.memory_space<vmem>>, vector<16xi32>,
              %get3A_785 = arith.constant 0 : index
              %get3A_786 = tpu.vector_load %run_scoped3A_14[%get3A_785] {strides = array<i32>} : memref<96xi32, #tpu.memory_space<vmem>>, vector<16xi32>,
              %swap3A_787 = arith.constant 0 : index
              %swap3A_788 = tpu.vector_load %run_scoped3A_11[%swap3A_787] {strides = array<i32>} : memref<64xi32, #tpu.memory_space<vmem>>, vector<16xi32>,
              tpu.vector_store %run_scoped3A_11[%swap3A_787], %get3A_786 {strides = array<i32>} : memref<64xi32, #tpu.memory_space<vmem>>, vector<16xi32>,
              %get3A_789 = arith.constant 16 : index
              %get3A_790 = tpu.vector_load %run_scoped3A_13[%get3A_789] {strides = array<i32>} : memref<96xi32, #tpu.memory_space<vmem>>, vector<16xi32>,
              %swap3A_791 = arith.constant 16 : index
              %swap3A_792 = tpu.vector_load %run_scoped3A_7[%swap3A_791] {strides = array<i32>} : memref<64xi32, #tpu.memory_space<vmem>>, vector<16xi32>,
              tpu.vector_store %run_scoped3A_7[%swap3A_791], %get3A_790 {strides = array<i32>} : memref<64xi32, #tpu.memory_space<vmem>>, vector<16xi32>,
              %get3A_793 = arith.constant 16 : index
              %get3A_794 = tpu.vector_load %run_scoped3A_14[%get3A_793] {strides = array<i32>} : memref<96xi32, #tpu.memory_space<vmem>>, vector<16xi32>,
              %swap3A_795 = arith.constant 16 : index
              %swap3A_796 = tpu.vector_load %run_scoped3A_11[%swap3A_795] {strides = array<i32>} : memref<64xi32, #tpu.memory_space<vmem>>, vector<16xi32>,
              tpu.vector_store %run_scoped3A_11[%swap3A_795], %get3A_794 {strides = array<i32>} : memref<64xi32, #tpu.memory_space<vmem>>, vector<16xi32>,
              %get3A_797 = arith.constant 32 : index
              %get3A_798 = tpu.vector_load %run_scoped3A_13[%get3A_797] {strides = array<i32>} : memref<96xi32, #tpu.memory_space<vmem>>, vector<16xi32>,
              %swap3A_799 = arith.constant 32 : index
              %swap3A_800 = tpu.vector_load %run_scoped3A_7[%swap3A_799] {strides = array<i32>} : memref<64xi32, #tpu.memory_space<vmem>>, vector<16xi32>,
              tpu.vector_store %run_scoped3A_7[%swap3A_799], %get3A_798 {strides = array<i32>} : memref<64xi32, #tpu.memory_space<vmem>>, vector<16xi32>,
              %get3A_801 = arith.constant 32 : index
              %get3A_802 = tpu.vector_load %run_scoped3A_14[%get3A_801] {strides = array<i32>} : memref<96xi32, #tpu.memory_space<vmem>>, vector<16xi32>,
              %swap3A_803 = arith.constant 32 : index
              %swap3A_804 = tpu.vector_load %run_scoped3A_11[%swap3A_803] {strides = array<i32>} : memref<64xi32, #tpu.memory_space<vmem>>, vector<16xi32>,
              tpu.vector_store %run_scoped3A_11[%swap3A_803], %get3A_802 {strides = array<i32>} : memref<64xi32, #tpu.memory_space<vmem>>, vector<16xi32>,
              %get3A_805 = arith.constant 48 : index
              %get3A_806 = tpu.vector_load %run_scoped3A_13[%get3A_805] {strides = array<i32>} : memref<96xi32, #tpu.memory_space<vmem>>, vector<16xi32>,
              %swap3A_807 = arith.constant 48 : index
              %swap3A_808 = tpu.vector_load %run_scoped3A_7[%swap3A_807] {strides = array<i32>} : memref<64xi32, #tpu.memory_space<vmem>>, vector<16xi32>,
              tpu.vector_store %run_scoped3A_7[%swap3A_807], %get3A_806 {strides = array<i32>} : memref<64xi32, #tpu.memory_space<vmem>>, vector<16xi32>,
              %get3A_809 = arith.constant 48 : index
              %get3A_810 = tpu.vector_load %run_scoped3A_14[%get3A_809] {strides = array<i32>} : memref<96xi32, #tpu.memory_space<vmem>>, vector<16xi32>,
              %swap3A_811 = arith.constant 48 : index
              %swap3A_812 = tpu.vector_load %run_scoped3A_11[%swap3A_811] {strides = array<i32>} : memref<64xi32, #tpu.memory_space<vmem>>, vector<16xi32>,
              tpu.vector_store %run_scoped3A_11[%swap3A_811], %get3A_810 {strides = array<i32>} : memref<64xi32, #tpu.memory_space<vmem>>, vector<16xi32>,
              %dma_start3A_813 = arith.constant 0 : i32
              %dma_start3A_814 = arith.constant 0 : i32
              %dma_start3A_815 = tpu.memref_slice %arg3[%dma_start3A_813, %dma_start3A_814] : memref<10000x128xf32, #tpu.memory_space<hbm>> -> memref<10000x128xf32, #tpu.memory_space<hbm>>
              tpu.enqueue_indirect_dma source(%dma_start3A_815 : memref<10000x128xf32, #tpu.memory_space<hbm>>) target(%run_scoped3A_3 : memref<64x128xf32, #tpu.memory_space<vmem>>) offsets(%run_scoped3A_7 : memref<64xi32, #tpu.memory_space<vmem>>) semaphore(%run_scoped3A_22 : memref<!tpu.dma_semaphore, #tpu.memory_space<semaphore_mem>>)
              %ge3A_816 = arith.constant 2 : i32
              %ge3A_817 = arith.cmpi sge, %scan3A_669, %ge3A_816 : i32
              %convert_element_type3A_818 = arith.extui %ge3A_817 : i1 to i32
              %cond3A_819 = arith.constant 0 : i32
              %cond3A_820 = arith.cmpi ne, %convert_element_type3A_818, %cond3A_819 : i32
              scf.if %cond3A_820 {
                %dma_wait3A_821 = arith.constant 0 : i32
                %dma_wait3A_822 = arith.constant 0 : i32
                %dma_wait3A_823 = tpu.memref_slice %arg3[%dma_wait3A_821, %dma_wait3A_822] : memref<10000x128xf32, #tpu.memory_space<hbm>> -> memref<10000x128xf32, #tpu.memory_space<hbm>>
                tpu.wait_indirect_dma semaphore(%run_scoped3A_20 : memref<!tpu.dma_semaphore, #tpu.memory_space<semaphore_mem>>) src(%dma_wait3A_823 : memref<10000x128xf32, #tpu.memory_space<hbm>>) dst(%run_scoped3A_1 : memref<64x128xf32, #tpu.memory_space<vmem>>)
                %dma_start3A_824 = arith.constant 0 : i32
                %dma_start3A_825 = arith.constant 0 : i32
                %dma_start3A_826 = tpu.memref_slice %arg6[%dma_start3A_824, %dma_start3A_825] : memref<10240x128xf32, #tpu.memory_space<vmem_shared>> -> memref<10240x128xf32, #tpu.memory_space<vmem_shared>>
                tpu.enqueue_indirect_dma source(%run_scoped3A_1 : memref<64x128xf32, #tpu.memory_space<vmem>>) target(%dma_start3A_826 : memref<10240x128xf32, #tpu.memory_space<vmem_shared>>) offsets(%run_scoped3A_9 : memref<64xi32, #tpu.memory_space<vmem>>) semaphore(%run_scoped3A_24 : memref<!tpu.dma_semaphore, #tpu.memory_space<semaphore_mem>>) {add = true}
                %dma_start3A_827 = arith.constant 0 : i32
                %dma_start3A_828 = tpu.memref_slice %arg7[%dma_start3A_827] : memref<10240xf32, #tpu.memory_space<vmem_shared>> -> memref<10240xf32, #tpu.memory_space<vmem_shared>>
                tpu.enqueue_indirect_dma source(%run_scoped3A_17 : memref<64xf32, #tpu.memory_space<vmem>>) target(%dma_start3A_828 : memref<10240xf32, #tpu.memory_space<vmem_shared>>) offsets(%run_scoped3A_9 : memref<64xi32, #tpu.memory_space<vmem>>) semaphore(%run_scoped3A_28 : memref<!tpu.dma_semaphore, #tpu.memory_space<semaphore_mem>>) {add = true}
              } else {
              }
            } else {
            }
            %rem3A_761 = arith.constant 4 : i32
            %rem3A_762 = arith.remsi %scan3A_669, %rem3A_761 : i32
            %eq3A_763 = arith.constant 3 : i32
            %eq3A_764 = arith.cmpi eq, %rem3A_762, %eq3A_763 : i32
            %convert_element_type3A_765 = arith.extui %eq3A_764 : i1 to i32
            %cond3A_766 = arith.constant 0 : i32
            %cond3A_767 = arith.cmpi ne, %convert_element_type3A_765, %cond3A_766 : i32
            scf.if %cond3A_767 {
              %ge3A_776 = arith.constant 4 : i32
              %ge3A_777 = arith.cmpi sge, %scan3A_669, %ge3A_776 : i32
              %convert_element_type3A_778 = arith.extui %ge3A_777 : i1 to i32
              %cond3A_779 = arith.constant 0 : i32
              %cond3A_780 = arith.cmpi ne, %convert_element_type3A_778, %cond3A_779 : i32
              scf.if %cond3A_780 {
                %dma_wait3A_821 = arith.constant 0 : i32
                %dma_wait3A_822 = arith.constant 0 : i32
                %dma_wait3A_823 = tpu.memref_slice %arg6[%dma_wait3A_821, %dma_wait3A_822] : memref<10240x128xf32, #tpu.memory_space<vmem_shared>> -> memref<10240x128xf32, #tpu.memory_space<vmem_shared>>
                tpu.wait_indirect_dma semaphore(%run_scoped3A_27 : memref<!tpu.dma_semaphore, #tpu.memory_space<semaphore_mem>>) src(%run_scoped3A_4 : memref<64x128xf32, #tpu.memory_space<vmem>>) dst(%dma_wait3A_823 : memref<10240x128xf32, #tpu.memory_space<vmem_shared>>)
                %dma_wait3A_824 = arith.constant 0 : i32
                %dma_wait3A_825 = tpu.memref_slice %arg7[%dma_wait3A_824] : memref<10240xf32, #tpu.memory_space<vmem_shared>> -> memref<10240xf32, #tpu.memory_space<vmem_shared>>
                tpu.wait_indirect_dma semaphore(%run_scoped3A_31 : memref<!tpu.dma_semaphore, #tpu.memory_space<semaphore_mem>>) src(%run_scoped3A_17 : memref<64xf32, #tpu.memory_space<vmem>>) dst(%dma_wait3A_825 : memref<10240xf32, #tpu.memory_space<vmem_shared>>)
              } else {
              }
              %get3A_781 = arith.constant 0 : index
              %get3A_782 = tpu.vector_load %run_scoped3A_13[%get3A_781] {strides = array<i32>} : memref<96xi32, #tpu.memory_space<vmem>>, vector<16xi32>,
              %swap3A_783 = arith.constant 0 : index
              %swap3A_784 = tpu.vector_load %run_scoped3A_8[%swap3A_783] {strides = array<i32>} : memref<64xi32, #tpu.memory_space<vmem>>, vector<16xi32>,
              tpu.vector_store %run_scoped3A_8[%swap3A_783], %get3A_782 {strides = array<i32>} : memref<64xi32, #tpu.memory_space<vmem>>, vector<16xi32>,
              %get3A_785 = arith.constant 0 : index
              %get3A_786 = tpu.vector_load %run_scoped3A_14[%get3A_785] {strides = array<i32>} : memref<96xi32, #tpu.memory_space<vmem>>, vector<16xi32>,
              %swap3A_787 = arith.constant 0 : index
              %swap3A_788 = tpu.vector_load %run_scoped3A_12[%swap3A_787] {strides = array<i32>} : memref<64xi32, #tpu.memory_space<vmem>>, vector<16xi32>,
              tpu.vector_store %run_scoped3A_12[%swap3A_787], %get3A_786 {strides = array<i32>} : memref<64xi32, #tpu.memory_space<vmem>>, vector<16xi32>,
              %get3A_789 = arith.constant 16 : index
              %get3A_790 = tpu.vector_load %run_scoped3A_13[%get3A_789] {strides = array<i32>} : memref<96xi32, #tpu.memory_space<vmem>>, vector<16xi32>,
              %swap3A_791 = arith.constant 16 : index
              %swap3A_792 = tpu.vector_load %run_scoped3A_8[%swap3A_791] {strides = array<i32>} : memref<64xi32, #tpu.memory_space<vmem>>, vector<16xi32>,
              tpu.vector_store %run_scoped3A_8[%swap3A_791], %get3A_790 {strides = array<i32>} : memref<64xi32, #tpu.memory_space<vmem>>, vector<16xi32>,
              %get3A_793 = arith.constant 16 : index
              %get3A_794 = tpu.vector_load %run_scoped3A_14[%get3A_793] {strides = array<i32>} : memref<96xi32, #tpu.memory_space<vmem>>, vector<16xi32>,
              %swap3A_795 = arith.constant 16 : index
              %swap3A_796 = tpu.vector_load %run_scoped3A_12[%swap3A_795] {strides = array<i32>} : memref<64xi32, #tpu.memory_space<vmem>>, vector<16xi32>,
              tpu.vector_store %run_scoped3A_12[%swap3A_795], %get3A_794 {strides = array<i32>} : memref<64xi32, #tpu.memory_space<vmem>>, vector<16xi32>,
              %get3A_797 = arith.constant 32 : index
              %get3A_798 = tpu.vector_load %run_scoped3A_13[%get3A_797] {strides = array<i32>} : memref<96xi32, #tpu.memory_space<vmem>>, vector<16xi32>,
              %swap3A_799 = arith.constant 32 : index
              %swap3A_800 = tpu.vector_load %run_scoped3A_8[%swap3A_799] {strides = array<i32>} : memref<64xi32, #tpu.memory_space<vmem>>, vector<16xi32>,
              tpu.vector_store %run_scoped3A_8[%swap3A_799], %get3A_798 {strides = array<i32>} : memref<64xi32, #tpu.memory_space<vmem>>, vector<16xi32>,
              %get3A_801 = arith.constant 32 : index
              %get3A_802 = tpu.vector_load %run_scoped3A_14[%get3A_801] {strides = array<i32>} : memref<96xi32, #tpu.memory_space<vmem>>, vector<16xi32>,
              %swap3A_803 = arith.constant 32 : index
              %swap3A_804 = tpu.vector_load %run_scoped3A_12[%swap3A_803] {strides = array<i32>} : memref<64xi32, #tpu.memory_space<vmem>>, vector<16xi32>,
              tpu.vector_store %run_scoped3A_12[%swap3A_803], %get3A_802 {strides = array<i32>} : memref<64xi32, #tpu.memory_space<vmem>>, vector<16xi32>,
              %get3A_805 = arith.constant 48 : index
              %get3A_806 = tpu.vector_load %run_scoped3A_13[%get3A_805] {strides = array<i32>} : memref<96xi32, #tpu.memory_space<vmem>>, vector<16xi32>,
              %swap3A_807 = arith.constant 48 : index
              %swap3A_808 = tpu.vector_load %run_scoped3A_8[%swap3A_807] {strides = array<i32>} : memref<64xi32, #tpu.memory_space<vmem>>, vector<16xi32>,
              tpu.vector_store %run_scoped3A_8[%swap3A_807], %get3A_806 {strides = array<i32>} : memref<64xi32, #tpu.memory_space<vmem>>, vector<16xi32>,
              %get3A_809 = arith.constant 48 : index
              %get3A_810 = tpu.vector_load %run_scoped3A_14[%get3A_809] {strides = array<i32>} : memref<96xi32, #tpu.memory_space<vmem>>, vector<16xi32>,
              %swap3A_811 = arith.constant 48 : index
              %swap3A_812 = tpu.vector_load %run_scoped3A_12[%swap3A_811] {strides = array<i32>} : memref<64xi32, #tpu.memory_space<vmem>>, vector<16xi32>,
              tpu.vector_store %run_scoped3A_12[%swap3A_811], %get3A_810 {strides = array<i32>} : memref<64xi32, #tpu.memory_space<vmem>>, vector<16xi32>,
              %dma_start3A_813 = arith.constant 0 : i32
              %dma_start3A_814 = arith.constant 0 : i32
              %dma_start3A_815 = tpu.memref_slice %arg3[%dma_start3A_813, %dma_start3A_814] : memref<10000x128xf32, #tpu.memory_space<hbm>> -> memref<10000x128xf32, #tpu.memory_space<hbm>>
              tpu.enqueue_indirect_dma source(%dma_start3A_815 : memref<10000x128xf32, #tpu.memory_space<hbm>>) target(%run_scoped3A_4 : memref<64x128xf32, #tpu.memory_space<vmem>>) offsets(%run_scoped3A_8 : memref<64xi32, #tpu.memory_space<vmem>>) semaphore(%run_scoped3A_23 : memref<!tpu.dma_semaphore, #tpu.memory_space<semaphore_mem>>)
              %ge3A_816 = arith.constant 2 : i32
              %ge3A_817 = arith.cmpi sge, %scan3A_669, %ge3A_816 : i32
              %convert_element_type3A_818 = arith.extui %ge3A_817 : i1 to i32
              %cond3A_819 = arith.constant 0 : i32
              %cond3A_820 = arith.cmpi ne, %convert_element_type3A_818, %cond3A_819 : i32
              scf.if %cond3A_820 {
                %dma_wait3A_821 = arith.constant 0 : i32
                %dma_wait3A_822 = arith.constant 0 : i32
                %dma_wait3A_823 = tpu.memref_slice %arg3[%dma_wait3A_821, %dma_wait3A_822] : memref<10000x128xf32, #tpu.memory_space<hbm>> -> memref<10000x128xf32, #tpu.memory_space<hbm>>
                tpu.wait_indirect_dma semaphore(%run_scoped3A_21 : memref<!tpu.dma_semaphore, #tpu.memory_space<semaphore_mem>>) src(%dma_wait3A_823 : memref<10000x128xf32, #tpu.memory_space<hbm>>) dst(%run_scoped3A_2 : memref<64x128xf32, #tpu.memory_space<vmem>>)
                %dma_start3A_824 = arith.constant 0 : i32
                %dma_start3A_825 = arith.constant 0 : i32
                %dma_start3A_826 = tpu.memref_slice %arg6[%dma_start3A_824, %dma_start3A_825] : memref<10240x128xf32, #tpu.memory_space<vmem_shared>> -> memref<10240x128xf32, #tpu.memory_space<vmem_shared>>
                tpu.enqueue_indirect_dma source(%run_scoped3A_2 : memref<64x128xf32, #tpu.memory_space<vmem>>) target(%dma_start3A_826 : memref<10240x128xf32, #tpu.memory_space<vmem_shared>>) offsets(%run_scoped3A_10 : memref<64xi32, #tpu.memory_space<vmem>>) semaphore(%run_scoped3A_25 : memref<!tpu.dma_semaphore, #tpu.memory_space<semaphore_mem>>) {add = true}
                %dma_start3A_827 = arith.constant 0 : i32
                %dma_start3A_828 = tpu.memref_slice %arg7[%dma_start3A_827] : memref<10240xf32, #tpu.memory_space<vmem_shared>> -> memref<10240xf32, #tpu.memory_space<vmem_shared>>
                tpu.enqueue_indirect_dma source(%run_scoped3A_17 : memref<64xf32, #tpu.memory_space<vmem>>) target(%dma_start3A_828 : memref<10240xf32, #tpu.memory_space<vmem_shared>>) offsets(%run_scoped3A_10 : memref<64xi32, #tpu.memory_space<vmem>>) semaphore(%run_scoped3A_29 : memref<!tpu.dma_semaphore, #tpu.memory_space<semaphore_mem>>) {add = true}
              } else {
              }
            } else {
            }
            %get3A_768 = arith.constant 64 : index
            %get3A_769 = tpu.vector_load %run_scoped3A_13[%get3A_768] {strides = array<i32>} : memref<96xi32, #tpu.memory_space<vmem>>, vector<16xi32>,
            %swap3A_770 = arith.constant 0 : index
            %swap3A_771 = tpu.vector_load %run_scoped3A_13[%swap3A_770] {strides = array<i32>} : memref<96xi32, #tpu.memory_space<vmem>>, vector<16xi32>,
            tpu.vector_store %run_scoped3A_13[%swap3A_770], %get3A_769 {strides = array<i32>} : memref<96xi32, #tpu.memory_space<vmem>>, vector<16xi32>,
            %get3A_772 = arith.constant 64 : index
            %get3A_773 = tpu.vector_load %run_scoped3A_14[%get3A_772] {strides = array<i32>} : memref<96xi32, #tpu.memory_space<vmem>>, vector<16xi32>,
            %swap3A_774 = arith.constant 0 : index
            %swap3A_775 = tpu.vector_load %run_scoped3A_14[%swap3A_774] {strides = array<i32>} : memref<96xi32, #tpu.memory_space<vmem>>, vector<16xi32>,
            tpu.vector_store %run_scoped3A_14[%swap3A_774], %get3A_773 {strides = array<i32>} : memref<96xi32, #tpu.memory_space<vmem>>, vector<16xi32>,
          } else {
          }
          %sub3A_735 = arith.constant 64 : i32
          %sub3A_736 = arith.subi %add3A_729, %sub3A_735 : i32
          %select_n3A_737 = arith.select %ge3A_731, %sub3A_736, %add3A_729 : i32
          %convert_element_type3A_738 = arith.extui %ge3A_731 : i1 to i32
          %add3A_739 = arith.addi %scan3A_669, %convert_element_type3A_738 : i32
          scf.yield %select_n3A_737, %add3A_739 : i32, i32
        }
        %scan3A_627 = arith.constant 32 : i32
        %add3A_628 = arith.constant 1 : i32
        %add3A_629 = arith.addi %add3A_612, %add3A_628 : i32
        %mul3A_630 = arith.constant 512 : i32
        %mul3A_631 = arith.muli %add3A_629, %mul3A_630 : i32
        %dma_wait3A = arith.constant 0 : i32
        %dma_wait3A_632 = tpu.memref_slice %arg2[%arg1, %dma_wait3A, %mul3A_631] : memref<16x3x20992xi32, #tpu.memory_space<hbm>> -> memref<1x3x512xi32, #tpu.memory_space<hbm>>
        %dma_wait3A_633 = tpu.memref_squeeze %dma_wait3A_632 : memref<1x3x512xi32, #tpu.memory_space<hbm>> -> memref<3x512xi32, #tpu.memory_space<hbm>>
        %dma_wait3A_634 = arith.constant 0 : i32
        %dma_wait3A_635 = tpu.memref_slice %arg2[%arg1, %dma_wait3A_634, %mul3A_631] : memref<16x3x20992xi32, #tpu.memory_space<hbm>> -> memref<1x3x512xi32, #tpu.memory_space<hbm>>
        %dma_wait3A_636 = tpu.memref_squeeze %dma_wait3A_635 : memref<1x3x512xi32, #tpu.memory_space<hbm>> -> memref<3x512xi32, #tpu.memory_space<hbm>>
        tpu.wait_dma2 semaphore(%run_scoped3A_32 : memref<!tpu.dma_semaphore, #tpu.memory_space<semaphore_mem>>) src(%dma_wait3A_636 : memref<3x512xi32, #tpu.memory_space<hbm>>) dst(%run_scoped3A_0 : memref<3x512xi32, #tpu.memory_space<vmem>>)
        %mul3A_637 = arith.constant 2 : i32
        %mul3A_638 = arith.muli %scan3A_606, %mul3A_637 : i32
        %add3A_639 = arith.constant 1 : i32
        %add3A_640 = arith.addi %mul3A_638, %add3A_639 : i32
        %add3A_641 = arith.constant 1 : i32
        %add3A_642 = arith.addi %add3A_640, %add3A_641 : i32
        %mul3A_643 = arith.constant 512 : i32
        %mul3A_644 = arith.muli %add3A_642, %mul3A_643 : i32
        %dma_start3A_645 = arith.constant 0 : i32
        %dma_start3A_646 = tpu.memref_slice %arg2[%arg1, %dma_start3A_645, %mul3A_644] : memref<16x3x20992xi32, #tpu.memory_space<hbm>> -> memref<1x3x512xi32, #tpu.memory_space<hbm>>
        %dma_start3A_647 = tpu.memref_squeeze %dma_start3A_646 : memref<1x3x512xi32, #tpu.memory_space<hbm>> -> memref<3x512xi32, #tpu.memory_space<hbm>>
        %dma_start3A_648 = arith.constant 0 : i32
        %dma_start3A_649 = tpu.memref_slice %arg2[%arg1, %dma_start3A_648, %mul3A_644] : memref<16x3x20992xi32, #tpu.memory_space<hbm>> -> memref<1x3x512xi32, #tpu.memory_space<hbm>>
        %dma_start3A_650 = tpu.memref_squeeze %dma_start3A_649 : memref<1x3x512xi32, #tpu.memory_space<hbm>> -> memref<3x512xi32, #tpu.memory_space<hbm>>
        tpu.enqueue_dma source(%dma_start3A_650 : memref<3x512xi32, #tpu.memory_space<hbm>>) target(%run_scoped3A : memref<3x512xi32, #tpu.memory_space<vmem>>) target_semaphore(%run_scoped3A_32 : memref<!tpu.dma_semaphore, #tpu.memory_space<semaphore_mem>>)
        %scan3A_651 = arith.constant 0 : i32
        %scan3A_652 = arith.constant 32 : i32
        %scan3A_653 = arith.addi %scan3A_651, %scan3A_652 : i32
        %scan3A_654 = arith.constant 1 : i32
        %scan3A_655:2 = scf.for %scan3A_667 = %scan3A_651 to %scan3A_653 step %scan3A_654 iter_args(%scan3A_668 = %scan3A_626#0, %scan3A_669 = %scan3A_626#1) -> (i32, i32)  : i32 {
          %mul3A_670 = arith.constant 16 : i32
          %mul3A_671 = arith.muli %scan3A_667, %mul3A_670 : i32
          %get3A_672 = arith.constant 0 : i32
          %get3A_673 = arith.index_cast %get3A_672 : i32 to index
          %get3A_674 = arith.index_cast %mul3A_671 : i32 to index
          %get3A_675 = tpu.vector_load %run_scoped3A_0[%get3A_673, %get3A_674] {strides = array<i32>} : memref<3x512xi32, #tpu.memory_space<vmem>>, vector<16xi32>,
          %get3A_676 = arith.constant 1 : i32
          %get3A_677 = arith.index_cast %get3A_676 : i32 to index
          %get3A_678 = arith.index_cast %mul3A_671 : i32 to index
          %get3A_679 = tpu.vector_load %run_scoped3A_0[%get3A_677, %get3A_678] {strides = array<i32>} : memref<3x512xi32, #tpu.memory_space<vmem>>, vector<16xi32>,
          %get3A_680 = arith.constant 2 : i32
          %get3A_681 = arith.index_cast %get3A_680 : i32 to index
          %get3A_682 = arith.index_cast %mul3A_671 : i32 to index
          %get3A_683 = tpu.vector_load %run_scoped3A_0[%get3A_681, %get3A_682] {strides = array<i32>} : memref<3x512xi32, #tpu.memory_space<vmem>>, vector<16xi32>,
          %mul3A_684 = arith.constant 512 : i32
          %mul3A_685 = arith.muli %add3A_640, %mul3A_684 : i32
          %add3A_686 = arith.addi %mul3A_685, %mul3A_671 : i32
          %add3A_687 = vector.broadcast %add3A_686 : i32 to vector<16xi32>
          %add3A_688 = arith.addi %add3A_687, %iota3A : vector<16xi32>
          %lt3A_689 = arith.constant 20000 : i32
          %lt3A_690 = vector.broadcast %lt3A_689 : i32 to vector<16xi32>
          %lt3A_691 = arith.cmpi slt, %add3A_688, %lt3A_690 : vector<16xi32>
          %ge3A_692 = vector.broadcast %mul3A_33 : i32 to vector<16xi32>
          %ge3A_693 = arith.cmpi sge, %get3A_679, %ge3A_692 : vector<16xi32>
          %add3A_694 = arith.constant 5000 : i32
          %add3A_695 = arith.addi %mul3A_33, %add3A_694 : i32
          %lt3A_696 = vector.broadcast %add3A_695 : i32 to vector<16xi32>
          %lt3A_697 = arith.cmpi slt, %get3A_679, %lt3A_696 : vector<16xi32>
          %and3A_698 = arith.andi %ge3A_693, %lt3A_697 : vector<16xi1>
          %and3A_699 = arith.andi %lt3A_691, %and3A_698 : vector<16xi1>
          %lt3A_700 = arith.constant 2 : i32
          %lt3A_701 = vector.broadcast %lt3A_700 : i32 to vector<16xi32>
          %lt3A_702 = arith.cmpi slt, %get3A_683, %lt3A_701 : vector<16xi32>
          %and3A_703 = arith.andi %and3A_699, %lt3A_702 : vector<16xi1>
          %mul3A_704 = arith.constant 5120 : i32
          %mul3A_705 = vector.broadcast %mul3A_704 : i32 to vector<16xi32>
          %mul3A_706 = arith.muli %get3A_683, %mul3A_705 : vector<16xi32>
          %sub3A_707 = vector.broadcast %mul3A_33 : i32 to vector<16xi32>
          %sub3A_708 = arith.subi %get3A_679, %sub3A_707 : vector<16xi32>
          %add3A_709 = arith.addi %mul3A_706, %sub3A_708 : vector<16xi32>
          %swap3A_710 = arith.constant 0 : index
          %swap3A_711 = tpu.vector_load %run_scoped3A_15[%swap3A_710] masked %and3A_703 {strides = array<i32>} : memref<16xi32, #tpu.memory_space<vmem>>, vector<16xi32>, vector<16xi1>
          tpu.vector_store %run_scoped3A_15[%swap3A_710], %get3A_675 masked %and3A_703 {strides = array<i32>} : memref<16xi32, #tpu.memory_space<vmem>>, vector<16xi32>, vector<16xi1>
          %swap3A_712 = arith.constant 0 : index
          %swap3A_713 = tpu.vector_load %run_scoped3A_16[%swap3A_712] masked %and3A_703 {strides = array<i32>} : memref<16xi32, #tpu.memory_space<vmem>>, vector<16xi32>, vector<16xi1>
          tpu.vector_store %run_scoped3A_16[%swap3A_712], %add3A_709 masked %and3A_703 {strides = array<i32>} : memref<16xi32, #tpu.memory_space<vmem>>, vector<16xi32>, vector<16xi1>
          %get3A_714 = arith.constant 0 : index
          %get3A_715 = tpu.vector_load %run_scoped3A_15[%get3A_714] {strides = array<i32>} : memref<16xi32, #tpu.memory_space<vmem>>, vector<16xi32>,
          %swap3A_716 = arith.index_cast %scan3A_668 : i32 to index
          %swap3A_717 = tpu.vector_load %run_scoped3A_13[%swap3A_716] {strides = array<i32>} : memref<96xi32, #tpu.memory_space<vmem>>, vector<16xi32>,
          tpu.vector_store %run_scoped3A_13[%swap3A_716], %get3A_715 {strides = array<i32>} : memref<96xi32, #tpu.memory_space<vmem>>, vector<16xi32>,
          %get3A_718 = arith.constant 0 : index
          %get3A_719 = tpu.vector_load %run_scoped3A_16[%get3A_718] {strides = array<i32>} : memref<16xi32, #tpu.memory_space<vmem>>, vector<16xi32>,
          %swap3A_720 = arith.index_cast %scan3A_668 : i32 to index
          %swap3A_721 = tpu.vector_load %run_scoped3A_14[%swap3A_720] {strides = array<i32>} : memref<96xi32, #tpu.memory_space<vmem>>, vector<16xi32>,
          tpu.vector_store %run_scoped3A_14[%swap3A_720], %get3A_719 {strides = array<i32>} : memref<96xi32, #tpu.memory_space<vmem>>, vector<16xi32>,
          %all_reduce_population_count3A = tpu.all_reduce %and3A_703 {dim = 0 : i64, kind = #tpu.reduction_kind<sum>} : vector<16xi1> -> vector<16xi32>
          %reduce_max3A = arith.constant true
          %reduce_max3A_722 = vector.broadcast %reduce_max3A : i1 to vector<16xi1>
          %reduce_max3A_723 = arith.constant -2147483648 : i32
          %reduce_max3A_724 = vector.broadcast %reduce_max3A_723 : i32 to vector<16xi32>
          %reduce_max3A_725 = arith.xori %all_reduce_population_count3A, %reduce_max3A_724 : vector<16xi32>
          %reduce_max3A_726 = tpu.scan <max>, %reduce_max3A_725 masked %reduce_max3A_722 : vector<16xi32>, vector<16xi1> -> vector<16xi32>
          %reduce_max3A_727 = arith.xori %reduce_max3A_726, %reduce_max3A_724 : vector<16xi32>
          %reduce_max3A_728 = vector.extract %reduce_max3A_727[15] : i32 from vector<16xi32>
          %add3A_729 = arith.addi %scan3A_668, %reduce_max3A_728 : i32
          %ge3A_730 = arith.constant 64 : i32
          %ge3A_731 = arith.cmpi sge, %add3A_729, %ge3A_730 : i32
          %convert_element_type3A_732 = arith.extui %ge3A_731 : i1 to i32
          %cond3A_733 = arith.constant 0 : i32
          %cond3A_734 = arith.cmpi ne, %convert_element_type3A_732, %cond3A_733 : i32
          scf.if %cond3A_734 {
            %rem3A_740 = arith.constant 4 : i32
            %rem3A_741 = arith.remsi %scan3A_669, %rem3A_740 : i32
            %eq3A_742 = arith.constant 0 : i32
            %eq3A_743 = arith.cmpi eq, %rem3A_741, %eq3A_742 : i32
            %convert_element_type3A_744 = arith.extui %eq3A_743 : i1 to i32
            %cond3A_745 = arith.constant 0 : i32
            %cond3A_746 = arith.cmpi ne, %convert_element_type3A_744, %cond3A_745 : i32
            scf.if %cond3A_746 {
              %ge3A_776 = arith.constant 4 : i32
              %ge3A_777 = arith.cmpi sge, %scan3A_669, %ge3A_776 : i32
              %convert_element_type3A_778 = arith.extui %ge3A_777 : i1 to i32
              %cond3A_779 = arith.constant 0 : i32
              %cond3A_780 = arith.cmpi ne, %convert_element_type3A_778, %cond3A_779 : i32
              scf.if %cond3A_780 {
                %dma_wait3A_821 = arith.constant 0 : i32
                %dma_wait3A_822 = arith.constant 0 : i32
                %dma_wait3A_823 = tpu.memref_slice %arg6[%dma_wait3A_821, %dma_wait3A_822] : memref<10240x128xf32, #tpu.memory_space<vmem_shared>> -> memref<10240x128xf32, #tpu.memory_space<vmem_shared>>
                tpu.wait_indirect_dma semaphore(%run_scoped3A_24 : memref<!tpu.dma_semaphore, #tpu.memory_space<semaphore_mem>>) src(%run_scoped3A_1 : memref<64x128xf32, #tpu.memory_space<vmem>>) dst(%dma_wait3A_823 : memref<10240x128xf32, #tpu.memory_space<vmem_shared>>)
                %dma_wait3A_824 = arith.constant 0 : i32
                %dma_wait3A_825 = tpu.memref_slice %arg7[%dma_wait3A_824] : memref<10240xf32, #tpu.memory_space<vmem_shared>> -> memref<10240xf32, #tpu.memory_space<vmem_shared>>
                tpu.wait_indirect_dma semaphore(%run_scoped3A_28 : memref<!tpu.dma_semaphore, #tpu.memory_space<semaphore_mem>>) src(%run_scoped3A_17 : memref<64xf32, #tpu.memory_space<vmem>>) dst(%dma_wait3A_825 : memref<10240xf32, #tpu.memory_space<vmem_shared>>)
              } else {
              }
              %get3A_781 = arith.constant 0 : index
              %get3A_782 = tpu.vector_load %run_scoped3A_13[%get3A_781] {strides = array<i32>} : memref<96xi32, #tpu.memory_space<vmem>>, vector<16xi32>,
              %swap3A_783 = arith.constant 0 : index
              %swap3A_784 = tpu.vector_load %run_scoped3A_5[%swap3A_783] {strides = array<i32>} : memref<64xi32, #tpu.memory_space<vmem>>, vector<16xi32>,
              tpu.vector_store %run_scoped3A_5[%swap3A_783], %get3A_782 {strides = array<i32>} : memref<64xi32, #tpu.memory_space<vmem>>, vector<16xi32>,
              %get3A_785 = arith.constant 0 : index
              %get3A_786 = tpu.vector_load %run_scoped3A_14[%get3A_785] {strides = array<i32>} : memref<96xi32, #tpu.memory_space<vmem>>, vector<16xi32>,
              %swap3A_787 = arith.constant 0 : index
              %swap3A_788 = tpu.vector_load %run_scoped3A_9[%swap3A_787] {strides = array<i32>} : memref<64xi32, #tpu.memory_space<vmem>>, vector<16xi32>,
              tpu.vector_store %run_scoped3A_9[%swap3A_787], %get3A_786 {strides = array<i32>} : memref<64xi32, #tpu.memory_space<vmem>>, vector<16xi32>,
              %get3A_789 = arith.constant 16 : index
              %get3A_790 = tpu.vector_load %run_scoped3A_13[%get3A_789] {strides = array<i32>} : memref<96xi32, #tpu.memory_space<vmem>>, vector<16xi32>,
              %swap3A_791 = arith.constant 16 : index
              %swap3A_792 = tpu.vector_load %run_scoped3A_5[%swap3A_791] {strides = array<i32>} : memref<64xi32, #tpu.memory_space<vmem>>, vector<16xi32>,
              tpu.vector_store %run_scoped3A_5[%swap3A_791], %get3A_790 {strides = array<i32>} : memref<64xi32, #tpu.memory_space<vmem>>, vector<16xi32>,
              %get3A_793 = arith.constant 16 : index
              %get3A_794 = tpu.vector_load %run_scoped3A_14[%get3A_793] {strides = array<i32>} : memref<96xi32, #tpu.memory_space<vmem>>, vector<16xi32>,
              %swap3A_795 = arith.constant 16 : index
              %swap3A_796 = tpu.vector_load %run_scoped3A_9[%swap3A_795] {strides = array<i32>} : memref<64xi32, #tpu.memory_space<vmem>>, vector<16xi32>,
              tpu.vector_store %run_scoped3A_9[%swap3A_795], %get3A_794 {strides = array<i32>} : memref<64xi32, #tpu.memory_space<vmem>>, vector<16xi32>,
              %get3A_797 = arith.constant 32 : index
              %get3A_798 = tpu.vector_load %run_scoped3A_13[%get3A_797] {strides = array<i32>} : memref<96xi32, #tpu.memory_space<vmem>>, vector<16xi32>,
              %swap3A_799 = arith.constant 32 : index
              %swap3A_800 = tpu.vector_load %run_scoped3A_5[%swap3A_799] {strides = array<i32>} : memref<64xi32, #tpu.memory_space<vmem>>, vector<16xi32>,
              tpu.vector_store %run_scoped3A_5[%swap3A_799], %get3A_798 {strides = array<i32>} : memref<64xi32, #tpu.memory_space<vmem>>, vector<16xi32>,
              %get3A_801 = arith.constant 32 : index
              %get3A_802 = tpu.vector_load %run_scoped3A_14[%get3A_801] {strides = array<i32>} : memref<96xi32, #tpu.memory_space<vmem>>, vector<16xi32>,
              %swap3A_803 = arith.constant 32 : index
              %swap3A_804 = tpu.vector_load %run_scoped3A_9[%swap3A_803] {strides = array<i32>} : memref<64xi32, #tpu.memory_space<vmem>>, vector<16xi32>,
              tpu.vector_store %run_scoped3A_9[%swap3A_803], %get3A_802 {strides = array<i32>} : memref<64xi32, #tpu.memory_space<vmem>>, vector<16xi32>,
              %get3A_805 = arith.constant 48 : index
              %get3A_806 = tpu.vector_load %run_scoped3A_13[%get3A_805] {strides = array<i32>} : memref<96xi32, #tpu.memory_space<vmem>>, vector<16xi32>,
              %swap3A_807 = arith.constant 48 : index
              %swap3A_808 = tpu.vector_load %run_scoped3A_5[%swap3A_807] {strides = array<i32>} : memref<64xi32, #tpu.memory_space<vmem>>, vector<16xi32>,
              tpu.vector_store %run_scoped3A_5[%swap3A_807], %get3A_806 {strides = array<i32>} : memref<64xi32, #tpu.memory_space<vmem>>, vector<16xi32>,
              %get3A_809 = arith.constant 48 : index
              %get3A_810 = tpu.vector_load %run_scoped3A_14[%get3A_809] {strides = array<i32>} : memref<96xi32, #tpu.memory_space<vmem>>, vector<16xi32>,
              %swap3A_811 = arith.constant 48 : index
              %swap3A_812 = tpu.vector_load %run_scoped3A_9[%swap3A_811] {strides = array<i32>} : memref<64xi32, #tpu.memory_space<vmem>>, vector<16xi32>,
              tpu.vector_store %run_scoped3A_9[%swap3A_811], %get3A_810 {strides = array<i32>} : memref<64xi32, #tpu.memory_space<vmem>>, vector<16xi32>,
              %dma_start3A_813 = arith.constant 0 : i32
              %dma_start3A_814 = arith.constant 0 : i32
              %dma_start3A_815 = tpu.memref_slice %arg3[%dma_start3A_813, %dma_start3A_814] : memref<10000x128xf32, #tpu.memory_space<hbm>> -> memref<10000x128xf32, #tpu.memory_space<hbm>>
              tpu.enqueue_indirect_dma source(%dma_start3A_815 : memref<10000x128xf32, #tpu.memory_space<hbm>>) target(%run_scoped3A_1 : memref<64x128xf32, #tpu.memory_space<vmem>>) offsets(%run_scoped3A_5 : memref<64xi32, #tpu.memory_space<vmem>>) semaphore(%run_scoped3A_20 : memref<!tpu.dma_semaphore, #tpu.memory_space<semaphore_mem>>)
              %ge3A_816 = arith.constant 2 : i32
              %ge3A_817 = arith.cmpi sge, %scan3A_669, %ge3A_816 : i32
              %convert_element_type3A_818 = arith.extui %ge3A_817 : i1 to i32
              %cond3A_819 = arith.constant 0 : i32
              %cond3A_820 = arith.cmpi ne, %convert_element_type3A_818, %cond3A_819 : i32
              scf.if %cond3A_820 {
                %dma_wait3A_821 = arith.constant 0 : i32
                %dma_wait3A_822 = arith.constant 0 : i32
                %dma_wait3A_823 = tpu.memref_slice %arg3[%dma_wait3A_821, %dma_wait3A_822] : memref<10000x128xf32, #tpu.memory_space<hbm>> -> memref<10000x128xf32, #tpu.memory_space<hbm>>
                tpu.wait_indirect_dma semaphore(%run_scoped3A_22 : memref<!tpu.dma_semaphore, #tpu.memory_space<semaphore_mem>>) src(%dma_wait3A_823 : memref<10000x128xf32, #tpu.memory_space<hbm>>) dst(%run_scoped3A_3 : memref<64x128xf32, #tpu.memory_space<vmem>>)
                %dma_start3A_824 = arith.constant 0 : i32
                %dma_start3A_825 = arith.constant 0 : i32
                %dma_start3A_826 = tpu.memref_slice %arg6[%dma_start3A_824, %dma_start3A_825] : memref<10240x128xf32, #tpu.memory_space<vmem_shared>> -> memref<10240x128xf32, #tpu.memory_space<vmem_shared>>
                tpu.enqueue_indirect_dma source(%run_scoped3A_3 : memref<64x128xf32, #tpu.memory_space<vmem>>) target(%dma_start3A_826 : memref<10240x128xf32, #tpu.memory_space<vmem_shared>>) offsets(%run_scoped3A_11 : memref<64xi32, #tpu.memory_space<vmem>>) semaphore(%run_scoped3A_26 : memref<!tpu.dma_semaphore, #tpu.memory_space<semaphore_mem>>) {add = true}
                %dma_start3A_827 = arith.constant 0 : i32
                %dma_start3A_828 = tpu.memref_slice %arg7[%dma_start3A_827] : memref<10240xf32, #tpu.memory_space<vmem_shared>> -> memref<10240xf32, #tpu.memory_space<vmem_shared>>
                tpu.enqueue_indirect_dma source(%run_scoped3A_17 : memref<64xf32, #tpu.memory_space<vmem>>) target(%dma_start3A_828 : memref<10240xf32, #tpu.memory_space<vmem_shared>>) offsets(%run_scoped3A_11 : memref<64xi32, #tpu.memory_space<vmem>>) semaphore(%run_scoped3A_30 : memref<!tpu.dma_semaphore, #tpu.memory_space<semaphore_mem>>) {add = true}
              } else {
              }
            } else {
            }
            %rem3A_747 = arith.constant 4 : i32
            %rem3A_748 = arith.remsi %scan3A_669, %rem3A_747 : i32
            %eq3A_749 = arith.constant 1 : i32
            %eq3A_750 = arith.cmpi eq, %rem3A_748, %eq3A_749 : i32
            %convert_element_type3A_751 = arith.extui %eq3A_750 : i1 to i32
            %cond3A_752 = arith.constant 0 : i32
            %cond3A_753 = arith.cmpi ne, %convert_element_type3A_751, %cond3A_752 : i32
            scf.if %cond3A_753 {
              %ge3A_776 = arith.constant 4 : i32
              %ge3A_777 = arith.cmpi sge, %scan3A_669, %ge3A_776 : i32
              %convert_element_type3A_778 = arith.extui %ge3A_777 : i1 to i32
              %cond3A_779 = arith.constant 0 : i32
              %cond3A_780 = arith.cmpi ne, %convert_element_type3A_778, %cond3A_779 : i32
              scf.if %cond3A_780 {
                %dma_wait3A_821 = arith.constant 0 : i32
                %dma_wait3A_822 = arith.constant 0 : i32
                %dma_wait3A_823 = tpu.memref_slice %arg6[%dma_wait3A_821, %dma_wait3A_822] : memref<10240x128xf32, #tpu.memory_space<vmem_shared>> -> memref<10240x128xf32, #tpu.memory_space<vmem_shared>>
                tpu.wait_indirect_dma semaphore(%run_scoped3A_25 : memref<!tpu.dma_semaphore, #tpu.memory_space<semaphore_mem>>) src(%run_scoped3A_2 : memref<64x128xf32, #tpu.memory_space<vmem>>) dst(%dma_wait3A_823 : memref<10240x128xf32, #tpu.memory_space<vmem_shared>>)
                %dma_wait3A_824 = arith.constant 0 : i32
                %dma_wait3A_825 = tpu.memref_slice %arg7[%dma_wait3A_824] : memref<10240xf32, #tpu.memory_space<vmem_shared>> -> memref<10240xf32, #tpu.memory_space<vmem_shared>>
                tpu.wait_indirect_dma semaphore(%run_scoped3A_29 : memref<!tpu.dma_semaphore, #tpu.memory_space<semaphore_mem>>) src(%run_scoped3A_17 : memref<64xf32, #tpu.memory_space<vmem>>) dst(%dma_wait3A_825 : memref<10240xf32, #tpu.memory_space<vmem_shared>>)
              } else {
              }
              %get3A_781 = arith.constant 0 : index
              %get3A_782 = tpu.vector_load %run_scoped3A_13[%get3A_781] {strides = array<i32>} : memref<96xi32, #tpu.memory_space<vmem>>, vector<16xi32>,
              %swap3A_783 = arith.constant 0 : index
              %swap3A_784 = tpu.vector_load %run_scoped3A_6[%swap3A_783] {strides = array<i32>} : memref<64xi32, #tpu.memory_space<vmem>>, vector<16xi32>,
              tpu.vector_store %run_scoped3A_6[%swap3A_783], %get3A_782 {strides = array<i32>} : memref<64xi32, #tpu.memory_space<vmem>>, vector<16xi32>,
              %get3A_785 = arith.constant 0 : index
              %get3A_786 = tpu.vector_load %run_scoped3A_14[%get3A_785] {strides = array<i32>} : memref<96xi32, #tpu.memory_space<vmem>>, vector<16xi32>,
              %swap3A_787 = arith.constant 0 : index
              %swap3A_788 = tpu.vector_load %run_scoped3A_10[%swap3A_787] {strides = array<i32>} : memref<64xi32, #tpu.memory_space<vmem>>, vector<16xi32>,
              tpu.vector_store %run_scoped3A_10[%swap3A_787], %get3A_786 {strides = array<i32>} : memref<64xi32, #tpu.memory_space<vmem>>, vector<16xi32>,
              %get3A_789 = arith.constant 16 : index
              %get3A_790 = tpu.vector_load %run_scoped3A_13[%get3A_789] {strides = array<i32>} : memref<96xi32, #tpu.memory_space<vmem>>, vector<16xi32>,
              %swap3A_791 = arith.constant 16 : index
              %swap3A_792 = tpu.vector_load %run_scoped3A_6[%swap3A_791] {strides = array<i32>} : memref<64xi32, #tpu.memory_space<vmem>>, vector<16xi32>,
              tpu.vector_store %run_scoped3A_6[%swap3A_791], %get3A_790 {strides = array<i32>} : memref<64xi32, #tpu.memory_space<vmem>>, vector<16xi32>,
              %get3A_793 = arith.constant 16 : index
              %get3A_794 = tpu.vector_load %run_scoped3A_14[%get3A_793] {strides = array<i32>} : memref<96xi32, #tpu.memory_space<vmem>>, vector<16xi32>,
              %swap3A_795 = arith.constant 16 : index
              %swap3A_796 = tpu.vector_load %run_scoped3A_10[%swap3A_795] {strides = array<i32>} : memref<64xi32, #tpu.memory_space<vmem>>, vector<16xi32>,
              tpu.vector_store %run_scoped3A_10[%swap3A_795], %get3A_794 {strides = array<i32>} : memref<64xi32, #tpu.memory_space<vmem>>, vector<16xi32>,
              %get3A_797 = arith.constant 32 : index
              %get3A_798 = tpu.vector_load %run_scoped3A_13[%get3A_797] {strides = array<i32>} : memref<96xi32, #tpu.memory_space<vmem>>, vector<16xi32>,
              %swap3A_799 = arith.constant 32 : index
              %swap3A_800 = tpu.vector_load %run_scoped3A_6[%swap3A_799] {strides = array<i32>} : memref<64xi32, #tpu.memory_space<vmem>>, vector<16xi32>,
              tpu.vector_store %run_scoped3A_6[%swap3A_799], %get3A_798 {strides = array<i32>} : memref<64xi32, #tpu.memory_space<vmem>>, vector<16xi32>,
              %get3A_801 = arith.constant 32 : index
              %get3A_802 = tpu.vector_load %run_scoped3A_14[%get3A_801] {strides = array<i32>} : memref<96xi32, #tpu.memory_space<vmem>>, vector<16xi32>,
              %swap3A_803 = arith.constant 32 : index
              %swap3A_804 = tpu.vector_load %run_scoped3A_10[%swap3A_803] {strides = array<i32>} : memref<64xi32, #tpu.memory_space<vmem>>, vector<16xi32>,
              tpu.vector_store %run_scoped3A_10[%swap3A_803], %get3A_802 {strides = array<i32>} : memref<64xi32, #tpu.memory_space<vmem>>, vector<16xi32>,
              %get3A_805 = arith.constant 48 : index
              %get3A_806 = tpu.vector_load %run_scoped3A_13[%get3A_805] {strides = array<i32>} : memref<96xi32, #tpu.memory_space<vmem>>, vector<16xi32>,
              %swap3A_807 = arith.constant 48 : index
              %swap3A_808 = tpu.vector_load %run_scoped3A_6[%swap3A_807] {strides = array<i32>} : memref<64xi32, #tpu.memory_space<vmem>>, vector<16xi32>,
              tpu.vector_store %run_scoped3A_6[%swap3A_807], %get3A_806 {strides = array<i32>} : memref<64xi32, #tpu.memory_space<vmem>>, vector<16xi32>,
              %get3A_809 = arith.constant 48 : index
              %get3A_810 = tpu.vector_load %run_scoped3A_14[%get3A_809] {strides = array<i32>} : memref<96xi32, #tpu.memory_space<vmem>>, vector<16xi32>,
              %swap3A_811 = arith.constant 48 : index
              %swap3A_812 = tpu.vector_load %run_scoped3A_10[%swap3A_811] {strides = array<i32>} : memref<64xi32, #tpu.memory_space<vmem>>, vector<16xi32>,
              tpu.vector_store %run_scoped3A_10[%swap3A_811], %get3A_810 {strides = array<i32>} : memref<64xi32, #tpu.memory_space<vmem>>, vector<16xi32>,
              %dma_start3A_813 = arith.constant 0 : i32
              %dma_start3A_814 = arith.constant 0 : i32
              %dma_start3A_815 = tpu.memref_slice %arg3[%dma_start3A_813, %dma_start3A_814] : memref<10000x128xf32, #tpu.memory_space<hbm>> -> memref<10000x128xf32, #tpu.memory_space<hbm>>
              tpu.enqueue_indirect_dma source(%dma_start3A_815 : memref<10000x128xf32, #tpu.memory_space<hbm>>) target(%run_scoped3A_2 : memref<64x128xf32, #tpu.memory_space<vmem>>) offsets(%run_scoped3A_6 : memref<64xi32, #tpu.memory_space<vmem>>) semaphore(%run_scoped3A_21 : memref<!tpu.dma_semaphore, #tpu.memory_space<semaphore_mem>>)
              %ge3A_816 = arith.constant 2 : i32
              %ge3A_817 = arith.cmpi sge, %scan3A_669, %ge3A_816 : i32
              %convert_element_type3A_818 = arith.extui %ge3A_817 : i1 to i32
              %cond3A_819 = arith.constant 0 : i32
              %cond3A_820 = arith.cmpi ne, %convert_element_type3A_818, %cond3A_819 : i32
              scf.if %cond3A_820 {
                %dma_wait3A_821 = arith.constant 0 : i32
                %dma_wait3A_822 = arith.constant 0 : i32
                %dma_wait3A_823 = tpu.memref_slice %arg3[%dma_wait3A_821, %dma_wait3A_822] : memref<10000x128xf32, #tpu.memory_space<hbm>> -> memref<10000x128xf32, #tpu.memory_space<hbm>>
                tpu.wait_indirect_dma semaphore(%run_scoped3A_23 : memref<!tpu.dma_semaphore, #tpu.memory_space<semaphore_mem>>) src(%dma_wait3A_823 : memref<10000x128xf32, #tpu.memory_space<hbm>>) dst(%run_scoped3A_4 : memref<64x128xf32, #tpu.memory_space<vmem>>)
                %dma_start3A_824 = arith.constant 0 : i32
                %dma_start3A_825 = arith.constant 0 : i32
                %dma_start3A_826 = tpu.memref_slice %arg6[%dma_start3A_824, %dma_start3A_825] : memref<10240x128xf32, #tpu.memory_space<vmem_shared>> -> memref<10240x128xf32, #tpu.memory_space<vmem_shared>>
                tpu.enqueue_indirect_dma source(%run_scoped3A_4 : memref<64x128xf32, #tpu.memory_space<vmem>>) target(%dma_start3A_826 : memref<10240x128xf32, #tpu.memory_space<vmem_shared>>) offsets(%run_scoped3A_12 : memref<64xi32, #tpu.memory_space<vmem>>) semaphore(%run_scoped3A_27 : memref<!tpu.dma_semaphore, #tpu.memory_space<semaphore_mem>>) {add = true}
                %dma_start3A_827 = arith.constant 0 : i32
                %dma_start3A_828 = tpu.memref_slice %arg7[%dma_start3A_827] : memref<10240xf32, #tpu.memory_space<vmem_shared>> -> memref<10240xf32, #tpu.memory_space<vmem_shared>>
                tpu.enqueue_indirect_dma source(%run_scoped3A_17 : memref<64xf32, #tpu.memory_space<vmem>>) target(%dma_start3A_828 : memref<10240xf32, #tpu.memory_space<vmem_shared>>) offsets(%run_scoped3A_12 : memref<64xi32, #tpu.memory_space<vmem>>) semaphore(%run_scoped3A_31 : memref<!tpu.dma_semaphore, #tpu.memory_space<semaphore_mem>>) {add = true}
              } else {
              }
            } else {
            }
            %rem3A_754 = arith.constant 4 : i32
            %rem3A_755 = arith.remsi %scan3A_669, %rem3A_754 : i32
            %eq3A_756 = arith.constant 2 : i32
            %eq3A_757 = arith.cmpi eq, %rem3A_755, %eq3A_756 : i32
            %convert_element_type3A_758 = arith.extui %eq3A_757 : i1 to i32
            %cond3A_759 = arith.constant 0 : i32
            %cond3A_760 = arith.cmpi ne, %convert_element_type3A_758, %cond3A_759 : i32
            scf.if %cond3A_760 {
              %ge3A_776 = arith.constant 4 : i32
              %ge3A_777 = arith.cmpi sge, %scan3A_669, %ge3A_776 : i32
              %convert_element_type3A_778 = arith.extui %ge3A_777 : i1 to i32
              %cond3A_779 = arith.constant 0 : i32
              %cond3A_780 = arith.cmpi ne, %convert_element_type3A_778, %cond3A_779 : i32
              scf.if %cond3A_780 {
                %dma_wait3A_821 = arith.constant 0 : i32
                %dma_wait3A_822 = arith.constant 0 : i32
                %dma_wait3A_823 = tpu.memref_slice %arg6[%dma_wait3A_821, %dma_wait3A_822] : memref<10240x128xf32, #tpu.memory_space<vmem_shared>> -> memref<10240x128xf32, #tpu.memory_space<vmem_shared>>
                tpu.wait_indirect_dma semaphore(%run_scoped3A_26 : memref<!tpu.dma_semaphore, #tpu.memory_space<semaphore_mem>>) src(%run_scoped3A_3 : memref<64x128xf32, #tpu.memory_space<vmem>>) dst(%dma_wait3A_823 : memref<10240x128xf32, #tpu.memory_space<vmem_shared>>)
                %dma_wait3A_824 = arith.constant 0 : i32
                %dma_wait3A_825 = tpu.memref_slice %arg7[%dma_wait3A_824] : memref<10240xf32, #tpu.memory_space<vmem_shared>> -> memref<10240xf32, #tpu.memory_space<vmem_shared>>
                tpu.wait_indirect_dma semaphore(%run_scoped3A_30 : memref<!tpu.dma_semaphore, #tpu.memory_space<semaphore_mem>>) src(%run_scoped3A_17 : memref<64xf32, #tpu.memory_space<vmem>>) dst(%dma_wait3A_825 : memref<10240xf32, #tpu.memory_space<vmem_shared>>)
              } else {
              }
              %get3A_781 = arith.constant 0 : index
              %get3A_782 = tpu.vector_load %run_scoped3A_13[%get3A_781] {strides = array<i32>} : memref<96xi32, #tpu.memory_space<vmem>>, vector<16xi32>,
              %swap3A_783 = arith.constant 0 : index
              %swap3A_784 = tpu.vector_load %run_scoped3A_7[%swap3A_783] {strides = array<i32>} : memref<64xi32, #tpu.memory_space<vmem>>, vector<16xi32>,
              tpu.vector_store %run_scoped3A_7[%swap3A_783], %get3A_782 {strides = array<i32>} : memref<64xi32, #tpu.memory_space<vmem>>, vector<16xi32>,
              %get3A_785 = arith.constant 0 : index
              %get3A_786 = tpu.vector_load %run_scoped3A_14[%get3A_785] {strides = array<i32>} : memref<96xi32, #tpu.memory_space<vmem>>, vector<16xi32>,
              %swap3A_787 = arith.constant 0 : index
              %swap3A_788 = tpu.vector_load %run_scoped3A_11[%swap3A_787] {strides = array<i32>} : memref<64xi32, #tpu.memory_space<vmem>>, vector<16xi32>,
              tpu.vector_store %run_scoped3A_11[%swap3A_787], %get3A_786 {strides = array<i32>} : memref<64xi32, #tpu.memory_space<vmem>>, vector<16xi32>,
              %get3A_789 = arith.constant 16 : index
              %get3A_790 = tpu.vector_load %run_scoped3A_13[%get3A_789] {strides = array<i32>} : memref<96xi32, #tpu.memory_space<vmem>>, vector<16xi32>,
              %swap3A_791 = arith.constant 16 : index
              %swap3A_792 = tpu.vector_load %run_scoped3A_7[%swap3A_791] {strides = array<i32>} : memref<64xi32, #tpu.memory_space<vmem>>, vector<16xi32>,
              tpu.vector_store %run_scoped3A_7[%swap3A_791], %get3A_790 {strides = array<i32>} : memref<64xi32, #tpu.memory_space<vmem>>, vector<16xi32>,
              %get3A_793 = arith.constant 16 : index
              %get3A_794 = tpu.vector_load %run_scoped3A_14[%get3A_793] {strides = array<i32>} : memref<96xi32, #tpu.memory_space<vmem>>, vector<16xi32>,
              %swap3A_795 = arith.constant 16 : index
              %swap3A_796 = tpu.vector_load %run_scoped3A_11[%swap3A_795] {strides = array<i32>} : memref<64xi32, #tpu.memory_space<vmem>>, vector<16xi32>,
              tpu.vector_store %run_scoped3A_11[%swap3A_795], %get3A_794 {strides = array<i32>} : memref<64xi32, #tpu.memory_space<vmem>>, vector<16xi32>,
              %get3A_797 = arith.constant 32 : index
              %get3A_798 = tpu.vector_load %run_scoped3A_13[%get3A_797] {strides = array<i32>} : memref<96xi32, #tpu.memory_space<vmem>>, vector<16xi32>,
              %swap3A_799 = arith.constant 32 : index
              %swap3A_800 = tpu.vector_load %run_scoped3A_7[%swap3A_799] {strides = array<i32>} : memref<64xi32, #tpu.memory_space<vmem>>, vector<16xi32>,
              tpu.vector_store %run_scoped3A_7[%swap3A_799], %get3A_798 {strides = array<i32>} : memref<64xi32, #tpu.memory_space<vmem>>, vector<16xi32>,
              %get3A_801 = arith.constant 32 : index
              %get3A_802 = tpu.vector_load %run_scoped3A_14[%get3A_801] {strides = array<i32>} : memref<96xi32, #tpu.memory_space<vmem>>, vector<16xi32>,
              %swap3A_803 = arith.constant 32 : index
              %swap3A_804 = tpu.vector_load %run_scoped3A_11[%swap3A_803] {strides = array<i32>} : memref<64xi32, #tpu.memory_space<vmem>>, vector<16xi32>,
              tpu.vector_store %run_scoped3A_11[%swap3A_803], %get3A_802 {strides = array<i32>} : memref<64xi32, #tpu.memory_space<vmem>>, vector<16xi32>,
              %get3A_805 = arith.constant 48 : index
              %get3A_806 = tpu.vector_load %run_scoped3A_13[%get3A_805] {strides = array<i32>} : memref<96xi32, #tpu.memory_space<vmem>>, vector<16xi32>,
              %swap3A_807 = arith.constant 48 : index
              %swap3A_808 = tpu.vector_load %run_scoped3A_7[%swap3A_807] {strides = array<i32>} : memref<64xi32, #tpu.memory_space<vmem>>, vector<16xi32>,
              tpu.vector_store %run_scoped3A_7[%swap3A_807], %get3A_806 {strides = array<i32>} : memref<64xi32, #tpu.memory_space<vmem>>, vector<16xi32>,
              %get3A_809 = arith.constant 48 : index
              %get3A_810 = tpu.vector_load %run_scoped3A_14[%get3A_809] {strides = array<i32>} : memref<96xi32, #tpu.memory_space<vmem>>, vector<16xi32>,
              %swap3A_811 = arith.constant 48 : index
              %swap3A_812 = tpu.vector_load %run_scoped3A_11[%swap3A_811] {strides = array<i32>} : memref<64xi32, #tpu.memory_space<vmem>>, vector<16xi32>,
              tpu.vector_store %run_scoped3A_11[%swap3A_811], %get3A_810 {strides = array<i32>} : memref<64xi32, #tpu.memory_space<vmem>>, vector<16xi32>,
              %dma_start3A_813 = arith.constant 0 : i32
              %dma_start3A_814 = arith.constant 0 : i32
              %dma_start3A_815 = tpu.memref_slice %arg3[%dma_start3A_813, %dma_start3A_814] : memref<10000x128xf32, #tpu.memory_space<hbm>> -> memref<10000x128xf32, #tpu.memory_space<hbm>>
              tpu.enqueue_indirect_dma source(%dma_start3A_815 : memref<10000x128xf32, #tpu.memory_space<hbm>>) target(%run_scoped3A_3 : memref<64x128xf32, #tpu.memory_space<vmem>>) offsets(%run_scoped3A_7 : memref<64xi32, #tpu.memory_space<vmem>>) semaphore(%run_scoped3A_22 : memref<!tpu.dma_semaphore, #tpu.memory_space<semaphore_mem>>)
              %ge3A_816 = arith.constant 2 : i32
              %ge3A_817 = arith.cmpi sge, %scan3A_669, %ge3A_816 : i32
              %convert_element_type3A_818 = arith.extui %ge3A_817 : i1 to i32
              %cond3A_819 = arith.constant 0 : i32
              %cond3A_820 = arith.cmpi ne, %convert_element_type3A_818, %cond3A_819 : i32
              scf.if %cond3A_820 {
                %dma_wait3A_821 = arith.constant 0 : i32
                %dma_wait3A_822 = arith.constant 0 : i32
                %dma_wait3A_823 = tpu.memref_slice %arg3[%dma_wait3A_821, %dma_wait3A_822] : memref<10000x128xf32, #tpu.memory_space<hbm>> -> memref<10000x128xf32, #tpu.memory_space<hbm>>
                tpu.wait_indirect_dma semaphore(%run_scoped3A_20 : memref<!tpu.dma_semaphore, #tpu.memory_space<semaphore_mem>>) src(%dma_wait3A_823 : memref<10000x128xf32, #tpu.memory_space<hbm>>) dst(%run_scoped3A_1 : memref<64x128xf32, #tpu.memory_space<vmem>>)
                %dma_start3A_824 = arith.constant 0 : i32
                %dma_start3A_825 = arith.constant 0 : i32
                %dma_start3A_826 = tpu.memref_slice %arg6[%dma_start3A_824, %dma_start3A_825] : memref<10240x128xf32, #tpu.memory_space<vmem_shared>> -> memref<10240x128xf32, #tpu.memory_space<vmem_shared>>
                tpu.enqueue_indirect_dma source(%run_scoped3A_1 : memref<64x128xf32, #tpu.memory_space<vmem>>) target(%dma_start3A_826 : memref<10240x128xf32, #tpu.memory_space<vmem_shared>>) offsets(%run_scoped3A_9 : memref<64xi32, #tpu.memory_space<vmem>>) semaphore(%run_scoped3A_24 : memref<!tpu.dma_semaphore, #tpu.memory_space<semaphore_mem>>) {add = true}
                %dma_start3A_827 = arith.constant 0 : i32
                %dma_start3A_828 = tpu.memref_slice %arg7[%dma_start3A_827] : memref<10240xf32, #tpu.memory_space<vmem_shared>> -> memref<10240xf32, #tpu.memory_space<vmem_shared>>
                tpu.enqueue_indirect_dma source(%run_scoped3A_17 : memref<64xf32, #tpu.memory_space<vmem>>) target(%dma_start3A_828 : memref<10240xf32, #tpu.memory_space<vmem_shared>>) offsets(%run_scoped3A_9 : memref<64xi32, #tpu.memory_space<vmem>>) semaphore(%run_scoped3A_28 : memref<!tpu.dma_semaphore, #tpu.memory_space<semaphore_mem>>) {add = true}
              } else {
              }
            } else {
            }
            %rem3A_761 = arith.constant 4 : i32
            %rem3A_762 = arith.remsi %scan3A_669, %rem3A_761 : i32
            %eq3A_763 = arith.constant 3 : i32
            %eq3A_764 = arith.cmpi eq, %rem3A_762, %eq3A_763 : i32
            %convert_element_type3A_765 = arith.extui %eq3A_764 : i1 to i32
            %cond3A_766 = arith.constant 0 : i32
            %cond3A_767 = arith.cmpi ne, %convert_element_type3A_765, %cond3A_766 : i32
            scf.if %cond3A_767 {
              %ge3A_776 = arith.constant 4 : i32
              %ge3A_777 = arith.cmpi sge, %scan3A_669, %ge3A_776 : i32
              %convert_element_type3A_778 = arith.extui %ge3A_777 : i1 to i32
              %cond3A_779 = arith.constant 0 : i32
              %cond3A_780 = arith.cmpi ne, %convert_element_type3A_778, %cond3A_779 : i32
              scf.if %cond3A_780 {
                %dma_wait3A_821 = arith.constant 0 : i32
                %dma_wait3A_822 = arith.constant 0 : i32
                %dma_wait3A_823 = tpu.memref_slice %arg6[%dma_wait3A_821, %dma_wait3A_822] : memref<10240x128xf32, #tpu.memory_space<vmem_shared>> -> memref<10240x128xf32, #tpu.memory_space<vmem_shared>>
                tpu.wait_indirect_dma semaphore(%run_scoped3A_27 : memref<!tpu.dma_semaphore, #tpu.memory_space<semaphore_mem>>) src(%run_scoped3A_4 : memref<64x128xf32, #tpu.memory_space<vmem>>) dst(%dma_wait3A_823 : memref<10240x128xf32, #tpu.memory_space<vmem_shared>>)
                %dma_wait3A_824 = arith.constant 0 : i32
                %dma_wait3A_825 = tpu.memref_slice %arg7[%dma_wait3A_824] : memref<10240xf32, #tpu.memory_space<vmem_shared>> -> memref<10240xf32, #tpu.memory_space<vmem_shared>>
                tpu.wait_indirect_dma semaphore(%run_scoped3A_31 : memref<!tpu.dma_semaphore, #tpu.memory_space<semaphore_mem>>) src(%run_scoped3A_17 : memref<64xf32, #tpu.memory_space<vmem>>) dst(%dma_wait3A_825 : memref<10240xf32, #tpu.memory_space<vmem_shared>>)
              } else {
              }
              %get3A_781 = arith.constant 0 : index
              %get3A_782 = tpu.vector_load %run_scoped3A_13[%get3A_781] {strides = array<i32>} : memref<96xi32, #tpu.memory_space<vmem>>, vector<16xi32>,
              %swap3A_783 = arith.constant 0 : index
              %swap3A_784 = tpu.vector_load %run_scoped3A_8[%swap3A_783] {strides = array<i32>} : memref<64xi32, #tpu.memory_space<vmem>>, vector<16xi32>,
              tpu.vector_store %run_scoped3A_8[%swap3A_783], %get3A_782 {strides = array<i32>} : memref<64xi32, #tpu.memory_space<vmem>>, vector<16xi32>,
              %get3A_785 = arith.constant 0 : index
              %get3A_786 = tpu.vector_load %run_scoped3A_14[%get3A_785] {strides = array<i32>} : memref<96xi32, #tpu.memory_space<vmem>>, vector<16xi32>,
              %swap3A_787 = arith.constant 0 : index
              %swap3A_788 = tpu.vector_load %run_scoped3A_12[%swap3A_787] {strides = array<i32>} : memref<64xi32, #tpu.memory_space<vmem>>, vector<16xi32>,
              tpu.vector_store %run_scoped3A_12[%swap3A_787], %get3A_786 {strides = array<i32>} : memref<64xi32, #tpu.memory_space<vmem>>, vector<16xi32>,
              %get3A_789 = arith.constant 16 : index
              %get3A_790 = tpu.vector_load %run_scoped3A_13[%get3A_789] {strides = array<i32>} : memref<96xi32, #tpu.memory_space<vmem>>, vector<16xi32>,
              %swap3A_791 = arith.constant 16 : index
              %swap3A_792 = tpu.vector_load %run_scoped3A_8[%swap3A_791] {strides = array<i32>} : memref<64xi32, #tpu.memory_space<vmem>>, vector<16xi32>,
              tpu.vector_store %run_scoped3A_8[%swap3A_791], %get3A_790 {strides = array<i32>} : memref<64xi32, #tpu.memory_space<vmem>>, vector<16xi32>,
              %get3A_793 = arith.constant 16 : index
              %get3A_794 = tpu.vector_load %run_scoped3A_14[%get3A_793] {strides = array<i32>} : memref<96xi32, #tpu.memory_space<vmem>>, vector<16xi32>,
              %swap3A_795 = arith.constant 16 : index
              %swap3A_796 = tpu.vector_load %run_scoped3A_12[%swap3A_795] {strides = array<i32>} : memref<64xi32, #tpu.memory_space<vmem>>, vector<16xi32>,
              tpu.vector_store %run_scoped3A_12[%swap3A_795], %get3A_794 {strides = array<i32>} : memref<64xi32, #tpu.memory_space<vmem>>, vector<16xi32>,
              %get3A_797 = arith.constant 32 : index
              %get3A_798 = tpu.vector_load %run_scoped3A_13[%get3A_797] {strides = array<i32>} : memref<96xi32, #tpu.memory_space<vmem>>, vector<16xi32>,
              %swap3A_799 = arith.constant 32 : index
              %swap3A_800 = tpu.vector_load %run_scoped3A_8[%swap3A_799] {strides = array<i32>} : memref<64xi32, #tpu.memory_space<vmem>>, vector<16xi32>,
              tpu.vector_store %run_scoped3A_8[%swap3A_799], %get3A_798 {strides = array<i32>} : memref<64xi32, #tpu.memory_space<vmem>>, vector<16xi32>,
              %get3A_801 = arith.constant 32 : index
              %get3A_802 = tpu.vector_load %run_scoped3A_14[%get3A_801] {strides = array<i32>} : memref<96xi32, #tpu.memory_space<vmem>>, vector<16xi32>,
              %swap3A_803 = arith.constant 32 : index
              %swap3A_804 = tpu.vector_load %run_scoped3A_12[%swap3A_803] {strides = array<i32>} : memref<64xi32, #tpu.memory_space<vmem>>, vector<16xi32>,
              tpu.vector_store %run_scoped3A_12[%swap3A_803], %get3A_802 {strides = array<i32>} : memref<64xi32, #tpu.memory_space<vmem>>, vector<16xi32>,
              %get3A_805 = arith.constant 48 : index
              %get3A_806 = tpu.vector_load %run_scoped3A_13[%get3A_805] {strides = array<i32>} : memref<96xi32, #tpu.memory_space<vmem>>, vector<16xi32>,
              %swap3A_807 = arith.constant 48 : index
              %swap3A_808 = tpu.vector_load %run_scoped3A_8[%swap3A_807] {strides = array<i32>} : memref<64xi32, #tpu.memory_space<vmem>>, vector<16xi32>,
              tpu.vector_store %run_scoped3A_8[%swap3A_807], %get3A_806 {strides = array<i32>} : memref<64xi32, #tpu.memory_space<vmem>>, vector<16xi32>,
              %get3A_809 = arith.constant 48 : index
              %get3A_810 = tpu.vector_load %run_scoped3A_14[%get3A_809] {strides = array<i32>} : memref<96xi32, #tpu.memory_space<vmem>>, vector<16xi32>,
              %swap3A_811 = arith.constant 48 : index
              %swap3A_812 = tpu.vector_load %run_scoped3A_12[%swap3A_811] {strides = array<i32>} : memref<64xi32, #tpu.memory_space<vmem>>, vector<16xi32>,
              tpu.vector_store %run_scoped3A_12[%swap3A_811], %get3A_810 {strides = array<i32>} : memref<64xi32, #tpu.memory_space<vmem>>, vector<16xi32>,
              %dma_start3A_813 = arith.constant 0 : i32
              %dma_start3A_814 = arith.constant 0 : i32
              %dma_start3A_815 = tpu.memref_slice %arg3[%dma_start3A_813, %dma_start3A_814] : memref<10000x128xf32, #tpu.memory_space<hbm>> -> memref<10000x128xf32, #tpu.memory_space<hbm>>
              tpu.enqueue_indirect_dma source(%dma_start3A_815 : memref<10000x128xf32, #tpu.memory_space<hbm>>) target(%run_scoped3A_4 : memref<64x128xf32, #tpu.memory_space<vmem>>) offsets(%run_scoped3A_8 : memref<64xi32, #tpu.memory_space<vmem>>) semaphore(%run_scoped3A_23 : memref<!tpu.dma_semaphore, #tpu.memory_space<semaphore_mem>>)
              %ge3A_816 = arith.constant 2 : i32
              %ge3A_817 = arith.cmpi sge, %scan3A_669, %ge3A_816 : i32
              %convert_element_type3A_818 = arith.extui %ge3A_817 : i1 to i32
              %cond3A_819 = arith.constant 0 : i32
              %cond3A_820 = arith.cmpi ne, %convert_element_type3A_818, %cond3A_819 : i32
              scf.if %cond3A_820 {
                %dma_wait3A_821 = arith.constant 0 : i32
                %dma_wait3A_822 = arith.constant 0 : i32
                %dma_wait3A_823 = tpu.memref_slice %arg3[%dma_wait3A_821, %dma_wait3A_822] : memref<10000x128xf32, #tpu.memory_space<hbm>> -> memref<10000x128xf32, #tpu.memory_space<hbm>>
                tpu.wait_indirect_dma semaphore(%run_scoped3A_21 : memref<!tpu.dma_semaphore, #tpu.memory_space<semaphore_mem>>) src(%dma_wait3A_823 : memref<10000x128xf32, #tpu.memory_space<hbm>>) dst(%run_scoped3A_2 : memref<64x128xf32, #tpu.memory_space<vmem>>)
                %dma_start3A_824 = arith.constant 0 : i32
                %dma_start3A_825 = arith.constant 0 : i32
                %dma_start3A_826 = tpu.memref_slice %arg6[%dma_start3A_824, %dma_start3A_825] : memref<10240x128xf32, #tpu.memory_space<vmem_shared>> -> memref<10240x128xf32, #tpu.memory_space<vmem_shared>>
                tpu.enqueue_indirect_dma source(%run_scoped3A_2 : memref<64x128xf32, #tpu.memory_space<vmem>>) target(%dma_start3A_826 : memref<10240x128xf32, #tpu.memory_space<vmem_shared>>) offsets(%run_scoped3A_10 : memref<64xi32, #tpu.memory_space<vmem>>) semaphore(%run_scoped3A_25 : memref<!tpu.dma_semaphore, #tpu.memory_space<semaphore_mem>>) {add = true}
                %dma_start3A_827 = arith.constant 0 : i32
                %dma_start3A_828 = tpu.memref_slice %arg7[%dma_start3A_827] : memref<10240xf32, #tpu.memory_space<vmem_shared>> -> memref<10240xf32, #tpu.memory_space<vmem_shared>>
                tpu.enqueue_indirect_dma source(%run_scoped3A_17 : memref<64xf32, #tpu.memory_space<vmem>>) target(%dma_start3A_828 : memref<10240xf32, #tpu.memory_space<vmem_shared>>) offsets(%run_scoped3A_10 : memref<64xi32, #tpu.memory_space<vmem>>) semaphore(%run_scoped3A_29 : memref<!tpu.dma_semaphore, #tpu.memory_space<semaphore_mem>>) {add = true}
              } else {
              }
            } else {
            }
            %get3A_768 = arith.constant 64 : index
            %get3A_769 = tpu.vector_load %run_scoped3A_13[%get3A_768] {strides = array<i32>} : memref<96xi32, #tpu.memory_space<vmem>>, vector<16xi32>,
            %swap3A_770 = arith.constant 0 : index
            %swap3A_771 = tpu.vector_load %run_scoped3A_13[%swap3A_770] {strides = array<i32>} : memref<96xi32, #tpu.memory_space<vmem>>, vector<16xi32>,
            tpu.vector_store %run_scoped3A_13[%swap3A_770], %get3A_769 {strides = array<i32>} : memref<96xi32, #tpu.memory_space<vmem>>, vector<16xi32>,
            %get3A_772 = arith.constant 64 : index
            %get3A_773 = tpu.vector_load %run_scoped3A_14[%get3A_772] {strides = array<i32>} : memref<96xi32, #tpu.memory_space<vmem>>, vector<16xi32>,
            %swap3A_774 = arith.constant 0 : index
            %swap3A_775 = tpu.vector_load %run_scoped3A_14[%swap3A_774] {strides = array<i32>} : memref<96xi32, #tpu.memory_space<vmem>>, vector<16xi32>,
            tpu.vector_store %run_scoped3A_14[%swap3A_774], %get3A_773 {strides = array<i32>} : memref<96xi32, #tpu.memory_space<vmem>>, vector<16xi32>,
          } else {
          }
          %sub3A_735 = arith.constant 64 : i32
          %sub3A_736 = arith.subi %add3A_729, %sub3A_735 : i32
          %select_n3A_737 = arith.select %ge3A_731, %sub3A_736, %add3A_729 : i32
          %convert_element_type3A_738 = arith.extui %ge3A_731 : i1 to i32
          %add3A_739 = arith.addi %scan3A_669, %convert_element_type3A_738 : i32
          scf.yield %select_n3A_737, %add3A_739 : i32, i32
        }
        %scan3A_656 = arith.constant 32 : i32
        %add3A_657 = arith.constant 1 : i32
        %add3A_658 = arith.addi %add3A_640, %add3A_657 : i32
        %mul3A_659 = arith.constant 512 : i32
        %mul3A_660 = arith.muli %add3A_658, %mul3A_659 : i32
        %dma_wait3A_661 = arith.constant 0 : i32
        %dma_wait3A_662 = tpu.memref_slice %arg2[%arg1, %dma_wait3A_661, %mul3A_660] : memref<16x3x20992xi32, #tpu.memory_space<hbm>> -> memref<1x3x512xi32, #tpu.memory_space<hbm>>
        %dma_wait3A_663 = tpu.memref_squeeze %dma_wait3A_662 : memref<1x3x512xi32, #tpu.memory_space<hbm>> -> memref<3x512xi32, #tpu.memory_space<hbm>>
        %dma_wait3A_664 = arith.constant 0 : i32
        %dma_wait3A_665 = tpu.memref_slice %arg2[%arg1, %dma_wait3A_664, %mul3A_660] : memref<16x3x20992xi32, #tpu.memory_space<hbm>> -> memref<1x3x512xi32, #tpu.memory_space<hbm>>
        %dma_wait3A_666 = tpu.memref_squeeze %dma_wait3A_665 : memref<1x3x512xi32, #tpu.memory_space<hbm>> -> memref<3x512xi32, #tpu.memory_space<hbm>>
        tpu.wait_dma2 semaphore(%run_scoped3A_32 : memref<!tpu.dma_semaphore, #tpu.memory_space<semaphore_mem>>) src(%dma_wait3A_666 : memref<3x512xi32, #tpu.memory_space<hbm>>) dst(%run_scoped3A : memref<3x512xi32, #tpu.memory_space<vmem>>)
        scf.yield %scan3A_655#0, %scan3A_655#1 : i32, i32
      }
      %scan3A_66 = arith.constant 20 : i32
      %add3A = arith.constant 0 : i32
      %add3A_67 = vector.broadcast %add3A : i32 to vector<16xi32>
      %add3A_68 = arith.addi %add3A_67, %iota3A : vector<16xi32>
      %lt3A = vector.broadcast %scan3A_65#0 : i32 to vector<16xi32>
      %lt3A_69 = arith.cmpi slt, %add3A_68, %lt3A : vector<16xi32>
      %get3A = arith.constant 0 : index
      %get3A_70 = tpu.vector_load %run_scoped3A_13[%get3A] {strides = array<i32>} : memref<96xi32, #tpu.memory_space<vmem>>, vector<16xi32>,
      %jit3A = arith.constant 0 : i32
      %broadcast_in_dim3A = vector.broadcast %jit3A : i32 to vector<16xi32>
      %select_n3A = arith.select %lt3A_69, %get3A_70, %broadcast_in_dim3A : vector<16xi1>, vector<16xi32>
      %get3A_71 = arith.constant 0 : index
      %get3A_72 = tpu.vector_load %run_scoped3A_14[%get3A_71] {strides = array<i32>} : memref<96xi32, #tpu.memory_space<vmem>>, vector<16xi32>,
      %and3A = arith.constant 63 : i32
      %and3A_73 = vector.broadcast %and3A : i32 to vector<16xi32>
      %and3A_74 = arith.andi %add3A_68, %and3A_73 : vector<16xi32>
      %add3A_75 = arith.constant 5000 : i32
      %add3A_76 = vector.broadcast %add3A_75 : i32 to vector<16xi32>
      %add3A_77 = arith.addi %add3A_76, %and3A_74 : vector<16xi32>
      %select_n3A_78 = arith.select %lt3A_69, %get3A_72, %add3A_77 : vector<16xi1>, vector<16xi32>
      %swap3A = arith.constant 0 : index
      %swap3A_79 = tpu.vector_load %run_scoped3A_13[%swap3A] {strides = array<i32>} : memref<96xi32, #tpu.memory_space<vmem>>, vector<16xi32>,
      tpu.vector_store %run_scoped3A_13[%swap3A], %select_n3A {strides = array<i32>} : memref<96xi32, #tpu.memory_space<vmem>>, vector<16xi32>,
      %swap3A_80 = arith.constant 0 : index
      %swap3A_81 = tpu.vector_load %run_scoped3A_14[%swap3A_80] {strides = array<i32>} : memref<96xi32, #tpu.memory_space<vmem>>, vector<16xi32>,
      tpu.vector_store %run_scoped3A_14[%swap3A_80], %select_n3A_78 {strides = array<i32>} : memref<96xi32, #tpu.memory_space<vmem>>, vector<16xi32>,
      %add3A_82 = arith.constant 16 : i32
      %add3A_83 = vector.broadcast %add3A_82 : i32 to vector<16xi32>
      %add3A_84 = arith.addi %add3A_83, %iota3A : vector<16xi32>
      %lt3A_85 = vector.broadcast %scan3A_65#0 : i32 to vector<16xi32>
      %lt3A_86 = arith.cmpi slt, %add3A_84, %lt3A_85 : vector<16xi32>
      %get3A_87 = arith.constant 16 : index
      %get3A_88 = tpu.vector_load %run_scoped3A_13[%get3A_87] {strides = array<i32>} : memref<96xi32, #tpu.memory_space<vmem>>, vector<16xi32>,
      %jit3A_89 = arith.constant 0 : i32
      %broadcast_in_dim3A_90 = vector.broadcast %jit3A_89 : i32 to vector<16xi32>
      %select_n3A_91 = arith.select %lt3A_86, %get3A_88, %broadcast_in_dim3A_90 : vector<16xi1>, vector<16xi32>
      %get3A_92 = arith.constant 16 : index
      %get3A_93 = tpu.vector_load %run_scoped3A_14[%get3A_92] {strides = array<i32>} : memref<96xi32, #tpu.memory_space<vmem>>, vector<16xi32>,
      %and3A_94 = arith.constant 63 : i32
      %and3A_95 = vector.broadcast %and3A_94 : i32 to vector<16xi32>
      %and3A_96 = arith.andi %add3A_84, %and3A_95 : vector<16xi32>
      %add3A_97 = arith.constant 5000 : i32
      %add3A_98 = vector.broadcast %add3A_97 : i32 to vector<16xi32>
      %add3A_99 = arith.addi %add3A_98, %and3A_96 : vector<16xi32>
      %select_n3A_100 = arith.select %lt3A_86, %get3A_93, %add3A_99 : vector<16xi1>, vector<16xi32>
      %swap3A_101 = arith.constant 16 : index
      %swap3A_102 = tpu.vector_load %run_scoped3A_13[%swap3A_101] {strides = array<i32>} : memref<96xi32, #tpu.memory_space<vmem>>, vector<16xi32>,
      tpu.vector_store %run_scoped3A_13[%swap3A_101], %select_n3A_91 {strides = array<i32>} : memref<96xi32, #tpu.memory_space<vmem>>, vector<16xi32>,
      %swap3A_103 = arith.constant 16 : index
      %swap3A_104 = tpu.vector_load %run_scoped3A_14[%swap3A_103] {strides = array<i32>} : memref<96xi32, #tpu.memory_space<vmem>>, vector<16xi32>,
      tpu.vector_store %run_scoped3A_14[%swap3A_103], %select_n3A_100 {strides = array<i32>} : memref<96xi32, #tpu.memory_space<vmem>>, vector<16xi32>,
      %add3A_105 = arith.constant 32 : i32
      %add3A_106 = vector.broadcast %add3A_105 : i32 to vector<16xi32>
      %add3A_107 = arith.addi %add3A_106, %iota3A : vector<16xi32>
      %lt3A_108 = vector.broadcast %scan3A_65#0 : i32 to vector<16xi32>
      %lt3A_109 = arith.cmpi slt, %add3A_107, %lt3A_108 : vector<16xi32>
      %get3A_110 = arith.constant 32 : index
      %get3A_111 = tpu.vector_load %run_scoped3A_13[%get3A_110] {strides = array<i32>} : memref<96xi32, #tpu.memory_space<vmem>>, vector<16xi32>,
      %jit3A_112 = arith.constant 0 : i32
      %broadcast_in_dim3A_113 = vector.broadcast %jit3A_112 : i32 to vector<16xi32>
      %select_n3A_114 = arith.select %lt3A_109, %get3A_111, %broadcast_in_dim3A_113 : vector<16xi1>, vector<16xi32>
      %get3A_115 = arith.constant 32 : index
      %get3A_116 = tpu.vector_load %run_scoped3A_14[%get3A_115] {strides = array<i32>} : memref<96xi32, #tpu.memory_space<vmem>>, vector<16xi32>,
      %and3A_117 = arith.constant 63 : i32
      %and3A_118 = vector.broadcast %and3A_117 : i32 to vector<16xi32>
      %and3A_119 = arith.andi %add3A_107, %and3A_118 : vector<16xi32>
      %add3A_120 = arith.constant 5000 : i32
      %add3A_121 = vector.broadcast %add3A_120 : i32 to vector<16xi32>
      %add3A_122 = arith.addi %add3A_121, %and3A_119 : vector<16xi32>
      %select_n3A_123 = arith.select %lt3A_109, %get3A_116, %add3A_122 : vector<16xi1>, vector<16xi32>
      %swap3A_124 = arith.constant 32 : index
      %swap3A_125 = tpu.vector_load %run_scoped3A_13[%swap3A_124] {strides = array<i32>} : memref<96xi32, #tpu.memory_space<vmem>>, vector<16xi32>,
      tpu.vector_store %run_scoped3A_13[%swap3A_124], %select_n3A_114 {strides = array<i32>} : memref<96xi32, #tpu.memory_space<vmem>>, vector<16xi32>,
      %swap3A_126 = arith.constant 32 : index
      %swap3A_127 = tpu.vector_load %run_scoped3A_14[%swap3A_126] {strides = array<i32>} : memref<96xi32, #tpu.memory_space<vmem>>, vector<16xi32>,
      tpu.vector_store %run_scoped3A_14[%swap3A_126], %select_n3A_123 {strides = array<i32>} : memref<96xi32, #tpu.memory_space<vmem>>, vector<16xi32>,
      %add3A_128 = arith.constant 48 : i32
      %add3A_129 = vector.broadcast %add3A_128 : i32 to vector<16xi32>
      %add3A_130 = arith.addi %add3A_129, %iota3A : vector<16xi32>
      %lt3A_131 = vector.broadcast %scan3A_65#0 : i32 to vector<16xi32>
      %lt3A_132 = arith.cmpi slt, %add3A_130, %lt3A_131 : vector<16xi32>
      %get3A_133 = arith.constant 48 : index
      %get3A_134 = tpu.vector_load %run_scoped3A_13[%get3A_133] {strides = array<i32>} : memref<96xi32, #tpu.memory_space<vmem>>, vector<16xi32>,
      %jit3A_135 = arith.constant 0 : i32
      %broadcast_in_dim3A_136 = vector.broadcast %jit3A_135 : i32 to vector<16xi32>
      %select_n3A_137 = arith.select %lt3A_132, %get3A_134, %broadcast_in_dim3A_136 : vector<16xi1>, vector<16xi32>
      %get3A_138 = arith.constant 48 : index
      %get3A_139 = tpu.vector_load %run_scoped3A_14[%get3A_138] {strides = array<i32>} : memref<96xi32, #tpu.memory_space<vmem>>, vector<16xi32>,
      %and3A_140 = arith.constant 63 : i32
      %and3A_141 = vector.broadcast %and3A_140 : i32 to vector<16xi32>
      %and3A_142 = arith.andi %add3A_130, %and3A_141 : vector<16xi32>
      %add3A_143 = arith.constant 5000 : i32
      %add3A_144 = vector.broadcast %add3A_143 : i32 to vector<16xi32>
      %add3A_145 = arith.addi %add3A_144, %and3A_142 : vector<16xi32>
      %select_n3A_146 = arith.select %lt3A_132, %get3A_139, %add3A_145 : vector<16xi1>, vector<16xi32>
      %swap3A_147 = arith.constant 48 : index
      %swap3A_148 = tpu.vector_load %run_scoped3A_13[%swap3A_147] {strides = array<i32>} : memref<96xi32, #tpu.memory_space<vmem>>, vector<16xi32>,
      tpu.vector_store %run_scoped3A_13[%swap3A_147], %select_n3A_137 {strides = array<i32>} : memref<96xi32, #tpu.memory_space<vmem>>, vector<16xi32>,
      %swap3A_149 = arith.constant 48 : index
      %swap3A_150 = tpu.vector_load %run_scoped3A_14[%swap3A_149] {strides = array<i32>} : memref<96xi32, #tpu.memory_space<vmem>>, vector<16xi32>,
      tpu.vector_store %run_scoped3A_14[%swap3A_149], %select_n3A_146 {strides = array<i32>} : memref<96xi32, #tpu.memory_space<vmem>>, vector<16xi32>,
      %rem3A = arith.constant 4 : i32
      %rem3A_151 = arith.remsi %scan3A_65#1, %rem3A : i32
      %eq3A = arith.constant 0 : i32
      %eq3A_152 = arith.cmpi eq, %rem3A_151, %eq3A : i32
      %convert_element_type3A = arith.extui %eq3A_152 : i1 to i32
      %cond3A = arith.constant 0 : i32
      %cond3A_153 = arith.cmpi ne, %convert_element_type3A, %cond3A : i32
      scf.if %cond3A_153 {
        %ge3A_606 = arith.constant 4 : i32
        %ge3A_607 = arith.cmpi sge, %scan3A_65#1, %ge3A_606 : i32
        %convert_element_type3A_608 = arith.extui %ge3A_607 : i1 to i32
        %cond3A_609 = arith.constant 0 : i32
        %cond3A_610 = arith.cmpi ne, %convert_element_type3A_608, %cond3A_609 : i32
        scf.if %cond3A_610 {
          %dma_wait3A = arith.constant 0 : i32
          %dma_wait3A_650 = arith.constant 0 : i32
          %dma_wait3A_651 = tpu.memref_slice %arg6[%dma_wait3A, %dma_wait3A_650] : memref<10240x128xf32, #tpu.memory_space<vmem_shared>> -> memref<10240x128xf32, #tpu.memory_space<vmem_shared>>
          tpu.wait_indirect_dma semaphore(%run_scoped3A_24 : memref<!tpu.dma_semaphore, #tpu.memory_space<semaphore_mem>>) src(%run_scoped3A_1 : memref<64x128xf32, #tpu.memory_space<vmem>>) dst(%dma_wait3A_651 : memref<10240x128xf32, #tpu.memory_space<vmem_shared>>)
          %dma_wait3A_652 = arith.constant 0 : i32
          %dma_wait3A_653 = tpu.memref_slice %arg7[%dma_wait3A_652] : memref<10240xf32, #tpu.memory_space<vmem_shared>> -> memref<10240xf32, #tpu.memory_space<vmem_shared>>
          tpu.wait_indirect_dma semaphore(%run_scoped3A_28 : memref<!tpu.dma_semaphore, #tpu.memory_space<semaphore_mem>>) src(%run_scoped3A_17 : memref<64xf32, #tpu.memory_space<vmem>>) dst(%dma_wait3A_653 : memref<10240xf32, #tpu.memory_space<vmem_shared>>)
        } else {
        }
        %get3A_611 = arith.constant 0 : index
        %get3A_612 = tpu.vector_load %run_scoped3A_13[%get3A_611] {strides = array<i32>} : memref<96xi32, #tpu.memory_space<vmem>>, vector<16xi32>,
        %swap3A_613 = arith.constant 0 : index
        %swap3A_614 = tpu.vector_load %run_scoped3A_5[%swap3A_613] {strides = array<i32>} : memref<64xi32, #tpu.memory_space<vmem>>, vector<16xi32>,
        tpu.vector_store %run_scoped3A_5[%swap3A_613], %get3A_612 {strides = array<i32>} : memref<64xi32, #tpu.memory_space<vmem>>, vector<16xi32>,
        %get3A_615 = arith.constant 0 : index
        %get3A_616 = tpu.vector_load %run_scoped3A_14[%get3A_615] {strides = array<i32>} : memref<96xi32, #tpu.memory_space<vmem>>, vector<16xi32>,
        %swap3A_617 = arith.constant 0 : index
        %swap3A_618 = tpu.vector_load %run_scoped3A_9[%swap3A_617] {strides = array<i32>} : memref<64xi32, #tpu.memory_space<vmem>>, vector<16xi32>,
        tpu.vector_store %run_scoped3A_9[%swap3A_617], %get3A_616 {strides = array<i32>} : memref<64xi32, #tpu.memory_space<vmem>>, vector<16xi32>,
        %get3A_619 = arith.constant 16 : index
        %get3A_620 = tpu.vector_load %run_scoped3A_13[%get3A_619] {strides = array<i32>} : memref<96xi32, #tpu.memory_space<vmem>>, vector<16xi32>,
        %swap3A_621 = arith.constant 16 : index
        %swap3A_622 = tpu.vector_load %run_scoped3A_5[%swap3A_621] {strides = array<i32>} : memref<64xi32, #tpu.memory_space<vmem>>, vector<16xi32>,
        tpu.vector_store %run_scoped3A_5[%swap3A_621], %get3A_620 {strides = array<i32>} : memref<64xi32, #tpu.memory_space<vmem>>, vector<16xi32>,
        %get3A_623 = arith.constant 16 : index
        %get3A_624 = tpu.vector_load %run_scoped3A_14[%get3A_623] {strides = array<i32>} : memref<96xi32, #tpu.memory_space<vmem>>, vector<16xi32>,
        %swap3A_625 = arith.constant 16 : index
        %swap3A_626 = tpu.vector_load %run_scoped3A_9[%swap3A_625] {strides = array<i32>} : memref<64xi32, #tpu.memory_space<vmem>>, vector<16xi32>,
        tpu.vector_store %run_scoped3A_9[%swap3A_625], %get3A_624 {strides = array<i32>} : memref<64xi32, #tpu.memory_space<vmem>>, vector<16xi32>,
        %get3A_627 = arith.constant 32 : index
        %get3A_628 = tpu.vector_load %run_scoped3A_13[%get3A_627] {strides = array<i32>} : memref<96xi32, #tpu.memory_space<vmem>>, vector<16xi32>,
        %swap3A_629 = arith.constant 32 : index
        %swap3A_630 = tpu.vector_load %run_scoped3A_5[%swap3A_629] {strides = array<i32>} : memref<64xi32, #tpu.memory_space<vmem>>, vector<16xi32>,
        tpu.vector_store %run_scoped3A_5[%swap3A_629], %get3A_628 {strides = array<i32>} : memref<64xi32, #tpu.memory_space<vmem>>, vector<16xi32>,
        %get3A_631 = arith.constant 32 : index
        %get3A_632 = tpu.vector_load %run_scoped3A_14[%get3A_631] {strides = array<i32>} : memref<96xi32, #tpu.memory_space<vmem>>, vector<16xi32>,
        %swap3A_633 = arith.constant 32 : index
        %swap3A_634 = tpu.vector_load %run_scoped3A_9[%swap3A_633] {strides = array<i32>} : memref<64xi32, #tpu.memory_space<vmem>>, vector<16xi32>,
        tpu.vector_store %run_scoped3A_9[%swap3A_633], %get3A_632 {strides = array<i32>} : memref<64xi32, #tpu.memory_space<vmem>>, vector<16xi32>,
        %get3A_635 = arith.constant 48 : index
        %get3A_636 = tpu.vector_load %run_scoped3A_13[%get3A_635] {strides = array<i32>} : memref<96xi32, #tpu.memory_space<vmem>>, vector<16xi32>,
        %swap3A_637 = arith.constant 48 : index
        %swap3A_638 = tpu.vector_load %run_scoped3A_5[%swap3A_637] {strides = array<i32>} : memref<64xi32, #tpu.memory_space<vmem>>, vector<16xi32>,
        tpu.vector_store %run_scoped3A_5[%swap3A_637], %get3A_636 {strides = array<i32>} : memref<64xi32, #tpu.memory_space<vmem>>, vector<16xi32>,
        %get3A_639 = arith.constant 48 : index
        %get3A_640 = tpu.vector_load %run_scoped3A_14[%get3A_639] {strides = array<i32>} : memref<96xi32, #tpu.memory_space<vmem>>, vector<16xi32>,
        %swap3A_641 = arith.constant 48 : index
        %swap3A_642 = tpu.vector_load %run_scoped3A_9[%swap3A_641] {strides = array<i32>} : memref<64xi32, #tpu.memory_space<vmem>>, vector<16xi32>,
        tpu.vector_store %run_scoped3A_9[%swap3A_641], %get3A_640 {strides = array<i32>} : memref<64xi32, #tpu.memory_space<vmem>>, vector<16xi32>,
        %dma_start3A = arith.constant 0 : i32
        %dma_start3A_643 = arith.constant 0 : i32
        %dma_start3A_644 = tpu.memref_slice %arg3[%dma_start3A, %dma_start3A_643] : memref<10000x128xf32, #tpu.memory_space<hbm>> -> memref<10000x128xf32, #tpu.memory_space<hbm>>
        tpu.enqueue_indirect_dma source(%dma_start3A_644 : memref<10000x128xf32, #tpu.memory_space<hbm>>) target(%run_scoped3A_1 : memref<64x128xf32, #tpu.memory_space<vmem>>) offsets(%run_scoped3A_5 : memref<64xi32, #tpu.memory_space<vmem>>) semaphore(%run_scoped3A_20 : memref<!tpu.dma_semaphore, #tpu.memory_space<semaphore_mem>>)
        %ge3A_645 = arith.constant 2 : i32
        %ge3A_646 = arith.cmpi sge, %scan3A_65#1, %ge3A_645 : i32
        %convert_element_type3A_647 = arith.extui %ge3A_646 : i1 to i32
        %cond3A_648 = arith.constant 0 : i32
        %cond3A_649 = arith.cmpi ne, %convert_element_type3A_647, %cond3A_648 : i32
        scf.if %cond3A_649 {
          %dma_wait3A = arith.constant 0 : i32
          %dma_wait3A_650 = arith.constant 0 : i32
          %dma_wait3A_651 = tpu.memref_slice %arg3[%dma_wait3A, %dma_wait3A_650] : memref<10000x128xf32, #tpu.memory_space<hbm>> -> memref<10000x128xf32, #tpu.memory_space<hbm>>
          tpu.wait_indirect_dma semaphore(%run_scoped3A_22 : memref<!tpu.dma_semaphore, #tpu.memory_space<semaphore_mem>>) src(%dma_wait3A_651 : memref<10000x128xf32, #tpu.memory_space<hbm>>) dst(%run_scoped3A_3 : memref<64x128xf32, #tpu.memory_space<vmem>>)
          %dma_start3A_652 = arith.constant 0 : i32
          %dma_start3A_653 = arith.constant 0 : i32
          %dma_start3A_654 = tpu.memref_slice %arg6[%dma_start3A_652, %dma_start3A_653] : memref<10240x128xf32, #tpu.memory_space<vmem_shared>> -> memref<10240x128xf32, #tpu.memory_space<vmem_shared>>
          tpu.enqueue_indirect_dma source(%run_scoped3A_3 : memref<64x128xf32, #tpu.memory_space<vmem>>) target(%dma_start3A_654 : memref<10240x128xf32, #tpu.memory_space<vmem_shared>>) offsets(%run_scoped3A_11 : memref<64xi32, #tpu.memory_space<vmem>>) semaphore(%run_scoped3A_26 : memref<!tpu.dma_semaphore, #tpu.memory_space<semaphore_mem>>) {add = true}
          %dma_start3A_655 = arith.constant 0 : i32
          %dma_start3A_656 = tpu.memref_slice %arg7[%dma_start3A_655] : memref<10240xf32, #tpu.memory_space<vmem_shared>> -> memref<10240xf32, #tpu.memory_space<vmem_shared>>
          tpu.enqueue_indirect_dma source(%run_scoped3A_17 : memref<64xf32, #tpu.memory_space<vmem>>) target(%dma_start3A_656 : memref<10240xf32, #tpu.memory_space<vmem_shared>>) offsets(%run_scoped3A_11 : memref<64xi32, #tpu.memory_space<vmem>>) semaphore(%run_scoped3A_30 : memref<!tpu.dma_semaphore, #tpu.memory_space<semaphore_mem>>) {add = true}
        } else {
        }
      } else {
      }
      %rem3A_154 = arith.constant 4 : i32
      %rem3A_155 = arith.remsi %scan3A_65#1, %rem3A_154 : i32
      %eq3A_156 = arith.constant 1 : i32
      %eq3A_157 = arith.cmpi eq, %rem3A_155, %eq3A_156 : i32
      %convert_element_type3A_158 = arith.extui %eq3A_157 : i1 to i32
      %cond3A_159 = arith.constant 0 : i32
      %cond3A_160 = arith.cmpi ne, %convert_element_type3A_158, %cond3A_159 : i32
      scf.if %cond3A_160 {
        %ge3A_606 = arith.constant 4 : i32
        %ge3A_607 = arith.cmpi sge, %scan3A_65#1, %ge3A_606 : i32
        %convert_element_type3A_608 = arith.extui %ge3A_607 : i1 to i32
        %cond3A_609 = arith.constant 0 : i32
        %cond3A_610 = arith.cmpi ne, %convert_element_type3A_608, %cond3A_609 : i32
        scf.if %cond3A_610 {
          %dma_wait3A = arith.constant 0 : i32
          %dma_wait3A_650 = arith.constant 0 : i32
          %dma_wait3A_651 = tpu.memref_slice %arg6[%dma_wait3A, %dma_wait3A_650] : memref<10240x128xf32, #tpu.memory_space<vmem_shared>> -> memref<10240x128xf32, #tpu.memory_space<vmem_shared>>
          tpu.wait_indirect_dma semaphore(%run_scoped3A_25 : memref<!tpu.dma_semaphore, #tpu.memory_space<semaphore_mem>>) src(%run_scoped3A_2 : memref<64x128xf32, #tpu.memory_space<vmem>>) dst(%dma_wait3A_651 : memref<10240x128xf32, #tpu.memory_space<vmem_shared>>)
          %dma_wait3A_652 = arith.constant 0 : i32
          %dma_wait3A_653 = tpu.memref_slice %arg7[%dma_wait3A_652] : memref<10240xf32, #tpu.memory_space<vmem_shared>> -> memref<10240xf32, #tpu.memory_space<vmem_shared>>
          tpu.wait_indirect_dma semaphore(%run_scoped3A_29 : memref<!tpu.dma_semaphore, #tpu.memory_space<semaphore_mem>>) src(%run_scoped3A_17 : memref<64xf32, #tpu.memory_space<vmem>>) dst(%dma_wait3A_653 : memref<10240xf32, #tpu.memory_space<vmem_shared>>)
        } else {
        }
        %get3A_611 = arith.constant 0 : index
        %get3A_612 = tpu.vector_load %run_scoped3A_13[%get3A_611] {strides = array<i32>} : memref<96xi32, #tpu.memory_space<vmem>>, vector<16xi32>,
        %swap3A_613 = arith.constant 0 : index
        %swap3A_614 = tpu.vector_load %run_scoped3A_6[%swap3A_613] {strides = array<i32>} : memref<64xi32, #tpu.memory_space<vmem>>, vector<16xi32>,
        tpu.vector_store %run_scoped3A_6[%swap3A_613], %get3A_612 {strides = array<i32>} : memref<64xi32, #tpu.memory_space<vmem>>, vector<16xi32>,
        %get3A_615 = arith.constant 0 : index
        %get3A_616 = tpu.vector_load %run_scoped3A_14[%get3A_615] {strides = array<i32>} : memref<96xi32, #tpu.memory_space<vmem>>, vector<16xi32>,
        %swap3A_617 = arith.constant 0 : index
        %swap3A_618 = tpu.vector_load %run_scoped3A_10[%swap3A_617] {strides = array<i32>} : memref<64xi32, #tpu.memory_space<vmem>>, vector<16xi32>,
        tpu.vector_store %run_scoped3A_10[%swap3A_617], %get3A_616 {strides = array<i32>} : memref<64xi32, #tpu.memory_space<vmem>>, vector<16xi32>,
        %get3A_619 = arith.constant 16 : index
        %get3A_620 = tpu.vector_load %run_scoped3A_13[%get3A_619] {strides = array<i32>} : memref<96xi32, #tpu.memory_space<vmem>>, vector<16xi32>,
        %swap3A_621 = arith.constant 16 : index
        %swap3A_622 = tpu.vector_load %run_scoped3A_6[%swap3A_621] {strides = array<i32>} : memref<64xi32, #tpu.memory_space<vmem>>, vector<16xi32>,
        tpu.vector_store %run_scoped3A_6[%swap3A_621], %get3A_620 {strides = array<i32>} : memref<64xi32, #tpu.memory_space<vmem>>, vector<16xi32>,
        %get3A_623 = arith.constant 16 : index
        %get3A_624 = tpu.vector_load %run_scoped3A_14[%get3A_623] {strides = array<i32>} : memref<96xi32, #tpu.memory_space<vmem>>, vector<16xi32>,
        %swap3A_625 = arith.constant 16 : index
        %swap3A_626 = tpu.vector_load %run_scoped3A_10[%swap3A_625] {strides = array<i32>} : memref<64xi32, #tpu.memory_space<vmem>>, vector<16xi32>,
        tpu.vector_store %run_scoped3A_10[%swap3A_625], %get3A_624 {strides = array<i32>} : memref<64xi32, #tpu.memory_space<vmem>>, vector<16xi32>,
        %get3A_627 = arith.constant 32 : index
        %get3A_628 = tpu.vector_load %run_scoped3A_13[%get3A_627] {strides = array<i32>} : memref<96xi32, #tpu.memory_space<vmem>>, vector<16xi32>,
        %swap3A_629 = arith.constant 32 : index
        %swap3A_630 = tpu.vector_load %run_scoped3A_6[%swap3A_629] {strides = array<i32>} : memref<64xi32, #tpu.memory_space<vmem>>, vector<16xi32>,
        tpu.vector_store %run_scoped3A_6[%swap3A_629], %get3A_628 {strides = array<i32>} : memref<64xi32, #tpu.memory_space<vmem>>, vector<16xi32>,
        %get3A_631 = arith.constant 32 : index
        %get3A_632 = tpu.vector_load %run_scoped3A_14[%get3A_631] {strides = array<i32>} : memref<96xi32, #tpu.memory_space<vmem>>, vector<16xi32>,
        %swap3A_633 = arith.constant 32 : index
        %swap3A_634 = tpu.vector_load %run_scoped3A_10[%swap3A_633] {strides = array<i32>} : memref<64xi32, #tpu.memory_space<vmem>>, vector<16xi32>,
        tpu.vector_store %run_scoped3A_10[%swap3A_633], %get3A_632 {strides = array<i32>} : memref<64xi32, #tpu.memory_space<vmem>>, vector<16xi32>,
        %get3A_635 = arith.constant 48 : index
        %get3A_636 = tpu.vector_load %run_scoped3A_13[%get3A_635] {strides = array<i32>} : memref<96xi32, #tpu.memory_space<vmem>>, vector<16xi32>,
        %swap3A_637 = arith.constant 48 : index
        %swap3A_638 = tpu.vector_load %run_scoped3A_6[%swap3A_637] {strides = array<i32>} : memref<64xi32, #tpu.memory_space<vmem>>, vector<16xi32>,
        tpu.vector_store %run_scoped3A_6[%swap3A_637], %get3A_636 {strides = array<i32>} : memref<64xi32, #tpu.memory_space<vmem>>, vector<16xi32>,
        %get3A_639 = arith.constant 48 : index
        %get3A_640 = tpu.vector_load %run_scoped3A_14[%get3A_639] {strides = array<i32>} : memref<96xi32, #tpu.memory_space<vmem>>, vector<16xi32>,
        %swap3A_641 = arith.constant 48 : index
        %swap3A_642 = tpu.vector_load %run_scoped3A_10[%swap3A_641] {strides = array<i32>} : memref<64xi32, #tpu.memory_space<vmem>>, vector<16xi32>,
        tpu.vector_store %run_scoped3A_10[%swap3A_641], %get3A_640 {strides = array<i32>} : memref<64xi32, #tpu.memory_space<vmem>>, vector<16xi32>,
        %dma_start3A = arith.constant 0 : i32
        %dma_start3A_643 = arith.constant 0 : i32
        %dma_start3A_644 = tpu.memref_slice %arg3[%dma_start3A, %dma_start3A_643] : memref<10000x128xf32, #tpu.memory_space<hbm>> -> memref<10000x128xf32, #tpu.memory_space<hbm>>
        tpu.enqueue_indirect_dma source(%dma_start3A_644 : memref<10000x128xf32, #tpu.memory_space<hbm>>) target(%run_scoped3A_2 : memref<64x128xf32, #tpu.memory_space<vmem>>) offsets(%run_scoped3A_6 : memref<64xi32, #tpu.memory_space<vmem>>) semaphore(%run_scoped3A_21 : memref<!tpu.dma_semaphore, #tpu.memory_space<semaphore_mem>>)
        %ge3A_645 = arith.constant 2 : i32
        %ge3A_646 = arith.cmpi sge, %scan3A_65#1, %ge3A_645 : i32
        %convert_element_type3A_647 = arith.extui %ge3A_646 : i1 to i32
        %cond3A_648 = arith.constant 0 : i32
        %cond3A_649 = arith.cmpi ne, %convert_element_type3A_647, %cond3A_648 : i32
        scf.if %cond3A_649 {
          %dma_wait3A = arith.constant 0 : i32
          %dma_wait3A_650 = arith.constant 0 : i32
          %dma_wait3A_651 = tpu.memref_slice %arg3[%dma_wait3A, %dma_wait3A_650] : memref<10000x128xf32, #tpu.memory_space<hbm>> -> memref<10000x128xf32, #tpu.memory_space<hbm>>
          tpu.wait_indirect_dma semaphore(%run_scoped3A_23 : memref<!tpu.dma_semaphore, #tpu.memory_space<semaphore_mem>>) src(%dma_wait3A_651 : memref<10000x128xf32, #tpu.memory_space<hbm>>) dst(%run_scoped3A_4 : memref<64x128xf32, #tpu.memory_space<vmem>>)
          %dma_start3A_652 = arith.constant 0 : i32
          %dma_start3A_653 = arith.constant 0 : i32
          %dma_start3A_654 = tpu.memref_slice %arg6[%dma_start3A_652, %dma_start3A_653] : memref<10240x128xf32, #tpu.memory_space<vmem_shared>> -> memref<10240x128xf32, #tpu.memory_space<vmem_shared>>
          tpu.enqueue_indirect_dma source(%run_scoped3A_4 : memref<64x128xf32, #tpu.memory_space<vmem>>) target(%dma_start3A_654 : memref<10240x128xf32, #tpu.memory_space<vmem_shared>>) offsets(%run_scoped3A_12 : memref<64xi32, #tpu.memory_space<vmem>>) semaphore(%run_scoped3A_27 : memref<!tpu.dma_semaphore, #tpu.memory_space<semaphore_mem>>) {add = true}
          %dma_start3A_655 = arith.constant 0 : i32
          %dma_start3A_656 = tpu.memref_slice %arg7[%dma_start3A_655] : memref<10240xf32, #tpu.memory_space<vmem_shared>> -> memref<10240xf32, #tpu.memory_space<vmem_shared>>
          tpu.enqueue_indirect_dma source(%run_scoped3A_17 : memref<64xf32, #tpu.memory_space<vmem>>) target(%dma_start3A_656 : memref<10240xf32, #tpu.memory_space<vmem_shared>>) offsets(%run_scoped3A_12 : memref<64xi32, #tpu.memory_space<vmem>>) semaphore(%run_scoped3A_31 : memref<!tpu.dma_semaphore, #tpu.memory_space<semaphore_mem>>) {add = true}
        } else {
        }
      } else {
      }
      %rem3A_161 = arith.constant 4 : i32
      %rem3A_162 = arith.remsi %scan3A_65#1, %rem3A_161 : i32
      %eq3A_163 = arith.constant 2 : i32
      %eq3A_164 = arith.cmpi eq, %rem3A_162, %eq3A_163 : i32
      %convert_element_type3A_165 = arith.extui %eq3A_164 : i1 to i32
      %cond3A_166 = arith.constant 0 : i32
      %cond3A_167 = arith.cmpi ne, %convert_element_type3A_165, %cond3A_166 : i32
      scf.if %cond3A_167 {
        %ge3A_606 = arith.constant 4 : i32
        %ge3A_607 = arith.cmpi sge, %scan3A_65#1, %ge3A_606 : i32
        %convert_element_type3A_608 = arith.extui %ge3A_607 : i1 to i32
        %cond3A_609 = arith.constant 0 : i32
        %cond3A_610 = arith.cmpi ne, %convert_element_type3A_608, %cond3A_609 : i32
        scf.if %cond3A_610 {
          %dma_wait3A = arith.constant 0 : i32
          %dma_wait3A_650 = arith.constant 0 : i32
          %dma_wait3A_651 = tpu.memref_slice %arg6[%dma_wait3A, %dma_wait3A_650] : memref<10240x128xf32, #tpu.memory_space<vmem_shared>> -> memref<10240x128xf32, #tpu.memory_space<vmem_shared>>
          tpu.wait_indirect_dma semaphore(%run_scoped3A_26 : memref<!tpu.dma_semaphore, #tpu.memory_space<semaphore_mem>>) src(%run_scoped3A_3 : memref<64x128xf32, #tpu.memory_space<vmem>>) dst(%dma_wait3A_651 : memref<10240x128xf32, #tpu.memory_space<vmem_shared>>)
          %dma_wait3A_652 = arith.constant 0 : i32
          %dma_wait3A_653 = tpu.memref_slice %arg7[%dma_wait3A_652] : memref<10240xf32, #tpu.memory_space<vmem_shared>> -> memref<10240xf32, #tpu.memory_space<vmem_shared>>
          tpu.wait_indirect_dma semaphore(%run_scoped3A_30 : memref<!tpu.dma_semaphore, #tpu.memory_space<semaphore_mem>>) src(%run_scoped3A_17 : memref<64xf32, #tpu.memory_space<vmem>>) dst(%dma_wait3A_653 : memref<10240xf32, #tpu.memory_space<vmem_shared>>)
        } else {
        }
        %get3A_611 = arith.constant 0 : index
        %get3A_612 = tpu.vector_load %run_scoped3A_13[%get3A_611] {strides = array<i32>} : memref<96xi32, #tpu.memory_space<vmem>>, vector<16xi32>,
        %swap3A_613 = arith.constant 0 : index
        %swap3A_614 = tpu.vector_load %run_scoped3A_7[%swap3A_613] {strides = array<i32>} : memref<64xi32, #tpu.memory_space<vmem>>, vector<16xi32>,
        tpu.vector_store %run_scoped3A_7[%swap3A_613], %get3A_612 {strides = array<i32>} : memref<64xi32, #tpu.memory_space<vmem>>, vector<16xi32>,
        %get3A_615 = arith.constant 0 : index
        %get3A_616 = tpu.vector_load %run_scoped3A_14[%get3A_615] {strides = array<i32>} : memref<96xi32, #tpu.memory_space<vmem>>, vector<16xi32>,
        %swap3A_617 = arith.constant 0 : index
        %swap3A_618 = tpu.vector_load %run_scoped3A_11[%swap3A_617] {strides = array<i32>} : memref<64xi32, #tpu.memory_space<vmem>>, vector<16xi32>,
        tpu.vector_store %run_scoped3A_11[%swap3A_617], %get3A_616 {strides = array<i32>} : memref<64xi32, #tpu.memory_space<vmem>>, vector<16xi32>,
        %get3A_619 = arith.constant 16 : index
        %get3A_620 = tpu.vector_load %run_scoped3A_13[%get3A_619] {strides = array<i32>} : memref<96xi32, #tpu.memory_space<vmem>>, vector<16xi32>,
        %swap3A_621 = arith.constant 16 : index
        %swap3A_622 = tpu.vector_load %run_scoped3A_7[%swap3A_621] {strides = array<i32>} : memref<64xi32, #tpu.memory_space<vmem>>, vector<16xi32>,
        tpu.vector_store %run_scoped3A_7[%swap3A_621], %get3A_620 {strides = array<i32>} : memref<64xi32, #tpu.memory_space<vmem>>, vector<16xi32>,
        %get3A_623 = arith.constant 16 : index
        %get3A_624 = tpu.vector_load %run_scoped3A_14[%get3A_623] {strides = array<i32>} : memref<96xi32, #tpu.memory_space<vmem>>, vector<16xi32>,
        %swap3A_625 = arith.constant 16 : index
        %swap3A_626 = tpu.vector_load %run_scoped3A_11[%swap3A_625] {strides = array<i32>} : memref<64xi32, #tpu.memory_space<vmem>>, vector<16xi32>,
        tpu.vector_store %run_scoped3A_11[%swap3A_625], %get3A_624 {strides = array<i32>} : memref<64xi32, #tpu.memory_space<vmem>>, vector<16xi32>,
        %get3A_627 = arith.constant 32 : index
        %get3A_628 = tpu.vector_load %run_scoped3A_13[%get3A_627] {strides = array<i32>} : memref<96xi32, #tpu.memory_space<vmem>>, vector<16xi32>,
        %swap3A_629 = arith.constant 32 : index
        %swap3A_630 = tpu.vector_load %run_scoped3A_7[%swap3A_629] {strides = array<i32>} : memref<64xi32, #tpu.memory_space<vmem>>, vector<16xi32>,
        tpu.vector_store %run_scoped3A_7[%swap3A_629], %get3A_628 {strides = array<i32>} : memref<64xi32, #tpu.memory_space<vmem>>, vector<16xi32>,
        %get3A_631 = arith.constant 32 : index
        %get3A_632 = tpu.vector_load %run_scoped3A_14[%get3A_631] {strides = array<i32>} : memref<96xi32, #tpu.memory_space<vmem>>, vector<16xi32>,
        %swap3A_633 = arith.constant 32 : index
        %swap3A_634 = tpu.vector_load %run_scoped3A_11[%swap3A_633] {strides = array<i32>} : memref<64xi32, #tpu.memory_space<vmem>>, vector<16xi32>,
        tpu.vector_store %run_scoped3A_11[%swap3A_633], %get3A_632 {strides = array<i32>} : memref<64xi32, #tpu.memory_space<vmem>>, vector<16xi32>,
        %get3A_635 = arith.constant 48 : index
        %get3A_636 = tpu.vector_load %run_scoped3A_13[%get3A_635] {strides = array<i32>} : memref<96xi32, #tpu.memory_space<vmem>>, vector<16xi32>,
        %swap3A_637 = arith.constant 48 : index
        %swap3A_638 = tpu.vector_load %run_scoped3A_7[%swap3A_637] {strides = array<i32>} : memref<64xi32, #tpu.memory_space<vmem>>, vector<16xi32>,
        tpu.vector_store %run_scoped3A_7[%swap3A_637], %get3A_636 {strides = array<i32>} : memref<64xi32, #tpu.memory_space<vmem>>, vector<16xi32>,
        %get3A_639 = arith.constant 48 : index
        %get3A_640 = tpu.vector_load %run_scoped3A_14[%get3A_639] {strides = array<i32>} : memref<96xi32, #tpu.memory_space<vmem>>, vector<16xi32>,
        %swap3A_641 = arith.constant 48 : index
        %swap3A_642 = tpu.vector_load %run_scoped3A_11[%swap3A_641] {strides = array<i32>} : memref<64xi32, #tpu.memory_space<vmem>>, vector<16xi32>,
        tpu.vector_store %run_scoped3A_11[%swap3A_641], %get3A_640 {strides = array<i32>} : memref<64xi32, #tpu.memory_space<vmem>>, vector<16xi32>,
        %dma_start3A = arith.constant 0 : i32
        %dma_start3A_643 = arith.constant 0 : i32
        %dma_start3A_644 = tpu.memref_slice %arg3[%dma_start3A, %dma_start3A_643] : memref<10000x128xf32, #tpu.memory_space<hbm>> -> memref<10000x128xf32, #tpu.memory_space<hbm>>
        tpu.enqueue_indirect_dma source(%dma_start3A_644 : memref<10000x128xf32, #tpu.memory_space<hbm>>) target(%run_scoped3A_3 : memref<64x128xf32, #tpu.memory_space<vmem>>) offsets(%run_scoped3A_7 : memref<64xi32, #tpu.memory_space<vmem>>) semaphore(%run_scoped3A_22 : memref<!tpu.dma_semaphore, #tpu.memory_space<semaphore_mem>>)
        %ge3A_645 = arith.constant 2 : i32
        %ge3A_646 = arith.cmpi sge, %scan3A_65#1, %ge3A_645 : i32
        %convert_element_type3A_647 = arith.extui %ge3A_646 : i1 to i32
        %cond3A_648 = arith.constant 0 : i32
        %cond3A_649 = arith.cmpi ne, %convert_element_type3A_647, %cond3A_648 : i32
        scf.if %cond3A_649 {
          %dma_wait3A = arith.constant 0 : i32
          %dma_wait3A_650 = arith.constant 0 : i32
          %dma_wait3A_651 = tpu.memref_slice %arg3[%dma_wait3A, %dma_wait3A_650] : memref<10000x128xf32, #tpu.memory_space<hbm>> -> memref<10000x128xf32, #tpu.memory_space<hbm>>
          tpu.wait_indirect_dma semaphore(%run_scoped3A_20 : memref<!tpu.dma_semaphore, #tpu.memory_space<semaphore_mem>>) src(%dma_wait3A_651 : memref<10000x128xf32, #tpu.memory_space<hbm>>) dst(%run_scoped3A_1 : memref<64x128xf32, #tpu.memory_space<vmem>>)
          %dma_start3A_652 = arith.constant 0 : i32
          %dma_start3A_653 = arith.constant 0 : i32
          %dma_start3A_654 = tpu.memref_slice %arg6[%dma_start3A_652, %dma_start3A_653] : memref<10240x128xf32, #tpu.memory_space<vmem_shared>> -> memref<10240x128xf32, #tpu.memory_space<vmem_shared>>
          tpu.enqueue_indirect_dma source(%run_scoped3A_1 : memref<64x128xf32, #tpu.memory_space<vmem>>) target(%dma_start3A_654 : memref<10240x128xf32, #tpu.memory_space<vmem_shared>>) offsets(%run_scoped3A_9 : memref<64xi32, #tpu.memory_space<vmem>>) semaphore(%run_scoped3A_24 : memref<!tpu.dma_semaphore, #tpu.memory_space<semaphore_mem>>) {add = true}
          %dma_start3A_655 = arith.constant 0 : i32
          %dma_start3A_656 = tpu.memref_slice %arg7[%dma_start3A_655] : memref<10240xf32, #tpu.memory_space<vmem_shared>> -> memref<10240xf32, #tpu.memory_space<vmem_shared>>
          tpu.enqueue_indirect_dma source(%run_scoped3A_17 : memref<64xf32, #tpu.memory_space<vmem>>) target(%dma_start3A_656 : memref<10240xf32, #tpu.memory_space<vmem_shared>>) offsets(%run_scoped3A_9 : memref<64xi32, #tpu.memory_space<vmem>>) semaphore(%run_scoped3A_28 : memref<!tpu.dma_semaphore, #tpu.memory_space<semaphore_mem>>) {add = true}
        } else {
        }
      } else {
      }
      %rem3A_168 = arith.constant 4 : i32
      %rem3A_169 = arith.remsi %scan3A_65#1, %rem3A_168 : i32
      %eq3A_170 = arith.constant 3 : i32
      %eq3A_171 = arith.cmpi eq, %rem3A_169, %eq3A_170 : i32
      %convert_element_type3A_172 = arith.extui %eq3A_171 : i1 to i32
      %cond3A_173 = arith.constant 0 : i32
      %cond3A_174 = arith.cmpi ne, %convert_element_type3A_172, %cond3A_173 : i32
      scf.if %cond3A_174 {
        %ge3A_606 = arith.constant 4 : i32
        %ge3A_607 = arith.cmpi sge, %scan3A_65#1, %ge3A_606 : i32
        %convert_element_type3A_608 = arith.extui %ge3A_607 : i1 to i32
        %cond3A_609 = arith.constant 0 : i32
        %cond3A_610 = arith.cmpi ne, %convert_element_type3A_608, %cond3A_609 : i32
        scf.if %cond3A_610 {
          %dma_wait3A = arith.constant 0 : i32
          %dma_wait3A_650 = arith.constant 0 : i32
          %dma_wait3A_651 = tpu.memref_slice %arg6[%dma_wait3A, %dma_wait3A_650] : memref<10240x128xf32, #tpu.memory_space<vmem_shared>> -> memref<10240x128xf32, #tpu.memory_space<vmem_shared>>
          tpu.wait_indirect_dma semaphore(%run_scoped3A_27 : memref<!tpu.dma_semaphore, #tpu.memory_space<semaphore_mem>>) src(%run_scoped3A_4 : memref<64x128xf32, #tpu.memory_space<vmem>>) dst(%dma_wait3A_651 : memref<10240x128xf32, #tpu.memory_space<vmem_shared>>)
          %dma_wait3A_652 = arith.constant 0 : i32
          %dma_wait3A_653 = tpu.memref_slice %arg7[%dma_wait3A_652] : memref<10240xf32, #tpu.memory_space<vmem_shared>> -> memref<10240xf32, #tpu.memory_space<vmem_shared>>
          tpu.wait_indirect_dma semaphore(%run_scoped3A_31 : memref<!tpu.dma_semaphore, #tpu.memory_space<semaphore_mem>>) src(%run_scoped3A_17 : memref<64xf32, #tpu.memory_space<vmem>>) dst(%dma_wait3A_653 : memref<10240xf32, #tpu.memory_space<vmem_shared>>)
        } else {
        }
        %get3A_611 = arith.constant 0 : index
        %get3A_612 = tpu.vector_load %run_scoped3A_13[%get3A_611] {strides = array<i32>} : memref<96xi32, #tpu.memory_space<vmem>>, vector<16xi32>,
        %swap3A_613 = arith.constant 0 : index
        %swap3A_614 = tpu.vector_load %run_scoped3A_8[%swap3A_613] {strides = array<i32>} : memref<64xi32, #tpu.memory_space<vmem>>, vector<16xi32>,
        tpu.vector_store %run_scoped3A_8[%swap3A_613], %get3A_612 {strides = array<i32>} : memref<64xi32, #tpu.memory_space<vmem>>, vector<16xi32>,
        %get3A_615 = arith.constant 0 : index
        %get3A_616 = tpu.vector_load %run_scoped3A_14[%get3A_615] {strides = array<i32>} : memref<96xi32, #tpu.memory_space<vmem>>, vector<16xi32>,
        %swap3A_617 = arith.constant 0 : index
        %swap3A_618 = tpu.vector_load %run_scoped3A_12[%swap3A_617] {strides = array<i32>} : memref<64xi32, #tpu.memory_space<vmem>>, vector<16xi32>,
        tpu.vector_store %run_scoped3A_12[%swap3A_617], %get3A_616 {strides = array<i32>} : memref<64xi32, #tpu.memory_space<vmem>>, vector<16xi32>,
        %get3A_619 = arith.constant 16 : index
        %get3A_620 = tpu.vector_load %run_scoped3A_13[%get3A_619] {strides = array<i32>} : memref<96xi32, #tpu.memory_space<vmem>>, vector<16xi32>,
        %swap3A_621 = arith.constant 16 : index
        %swap3A_622 = tpu.vector_load %run_scoped3A_8[%swap3A_621] {strides = array<i32>} : memref<64xi32, #tpu.memory_space<vmem>>, vector<16xi32>,
        tpu.vector_store %run_scoped3A_8[%swap3A_621], %get3A_620 {strides = array<i32>} : memref<64xi32, #tpu.memory_space<vmem>>, vector<16xi32>,
        %get3A_623 = arith.constant 16 : index
        %get3A_624 = tpu.vector_load %run_scoped3A_14[%get3A_623] {strides = array<i32>} : memref<96xi32, #tpu.memory_space<vmem>>, vector<16xi32>,
        %swap3A_625 = arith.constant 16 : index
        %swap3A_626 = tpu.vector_load %run_scoped3A_12[%swap3A_625] {strides = array<i32>} : memref<64xi32, #tpu.memory_space<vmem>>, vector<16xi32>,
        tpu.vector_store %run_scoped3A_12[%swap3A_625], %get3A_624 {strides = array<i32>} : memref<64xi32, #tpu.memory_space<vmem>>, vector<16xi32>,
        %get3A_627 = arith.constant 32 : index
        %get3A_628 = tpu.vector_load %run_scoped3A_13[%get3A_627] {strides = array<i32>} : memref<96xi32, #tpu.memory_space<vmem>>, vector<16xi32>,
        %swap3A_629 = arith.constant 32 : index
        %swap3A_630 = tpu.vector_load %run_scoped3A_8[%swap3A_629] {strides = array<i32>} : memref<64xi32, #tpu.memory_space<vmem>>, vector<16xi32>,
        tpu.vector_store %run_scoped3A_8[%swap3A_629], %get3A_628 {strides = array<i32>} : memref<64xi32, #tpu.memory_space<vmem>>, vector<16xi32>,
        %get3A_631 = arith.constant 32 : index
        %get3A_632 = tpu.vector_load %run_scoped3A_14[%get3A_631] {strides = array<i32>} : memref<96xi32, #tpu.memory_space<vmem>>, vector<16xi32>,
        %swap3A_633 = arith.constant 32 : index
        %swap3A_634 = tpu.vector_load %run_scoped3A_12[%swap3A_633] {strides = array<i32>} : memref<64xi32, #tpu.memory_space<vmem>>, vector<16xi32>,
        tpu.vector_store %run_scoped3A_12[%swap3A_633], %get3A_632 {strides = array<i32>} : memref<64xi32, #tpu.memory_space<vmem>>, vector<16xi32>,
        %get3A_635 = arith.constant 48 : index
        %get3A_636 = tpu.vector_load %run_scoped3A_13[%get3A_635] {strides = array<i32>} : memref<96xi32, #tpu.memory_space<vmem>>, vector<16xi32>,
        %swap3A_637 = arith.constant 48 : index
        %swap3A_638 = tpu.vector_load %run_scoped3A_8[%swap3A_637] {strides = array<i32>} : memref<64xi32, #tpu.memory_space<vmem>>, vector<16xi32>,
        tpu.vector_store %run_scoped3A_8[%swap3A_637], %get3A_636 {strides = array<i32>} : memref<64xi32, #tpu.memory_space<vmem>>, vector<16xi32>,
        %get3A_639 = arith.constant 48 : index
        %get3A_640 = tpu.vector_load %run_scoped3A_14[%get3A_639] {strides = array<i32>} : memref<96xi32, #tpu.memory_space<vmem>>, vector<16xi32>,
        %swap3A_641 = arith.constant 48 : index
        %swap3A_642 = tpu.vector_load %run_scoped3A_12[%swap3A_641] {strides = array<i32>} : memref<64xi32, #tpu.memory_space<vmem>>, vector<16xi32>,
        tpu.vector_store %run_scoped3A_12[%swap3A_641], %get3A_640 {strides = array<i32>} : memref<64xi32, #tpu.memory_space<vmem>>, vector<16xi32>,
        %dma_start3A = arith.constant 0 : i32
        %dma_start3A_643 = arith.constant 0 : i32
        %dma_start3A_644 = tpu.memref_slice %arg3[%dma_start3A, %dma_start3A_643] : memref<10000x128xf32, #tpu.memory_space<hbm>> -> memref<10000x128xf32, #tpu.memory_space<hbm>>
        tpu.enqueue_indirect_dma source(%dma_start3A_644 : memref<10000x128xf32, #tpu.memory_space<hbm>>) target(%run_scoped3A_4 : memref<64x128xf32, #tpu.memory_space<vmem>>) offsets(%run_scoped3A_8 : memref<64xi32, #tpu.memory_space<vmem>>) semaphore(%run_scoped3A_23 : memref<!tpu.dma_semaphore, #tpu.memory_space<semaphore_mem>>)
        %ge3A_645 = arith.constant 2 : i32
        %ge3A_646 = arith.cmpi sge, %scan3A_65#1, %ge3A_645 : i32
        %convert_element_type3A_647 = arith.extui %ge3A_646 : i1 to i32
        %cond3A_648 = arith.constant 0 : i32
        %cond3A_649 = arith.cmpi ne, %convert_element_type3A_647, %cond3A_648 : i32
        scf.if %cond3A_649 {
          %dma_wait3A = arith.constant 0 : i32
          %dma_wait3A_650 = arith.constant 0 : i32
          %dma_wait3A_651 = tpu.memref_slice %arg3[%dma_wait3A, %dma_wait3A_650] : memref<10000x128xf32, #tpu.memory_space<hbm>> -> memref<10000x128xf32, #tpu.memory_space<hbm>>
          tpu.wait_indirect_dma semaphore(%run_scoped3A_21 : memref<!tpu.dma_semaphore, #tpu.memory_space<semaphore_mem>>) src(%dma_wait3A_651 : memref<10000x128xf32, #tpu.memory_space<hbm>>) dst(%run_scoped3A_2 : memref<64x128xf32, #tpu.memory_space<vmem>>)
          %dma_start3A_652 = arith.constant 0 : i32
          %dma_start3A_653 = arith.constant 0 : i32
          %dma_start3A_654 = tpu.memref_slice %arg6[%dma_start3A_652, %dma_start3A_653] : memref<10240x128xf32, #tpu.memory_space<vmem_shared>> -> memref<10240x128xf32, #tpu.memory_space<vmem_shared>>
          tpu.enqueue_indirect_dma source(%run_scoped3A_2 : memref<64x128xf32, #tpu.memory_space<vmem>>) target(%dma_start3A_654 : memref<10240x128xf32, #tpu.memory_space<vmem_shared>>) offsets(%run_scoped3A_10 : memref<64xi32, #tpu.memory_space<vmem>>) semaphore(%run_scoped3A_25 : memref<!tpu.dma_semaphore, #tpu.memory_space<semaphore_mem>>) {add = true}
          %dma_start3A_655 = arith.constant 0 : i32
          %dma_start3A_656 = tpu.memref_slice %arg7[%dma_start3A_655] : memref<10240xf32, #tpu.memory_space<vmem_shared>> -> memref<10240xf32, #tpu.memory_space<vmem_shared>>
          tpu.enqueue_indirect_dma source(%run_scoped3A_17 : memref<64xf32, #tpu.memory_space<vmem>>) target(%dma_start3A_656 : memref<10240xf32, #tpu.memory_space<vmem_shared>>) offsets(%run_scoped3A_10 : memref<64xi32, #tpu.memory_space<vmem>>) semaphore(%run_scoped3A_29 : memref<!tpu.dma_semaphore, #tpu.memory_space<semaphore_mem>>) {add = true}
        } else {
        }
      } else {
      }
      %get3A_175 = arith.constant 64 : index
      %get3A_176 = tpu.vector_load %run_scoped3A_13[%get3A_175] {strides = array<i32>} : memref<96xi32, #tpu.memory_space<vmem>>, vector<16xi32>,
      %swap3A_177 = arith.constant 0 : index
      %swap3A_178 = tpu.vector_load %run_scoped3A_13[%swap3A_177] {strides = array<i32>} : memref<96xi32, #tpu.memory_space<vmem>>, vector<16xi32>,
      tpu.vector_store %run_scoped3A_13[%swap3A_177], %get3A_176 {strides = array<i32>} : memref<96xi32, #tpu.memory_space<vmem>>, vector<16xi32>,
      %get3A_179 = arith.constant 64 : index
      %get3A_180 = tpu.vector_load %run_scoped3A_14[%get3A_179] {strides = array<i32>} : memref<96xi32, #tpu.memory_space<vmem>>, vector<16xi32>,
      %swap3A_181 = arith.constant 0 : index
      %swap3A_182 = tpu.vector_load %run_scoped3A_14[%swap3A_181] {strides = array<i32>} : memref<96xi32, #tpu.memory_space<vmem>>, vector<16xi32>,
      tpu.vector_store %run_scoped3A_14[%swap3A_181], %get3A_180 {strides = array<i32>} : memref<96xi32, #tpu.memory_space<vmem>>, vector<16xi32>,
      %add3A_183 = arith.constant 1 : i32
      %add3A_184 = arith.addi %scan3A_65#1, %add3A_183 : i32
      %ge3A = arith.constant 1 : i32
      %ge3A_185 = arith.cmpi sge, %add3A_184, %ge3A : i32
      %sub3A = arith.constant 1 : i32
      %sub3A_186 = arith.subi %add3A_184, %sub3A : i32
      %rem3A_187 = arith.constant 4 : i32
      %rem3A_188 = arith.remsi %sub3A_186, %rem3A_187 : i32
      %eq3A_189 = arith.constant 0 : i32
      %eq3A_190 = arith.cmpi eq, %rem3A_188, %eq3A_189 : i32
      %and3A_191 = arith.andi %ge3A_185, %eq3A_190 : i1
      %convert_element_type3A_192 = arith.extui %and3A_191 : i1 to i32
      %cond3A_193 = arith.constant 0 : i32
      %cond3A_194 = arith.cmpi ne, %convert_element_type3A_192, %cond3A_193 : i32
      scf.if %cond3A_194 {
        %dma_wait3A = arith.constant 0 : i32
        %dma_wait3A_606 = arith.constant 0 : i32
        %dma_wait3A_607 = tpu.memref_slice %arg3[%dma_wait3A, %dma_wait3A_606] : memref<10000x128xf32, #tpu.memory_space<hbm>> -> memref<10000x128xf32, #tpu.memory_space<hbm>>
        tpu.wait_indirect_dma semaphore(%run_scoped3A_20 : memref<!tpu.dma_semaphore, #tpu.memory_space<semaphore_mem>>) src(%dma_wait3A_607 : memref<10000x128xf32, #tpu.memory_space<hbm>>) dst(%run_scoped3A_1 : memref<64x128xf32, #tpu.memory_space<vmem>>)
        %dma_start3A = arith.constant 0 : i32
        %dma_start3A_608 = arith.constant 0 : i32
        %dma_start3A_609 = tpu.memref_slice %arg6[%dma_start3A, %dma_start3A_608] : memref<10240x128xf32, #tpu.memory_space<vmem_shared>> -> memref<10240x128xf32, #tpu.memory_space<vmem_shared>>
        tpu.enqueue_indirect_dma source(%run_scoped3A_1 : memref<64x128xf32, #tpu.memory_space<vmem>>) target(%dma_start3A_609 : memref<10240x128xf32, #tpu.memory_space<vmem_shared>>) offsets(%run_scoped3A_9 : memref<64xi32, #tpu.memory_space<vmem>>) semaphore(%run_scoped3A_24 : memref<!tpu.dma_semaphore, #tpu.memory_space<semaphore_mem>>) {add = true}
        %dma_start3A_610 = arith.constant 0 : i32
        %dma_start3A_611 = tpu.memref_slice %arg7[%dma_start3A_610] : memref<10240xf32, #tpu.memory_space<vmem_shared>> -> memref<10240xf32, #tpu.memory_space<vmem_shared>>
        tpu.enqueue_indirect_dma source(%run_scoped3A_17 : memref<64xf32, #tpu.memory_space<vmem>>) target(%dma_start3A_611 : memref<10240xf32, #tpu.memory_space<vmem_shared>>) offsets(%run_scoped3A_9 : memref<64xi32, #tpu.memory_space<vmem>>) semaphore(%run_scoped3A_28 : memref<!tpu.dma_semaphore, #tpu.memory_space<semaphore_mem>>) {add = true}
      } else {
      }
      %ge3A_195 = arith.constant 2 : i32
      %ge3A_196 = arith.cmpi sge, %add3A_184, %ge3A_195 : i32
      %sub3A_197 = arith.constant 2 : i32
      %sub3A_198 = arith.subi %add3A_184, %sub3A_197 : i32
      %rem3A_199 = arith.constant 4 : i32
      %rem3A_200 = arith.remsi %sub3A_198, %rem3A_199 : i32
      %eq3A_201 = arith.constant 0 : i32
      %eq3A_202 = arith.cmpi eq, %rem3A_200, %eq3A_201 : i32
      %and3A_203 = arith.andi %ge3A_196, %eq3A_202 : i1
      %convert_element_type3A_204 = arith.extui %and3A_203 : i1 to i32
      %cond3A_205 = arith.constant 0 : i32
      %cond3A_206 = arith.cmpi ne, %convert_element_type3A_204, %cond3A_205 : i32
      scf.if %cond3A_206 {
        %dma_wait3A = arith.constant 0 : i32
        %dma_wait3A_606 = arith.constant 0 : i32
        %dma_wait3A_607 = tpu.memref_slice %arg3[%dma_wait3A, %dma_wait3A_606] : memref<10000x128xf32, #tpu.memory_space<hbm>> -> memref<10000x128xf32, #tpu.memory_space<hbm>>
        tpu.wait_indirect_dma semaphore(%run_scoped3A_20 : memref<!tpu.dma_semaphore, #tpu.memory_space<semaphore_mem>>) src(%dma_wait3A_607 : memref<10000x128xf32, #tpu.memory_space<hbm>>) dst(%run_scoped3A_1 : memref<64x128xf32, #tpu.memory_space<vmem>>)
        %dma_start3A = arith.constant 0 : i32
        %dma_start3A_608 = arith.constant 0 : i32
        %dma_start3A_609 = tpu.memref_slice %arg6[%dma_start3A, %dma_start3A_608] : memref<10240x128xf32, #tpu.memory_space<vmem_shared>> -> memref<10240x128xf32, #tpu.memory_space<vmem_shared>>
        tpu.enqueue_indirect_dma source(%run_scoped3A_1 : memref<64x128xf32, #tpu.memory_space<vmem>>) target(%dma_start3A_609 : memref<10240x128xf32, #tpu.memory_space<vmem_shared>>) offsets(%run_scoped3A_9 : memref<64xi32, #tpu.memory_space<vmem>>) semaphore(%run_scoped3A_24 : memref<!tpu.dma_semaphore, #tpu.memory_space<semaphore_mem>>) {add = true}
        %dma_start3A_610 = arith.constant 0 : i32
        %dma_start3A_611 = tpu.memref_slice %arg7[%dma_start3A_610] : memref<10240xf32, #tpu.memory_space<vmem_shared>> -> memref<10240xf32, #tpu.memory_space<vmem_shared>>
        tpu.enqueue_indirect_dma source(%run_scoped3A_17 : memref<64xf32, #tpu.memory_space<vmem>>) target(%dma_start3A_611 : memref<10240xf32, #tpu.memory_space<vmem_shared>>) offsets(%run_scoped3A_9 : memref<64xi32, #tpu.memory_space<vmem>>) semaphore(%run_scoped3A_28 : memref<!tpu.dma_semaphore, #tpu.memory_space<semaphore_mem>>) {add = true}
      } else {
      }
      %ge3A_207 = arith.constant 1 : i32
      %ge3A_208 = arith.cmpi sge, %add3A_184, %ge3A_207 : i32
      %sub3A_209 = arith.constant 1 : i32
      %sub3A_210 = arith.subi %add3A_184, %sub3A_209 : i32
      %rem3A_211 = arith.constant 4 : i32
      %rem3A_212 = arith.remsi %sub3A_210, %rem3A_211 : i32
      %eq3A_213 = arith.constant 1 : i32
      %eq3A_214 = arith.cmpi eq, %rem3A_212, %eq3A_213 : i32
      %and3A_215 = arith.andi %ge3A_208, %eq3A_214 : i1
      %convert_element_type3A_216 = arith.extui %and3A_215 : i1 to i32
      %cond3A_217 = arith.constant 0 : i32
      %cond3A_218 = arith.cmpi ne, %convert_element_type3A_216, %cond3A_217 : i32
      scf.if %cond3A_218 {
        %dma_wait3A = arith.constant 0 : i32
        %dma_wait3A_606 = arith.constant 0 : i32
        %dma_wait3A_607 = tpu.memref_slice %arg3[%dma_wait3A, %dma_wait3A_606] : memref<10000x128xf32, #tpu.memory_space<hbm>> -> memref<10000x128xf32, #tpu.memory_space<hbm>>
        tpu.wait_indirect_dma semaphore(%run_scoped3A_21 : memref<!tpu.dma_semaphore, #tpu.memory_space<semaphore_mem>>) src(%dma_wait3A_607 : memref<10000x128xf32, #tpu.memory_space<hbm>>) dst(%run_scoped3A_2 : memref<64x128xf32, #tpu.memory_space<vmem>>)
        %dma_start3A = arith.constant 0 : i32
        %dma_start3A_608 = arith.constant 0 : i32
        %dma_start3A_609 = tpu.memref_slice %arg6[%dma_start3A, %dma_start3A_608] : memref<10240x128xf32, #tpu.memory_space<vmem_shared>> -> memref<10240x128xf32, #tpu.memory_space<vmem_shared>>
        tpu.enqueue_indirect_dma source(%run_scoped3A_2 : memref<64x128xf32, #tpu.memory_space<vmem>>) target(%dma_start3A_609 : memref<10240x128xf32, #tpu.memory_space<vmem_shared>>) offsets(%run_scoped3A_10 : memref<64xi32, #tpu.memory_space<vmem>>) semaphore(%run_scoped3A_25 : memref<!tpu.dma_semaphore, #tpu.memory_space<semaphore_mem>>) {add = true}
        %dma_start3A_610 = arith.constant 0 : i32
        %dma_start3A_611 = tpu.memref_slice %arg7[%dma_start3A_610] : memref<10240xf32, #tpu.memory_space<vmem_shared>> -> memref<10240xf32, #tpu.memory_space<vmem_shared>>
        tpu.enqueue_indirect_dma source(%run_scoped3A_17 : memref<64xf32, #tpu.memory_space<vmem>>) target(%dma_start3A_611 : memref<10240xf32, #tpu.memory_space<vmem_shared>>) offsets(%run_scoped3A_10 : memref<64xi32, #tpu.memory_space<vmem>>) semaphore(%run_scoped3A_29 : memref<!tpu.dma_semaphore, #tpu.memory_space<semaphore_mem>>) {add = true}
      } else {
      }
      %ge3A_219 = arith.constant 2 : i32
      %ge3A_220 = arith.cmpi sge, %add3A_184, %ge3A_219 : i32
      %sub3A_221 = arith.constant 2 : i32
      %sub3A_222 = arith.subi %add3A_184, %sub3A_221 : i32
      %rem3A_223 = arith.constant 4 : i32
      %rem3A_224 = arith.remsi %sub3A_222, %rem3A_223 : i32
      %eq3A_225 = arith.constant 1 : i32
      %eq3A_226 = arith.cmpi eq, %rem3A_224, %eq3A_225 : i32
      %and3A_227 = arith.andi %ge3A_220, %eq3A_226 : i1
      %convert_element_type3A_228 = arith.extui %and3A_227 : i1 to i32
      %cond3A_229 = arith.constant 0 : i32
      %cond3A_230 = arith.cmpi ne, %convert_element_type3A_228, %cond3A_229 : i32
      scf.if %cond3A_230 {
        %dma_wait3A = arith.constant 0 : i32
        %dma_wait3A_606 = arith.constant 0 : i32
        %dma_wait3A_607 = tpu.memref_slice %arg3[%dma_wait3A, %dma_wait3A_606] : memref<10000x128xf32, #tpu.memory_space<hbm>> -> memref<10000x128xf32, #tpu.memory_space<hbm>>
        tpu.wait_indirect_dma semaphore(%run_scoped3A_21 : memref<!tpu.dma_semaphore, #tpu.memory_space<semaphore_mem>>) src(%dma_wait3A_607 : memref<10000x128xf32, #tpu.memory_space<hbm>>) dst(%run_scoped3A_2 : memref<64x128xf32, #tpu.memory_space<vmem>>)
        %dma_start3A = arith.constant 0 : i32
        %dma_start3A_608 = arith.constant 0 : i32
        %dma_start3A_609 = tpu.memref_slice %arg6[%dma_start3A, %dma_start3A_608] : memref<10240x128xf32, #tpu.memory_space<vmem_shared>> -> memref<10240x128xf32, #tpu.memory_space<vmem_shared>>
        tpu.enqueue_indirect_dma source(%run_scoped3A_2 : memref<64x128xf32, #tpu.memory_space<vmem>>) target(%dma_start3A_609 : memref<10240x128xf32, #tpu.memory_space<vmem_shared>>) offsets(%run_scoped3A_10 : memref<64xi32, #tpu.memory_space<vmem>>) semaphore(%run_scoped3A_25 : memref<!tpu.dma_semaphore, #tpu.memory_space<semaphore_mem>>) {add = true}
        %dma_start3A_610 = arith.constant 0 : i32
        %dma_start3A_611 = tpu.memref_slice %arg7[%dma_start3A_610] : memref<10240xf32, #tpu.memory_space<vmem_shared>> -> memref<10240xf32, #tpu.memory_space<vmem_shared>>
        tpu.enqueue_indirect_dma source(%run_scoped3A_17 : memref<64xf32, #tpu.memory_space<vmem>>) target(%dma_start3A_611 : memref<10240xf32, #tpu.memory_space<vmem_shared>>) offsets(%run_scoped3A_10 : memref<64xi32, #tpu.memory_space<vmem>>) semaphore(%run_scoped3A_29 : memref<!tpu.dma_semaphore, #tpu.memory_space<semaphore_mem>>) {add = true}
      } else {
      }
      %ge3A_231 = arith.constant 1 : i32
      %ge3A_232 = arith.cmpi sge, %add3A_184, %ge3A_231 : i32
      %sub3A_233 = arith.constant 1 : i32
      %sub3A_234 = arith.subi %add3A_184, %sub3A_233 : i32
      %rem3A_235 = arith.constant 4 : i32
      %rem3A_236 = arith.remsi %sub3A_234, %rem3A_235 : i32
      %eq3A_237 = arith.constant 2 : i32
      %eq3A_238 = arith.cmpi eq, %rem3A_236, %eq3A_237 : i32
      %and3A_239 = arith.andi %ge3A_232, %eq3A_238 : i1
      %convert_element_type3A_240 = arith.extui %and3A_239 : i1 to i32
      %cond3A_241 = arith.constant 0 : i32
      %cond3A_242 = arith.cmpi ne, %convert_element_type3A_240, %cond3A_241 : i32
      scf.if %cond3A_242 {
        %dma_wait3A = arith.constant 0 : i32
        %dma_wait3A_606 = arith.constant 0 : i32
        %dma_wait3A_607 = tpu.memref_slice %arg3[%dma_wait3A, %dma_wait3A_606] : memref<10000x128xf32, #tpu.memory_space<hbm>> -> memref<10000x128xf32, #tpu.memory_space<hbm>>
        tpu.wait_indirect_dma semaphore(%run_scoped3A_22 : memref<!tpu.dma_semaphore, #tpu.memory_space<semaphore_mem>>) src(%dma_wait3A_607 : memref<10000x128xf32, #tpu.memory_space<hbm>>) dst(%run_scoped3A_3 : memref<64x128xf32, #tpu.memory_space<vmem>>)
        %dma_start3A = arith.constant 0 : i32
        %dma_start3A_608 = arith.constant 0 : i32
        %dma_start3A_609 = tpu.memref_slice %arg6[%dma_start3A, %dma_start3A_608] : memref<10240x128xf32, #tpu.memory_space<vmem_shared>> -> memref<10240x128xf32, #tpu.memory_space<vmem_shared>>
        tpu.enqueue_indirect_dma source(%run_scoped3A_3 : memref<64x128xf32, #tpu.memory_space<vmem>>) target(%dma_start3A_609 : memref<10240x128xf32, #tpu.memory_space<vmem_shared>>) offsets(%run_scoped3A_11 : memref<64xi32, #tpu.memory_space<vmem>>) semaphore(%run_scoped3A_26 : memref<!tpu.dma_semaphore, #tpu.memory_space<semaphore_mem>>) {add = true}
        %dma_start3A_610 = arith.constant 0 : i32
        %dma_start3A_611 = tpu.memref_slice %arg7[%dma_start3A_610] : memref<10240xf32, #tpu.memory_space<vmem_shared>> -> memref<10240xf32, #tpu.memory_space<vmem_shared>>
        tpu.enqueue_indirect_dma source(%run_scoped3A_17 : memref<64xf32, #tpu.memory_space<vmem>>) target(%dma_start3A_611 : memref<10240xf32, #tpu.memory_space<vmem_shared>>) offsets(%run_scoped3A_11 : memref<64xi32, #tpu.memory_space<vmem>>) semaphore(%run_scoped3A_30 : memref<!tpu.dma_semaphore, #tpu.memory_space<semaphore_mem>>) {add = true}
      } else {
      }
      %ge3A_243 = arith.constant 2 : i32
      %ge3A_244 = arith.cmpi sge, %add3A_184, %ge3A_243 : i32
      %sub3A_245 = arith.constant 2 : i32
      %sub3A_246 = arith.subi %add3A_184, %sub3A_245 : i32
      %rem3A_247 = arith.constant 4 : i32
      %rem3A_248 = arith.remsi %sub3A_246, %rem3A_247 : i32
      %eq3A_249 = arith.constant 2 : i32
      %eq3A_250 = arith.cmpi eq, %rem3A_248, %eq3A_249 : i32
      %and3A_251 = arith.andi %ge3A_244, %eq3A_250 : i1
      %convert_element_type3A_252 = arith.extui %and3A_251 : i1 to i32
      %cond3A_253 = arith.constant 0 : i32
      %cond3A_254 = arith.cmpi ne, %convert_element_type3A_252, %cond3A_253 : i32
      scf.if %cond3A_254 {
        %dma_wait3A = arith.constant 0 : i32
        %dma_wait3A_606 = arith.constant 0 : i32
        %dma_wait3A_607 = tpu.memref_slice %arg3[%dma_wait3A, %dma_wait3A_606] : memref<10000x128xf32, #tpu.memory_space<hbm>> -> memref<10000x128xf32, #tpu.memory_space<hbm>>
        tpu.wait_indirect_dma semaphore(%run_scoped3A_22 : memref<!tpu.dma_semaphore, #tpu.memory_space<semaphore_mem>>) src(%dma_wait3A_607 : memref<10000x128xf32, #tpu.memory_space<hbm>>) dst(%run_scoped3A_3 : memref<64x128xf32, #tpu.memory_space<vmem>>)
        %dma_start3A = arith.constant 0 : i32
        %dma_start3A_608 = arith.constant 0 : i32
        %dma_start3A_609 = tpu.memref_slice %arg6[%dma_start3A, %dma_start3A_608] : memref<10240x128xf32, #tpu.memory_space<vmem_shared>> -> memref<10240x128xf32, #tpu.memory_space<vmem_shared>>
        tpu.enqueue_indirect_dma source(%run_scoped3A_3 : memref<64x128xf32, #tpu.memory_space<vmem>>) target(%dma_start3A_609 : memref<10240x128xf32, #tpu.memory_space<vmem_shared>>) offsets(%run_scoped3A_11 : memref<64xi32, #tpu.memory_space<vmem>>) semaphore(%run_scoped3A_26 : memref<!tpu.dma_semaphore, #tpu.memory_space<semaphore_mem>>) {add = true}
        %dma_start3A_610 = arith.constant 0 : i32
        %dma_start3A_611 = tpu.memref_slice %arg7[%dma_start3A_610] : memref<10240xf32, #tpu.memory_space<vmem_shared>> -> memref<10240xf32, #tpu.memory_space<vmem_shared>>
        tpu.enqueue_indirect_dma source(%run_scoped3A_17 : memref<64xf32, #tpu.memory_space<vmem>>) target(%dma_start3A_611 : memref<10240xf32, #tpu.memory_space<vmem_shared>>) offsets(%run_scoped3A_11 : memref<64xi32, #tpu.memory_space<vmem>>) semaphore(%run_scoped3A_30 : memref<!tpu.dma_semaphore, #tpu.memory_space<semaphore_mem>>) {add = true}
      } else {
      }
      %ge3A_255 = arith.constant 1 : i32
      %ge3A_256 = arith.cmpi sge, %add3A_184, %ge3A_255 : i32
      %sub3A_257 = arith.constant 1 : i32
      %sub3A_258 = arith.subi %add3A_184, %sub3A_257 : i32
      %rem3A_259 = arith.constant 4 : i32
      %rem3A_260 = arith.remsi %sub3A_258, %rem3A_259 : i32
      %eq3A_261 = arith.constant 3 : i32
      %eq3A_262 = arith.cmpi eq, %rem3A_260, %eq3A_261 : i32
      %and3A_263 = arith.andi %ge3A_256, %eq3A_262 : i1
      %convert_element_type3A_264 = arith.extui %and3A_263 : i1 to i32
      %cond3A_265 = arith.constant 0 : i32
      %cond3A_266 = arith.cmpi ne, %convert_element_type3A_264, %cond3A_265 : i32
      scf.if %cond3A_266 {
        %dma_wait3A = arith.constant 0 : i32
        %dma_wait3A_606 = arith.constant 0 : i32
        %dma_wait3A_607 = tpu.memref_slice %arg3[%dma_wait3A, %dma_wait3A_606] : memref<10000x128xf32, #tpu.memory_space<hbm>> -> memref<10000x128xf32, #tpu.memory_space<hbm>>
        tpu.wait_indirect_dma semaphore(%run_scoped3A_23 : memref<!tpu.dma_semaphore, #tpu.memory_space<semaphore_mem>>) src(%dma_wait3A_607 : memref<10000x128xf32, #tpu.memory_space<hbm>>) dst(%run_scoped3A_4 : memref<64x128xf32, #tpu.memory_space<vmem>>)
        %dma_start3A = arith.constant 0 : i32
        %dma_start3A_608 = arith.constant 0 : i32
        %dma_start3A_609 = tpu.memref_slice %arg6[%dma_start3A, %dma_start3A_608] : memref<10240x128xf32, #tpu.memory_space<vmem_shared>> -> memref<10240x128xf32, #tpu.memory_space<vmem_shared>>
        tpu.enqueue_indirect_dma source(%run_scoped3A_4 : memref<64x128xf32, #tpu.memory_space<vmem>>) target(%dma_start3A_609 : memref<10240x128xf32, #tpu.memory_space<vmem_shared>>) offsets(%run_scoped3A_12 : memref<64xi32, #tpu.memory_space<vmem>>) semaphore(%run_scoped3A_27 : memref<!tpu.dma_semaphore, #tpu.memory_space<semaphore_mem>>) {add = true}
        %dma_start3A_610 = arith.constant 0 : i32
        %dma_start3A_611 = tpu.memref_slice %arg7[%dma_start3A_610] : memref<10240xf32, #tpu.memory_space<vmem_shared>> -> memref<10240xf32, #tpu.memory_space<vmem_shared>>
        tpu.enqueue_indirect_dma source(%run_scoped3A_17 : memref<64xf32, #tpu.memory_space<vmem>>) target(%dma_start3A_611 : memref<10240xf32, #tpu.memory_space<vmem_shared>>) offsets(%run_scoped3A_12 : memref<64xi32, #tpu.memory_space<vmem>>) semaphore(%run_scoped3A_31 : memref<!tpu.dma_semaphore, #tpu.memory_space<semaphore_mem>>) {add = true}
      } else {
      }
      %ge3A_267 = arith.constant 2 : i32
      %ge3A_268 = arith.cmpi sge, %add3A_184, %ge3A_267 : i32
      %sub3A_269 = arith.constant 2 : i32
      %sub3A_270 = arith.subi %add3A_184, %sub3A_269 : i32
      %rem3A_271 = arith.constant 4 : i32
      %rem3A_272 = arith.remsi %sub3A_270, %rem3A_271 : i32
      %eq3A_273 = arith.constant 3 : i32
      %eq3A_274 = arith.cmpi eq, %rem3A_272, %eq3A_273 : i32
      %and3A_275 = arith.andi %ge3A_268, %eq3A_274 : i1
      %convert_element_type3A_276 = arith.extui %and3A_275 : i1 to i32
      %cond3A_277 = arith.constant 0 : i32
      %cond3A_278 = arith.cmpi ne, %convert_element_type3A_276, %cond3A_277 : i32
      scf.if %cond3A_278 {
        %dma_wait3A = arith.constant 0 : i32
        %dma_wait3A_606 = arith.constant 0 : i32
        %dma_wait3A_607 = tpu.memref_slice %arg3[%dma_wait3A, %dma_wait3A_606] : memref<10000x128xf32, #tpu.memory_space<hbm>> -> memref<10000x128xf32, #tpu.memory_space<hbm>>
        tpu.wait_indirect_dma semaphore(%run_scoped3A_23 : memref<!tpu.dma_semaphore, #tpu.memory_space<semaphore_mem>>) src(%dma_wait3A_607 : memref<10000x128xf32, #tpu.memory_space<hbm>>) dst(%run_scoped3A_4 : memref<64x128xf32, #tpu.memory_space<vmem>>)
        %dma_start3A = arith.constant 0 : i32
        %dma_start3A_608 = arith.constant 0 : i32
        %dma_start3A_609 = tpu.memref_slice %arg6[%dma_start3A, %dma_start3A_608] : memref<10240x128xf32, #tpu.memory_space<vmem_shared>> -> memref<10240x128xf32, #tpu.memory_space<vmem_shared>>
        tpu.enqueue_indirect_dma source(%run_scoped3A_4 : memref<64x128xf32, #tpu.memory_space<vmem>>) target(%dma_start3A_609 : memref<10240x128xf32, #tpu.memory_space<vmem_shared>>) offsets(%run_scoped3A_12 : memref<64xi32, #tpu.memory_space<vmem>>) semaphore(%run_scoped3A_27 : memref<!tpu.dma_semaphore, #tpu.memory_space<semaphore_mem>>) {add = true}
        %dma_start3A_610 = arith.constant 0 : i32
        %dma_start3A_611 = tpu.memref_slice %arg7[%dma_start3A_610] : memref<10240xf32, #tpu.memory_space<vmem_shared>> -> memref<10240xf32, #tpu.memory_space<vmem_shared>>
        tpu.enqueue_indirect_dma source(%run_scoped3A_17 : memref<64xf32, #tpu.memory_space<vmem>>) target(%dma_start3A_611 : memref<10240xf32, #tpu.memory_space<vmem_shared>>) offsets(%run_scoped3A_12 : memref<64xi32, #tpu.memory_space<vmem>>) semaphore(%run_scoped3A_31 : memref<!tpu.dma_semaphore, #tpu.memory_space<semaphore_mem>>) {add = true}
      } else {
      }
      %ge3A_279 = arith.constant 1 : i32
      %ge3A_280 = arith.cmpi sge, %add3A_184, %ge3A_279 : i32
      %convert_element_type3A_281 = arith.extui %ge3A_280 : i1 to i32
      %cond3A_282 = arith.constant 0 : i32
      %cond3A_283 = arith.cmpi ne, %convert_element_type3A_281, %cond3A_282 : i32
      scf.if %cond3A_283 {
        %dma_wait3A = arith.constant 0 : i32
        %dma_wait3A_606 = arith.constant 0 : i32
        %dma_wait3A_607 = tpu.memref_slice %arg6[%dma_wait3A, %dma_wait3A_606] : memref<10240x128xf32, #tpu.memory_space<vmem_shared>> -> memref<10240x128xf32, #tpu.memory_space<vmem_shared>>
        tpu.wait_indirect_dma semaphore(%run_scoped3A_24 : memref<!tpu.dma_semaphore, #tpu.memory_space<semaphore_mem>>) src(%run_scoped3A_1 : memref<64x128xf32, #tpu.memory_space<vmem>>) dst(%dma_wait3A_607 : memref<10240x128xf32, #tpu.memory_space<vmem_shared>>)
        %dma_wait3A_608 = arith.constant 0 : i32
        %dma_wait3A_609 = tpu.memref_slice %arg7[%dma_wait3A_608] : memref<10240xf32, #tpu.memory_space<vmem_shared>> -> memref<10240xf32, #tpu.memory_space<vmem_shared>>
        tpu.wait_indirect_dma semaphore(%run_scoped3A_28 : memref<!tpu.dma_semaphore, #tpu.memory_space<semaphore_mem>>) src(%run_scoped3A_17 : memref<64xf32, #tpu.memory_space<vmem>>) dst(%dma_wait3A_609 : memref<10240xf32, #tpu.memory_space<vmem_shared>>)
      } else {
      }
      %ge3A_284 = arith.constant 2 : i32
      %ge3A_285 = arith.cmpi sge, %add3A_184, %ge3A_284 : i32
      %convert_element_type3A_286 = arith.extui %ge3A_285 : i1 to i32
      %cond3A_287 = arith.constant 0 : i32
      %cond3A_288 = arith.cmpi ne, %convert_element_type3A_286, %cond3A_287 : i32
      scf.if %cond3A_288 {
        %dma_wait3A = arith.constant 0 : i32
        %dma_wait3A_606 = arith.constant 0 : i32
        %dma_wait3A_607 = tpu.memref_slice %arg6[%dma_wait3A, %dma_wait3A_606] : memref<10240x128xf32, #tpu.memory_space<vmem_shared>> -> memref<10240x128xf32, #tpu.memory_space<vmem_shared>>
        tpu.wait_indirect_dma semaphore(%run_scoped3A_25 : memref<!tpu.dma_semaphore, #tpu.memory_space<semaphore_mem>>) src(%run_scoped3A_2 : memref<64x128xf32, #tpu.memory_space<vmem>>) dst(%dma_wait3A_607 : memref<10240x128xf32, #tpu.memory_space<vmem_shared>>)
        %dma_wait3A_608 = arith.constant 0 : i32
        %dma_wait3A_609 = tpu.memref_slice %arg7[%dma_wait3A_608] : memref<10240xf32, #tpu.memory_space<vmem_shared>> -> memref<10240xf32, #tpu.memory_space<vmem_shared>>
        tpu.wait_indirect_dma semaphore(%run_scoped3A_29 : memref<!tpu.dma_semaphore, #tpu.memory_space<semaphore_mem>>) src(%run_scoped3A_17 : memref<64xf32, #tpu.memory_space<vmem>>) dst(%dma_wait3A_609 : memref<10240xf32, #tpu.memory_space<vmem_shared>>)
      } else {
      }
      %ge3A_289 = arith.constant 3 : i32
      %ge3A_290 = arith.cmpi sge, %add3A_184, %ge3A_289 : i32
      %convert_element_type3A_291 = arith.extui %ge3A_290 : i1 to i32
      %cond3A_292 = arith.constant 0 : i32
      %cond3A_293 = arith.cmpi ne, %convert_element_type3A_291, %cond3A_292 : i32
      scf.if %cond3A_293 {
        %dma_wait3A = arith.constant 0 : i32
        %dma_wait3A_606 = arith.constant 0 : i32
        %dma_wait3A_607 = tpu.memref_slice %arg6[%dma_wait3A, %dma_wait3A_606] : memref<10240x128xf32, #tpu.memory_space<vmem_shared>> -> memref<10240x128xf32, #tpu.memory_space<vmem_shared>>
        tpu.wait_indirect_dma semaphore(%run_scoped3A_26 : memref<!tpu.dma_semaphore, #tpu.memory_space<semaphore_mem>>) src(%run_scoped3A_3 : memref<64x128xf32, #tpu.memory_space<vmem>>) dst(%dma_wait3A_607 : memref<10240x128xf32, #tpu.memory_space<vmem_shared>>)
        %dma_wait3A_608 = arith.constant 0 : i32
        %dma_wait3A_609 = tpu.memref_slice %arg7[%dma_wait3A_608] : memref<10240xf32, #tpu.memory_space<vmem_shared>> -> memref<10240xf32, #tpu.memory_space<vmem_shared>>
        tpu.wait_indirect_dma semaphore(%run_scoped3A_30 : memref<!tpu.dma_semaphore, #tpu.memory_space<semaphore_mem>>) src(%run_scoped3A_17 : memref<64xf32, #tpu.memory_space<vmem>>) dst(%dma_wait3A_609 : memref<10240xf32, #tpu.memory_space<vmem_shared>>)
      } else {
      }
      %ge3A_294 = arith.constant 4 : i32
      %ge3A_295 = arith.cmpi sge, %add3A_184, %ge3A_294 : i32
      %convert_element_type3A_296 = arith.extui %ge3A_295 : i1 to i32
      %cond3A_297 = arith.constant 0 : i32
      %cond3A_298 = arith.cmpi ne, %convert_element_type3A_296, %cond3A_297 : i32
      scf.if %cond3A_298 {
        %dma_wait3A = arith.constant 0 : i32
        %dma_wait3A_606 = arith.constant 0 : i32
        %dma_wait3A_607 = tpu.memref_slice %arg6[%dma_wait3A, %dma_wait3A_606] : memref<10240x128xf32, #tpu.memory_space<vmem_shared>> -> memref<10240x128xf32, #tpu.memory_space<vmem_shared>>
        tpu.wait_indirect_dma semaphore(%run_scoped3A_27 : memref<!tpu.dma_semaphore, #tpu.memory_space<semaphore_mem>>) src(%run_scoped3A_4 : memref<64x128xf32, #tpu.memory_space<vmem>>) dst(%dma_wait3A_607 : memref<10240x128xf32, #tpu.memory_space<vmem_shared>>)
        %dma_wait3A_608 = arith.constant 0 : i32
        %dma_wait3A_609 = tpu.memref_slice %arg7[%dma_wait3A_608] : memref<10240xf32, #tpu.memory_space<vmem_shared>> -> memref<10240xf32, #tpu.memory_space<vmem_shared>>
        tpu.wait_indirect_dma semaphore(%run_scoped3A_31 : memref<!tpu.dma_semaphore, #tpu.memory_space<semaphore_mem>>) src(%run_scoped3A_17 : memref<64xf32, #tpu.memory_space<vmem>>) dst(%dma_wait3A_609 : memref<10240xf32, #tpu.memory_space<vmem_shared>>)
      } else {
      }
      %barrier3A_299 = arith.constant 0 : index
      tpu.barrier barrier_id(%barrier3A_299)
      %scan3A_300 = arith.constant 0 : i32
      %scan3A_301 = arith.constant 0 : i32
      %scan3A_302 = arith.constant 20 : i32
      %scan3A_303 = arith.addi %scan3A_301, %scan3A_302 : i32
      %scan3A_304 = arith.constant 1 : i32
      scf.for %scan3A_606 = %scan3A_301 to %scan3A_303 step %scan3A_304  : i32 {
        %mul3A_607 = arith.constant 640 : i32
        %mul3A_608 = arith.muli %arg1, %mul3A_607 : i32
        %mul3A_609 = arith.constant 32 : i32
        %mul3A_610 = arith.muli %scan3A_606, %mul3A_609 : i32
        %add3A_611 = arith.addi %mul3A_608, %mul3A_610 : i32
        "tpu.region"() ({
          %run_scoped3A_617 = tpu.sem_alloc : memref<!tpu.dma_semaphore, #tpu.memory_space<semaphore_mem>>
          %dma_start3A = arith.constant 0 : i32
          %dma_start3A_618 = tpu.memref_slice %arg6[%add3A_611, %dma_start3A] : memref<10240x128xf32, #tpu.memory_space<vmem_shared>> -> memref<32x128xf32, #tpu.memory_space<vmem_shared>>
          %dma_start3A_619 = arith.constant 0 : i32
          %dma_start3A_620 = tpu.memref_slice %arg6[%add3A_611, %dma_start3A_619] : memref<10240x128xf32, #tpu.memory_space<vmem_shared>> -> memref<32x128xf32, #tpu.memory_space<vmem_shared>>
          tpu.enqueue_dma source(%dma_start3A_620 : memref<32x128xf32, #tpu.memory_space<vmem_shared>>) target(%run_scoped3A_18 : memref<32x128xf32, #tpu.memory_space<vmem>>) target_semaphore(%run_scoped3A_617 : memref<!tpu.dma_semaphore, #tpu.memory_space<semaphore_mem>>)
          %dma_wait3A = arith.constant 0 : i32
          %dma_wait3A_621 = tpu.memref_slice %arg6[%add3A_611, %dma_wait3A] : memref<10240x128xf32, #tpu.memory_space<vmem_shared>> -> memref<32x128xf32, #tpu.memory_space<vmem_shared>>
          %dma_wait3A_622 = arith.constant 0 : i32
          %dma_wait3A_623 = tpu.memref_slice %arg6[%add3A_611, %dma_wait3A_622] : memref<10240x128xf32, #tpu.memory_space<vmem_shared>> -> memref<32x128xf32, #tpu.memory_space<vmem_shared>>
          tpu.wait_dma2 semaphore(%run_scoped3A_617 : memref<!tpu.dma_semaphore, #tpu.memory_space<semaphore_mem>>) src(%dma_wait3A_623 : memref<32x128xf32, #tpu.memory_space<vmem_shared>>) dst(%run_scoped3A_18 : memref<32x128xf32, #tpu.memory_space<vmem>>)
          tpu.yield
        }) : () -> ()
        %mul3A_612 = arith.constant 640 : i32
        %mul3A_613 = arith.muli %arg1, %mul3A_612 : i32
        %mul3A_614 = arith.constant 32 : i32
        %mul3A_615 = arith.muli %scan3A_606, %mul3A_614 : i32
        %add3A_616 = arith.addi %mul3A_613, %mul3A_615 : i32
        "tpu.region"() ({
          %run_scoped3A_617 = tpu.sem_alloc : memref<!tpu.dma_semaphore, #tpu.memory_space<semaphore_mem>>
          %dma_start3A = arith.constant 0 : i32
          %dma_start3A_618 = tpu.memref_slice %arg4[%arg0, %add3A_616, %dma_start3A] : memref<2x15360x128xf32, #tpu.memory_space<hbm>> -> memref<1x32x128xf32, #tpu.memory_space<hbm>>
          %dma_start3A_619 = tpu.memref_squeeze %dma_start3A_618 : memref<1x32x128xf32, #tpu.memory_space<hbm>> -> memref<32x128xf32, #tpu.memory_space<hbm>>
          %dma_start3A_620 = arith.constant 0 : i32
          %dma_start3A_621 = tpu.memref_slice %arg4[%arg0, %add3A_616, %dma_start3A_620] : memref<2x15360x128xf32, #tpu.memory_space<hbm>> -> memref<1x32x128xf32, #tpu.memory_space<hbm>>
          %dma_start3A_622 = tpu.memref_squeeze %dma_start3A_621 : memref<1x32x128xf32, #tpu.memory_space<hbm>> -> memref<32x128xf32, #tpu.memory_space<hbm>>
          tpu.enqueue_dma source(%run_scoped3A_18 : memref<32x128xf32, #tpu.memory_space<vmem>>) target(%dma_start3A_622 : memref<32x128xf32, #tpu.memory_space<hbm>>) target_semaphore(%run_scoped3A_617 : memref<!tpu.dma_semaphore, #tpu.memory_space<semaphore_mem>>)
          %dma_wait3A = arith.constant 0 : i32
          %dma_wait3A_623 = tpu.memref_slice %arg4[%arg0, %add3A_616, %dma_wait3A] : memref<2x15360x128xf32, #tpu.memory_space<hbm>> -> memref<1x32x128xf32, #tpu.memory_space<hbm>>
          %dma_wait3A_624 = tpu.memref_squeeze %dma_wait3A_623 : memref<1x32x128xf32, #tpu.memory_space<hbm>> -> memref<32x128xf32, #tpu.memory_space<hbm>>
          %dma_wait3A_625 = arith.constant 0 : i32
          %dma_wait3A_626 = tpu.memref_slice %arg4[%arg0, %add3A_616, %dma_wait3A_625] : memref<2x15360x128xf32, #tpu.memory_space<hbm>> -> memref<1x32x128xf32, #tpu.memory_space<hbm>>
          %dma_wait3A_627 = tpu.memref_squeeze %dma_wait3A_626 : memref<1x32x128xf32, #tpu.memory_space<hbm>> -> memref<32x128xf32, #tpu.memory_space<hbm>>
          tpu.wait_dma2 semaphore(%run_scoped3A_617 : memref<!tpu.dma_semaphore, #tpu.memory_space<semaphore_mem>>) src(%run_scoped3A_18 : memref<32x128xf32, #tpu.memory_space<vmem>>) dst(%dma_wait3A_627 : memref<32x128xf32, #tpu.memory_space<hbm>>)
          tpu.yield
        }) : () -> ()
      }
      %scan3A_305 = arith.constant 20 : i32
      %mul3A_306 = arith.constant 640 : i32
      %mul3A_307 = arith.muli %arg1, %mul3A_306 : i32
      "tpu.region"() ({
        %run_scoped3A_606 = tpu.sem_alloc : memref<!tpu.dma_semaphore, #tpu.memory_space<semaphore_mem>>
        %dma_start3A = tpu.memref_slice %arg7[%mul3A_307] : memref<10240xf32, #tpu.memory_space<vmem_shared>> -> memref<640xf32, #tpu.memory_space<vmem_shared>>
        %dma_start3A_607 = tpu.memref_slice %arg7[%mul3A_307] : memref<10240xf32, #tpu.memory_space<vmem_shared>> -> memref<640xf32, #tpu.memory_space<vmem_shared>>
        tpu.enqueue_dma source(%dma_start3A_607 : memref<640xf32, #tpu.memory_space<vmem_shared>>) target(%run_scoped3A_19 : memref<640xf32, #tpu.memory_space<vmem>>) target_semaphore(%run_scoped3A_606 : memref<!tpu.dma_semaphore, #tpu.memory_space<semaphore_mem>>)
        %dma_wait3A = tpu.memref_slice %arg7[%mul3A_307] : memref<10240xf32, #tpu.memory_space<vmem_shared>> -> memref<640xf32, #tpu.memory_space<vmem_shared>>
        %dma_wait3A_608 = tpu.memref_slice %arg7[%mul3A_307] : memref<10240xf32, #tpu.memory_space<vmem_shared>> -> memref<640xf32, #tpu.memory_space<vmem_shared>>
        tpu.wait_dma2 semaphore(%run_scoped3A_606 : memref<!tpu.dma_semaphore, #tpu.memory_space<semaphore_mem>>) src(%dma_wait3A_608 : memref<640xf32, #tpu.memory_space<vmem_shared>>) dst(%run_scoped3A_19 : memref<640xf32, #tpu.memory_space<vmem>>)
        tpu.yield
      }) : () -> ()
      %mul3A_308 = arith.constant 15360 : i32
      %mul3A_309 = arith.muli %arg0, %mul3A_308 : i32
      %mul3A_310 = arith.constant 640 : i32
      %mul3A_311 = arith.muli %arg1, %mul3A_310 : i32
      %add3A_312 = arith.addi %mul3A_309, %mul3A_311 : i32
      "tpu.region"() ({
        %run_scoped3A_606 = tpu.sem_alloc : memref<!tpu.dma_semaphore, #tpu.memory_space<semaphore_mem>>
        %dma_start3A = tpu.memref_slice %arg5[%add3A_312] : memref<30720xf32, #tpu.memory_space<hbm>> -> memref<640xf32, #tpu.memory_space<hbm>>
        %dma_start3A_607 = tpu.memref_slice %arg5[%add3A_312] : memref<30720xf32, #tpu.memory_space<hbm>> -> memref<640xf32, #tpu.memory_space<hbm>>
        tpu.enqueue_dma source(%run_scoped3A_19 : memref<640xf32, #tpu.memory_space<vmem>>) target(%dma_start3A_607 : memref<640xf32, #tpu.memory_space<hbm>>) target_semaphore(%run_scoped3A_606 : memref<!tpu.dma_semaphore, #tpu.memory_space<semaphore_mem>>)
        %dma_wait3A = tpu.memref_slice %arg5[%add3A_312] : memref<30720xf32, #tpu.memory_space<hbm>> -> memref<640xf32, #tpu.memory_space<hbm>>
        %dma_wait3A_608 = tpu.memref_slice %arg5[%add3A_312] : memref<30720xf32, #tpu.memory_space<hbm>> -> memref<640xf32, #tpu.memory_space<hbm>>
        tpu.wait_dma2 semaphore(%run_scoped3A_606 : memref<!tpu.dma_semaphore, #tpu.memory_space<semaphore_mem>>) src(%run_scoped3A_19 : memref<640xf32, #tpu.memory_space<vmem>>) dst(%dma_wait3A_608 : memref<640xf32, #tpu.memory_space<hbm>>)
        tpu.yield
      }) : () -> ()
      %barrier3A_313 = arith.constant 0 : index
      tpu.barrier barrier_id(%barrier3A_313)
      %scan3A_314 = arith.constant 0 : i32
      %scan3A_315 = arith.constant 0 : i32
      %scan3A_316 = arith.constant 256 : i32
      %scan3A_317 = arith.addi %scan3A_315, %scan3A_316 : i32
      %scan3A_318 = arith.constant 1 : i32
      scf.for %scan3A_606 = %scan3A_315 to %scan3A_317 step %scan3A_318  : i32 {
        %broadcast_in_dim3A_607 = arith.constant 0.000000e+00 : f32
        %broadcast_in_dim3A_608 = vector.broadcast %broadcast_in_dim3A_607 : f32 to vector<16xf32>
        %jit3A_609 = arith.constant 8 : i32
        %div3A = arith.divsi %scan3A_606, %jit3A_609 : i32
        %sign3A = arith.constant 0 : i32
        %sign3A_610 = arith.cmpi sgt, %scan3A_606, %sign3A : i32
        %sign3A_611 = arith.extui %sign3A_610 : i1 to i32
        %sign3A_612 = arith.constant 0 : i32
        %sign3A_613 = arith.cmpi slt, %scan3A_606, %sign3A_612 : i32
        %sign3A_614 = arith.extui %sign3A_613 : i1 to i32
        %sign3A_615 = arith.subi %sign3A_611, %sign3A_614 : i32
        %sign3A_616 = arith.constant 0 : i32
        %sign3A_617 = arith.cmpi sgt, %jit3A_609, %sign3A_616 : i32
        %sign3A_618 = arith.extui %sign3A_617 : i1 to i32
        %sign3A_619 = arith.constant 0 : i32
        %sign3A_620 = arith.cmpi slt, %jit3A_609, %sign3A_619 : i32
        %sign3A_621 = arith.extui %sign3A_620 : i1 to i32
        %sign3A_622 = arith.subi %sign3A_618, %sign3A_621 : i32
        %ne3A = arith.cmpi ne, %sign3A_615, %sign3A_622 : i32
        %rem3A_623 = arith.remsi %scan3A_606, %jit3A_609 : i32
        %ne3A_624 = arith.constant 0 : i32
        %ne3A_625 = arith.cmpi ne, %rem3A_623, %ne3A_624 : i32
        %and3A_626 = arith.andi %ne3A, %ne3A_625 : i1
        %sub3A_627 = arith.constant 1 : i32
        %sub3A_628 = arith.subi %div3A, %sub3A_627 : i32
        %select_n3A_629 = arith.select %and3A_626, %sub3A_628, %div3A : i32
        %jit3A_630 = arith.constant 8 : i32
        %eq3A_631 = arith.constant 0 : i32
        %eq3A_632 = arith.cmpi eq, %jit3A_630, %eq3A_631 : i32
        %jit3A_633 = arith.constant 1 : i32
        %select_n3A_634 = arith.select %eq3A_632, %jit3A_633, %jit3A_630 : i32
        %rem3A_635 = arith.remsi %scan3A_606, %select_n3A_634 : i32
        %ne3A_636 = arith.constant 0 : i32
        %ne3A_637 = arith.cmpi ne, %rem3A_635, %ne3A_636 : i32
        %lt3A_638 = arith.constant 0 : i32
        %lt3A_639 = arith.cmpi slt, %rem3A_635, %lt3A_638 : i32
        %lt3A_640 = arith.constant 0 : i32
        %lt3A_641 = arith.cmpi slt, %select_n3A_634, %lt3A_640 : i32
        %ne3A_642 = arith.xori %lt3A_639, %lt3A_641 : i1
        %and3A_643 = arith.andi %ne3A_642, %ne3A_637 : i1
        %add3A_644 = arith.addi %rem3A_635, %select_n3A_634 : i32
        %select_n3A_645 = arith.select %and3A_643, %add3A_644, %rem3A_635 : i32
        %mul3A_646 = arith.constant 16 : i32
        %mul3A_647 = arith.muli %select_n3A_645, %mul3A_646 : i32
        %swap3A_648 = arith.index_cast %select_n3A_629 : i32 to index
        %swap3A_649 = arith.index_cast %mul3A_647 : i32 to index
        %swap3A_650 = tpu.vector_load %run_scoped3A_18[%swap3A_648, %swap3A_649] {strides = array<i32>} : memref<32x128xf32, #tpu.memory_space<vmem>>, vector<16xf32>,
        tpu.vector_store %run_scoped3A_18[%swap3A_648, %swap3A_649], %broadcast_in_dim3A_608 {strides = array<i32>} : memref<32x128xf32, #tpu.memory_space<vmem>>, vector<16xf32>,
      }
      %scan3A_319 = arith.constant 256 : i32
      %scan3A_320 = arith.constant 0 : i32
      %scan3A_321 = arith.constant 0 : i32
      %scan3A_322 = arith.constant 40 : i32
      %scan3A_323 = arith.addi %scan3A_321, %scan3A_322 : i32
      %scan3A_324 = arith.constant 1 : i32
      scf.for %scan3A_606 = %scan3A_321 to %scan3A_323 step %scan3A_324  : i32 {
        %broadcast_in_dim3A_607 = arith.constant 0.000000e+00 : f32
        %broadcast_in_dim3A_608 = vector.broadcast %broadcast_in_dim3A_607 : f32 to vector<16xf32>
        %mul3A_609 = arith.constant 16 : i32
        %mul3A_610 = arith.muli %scan3A_606, %mul3A_609 : i32
        %swap3A_611 = arith.index_cast %mul3A_610 : i32 to index
        %swap3A_612 = tpu.vector_load %run_scoped3A_19[%swap3A_611] {strides = array<i32>} : memref<640xf32, #tpu.memory_space<vmem>>, vector<16xf32>,
        tpu.vector_store %run_scoped3A_19[%swap3A_611], %broadcast_in_dim3A_608 {strides = array<i32>} : memref<640xf32, #tpu.memory_space<vmem>>, vector<16xf32>,
      }
      %scan3A_325 = arith.constant 40 : i32
      %scan3A_326 = arith.constant 0 : i32
      %scan3A_327 = arith.constant 0 : i32
      %scan3A_328 = arith.constant 10 : i32
      %scan3A_329 = arith.addi %scan3A_327, %scan3A_328 : i32
      %scan3A_330 = arith.constant 1 : i32
      scf.for %scan3A_606 = %scan3A_327 to %scan3A_329 step %scan3A_330  : i32 {
        %mul3A_607 = arith.constant 320 : i32
        %mul3A_608 = arith.muli %arg1, %mul3A_607 : i32
        %mul3A_609 = arith.constant 32 : i32
        %mul3A_610 = arith.muli %scan3A_606, %mul3A_609 : i32
        %add3A_611 = arith.addi %mul3A_608, %mul3A_610 : i32
        "tpu.region"() ({
          %run_scoped3A_612 = tpu.sem_alloc : memref<!tpu.dma_semaphore, #tpu.memory_space<semaphore_mem>>
          %dma_start3A = arith.constant 0 : i32
          %dma_start3A_613 = tpu.memref_slice %arg6[%add3A_611, %dma_start3A] : memref<10240x128xf32, #tpu.memory_space<vmem_shared>> -> memref<32x128xf32, #tpu.memory_space<vmem_shared>>
          %dma_start3A_614 = arith.constant 0 : i32
          %dma_start3A_615 = tpu.memref_slice %arg6[%add3A_611, %dma_start3A_614] : memref<10240x128xf32, #tpu.memory_space<vmem_shared>> -> memref<32x128xf32, #tpu.memory_space<vmem_shared>>
          tpu.enqueue_dma source(%run_scoped3A_18 : memref<32x128xf32, #tpu.memory_space<vmem>>) target(%dma_start3A_615 : memref<32x128xf32, #tpu.memory_space<vmem_shared>>) target_semaphore(%run_scoped3A_612 : memref<!tpu.dma_semaphore, #tpu.memory_space<semaphore_mem>>)
          %dma_wait3A = arith.constant 0 : i32
          %dma_wait3A_616 = tpu.memref_slice %arg6[%add3A_611, %dma_wait3A] : memref<10240x128xf32, #tpu.memory_space<vmem_shared>> -> memref<32x128xf32, #tpu.memory_space<vmem_shared>>
          %dma_wait3A_617 = arith.constant 0 : i32
          %dma_wait3A_618 = tpu.memref_slice %arg6[%add3A_611, %dma_wait3A_617] : memref<10240x128xf32, #tpu.memory_space<vmem_shared>> -> memref<32x128xf32, #tpu.memory_space<vmem_shared>>
          tpu.wait_dma2 semaphore(%run_scoped3A_612 : memref<!tpu.dma_semaphore, #tpu.memory_space<semaphore_mem>>) src(%run_scoped3A_18 : memref<32x128xf32, #tpu.memory_space<vmem>>) dst(%dma_wait3A_618 : memref<32x128xf32, #tpu.memory_space<vmem_shared>>)
          tpu.yield
        }) : () -> ()
      }
      %scan3A_331 = arith.constant 10 : i32
      %mul3A_332 = arith.constant 320 : i32
      %mul3A_333 = arith.muli %arg1, %mul3A_332 : i32
      "tpu.region"() ({
        %run_scoped3A_606 = tpu.sem_alloc : memref<!tpu.dma_semaphore, #tpu.memory_space<semaphore_mem>>
        %dma_start3A = arith.constant 0 : i32
        %dma_start3A_607 = tpu.memref_slice %run_scoped3A_19[%dma_start3A] : memref<640xf32, #tpu.memory_space<vmem>> -> memref<320xf32, #tpu.memory_space<vmem>>
        %dma_start3A_608 = tpu.memref_slice %arg7[%mul3A_333] : memref<10240xf32, #tpu.memory_space<vmem_shared>> -> memref<320xf32, #tpu.memory_space<vmem_shared>>
        %dma_start3A_609 = tpu.memref_slice %arg7[%mul3A_333] : memref<10240xf32, #tpu.memory_space<vmem_shared>> -> memref<320xf32, #tpu.memory_space<vmem_shared>>
        %dma_start3A_610 = arith.constant 0 : i32
        %dma_start3A_611 = tpu.memref_slice %run_scoped3A_19[%dma_start3A_610] : memref<640xf32, #tpu.memory_space<vmem>> -> memref<320xf32, #tpu.memory_space<vmem>>
        tpu.enqueue_dma source(%dma_start3A_611 : memref<320xf32, #tpu.memory_space<vmem>>) target(%dma_start3A_609 : memref<320xf32, #tpu.memory_space<vmem_shared>>) target_semaphore(%run_scoped3A_606 : memref<!tpu.dma_semaphore, #tpu.memory_space<semaphore_mem>>)
        %dma_wait3A = arith.constant 0 : i32
        %dma_wait3A_612 = tpu.memref_slice %run_scoped3A_19[%dma_wait3A] : memref<640xf32, #tpu.memory_space<vmem>> -> memref<320xf32, #tpu.memory_space<vmem>>
        %dma_wait3A_613 = tpu.memref_slice %arg7[%mul3A_333] : memref<10240xf32, #tpu.memory_space<vmem_shared>> -> memref<320xf32, #tpu.memory_space<vmem_shared>>
        %dma_wait3A_614 = tpu.memref_slice %arg7[%mul3A_333] : memref<10240xf32, #tpu.memory_space<vmem_shared>> -> memref<320xf32, #tpu.memory_space<vmem_shared>>
        %dma_wait3A_615 = arith.constant 0 : i32
        %dma_wait3A_616 = tpu.memref_slice %run_scoped3A_19[%dma_wait3A_615] : memref<640xf32, #tpu.memory_space<vmem>> -> memref<320xf32, #tpu.memory_space<vmem>>
        tpu.wait_dma2 semaphore(%run_scoped3A_606 : memref<!tpu.dma_semaphore, #tpu.memory_space<semaphore_mem>>) src(%dma_wait3A_616 : memref<320xf32, #tpu.memory_space<vmem>>) dst(%dma_wait3A_614 : memref<320xf32, #tpu.memory_space<vmem_shared>>)
        tpu.yield
      }) : () -> ()
      %barrier3A_334 = arith.constant 0 : index
      tpu.barrier barrier_id(%barrier3A_334)
      %iota3A_335 = tpu.iota {dimensions = array<i32: 0>} : vector<16xi32>
      "tpu.region"() ({
        %run_scoped3A_606 = tpu.sem_alloc : memref<!tpu.dma_semaphore, #tpu.memory_space<semaphore_mem>>
        %dma_start3A = arith.constant 0 : i32
        %dma_start3A_607 = arith.constant 0 : i32
        %dma_start3A_608 = tpu.memref_slice %arg2[%arg1, %dma_start3A, %dma_start3A_607] : memref<16x3x20992xi32, #tpu.memory_space<hbm>> -> memref<1x3x512xi32, #tpu.memory_space<hbm>>
        %dma_start3A_609 = tpu.memref_squeeze %dma_start3A_608 : memref<1x3x512xi32, #tpu.memory_space<hbm>> -> memref<3x512xi32, #tpu.memory_space<hbm>>
        %dma_start3A_610 = arith.constant 0 : i32
        %dma_start3A_611 = arith.constant 0 : i32
        %dma_start3A_612 = tpu.memref_slice %arg2[%arg1, %dma_start3A_610, %dma_start3A_611] : memref<16x3x20992xi32, #tpu.memory_space<hbm>> -> memref<1x3x512xi32, #tpu.memory_space<hbm>>
        %dma_start3A_613 = tpu.memref_squeeze %dma_start3A_612 : memref<1x3x512xi32, #tpu.memory_space<hbm>> -> memref<3x512xi32, #tpu.memory_space<hbm>>
        tpu.enqueue_dma source(%dma_start3A_613 : memref<3x512xi32, #tpu.memory_space<hbm>>) target(%run_scoped3A : memref<3x512xi32, #tpu.memory_space<vmem>>) target_semaphore(%run_scoped3A_606 : memref<!tpu.dma_semaphore, #tpu.memory_space<semaphore_mem>>)
        %dma_wait3A = arith.constant 0 : i32
        %dma_wait3A_614 = arith.constant 0 : i32
        %dma_wait3A_615 = tpu.memref_slice %arg2[%arg1, %dma_wait3A, %dma_wait3A_614] : memref<16x3x20992xi32, #tpu.memory_space<hbm>> -> memref<1x3x512xi32, #tpu.memory_space<hbm>>
        %dma_wait3A_616 = tpu.memref_squeeze %dma_wait3A_615 : memref<1x3x512xi32, #tpu.memory_space<hbm>> -> memref<3x512xi32, #tpu.memory_space<hbm>>
        %dma_wait3A_617 = arith.constant 0 : i32
        %dma_wait3A_618 = arith.constant 0 : i32
        %dma_wait3A_619 = tpu.memref_slice %arg2[%arg1, %dma_wait3A_617, %dma_wait3A_618] : memref<16x3x20992xi32, #tpu.memory_space<hbm>> -> memref<1x3x512xi32, #tpu.memory_space<hbm>>
        %dma_wait3A_620 = tpu.memref_squeeze %dma_wait3A_619 : memref<1x3x512xi32, #tpu.memory_space<hbm>> -> memref<3x512xi32, #tpu.memory_space<hbm>>
        tpu.wait_dma2 semaphore(%run_scoped3A_606 : memref<!tpu.dma_semaphore, #tpu.memory_space<semaphore_mem>>) src(%dma_wait3A_620 : memref<3x512xi32, #tpu.memory_space<hbm>>) dst(%run_scoped3A : memref<3x512xi32, #tpu.memory_space<vmem>>)
        tpu.yield
      }) : () -> ()
      %scan3A_336 = arith.constant 0 : i32
      %scan3A_337 = arith.constant 0 : i32
      %scan3A_338 = arith.constant 0 : i32
      %scan3A_339 = arith.constant 20 : i32
      %scan3A_340 = arith.addi %scan3A_338, %scan3A_339 : i32
      %scan3A_341 = arith.constant 1 : i32
      %scan3A_342:2 = scf.for %scan3A_606 = %scan3A_338 to %scan3A_340 step %scan3A_341 iter_args(%scan3A_607 = %scan3A_336, %scan3A_608 = %scan3A_337) -> (i32, i32)  : i32 {
        %mul3A_609 = arith.constant 2 : i32
        %mul3A_610 = arith.muli %scan3A_606, %mul3A_609 : i32
        %add3A_611 = arith.constant 0 : i32
        %add3A_612 = arith.addi %mul3A_610, %add3A_611 : i32
        %add3A_613 = arith.constant 1 : i32
        %add3A_614 = arith.addi %add3A_612, %add3A_613 : i32
        %mul3A_615 = arith.constant 512 : i32
        %mul3A_616 = arith.muli %add3A_614, %mul3A_615 : i32
        %dma_start3A = arith.constant 0 : i32
        %dma_start3A_617 = tpu.memref_slice %arg2[%arg1, %dma_start3A, %mul3A_616] : memref<16x3x20992xi32, #tpu.memory_space<hbm>> -> memref<1x3x512xi32, #tpu.memory_space<hbm>>
        %dma_start3A_618 = tpu.memref_squeeze %dma_start3A_617 : memref<1x3x512xi32, #tpu.memory_space<hbm>> -> memref<3x512xi32, #tpu.memory_space<hbm>>
        %dma_start3A_619 = arith.constant 0 : i32
        %dma_start3A_620 = tpu.memref_slice %arg2[%arg1, %dma_start3A_619, %mul3A_616] : memref<16x3x20992xi32, #tpu.memory_space<hbm>> -> memref<1x3x512xi32, #tpu.memory_space<hbm>>
        %dma_start3A_621 = tpu.memref_squeeze %dma_start3A_620 : memref<1x3x512xi32, #tpu.memory_space<hbm>> -> memref<3x512xi32, #tpu.memory_space<hbm>>
        tpu.enqueue_dma source(%dma_start3A_621 : memref<3x512xi32, #tpu.memory_space<hbm>>) target(%run_scoped3A_0 : memref<3x512xi32, #tpu.memory_space<vmem>>) target_semaphore(%run_scoped3A_32 : memref<!tpu.dma_semaphore, #tpu.memory_space<semaphore_mem>>)
        %scan3A_622 = arith.constant 0 : i32
        %scan3A_623 = arith.constant 32 : i32
        %scan3A_624 = arith.addi %scan3A_622, %scan3A_623 : i32
        %scan3A_625 = arith.constant 1 : i32
        %scan3A_626:2 = scf.for %scan3A_667 = %scan3A_622 to %scan3A_624 step %scan3A_625 iter_args(%scan3A_668 = %scan3A_607, %scan3A_669 = %scan3A_608) -> (i32, i32)  : i32 {
          %mul3A_670 = arith.constant 16 : i32
          %mul3A_671 = arith.muli %scan3A_667, %mul3A_670 : i32
          %get3A_672 = arith.constant 0 : i32
          %get3A_673 = arith.index_cast %get3A_672 : i32 to index
          %get3A_674 = arith.index_cast %mul3A_671 : i32 to index
          %get3A_675 = tpu.vector_load %run_scoped3A[%get3A_673, %get3A_674] {strides = array<i32>} : memref<3x512xi32, #tpu.memory_space<vmem>>, vector<16xi32>,
          %get3A_676 = arith.constant 1 : i32
          %get3A_677 = arith.index_cast %get3A_676 : i32 to index
          %get3A_678 = arith.index_cast %mul3A_671 : i32 to index
          %get3A_679 = tpu.vector_load %run_scoped3A[%get3A_677, %get3A_678] {strides = array<i32>} : memref<3x512xi32, #tpu.memory_space<vmem>>, vector<16xi32>,
          %get3A_680 = arith.constant 2 : i32
          %get3A_681 = arith.index_cast %get3A_680 : i32 to index
          %get3A_682 = arith.index_cast %mul3A_671 : i32 to index
          %get3A_683 = tpu.vector_load %run_scoped3A[%get3A_681, %get3A_682] {strides = array<i32>} : memref<3x512xi32, #tpu.memory_space<vmem>>, vector<16xi32>,
          %mul3A_684 = arith.constant 512 : i32
          %mul3A_685 = arith.muli %add3A_612, %mul3A_684 : i32
          %add3A_686 = arith.addi %mul3A_685, %mul3A_671 : i32
          %add3A_687 = vector.broadcast %add3A_686 : i32 to vector<16xi32>
          %add3A_688 = arith.addi %add3A_687, %iota3A_335 : vector<16xi32>
          %lt3A_689 = arith.constant 20000 : i32
          %lt3A_690 = vector.broadcast %lt3A_689 : i32 to vector<16xi32>
          %lt3A_691 = arith.cmpi slt, %add3A_688, %lt3A_690 : vector<16xi32>
          %ge3A_692 = vector.broadcast %mul3A_33 : i32 to vector<16xi32>
          %ge3A_693 = arith.cmpi sge, %get3A_679, %ge3A_692 : vector<16xi32>
          %add3A_694 = arith.constant 5000 : i32
          %add3A_695 = arith.addi %mul3A_33, %add3A_694 : i32
          %lt3A_696 = vector.broadcast %add3A_695 : i32 to vector<16xi32>
          %lt3A_697 = arith.cmpi slt, %get3A_679, %lt3A_696 : vector<16xi32>
          %and3A_698 = arith.andi %ge3A_693, %lt3A_697 : vector<16xi1>
          %and3A_699 = arith.andi %lt3A_691, %and3A_698 : vector<16xi1>
          %eq3A_700 = arith.constant 2 : i32
          %eq3A_701 = vector.broadcast %eq3A_700 : i32 to vector<16xi32>
          %eq3A_702 = arith.cmpi eq, %get3A_683, %eq3A_701 : vector<16xi32>
          %and3A_703 = arith.andi %and3A_699, %eq3A_702 : vector<16xi1>
          %sub3A_704 = vector.broadcast %mul3A_33 : i32 to vector<16xi32>
          %sub3A_705 = arith.subi %get3A_679, %sub3A_704 : vector<16xi32>
          %swap3A_706 = arith.constant 0 : index
          %swap3A_707 = tpu.vector_load %run_scoped3A_15[%swap3A_706] masked %and3A_703 {strides = array<i32>} : memref<16xi32, #tpu.memory_space<vmem>>, vector<16xi32>, vector<16xi1>
          tpu.vector_store %run_scoped3A_15[%swap3A_706], %get3A_675 masked %and3A_703 {strides = array<i32>} : memref<16xi32, #tpu.memory_space<vmem>>, vector<16xi32>, vector<16xi1>
          %swap3A_708 = arith.constant 0 : index
          %swap3A_709 = tpu.vector_load %run_scoped3A_16[%swap3A_708] masked %and3A_703 {strides = array<i32>} : memref<16xi32, #tpu.memory_space<vmem>>, vector<16xi32>, vector<16xi1>
          tpu.vector_store %run_scoped3A_16[%swap3A_708], %sub3A_705 masked %and3A_703 {strides = array<i32>} : memref<16xi32, #tpu.memory_space<vmem>>, vector<16xi32>, vector<16xi1>
          %get3A_710 = arith.constant 0 : index
          %get3A_711 = tpu.vector_load %run_scoped3A_15[%get3A_710] {strides = array<i32>} : memref<16xi32, #tpu.memory_space<vmem>>, vector<16xi32>,
          %swap3A_712 = arith.index_cast %scan3A_668 : i32 to index
          %swap3A_713 = tpu.vector_load %run_scoped3A_13[%swap3A_712] {strides = array<i32>} : memref<96xi32, #tpu.memory_space<vmem>>, vector<16xi32>,
          tpu.vector_store %run_scoped3A_13[%swap3A_712], %get3A_711 {strides = array<i32>} : memref<96xi32, #tpu.memory_space<vmem>>, vector<16xi32>,
          %get3A_714 = arith.constant 0 : index
          %get3A_715 = tpu.vector_load %run_scoped3A_16[%get3A_714] {strides = array<i32>} : memref<16xi32, #tpu.memory_space<vmem>>, vector<16xi32>,
          %swap3A_716 = arith.index_cast %scan3A_668 : i32 to index
          %swap3A_717 = tpu.vector_load %run_scoped3A_14[%swap3A_716] {strides = array<i32>} : memref<96xi32, #tpu.memory_space<vmem>>, vector<16xi32>,
          tpu.vector_store %run_scoped3A_14[%swap3A_716], %get3A_715 {strides = array<i32>} : memref<96xi32, #tpu.memory_space<vmem>>, vector<16xi32>,
          %all_reduce_population_count3A = tpu.all_reduce %and3A_703 {dim = 0 : i64, kind = #tpu.reduction_kind<sum>} : vector<16xi1> -> vector<16xi32>
          %reduce_max3A = arith.constant true
          %reduce_max3A_718 = vector.broadcast %reduce_max3A : i1 to vector<16xi1>
          %reduce_max3A_719 = arith.constant -2147483648 : i32
          %reduce_max3A_720 = vector.broadcast %reduce_max3A_719 : i32 to vector<16xi32>
          %reduce_max3A_721 = arith.xori %all_reduce_population_count3A, %reduce_max3A_720 : vector<16xi32>
          %reduce_max3A_722 = tpu.scan <max>, %reduce_max3A_721 masked %reduce_max3A_718 : vector<16xi32>, vector<16xi1> -> vector<16xi32>
          %reduce_max3A_723 = arith.xori %reduce_max3A_722, %reduce_max3A_720 : vector<16xi32>
          %reduce_max3A_724 = vector.extract %reduce_max3A_723[15] : i32 from vector<16xi32>
          %add3A_725 = arith.addi %scan3A_668, %reduce_max3A_724 : i32
          %ge3A_726 = arith.constant 64 : i32
          %ge3A_727 = arith.cmpi sge, %add3A_725, %ge3A_726 : i32
          %convert_element_type3A_728 = arith.extui %ge3A_727 : i1 to i32
          %cond3A_729 = arith.constant 0 : i32
          %cond3A_730 = arith.cmpi ne, %convert_element_type3A_728, %cond3A_729 : i32
          scf.if %cond3A_730 {
            %rem3A_736 = arith.constant 4 : i32
            %rem3A_737 = arith.remsi %scan3A_669, %rem3A_736 : i32
            %eq3A_738 = arith.constant 0 : i32
            %eq3A_739 = arith.cmpi eq, %rem3A_737, %eq3A_738 : i32
            %convert_element_type3A_740 = arith.extui %eq3A_739 : i1 to i32
            %cond3A_741 = arith.constant 0 : i32
            %cond3A_742 = arith.cmpi ne, %convert_element_type3A_740, %cond3A_741 : i32
            scf.if %cond3A_742 {
              %ge3A_772 = arith.constant 4 : i32
              %ge3A_773 = arith.cmpi sge, %scan3A_669, %ge3A_772 : i32
              %convert_element_type3A_774 = arith.extui %ge3A_773 : i1 to i32
              %cond3A_775 = arith.constant 0 : i32
              %cond3A_776 = arith.cmpi ne, %convert_element_type3A_774, %cond3A_775 : i32
              scf.if %cond3A_776 {
                %dma_wait3A_817 = arith.constant 0 : i32
                %dma_wait3A_818 = arith.constant 0 : i32
                %dma_wait3A_819 = tpu.memref_slice %arg6[%dma_wait3A_817, %dma_wait3A_818] : memref<10240x128xf32, #tpu.memory_space<vmem_shared>> -> memref<10240x128xf32, #tpu.memory_space<vmem_shared>>
                tpu.wait_indirect_dma semaphore(%run_scoped3A_24 : memref<!tpu.dma_semaphore, #tpu.memory_space<semaphore_mem>>) src(%run_scoped3A_1 : memref<64x128xf32, #tpu.memory_space<vmem>>) dst(%dma_wait3A_819 : memref<10240x128xf32, #tpu.memory_space<vmem_shared>>)
                %dma_wait3A_820 = arith.constant 0 : i32
                %dma_wait3A_821 = tpu.memref_slice %arg7[%dma_wait3A_820] : memref<10240xf32, #tpu.memory_space<vmem_shared>> -> memref<10240xf32, #tpu.memory_space<vmem_shared>>
                tpu.wait_indirect_dma semaphore(%run_scoped3A_28 : memref<!tpu.dma_semaphore, #tpu.memory_space<semaphore_mem>>) src(%run_scoped3A_17 : memref<64xf32, #tpu.memory_space<vmem>>) dst(%dma_wait3A_821 : memref<10240xf32, #tpu.memory_space<vmem_shared>>)
              } else {
              }
              %get3A_777 = arith.constant 0 : index
              %get3A_778 = tpu.vector_load %run_scoped3A_13[%get3A_777] {strides = array<i32>} : memref<96xi32, #tpu.memory_space<vmem>>, vector<16xi32>,
              %swap3A_779 = arith.constant 0 : index
              %swap3A_780 = tpu.vector_load %run_scoped3A_5[%swap3A_779] {strides = array<i32>} : memref<64xi32, #tpu.memory_space<vmem>>, vector<16xi32>,
              tpu.vector_store %run_scoped3A_5[%swap3A_779], %get3A_778 {strides = array<i32>} : memref<64xi32, #tpu.memory_space<vmem>>, vector<16xi32>,
              %get3A_781 = arith.constant 0 : index
              %get3A_782 = tpu.vector_load %run_scoped3A_14[%get3A_781] {strides = array<i32>} : memref<96xi32, #tpu.memory_space<vmem>>, vector<16xi32>,
              %swap3A_783 = arith.constant 0 : index
              %swap3A_784 = tpu.vector_load %run_scoped3A_9[%swap3A_783] {strides = array<i32>} : memref<64xi32, #tpu.memory_space<vmem>>, vector<16xi32>,
              tpu.vector_store %run_scoped3A_9[%swap3A_783], %get3A_782 {strides = array<i32>} : memref<64xi32, #tpu.memory_space<vmem>>, vector<16xi32>,
              %get3A_785 = arith.constant 16 : index
              %get3A_786 = tpu.vector_load %run_scoped3A_13[%get3A_785] {strides = array<i32>} : memref<96xi32, #tpu.memory_space<vmem>>, vector<16xi32>,
              %swap3A_787 = arith.constant 16 : index
              %swap3A_788 = tpu.vector_load %run_scoped3A_5[%swap3A_787] {strides = array<i32>} : memref<64xi32, #tpu.memory_space<vmem>>, vector<16xi32>,
              tpu.vector_store %run_scoped3A_5[%swap3A_787], %get3A_786 {strides = array<i32>} : memref<64xi32, #tpu.memory_space<vmem>>, vector<16xi32>,
              %get3A_789 = arith.constant 16 : index
              %get3A_790 = tpu.vector_load %run_scoped3A_14[%get3A_789] {strides = array<i32>} : memref<96xi32, #tpu.memory_space<vmem>>, vector<16xi32>,
              %swap3A_791 = arith.constant 16 : index
              %swap3A_792 = tpu.vector_load %run_scoped3A_9[%swap3A_791] {strides = array<i32>} : memref<64xi32, #tpu.memory_space<vmem>>, vector<16xi32>,
              tpu.vector_store %run_scoped3A_9[%swap3A_791], %get3A_790 {strides = array<i32>} : memref<64xi32, #tpu.memory_space<vmem>>, vector<16xi32>,
              %get3A_793 = arith.constant 32 : index
              %get3A_794 = tpu.vector_load %run_scoped3A_13[%get3A_793] {strides = array<i32>} : memref<96xi32, #tpu.memory_space<vmem>>, vector<16xi32>,
              %swap3A_795 = arith.constant 32 : index
              %swap3A_796 = tpu.vector_load %run_scoped3A_5[%swap3A_795] {strides = array<i32>} : memref<64xi32, #tpu.memory_space<vmem>>, vector<16xi32>,
              tpu.vector_store %run_scoped3A_5[%swap3A_795], %get3A_794 {strides = array<i32>} : memref<64xi32, #tpu.memory_space<vmem>>, vector<16xi32>,
              %get3A_797 = arith.constant 32 : index
              %get3A_798 = tpu.vector_load %run_scoped3A_14[%get3A_797] {strides = array<i32>} : memref<96xi32, #tpu.memory_space<vmem>>, vector<16xi32>,
              %swap3A_799 = arith.constant 32 : index
              %swap3A_800 = tpu.vector_load %run_scoped3A_9[%swap3A_799] {strides = array<i32>} : memref<64xi32, #tpu.memory_space<vmem>>, vector<16xi32>,
              tpu.vector_store %run_scoped3A_9[%swap3A_799], %get3A_798 {strides = array<i32>} : memref<64xi32, #tpu.memory_space<vmem>>, vector<16xi32>,
              %get3A_801 = arith.constant 48 : index
              %get3A_802 = tpu.vector_load %run_scoped3A_13[%get3A_801] {strides = array<i32>} : memref<96xi32, #tpu.memory_space<vmem>>, vector<16xi32>,
              %swap3A_803 = arith.constant 48 : index
              %swap3A_804 = tpu.vector_load %run_scoped3A_5[%swap3A_803] {strides = array<i32>} : memref<64xi32, #tpu.memory_space<vmem>>, vector<16xi32>,
              tpu.vector_store %run_scoped3A_5[%swap3A_803], %get3A_802 {strides = array<i32>} : memref<64xi32, #tpu.memory_space<vmem>>, vector<16xi32>,
              %get3A_805 = arith.constant 48 : index
              %get3A_806 = tpu.vector_load %run_scoped3A_14[%get3A_805] {strides = array<i32>} : memref<96xi32, #tpu.memory_space<vmem>>, vector<16xi32>,
              %swap3A_807 = arith.constant 48 : index
              %swap3A_808 = tpu.vector_load %run_scoped3A_9[%swap3A_807] {strides = array<i32>} : memref<64xi32, #tpu.memory_space<vmem>>, vector<16xi32>,
              tpu.vector_store %run_scoped3A_9[%swap3A_807], %get3A_806 {strides = array<i32>} : memref<64xi32, #tpu.memory_space<vmem>>, vector<16xi32>,
              %dma_start3A_809 = arith.constant 0 : i32
              %dma_start3A_810 = arith.constant 0 : i32
              %dma_start3A_811 = tpu.memref_slice %arg3[%dma_start3A_809, %dma_start3A_810] : memref<10000x128xf32, #tpu.memory_space<hbm>> -> memref<10000x128xf32, #tpu.memory_space<hbm>>
              tpu.enqueue_indirect_dma source(%dma_start3A_811 : memref<10000x128xf32, #tpu.memory_space<hbm>>) target(%run_scoped3A_1 : memref<64x128xf32, #tpu.memory_space<vmem>>) offsets(%run_scoped3A_5 : memref<64xi32, #tpu.memory_space<vmem>>) semaphore(%run_scoped3A_20 : memref<!tpu.dma_semaphore, #tpu.memory_space<semaphore_mem>>)
              %ge3A_812 = arith.constant 2 : i32
              %ge3A_813 = arith.cmpi sge, %scan3A_669, %ge3A_812 : i32
              %convert_element_type3A_814 = arith.extui %ge3A_813 : i1 to i32
              %cond3A_815 = arith.constant 0 : i32
              %cond3A_816 = arith.cmpi ne, %convert_element_type3A_814, %cond3A_815 : i32
              scf.if %cond3A_816 {
                %dma_wait3A_817 = arith.constant 0 : i32
                %dma_wait3A_818 = arith.constant 0 : i32
                %dma_wait3A_819 = tpu.memref_slice %arg3[%dma_wait3A_817, %dma_wait3A_818] : memref<10000x128xf32, #tpu.memory_space<hbm>> -> memref<10000x128xf32, #tpu.memory_space<hbm>>
                tpu.wait_indirect_dma semaphore(%run_scoped3A_22 : memref<!tpu.dma_semaphore, #tpu.memory_space<semaphore_mem>>) src(%dma_wait3A_819 : memref<10000x128xf32, #tpu.memory_space<hbm>>) dst(%run_scoped3A_3 : memref<64x128xf32, #tpu.memory_space<vmem>>)
                %dma_start3A_820 = arith.constant 0 : i32
                %dma_start3A_821 = arith.constant 0 : i32
                %dma_start3A_822 = tpu.memref_slice %arg6[%dma_start3A_820, %dma_start3A_821] : memref<10240x128xf32, #tpu.memory_space<vmem_shared>> -> memref<10240x128xf32, #tpu.memory_space<vmem_shared>>
                tpu.enqueue_indirect_dma source(%run_scoped3A_3 : memref<64x128xf32, #tpu.memory_space<vmem>>) target(%dma_start3A_822 : memref<10240x128xf32, #tpu.memory_space<vmem_shared>>) offsets(%run_scoped3A_11 : memref<64xi32, #tpu.memory_space<vmem>>) semaphore(%run_scoped3A_26 : memref<!tpu.dma_semaphore, #tpu.memory_space<semaphore_mem>>) {add = true}
                %dma_start3A_823 = arith.constant 0 : i32
                %dma_start3A_824 = tpu.memref_slice %arg7[%dma_start3A_823] : memref<10240xf32, #tpu.memory_space<vmem_shared>> -> memref<10240xf32, #tpu.memory_space<vmem_shared>>
                tpu.enqueue_indirect_dma source(%run_scoped3A_17 : memref<64xf32, #tpu.memory_space<vmem>>) target(%dma_start3A_824 : memref<10240xf32, #tpu.memory_space<vmem_shared>>) offsets(%run_scoped3A_11 : memref<64xi32, #tpu.memory_space<vmem>>) semaphore(%run_scoped3A_30 : memref<!tpu.dma_semaphore, #tpu.memory_space<semaphore_mem>>) {add = true}
              } else {
              }
            } else {
            }
            %rem3A_743 = arith.constant 4 : i32
            %rem3A_744 = arith.remsi %scan3A_669, %rem3A_743 : i32
            %eq3A_745 = arith.constant 1 : i32
            %eq3A_746 = arith.cmpi eq, %rem3A_744, %eq3A_745 : i32
            %convert_element_type3A_747 = arith.extui %eq3A_746 : i1 to i32
            %cond3A_748 = arith.constant 0 : i32
            %cond3A_749 = arith.cmpi ne, %convert_element_type3A_747, %cond3A_748 : i32
            scf.if %cond3A_749 {
              %ge3A_772 = arith.constant 4 : i32
              %ge3A_773 = arith.cmpi sge, %scan3A_669, %ge3A_772 : i32
              %convert_element_type3A_774 = arith.extui %ge3A_773 : i1 to i32
              %cond3A_775 = arith.constant 0 : i32
              %cond3A_776 = arith.cmpi ne, %convert_element_type3A_774, %cond3A_775 : i32
              scf.if %cond3A_776 {
                %dma_wait3A_817 = arith.constant 0 : i32
                %dma_wait3A_818 = arith.constant 0 : i32
                %dma_wait3A_819 = tpu.memref_slice %arg6[%dma_wait3A_817, %dma_wait3A_818] : memref<10240x128xf32, #tpu.memory_space<vmem_shared>> -> memref<10240x128xf32, #tpu.memory_space<vmem_shared>>
                tpu.wait_indirect_dma semaphore(%run_scoped3A_25 : memref<!tpu.dma_semaphore, #tpu.memory_space<semaphore_mem>>) src(%run_scoped3A_2 : memref<64x128xf32, #tpu.memory_space<vmem>>) dst(%dma_wait3A_819 : memref<10240x128xf32, #tpu.memory_space<vmem_shared>>)
                %dma_wait3A_820 = arith.constant 0 : i32
                %dma_wait3A_821 = tpu.memref_slice %arg7[%dma_wait3A_820] : memref<10240xf32, #tpu.memory_space<vmem_shared>> -> memref<10240xf32, #tpu.memory_space<vmem_shared>>
                tpu.wait_indirect_dma semaphore(%run_scoped3A_29 : memref<!tpu.dma_semaphore, #tpu.memory_space<semaphore_mem>>) src(%run_scoped3A_17 : memref<64xf32, #tpu.memory_space<vmem>>) dst(%dma_wait3A_821 : memref<10240xf32, #tpu.memory_space<vmem_shared>>)
              } else {
              }
              %get3A_777 = arith.constant 0 : index
              %get3A_778 = tpu.vector_load %run_scoped3A_13[%get3A_777] {strides = array<i32>} : memref<96xi32, #tpu.memory_space<vmem>>, vector<16xi32>,
              %swap3A_779 = arith.constant 0 : index
              %swap3A_780 = tpu.vector_load %run_scoped3A_6[%swap3A_779] {strides = array<i32>} : memref<64xi32, #tpu.memory_space<vmem>>, vector<16xi32>,
              tpu.vector_store %run_scoped3A_6[%swap3A_779], %get3A_778 {strides = array<i32>} : memref<64xi32, #tpu.memory_space<vmem>>, vector<16xi32>,
              %get3A_781 = arith.constant 0 : index
              %get3A_782 = tpu.vector_load %run_scoped3A_14[%get3A_781] {strides = array<i32>} : memref<96xi32, #tpu.memory_space<vmem>>, vector<16xi32>,
              %swap3A_783 = arith.constant 0 : index
              %swap3A_784 = tpu.vector_load %run_scoped3A_10[%swap3A_783] {strides = array<i32>} : memref<64xi32, #tpu.memory_space<vmem>>, vector<16xi32>,
              tpu.vector_store %run_scoped3A_10[%swap3A_783], %get3A_782 {strides = array<i32>} : memref<64xi32, #tpu.memory_space<vmem>>, vector<16xi32>,
              %get3A_785 = arith.constant 16 : index
              %get3A_786 = tpu.vector_load %run_scoped3A_13[%get3A_785] {strides = array<i32>} : memref<96xi32, #tpu.memory_space<vmem>>, vector<16xi32>,
              %swap3A_787 = arith.constant 16 : index
              %swap3A_788 = tpu.vector_load %run_scoped3A_6[%swap3A_787] {strides = array<i32>} : memref<64xi32, #tpu.memory_space<vmem>>, vector<16xi32>,
              tpu.vector_store %run_scoped3A_6[%swap3A_787], %get3A_786 {strides = array<i32>} : memref<64xi32, #tpu.memory_space<vmem>>, vector<16xi32>,
              %get3A_789 = arith.constant 16 : index
              %get3A_790 = tpu.vector_load %run_scoped3A_14[%get3A_789] {strides = array<i32>} : memref<96xi32, #tpu.memory_space<vmem>>, vector<16xi32>,
              %swap3A_791 = arith.constant 16 : index
              %swap3A_792 = tpu.vector_load %run_scoped3A_10[%swap3A_791] {strides = array<i32>} : memref<64xi32, #tpu.memory_space<vmem>>, vector<16xi32>,
              tpu.vector_store %run_scoped3A_10[%swap3A_791], %get3A_790 {strides = array<i32>} : memref<64xi32, #tpu.memory_space<vmem>>, vector<16xi32>,
              %get3A_793 = arith.constant 32 : index
              %get3A_794 = tpu.vector_load %run_scoped3A_13[%get3A_793] {strides = array<i32>} : memref<96xi32, #tpu.memory_space<vmem>>, vector<16xi32>,
              %swap3A_795 = arith.constant 32 : index
              %swap3A_796 = tpu.vector_load %run_scoped3A_6[%swap3A_795] {strides = array<i32>} : memref<64xi32, #tpu.memory_space<vmem>>, vector<16xi32>,
              tpu.vector_store %run_scoped3A_6[%swap3A_795], %get3A_794 {strides = array<i32>} : memref<64xi32, #tpu.memory_space<vmem>>, vector<16xi32>,
              %get3A_797 = arith.constant 32 : index
              %get3A_798 = tpu.vector_load %run_scoped3A_14[%get3A_797] {strides = array<i32>} : memref<96xi32, #tpu.memory_space<vmem>>, vector<16xi32>,
              %swap3A_799 = arith.constant 32 : index
              %swap3A_800 = tpu.vector_load %run_scoped3A_10[%swap3A_799] {strides = array<i32>} : memref<64xi32, #tpu.memory_space<vmem>>, vector<16xi32>,
              tpu.vector_store %run_scoped3A_10[%swap3A_799], %get3A_798 {strides = array<i32>} : memref<64xi32, #tpu.memory_space<vmem>>, vector<16xi32>,
              %get3A_801 = arith.constant 48 : index
              %get3A_802 = tpu.vector_load %run_scoped3A_13[%get3A_801] {strides = array<i32>} : memref<96xi32, #tpu.memory_space<vmem>>, vector<16xi32>,
              %swap3A_803 = arith.constant 48 : index
              %swap3A_804 = tpu.vector_load %run_scoped3A_6[%swap3A_803] {strides = array<i32>} : memref<64xi32, #tpu.memory_space<vmem>>, vector<16xi32>,
              tpu.vector_store %run_scoped3A_6[%swap3A_803], %get3A_802 {strides = array<i32>} : memref<64xi32, #tpu.memory_space<vmem>>, vector<16xi32>,
              %get3A_805 = arith.constant 48 : index
              %get3A_806 = tpu.vector_load %run_scoped3A_14[%get3A_805] {strides = array<i32>} : memref<96xi32, #tpu.memory_space<vmem>>, vector<16xi32>,
              %swap3A_807 = arith.constant 48 : index
              %swap3A_808 = tpu.vector_load %run_scoped3A_10[%swap3A_807] {strides = array<i32>} : memref<64xi32, #tpu.memory_space<vmem>>, vector<16xi32>,
              tpu.vector_store %run_scoped3A_10[%swap3A_807], %get3A_806 {strides = array<i32>} : memref<64xi32, #tpu.memory_space<vmem>>, vector<16xi32>,
              %dma_start3A_809 = arith.constant 0 : i32
              %dma_start3A_810 = arith.constant 0 : i32
              %dma_start3A_811 = tpu.memref_slice %arg3[%dma_start3A_809, %dma_start3A_810] : memref<10000x128xf32, #tpu.memory_space<hbm>> -> memref<10000x128xf32, #tpu.memory_space<hbm>>
              tpu.enqueue_indirect_dma source(%dma_start3A_811 : memref<10000x128xf32, #tpu.memory_space<hbm>>) target(%run_scoped3A_2 : memref<64x128xf32, #tpu.memory_space<vmem>>) offsets(%run_scoped3A_6 : memref<64xi32, #tpu.memory_space<vmem>>) semaphore(%run_scoped3A_21 : memref<!tpu.dma_semaphore, #tpu.memory_space<semaphore_mem>>)
              %ge3A_812 = arith.constant 2 : i32
              %ge3A_813 = arith.cmpi sge, %scan3A_669, %ge3A_812 : i32
              %convert_element_type3A_814 = arith.extui %ge3A_813 : i1 to i32
              %cond3A_815 = arith.constant 0 : i32
              %cond3A_816 = arith.cmpi ne, %convert_element_type3A_814, %cond3A_815 : i32
              scf.if %cond3A_816 {
                %dma_wait3A_817 = arith.constant 0 : i32
                %dma_wait3A_818 = arith.constant 0 : i32
                %dma_wait3A_819 = tpu.memref_slice %arg3[%dma_wait3A_817, %dma_wait3A_818] : memref<10000x128xf32, #tpu.memory_space<hbm>> -> memref<10000x128xf32, #tpu.memory_space<hbm>>
                tpu.wait_indirect_dma semaphore(%run_scoped3A_23 : memref<!tpu.dma_semaphore, #tpu.memory_space<semaphore_mem>>) src(%dma_wait3A_819 : memref<10000x128xf32, #tpu.memory_space<hbm>>) dst(%run_scoped3A_4 : memref<64x128xf32, #tpu.memory_space<vmem>>)
                %dma_start3A_820 = arith.constant 0 : i32
                %dma_start3A_821 = arith.constant 0 : i32
                %dma_start3A_822 = tpu.memref_slice %arg6[%dma_start3A_820, %dma_start3A_821] : memref<10240x128xf32, #tpu.memory_space<vmem_shared>> -> memref<10240x128xf32, #tpu.memory_space<vmem_shared>>
                tpu.enqueue_indirect_dma source(%run_scoped3A_4 : memref<64x128xf32, #tpu.memory_space<vmem>>) target(%dma_start3A_822 : memref<10240x128xf32, #tpu.memory_space<vmem_shared>>) offsets(%run_scoped3A_12 : memref<64xi32, #tpu.memory_space<vmem>>) semaphore(%run_scoped3A_27 : memref<!tpu.dma_semaphore, #tpu.memory_space<semaphore_mem>>) {add = true}
                %dma_start3A_823 = arith.constant 0 : i32
                %dma_start3A_824 = tpu.memref_slice %arg7[%dma_start3A_823] : memref<10240xf32, #tpu.memory_space<vmem_shared>> -> memref<10240xf32, #tpu.memory_space<vmem_shared>>
                tpu.enqueue_indirect_dma source(%run_scoped3A_17 : memref<64xf32, #tpu.memory_space<vmem>>) target(%dma_start3A_824 : memref<10240xf32, #tpu.memory_space<vmem_shared>>) offsets(%run_scoped3A_12 : memref<64xi32, #tpu.memory_space<vmem>>) semaphore(%run_scoped3A_31 : memref<!tpu.dma_semaphore, #tpu.memory_space<semaphore_mem>>) {add = true}
              } else {
              }
            } else {
            }
            %rem3A_750 = arith.constant 4 : i32
            %rem3A_751 = arith.remsi %scan3A_669, %rem3A_750 : i32
            %eq3A_752 = arith.constant 2 : i32
            %eq3A_753 = arith.cmpi eq, %rem3A_751, %eq3A_752 : i32
            %convert_element_type3A_754 = arith.extui %eq3A_753 : i1 to i32
            %cond3A_755 = arith.constant 0 : i32
            %cond3A_756 = arith.cmpi ne, %convert_element_type3A_754, %cond3A_755 : i32
            scf.if %cond3A_756 {
              %ge3A_772 = arith.constant 4 : i32
              %ge3A_773 = arith.cmpi sge, %scan3A_669, %ge3A_772 : i32
              %convert_element_type3A_774 = arith.extui %ge3A_773 : i1 to i32
              %cond3A_775 = arith.constant 0 : i32
              %cond3A_776 = arith.cmpi ne, %convert_element_type3A_774, %cond3A_775 : i32
              scf.if %cond3A_776 {
                %dma_wait3A_817 = arith.constant 0 : i32
                %dma_wait3A_818 = arith.constant 0 : i32
                %dma_wait3A_819 = tpu.memref_slice %arg6[%dma_wait3A_817, %dma_wait3A_818] : memref<10240x128xf32, #tpu.memory_space<vmem_shared>> -> memref<10240x128xf32, #tpu.memory_space<vmem_shared>>
                tpu.wait_indirect_dma semaphore(%run_scoped3A_26 : memref<!tpu.dma_semaphore, #tpu.memory_space<semaphore_mem>>) src(%run_scoped3A_3 : memref<64x128xf32, #tpu.memory_space<vmem>>) dst(%dma_wait3A_819 : memref<10240x128xf32, #tpu.memory_space<vmem_shared>>)
                %dma_wait3A_820 = arith.constant 0 : i32
                %dma_wait3A_821 = tpu.memref_slice %arg7[%dma_wait3A_820] : memref<10240xf32, #tpu.memory_space<vmem_shared>> -> memref<10240xf32, #tpu.memory_space<vmem_shared>>
                tpu.wait_indirect_dma semaphore(%run_scoped3A_30 : memref<!tpu.dma_semaphore, #tpu.memory_space<semaphore_mem>>) src(%run_scoped3A_17 : memref<64xf32, #tpu.memory_space<vmem>>) dst(%dma_wait3A_821 : memref<10240xf32, #tpu.memory_space<vmem_shared>>)
              } else {
              }
              %get3A_777 = arith.constant 0 : index
              %get3A_778 = tpu.vector_load %run_scoped3A_13[%get3A_777] {strides = array<i32>} : memref<96xi32, #tpu.memory_space<vmem>>, vector<16xi32>,
              %swap3A_779 = arith.constant 0 : index
              %swap3A_780 = tpu.vector_load %run_scoped3A_7[%swap3A_779] {strides = array<i32>} : memref<64xi32, #tpu.memory_space<vmem>>, vector<16xi32>,
              tpu.vector_store %run_scoped3A_7[%swap3A_779], %get3A_778 {strides = array<i32>} : memref<64xi32, #tpu.memory_space<vmem>>, vector<16xi32>,
              %get3A_781 = arith.constant 0 : index
              %get3A_782 = tpu.vector_load %run_scoped3A_14[%get3A_781] {strides = array<i32>} : memref<96xi32, #tpu.memory_space<vmem>>, vector<16xi32>,
              %swap3A_783 = arith.constant 0 : index
              %swap3A_784 = tpu.vector_load %run_scoped3A_11[%swap3A_783] {strides = array<i32>} : memref<64xi32, #tpu.memory_space<vmem>>, vector<16xi32>,
              tpu.vector_store %run_scoped3A_11[%swap3A_783], %get3A_782 {strides = array<i32>} : memref<64xi32, #tpu.memory_space<vmem>>, vector<16xi32>,
              %get3A_785 = arith.constant 16 : index
              %get3A_786 = tpu.vector_load %run_scoped3A_13[%get3A_785] {strides = array<i32>} : memref<96xi32, #tpu.memory_space<vmem>>, vector<16xi32>,
              %swap3A_787 = arith.constant 16 : index
              %swap3A_788 = tpu.vector_load %run_scoped3A_7[%swap3A_787] {strides = array<i32>} : memref<64xi32, #tpu.memory_space<vmem>>, vector<16xi32>,
              tpu.vector_store %run_scoped3A_7[%swap3A_787], %get3A_786 {strides = array<i32>} : memref<64xi32, #tpu.memory_space<vmem>>, vector<16xi32>,
              %get3A_789 = arith.constant 16 : index
              %get3A_790 = tpu.vector_load %run_scoped3A_14[%get3A_789] {strides = array<i32>} : memref<96xi32, #tpu.memory_space<vmem>>, vector<16xi32>,
              %swap3A_791 = arith.constant 16 : index
              %swap3A_792 = tpu.vector_load %run_scoped3A_11[%swap3A_791] {strides = array<i32>} : memref<64xi32, #tpu.memory_space<vmem>>, vector<16xi32>,
              tpu.vector_store %run_scoped3A_11[%swap3A_791], %get3A_790 {strides = array<i32>} : memref<64xi32, #tpu.memory_space<vmem>>, vector<16xi32>,
              %get3A_793 = arith.constant 32 : index
              %get3A_794 = tpu.vector_load %run_scoped3A_13[%get3A_793] {strides = array<i32>} : memref<96xi32, #tpu.memory_space<vmem>>, vector<16xi32>,
              %swap3A_795 = arith.constant 32 : index
              %swap3A_796 = tpu.vector_load %run_scoped3A_7[%swap3A_795] {strides = array<i32>} : memref<64xi32, #tpu.memory_space<vmem>>, vector<16xi32>,
              tpu.vector_store %run_scoped3A_7[%swap3A_795], %get3A_794 {strides = array<i32>} : memref<64xi32, #tpu.memory_space<vmem>>, vector<16xi32>,
              %get3A_797 = arith.constant 32 : index
              %get3A_798 = tpu.vector_load %run_scoped3A_14[%get3A_797] {strides = array<i32>} : memref<96xi32, #tpu.memory_space<vmem>>, vector<16xi32>,
              %swap3A_799 = arith.constant 32 : index
              %swap3A_800 = tpu.vector_load %run_scoped3A_11[%swap3A_799] {strides = array<i32>} : memref<64xi32, #tpu.memory_space<vmem>>, vector<16xi32>,
              tpu.vector_store %run_scoped3A_11[%swap3A_799], %get3A_798 {strides = array<i32>} : memref<64xi32, #tpu.memory_space<vmem>>, vector<16xi32>,
              %get3A_801 = arith.constant 48 : index
              %get3A_802 = tpu.vector_load %run_scoped3A_13[%get3A_801] {strides = array<i32>} : memref<96xi32, #tpu.memory_space<vmem>>, vector<16xi32>,
              %swap3A_803 = arith.constant 48 : index
              %swap3A_804 = tpu.vector_load %run_scoped3A_7[%swap3A_803] {strides = array<i32>} : memref<64xi32, #tpu.memory_space<vmem>>, vector<16xi32>,
              tpu.vector_store %run_scoped3A_7[%swap3A_803], %get3A_802 {strides = array<i32>} : memref<64xi32, #tpu.memory_space<vmem>>, vector<16xi32>,
              %get3A_805 = arith.constant 48 : index
              %get3A_806 = tpu.vector_load %run_scoped3A_14[%get3A_805] {strides = array<i32>} : memref<96xi32, #tpu.memory_space<vmem>>, vector<16xi32>,
              %swap3A_807 = arith.constant 48 : index
              %swap3A_808 = tpu.vector_load %run_scoped3A_11[%swap3A_807] {strides = array<i32>} : memref<64xi32, #tpu.memory_space<vmem>>, vector<16xi32>,
              tpu.vector_store %run_scoped3A_11[%swap3A_807], %get3A_806 {strides = array<i32>} : memref<64xi32, #tpu.memory_space<vmem>>, vector<16xi32>,
              %dma_start3A_809 = arith.constant 0 : i32
              %dma_start3A_810 = arith.constant 0 : i32
              %dma_start3A_811 = tpu.memref_slice %arg3[%dma_start3A_809, %dma_start3A_810] : memref<10000x128xf32, #tpu.memory_space<hbm>> -> memref<10000x128xf32, #tpu.memory_space<hbm>>
              tpu.enqueue_indirect_dma source(%dma_start3A_811 : memref<10000x128xf32, #tpu.memory_space<hbm>>) target(%run_scoped3A_3 : memref<64x128xf32, #tpu.memory_space<vmem>>) offsets(%run_scoped3A_7 : memref<64xi32, #tpu.memory_space<vmem>>) semaphore(%run_scoped3A_22 : memref<!tpu.dma_semaphore, #tpu.memory_space<semaphore_mem>>)
              %ge3A_812 = arith.constant 2 : i32
              %ge3A_813 = arith.cmpi sge, %scan3A_669, %ge3A_812 : i32
              %convert_element_type3A_814 = arith.extui %ge3A_813 : i1 to i32
              %cond3A_815 = arith.constant 0 : i32
              %cond3A_816 = arith.cmpi ne, %convert_element_type3A_814, %cond3A_815 : i32
              scf.if %cond3A_816 {
                %dma_wait3A_817 = arith.constant 0 : i32
                %dma_wait3A_818 = arith.constant 0 : i32
                %dma_wait3A_819 = tpu.memref_slice %arg3[%dma_wait3A_817, %dma_wait3A_818] : memref<10000x128xf32, #tpu.memory_space<hbm>> -> memref<10000x128xf32, #tpu.memory_space<hbm>>
                tpu.wait_indirect_dma semaphore(%run_scoped3A_20 : memref<!tpu.dma_semaphore, #tpu.memory_space<semaphore_mem>>) src(%dma_wait3A_819 : memref<10000x128xf32, #tpu.memory_space<hbm>>) dst(%run_scoped3A_1 : memref<64x128xf32, #tpu.memory_space<vmem>>)
                %dma_start3A_820 = arith.constant 0 : i32
                %dma_start3A_821 = arith.constant 0 : i32
                %dma_start3A_822 = tpu.memref_slice %arg6[%dma_start3A_820, %dma_start3A_821] : memref<10240x128xf32, #tpu.memory_space<vmem_shared>> -> memref<10240x128xf32, #tpu.memory_space<vmem_shared>>
                tpu.enqueue_indirect_dma source(%run_scoped3A_1 : memref<64x128xf32, #tpu.memory_space<vmem>>) target(%dma_start3A_822 : memref<10240x128xf32, #tpu.memory_space<vmem_shared>>) offsets(%run_scoped3A_9 : memref<64xi32, #tpu.memory_space<vmem>>) semaphore(%run_scoped3A_24 : memref<!tpu.dma_semaphore, #tpu.memory_space<semaphore_mem>>) {add = true}
                %dma_start3A_823 = arith.constant 0 : i32
                %dma_start3A_824 = tpu.memref_slice %arg7[%dma_start3A_823] : memref<10240xf32, #tpu.memory_space<vmem_shared>> -> memref<10240xf32, #tpu.memory_space<vmem_shared>>
                tpu.enqueue_indirect_dma source(%run_scoped3A_17 : memref<64xf32, #tpu.memory_space<vmem>>) target(%dma_start3A_824 : memref<10240xf32, #tpu.memory_space<vmem_shared>>) offsets(%run_scoped3A_9 : memref<64xi32, #tpu.memory_space<vmem>>) semaphore(%run_scoped3A_28 : memref<!tpu.dma_semaphore, #tpu.memory_space<semaphore_mem>>) {add = true}
              } else {
              }
            } else {
            }
            %rem3A_757 = arith.constant 4 : i32
            %rem3A_758 = arith.remsi %scan3A_669, %rem3A_757 : i32
            %eq3A_759 = arith.constant 3 : i32
            %eq3A_760 = arith.cmpi eq, %rem3A_758, %eq3A_759 : i32
            %convert_element_type3A_761 = arith.extui %eq3A_760 : i1 to i32
            %cond3A_762 = arith.constant 0 : i32
            %cond3A_763 = arith.cmpi ne, %convert_element_type3A_761, %cond3A_762 : i32
            scf.if %cond3A_763 {
              %ge3A_772 = arith.constant 4 : i32
              %ge3A_773 = arith.cmpi sge, %scan3A_669, %ge3A_772 : i32
              %convert_element_type3A_774 = arith.extui %ge3A_773 : i1 to i32
              %cond3A_775 = arith.constant 0 : i32
              %cond3A_776 = arith.cmpi ne, %convert_element_type3A_774, %cond3A_775 : i32
              scf.if %cond3A_776 {
                %dma_wait3A_817 = arith.constant 0 : i32
                %dma_wait3A_818 = arith.constant 0 : i32
                %dma_wait3A_819 = tpu.memref_slice %arg6[%dma_wait3A_817, %dma_wait3A_818] : memref<10240x128xf32, #tpu.memory_space<vmem_shared>> -> memref<10240x128xf32, #tpu.memory_space<vmem_shared>>
                tpu.wait_indirect_dma semaphore(%run_scoped3A_27 : memref<!tpu.dma_semaphore, #tpu.memory_space<semaphore_mem>>) src(%run_scoped3A_4 : memref<64x128xf32, #tpu.memory_space<vmem>>) dst(%dma_wait3A_819 : memref<10240x128xf32, #tpu.memory_space<vmem_shared>>)
                %dma_wait3A_820 = arith.constant 0 : i32
                %dma_wait3A_821 = tpu.memref_slice %arg7[%dma_wait3A_820] : memref<10240xf32, #tpu.memory_space<vmem_shared>> -> memref<10240xf32, #tpu.memory_space<vmem_shared>>
                tpu.wait_indirect_dma semaphore(%run_scoped3A_31 : memref<!tpu.dma_semaphore, #tpu.memory_space<semaphore_mem>>) src(%run_scoped3A_17 : memref<64xf32, #tpu.memory_space<vmem>>) dst(%dma_wait3A_821 : memref<10240xf32, #tpu.memory_space<vmem_shared>>)
              } else {
              }
              %get3A_777 = arith.constant 0 : index
              %get3A_778 = tpu.vector_load %run_scoped3A_13[%get3A_777] {strides = array<i32>} : memref<96xi32, #tpu.memory_space<vmem>>, vector<16xi32>,
              %swap3A_779 = arith.constant 0 : index
              %swap3A_780 = tpu.vector_load %run_scoped3A_8[%swap3A_779] {strides = array<i32>} : memref<64xi32, #tpu.memory_space<vmem>>, vector<16xi32>,
              tpu.vector_store %run_scoped3A_8[%swap3A_779], %get3A_778 {strides = array<i32>} : memref<64xi32, #tpu.memory_space<vmem>>, vector<16xi32>,
              %get3A_781 = arith.constant 0 : index
              %get3A_782 = tpu.vector_load %run_scoped3A_14[%get3A_781] {strides = array<i32>} : memref<96xi32, #tpu.memory_space<vmem>>, vector<16xi32>,
              %swap3A_783 = arith.constant 0 : index
              %swap3A_784 = tpu.vector_load %run_scoped3A_12[%swap3A_783] {strides = array<i32>} : memref<64xi32, #tpu.memory_space<vmem>>, vector<16xi32>,
              tpu.vector_store %run_scoped3A_12[%swap3A_783], %get3A_782 {strides = array<i32>} : memref<64xi32, #tpu.memory_space<vmem>>, vector<16xi32>,
              %get3A_785 = arith.constant 16 : index
              %get3A_786 = tpu.vector_load %run_scoped3A_13[%get3A_785] {strides = array<i32>} : memref<96xi32, #tpu.memory_space<vmem>>, vector<16xi32>,
              %swap3A_787 = arith.constant 16 : index
              %swap3A_788 = tpu.vector_load %run_scoped3A_8[%swap3A_787] {strides = array<i32>} : memref<64xi32, #tpu.memory_space<vmem>>, vector<16xi32>,
              tpu.vector_store %run_scoped3A_8[%swap3A_787], %get3A_786 {strides = array<i32>} : memref<64xi32, #tpu.memory_space<vmem>>, vector<16xi32>,
              %get3A_789 = arith.constant 16 : index
              %get3A_790 = tpu.vector_load %run_scoped3A_14[%get3A_789] {strides = array<i32>} : memref<96xi32, #tpu.memory_space<vmem>>, vector<16xi32>,
              %swap3A_791 = arith.constant 16 : index
              %swap3A_792 = tpu.vector_load %run_scoped3A_12[%swap3A_791] {strides = array<i32>} : memref<64xi32, #tpu.memory_space<vmem>>, vector<16xi32>,
              tpu.vector_store %run_scoped3A_12[%swap3A_791], %get3A_790 {strides = array<i32>} : memref<64xi32, #tpu.memory_space<vmem>>, vector<16xi32>,
              %get3A_793 = arith.constant 32 : index
              %get3A_794 = tpu.vector_load %run_scoped3A_13[%get3A_793] {strides = array<i32>} : memref<96xi32, #tpu.memory_space<vmem>>, vector<16xi32>,
              %swap3A_795 = arith.constant 32 : index
              %swap3A_796 = tpu.vector_load %run_scoped3A_8[%swap3A_795] {strides = array<i32>} : memref<64xi32, #tpu.memory_space<vmem>>, vector<16xi32>,
              tpu.vector_store %run_scoped3A_8[%swap3A_795], %get3A_794 {strides = array<i32>} : memref<64xi32, #tpu.memory_space<vmem>>, vector<16xi32>,
              %get3A_797 = arith.constant 32 : index
              %get3A_798 = tpu.vector_load %run_scoped3A_14[%get3A_797] {strides = array<i32>} : memref<96xi32, #tpu.memory_space<vmem>>, vector<16xi32>,
              %swap3A_799 = arith.constant 32 : index
              %swap3A_800 = tpu.vector_load %run_scoped3A_12[%swap3A_799] {strides = array<i32>} : memref<64xi32, #tpu.memory_space<vmem>>, vector<16xi32>,
              tpu.vector_store %run_scoped3A_12[%swap3A_799], %get3A_798 {strides = array<i32>} : memref<64xi32, #tpu.memory_space<vmem>>, vector<16xi32>,
              %get3A_801 = arith.constant 48 : index
              %get3A_802 = tpu.vector_load %run_scoped3A_13[%get3A_801] {strides = array<i32>} : memref<96xi32, #tpu.memory_space<vmem>>, vector<16xi32>,
              %swap3A_803 = arith.constant 48 : index
              %swap3A_804 = tpu.vector_load %run_scoped3A_8[%swap3A_803] {strides = array<i32>} : memref<64xi32, #tpu.memory_space<vmem>>, vector<16xi32>,
              tpu.vector_store %run_scoped3A_8[%swap3A_803], %get3A_802 {strides = array<i32>} : memref<64xi32, #tpu.memory_space<vmem>>, vector<16xi32>,
              %get3A_805 = arith.constant 48 : index
              %get3A_806 = tpu.vector_load %run_scoped3A_14[%get3A_805] {strides = array<i32>} : memref<96xi32, #tpu.memory_space<vmem>>, vector<16xi32>,
              %swap3A_807 = arith.constant 48 : index
              %swap3A_808 = tpu.vector_load %run_scoped3A_12[%swap3A_807] {strides = array<i32>} : memref<64xi32, #tpu.memory_space<vmem>>, vector<16xi32>,
              tpu.vector_store %run_scoped3A_12[%swap3A_807], %get3A_806 {strides = array<i32>} : memref<64xi32, #tpu.memory_space<vmem>>, vector<16xi32>,
              %dma_start3A_809 = arith.constant 0 : i32
              %dma_start3A_810 = arith.constant 0 : i32
              %dma_start3A_811 = tpu.memref_slice %arg3[%dma_start3A_809, %dma_start3A_810] : memref<10000x128xf32, #tpu.memory_space<hbm>> -> memref<10000x128xf32, #tpu.memory_space<hbm>>
              tpu.enqueue_indirect_dma source(%dma_start3A_811 : memref<10000x128xf32, #tpu.memory_space<hbm>>) target(%run_scoped3A_4 : memref<64x128xf32, #tpu.memory_space<vmem>>) offsets(%run_scoped3A_8 : memref<64xi32, #tpu.memory_space<vmem>>) semaphore(%run_scoped3A_23 : memref<!tpu.dma_semaphore, #tpu.memory_space<semaphore_mem>>)
              %ge3A_812 = arith.constant 2 : i32
              %ge3A_813 = arith.cmpi sge, %scan3A_669, %ge3A_812 : i32
              %convert_element_type3A_814 = arith.extui %ge3A_813 : i1 to i32
              %cond3A_815 = arith.constant 0 : i32
              %cond3A_816 = arith.cmpi ne, %convert_element_type3A_814, %cond3A_815 : i32
              scf.if %cond3A_816 {
                %dma_wait3A_817 = arith.constant 0 : i32
                %dma_wait3A_818 = arith.constant 0 : i32
                %dma_wait3A_819 = tpu.memref_slice %arg3[%dma_wait3A_817, %dma_wait3A_818] : memref<10000x128xf32, #tpu.memory_space<hbm>> -> memref<10000x128xf32, #tpu.memory_space<hbm>>
                tpu.wait_indirect_dma semaphore(%run_scoped3A_21 : memref<!tpu.dma_semaphore, #tpu.memory_space<semaphore_mem>>) src(%dma_wait3A_819 : memref<10000x128xf32, #tpu.memory_space<hbm>>) dst(%run_scoped3A_2 : memref<64x128xf32, #tpu.memory_space<vmem>>)
                %dma_start3A_820 = arith.constant 0 : i32
                %dma_start3A_821 = arith.constant 0 : i32
                %dma_start3A_822 = tpu.memref_slice %arg6[%dma_start3A_820, %dma_start3A_821] : memref<10240x128xf32, #tpu.memory_space<vmem_shared>> -> memref<10240x128xf32, #tpu.memory_space<vmem_shared>>
                tpu.enqueue_indirect_dma source(%run_scoped3A_2 : memref<64x128xf32, #tpu.memory_space<vmem>>) target(%dma_start3A_822 : memref<10240x128xf32, #tpu.memory_space<vmem_shared>>) offsets(%run_scoped3A_10 : memref<64xi32, #tpu.memory_space<vmem>>) semaphore(%run_scoped3A_25 : memref<!tpu.dma_semaphore, #tpu.memory_space<semaphore_mem>>) {add = true}
                %dma_start3A_823 = arith.constant 0 : i32
                %dma_start3A_824 = tpu.memref_slice %arg7[%dma_start3A_823] : memref<10240xf32, #tpu.memory_space<vmem_shared>> -> memref<10240xf32, #tpu.memory_space<vmem_shared>>
                tpu.enqueue_indirect_dma source(%run_scoped3A_17 : memref<64xf32, #tpu.memory_space<vmem>>) target(%dma_start3A_824 : memref<10240xf32, #tpu.memory_space<vmem_shared>>) offsets(%run_scoped3A_10 : memref<64xi32, #tpu.memory_space<vmem>>) semaphore(%run_scoped3A_29 : memref<!tpu.dma_semaphore, #tpu.memory_space<semaphore_mem>>) {add = true}
              } else {
              }
            } else {
            }
            %get3A_764 = arith.constant 64 : index
            %get3A_765 = tpu.vector_load %run_scoped3A_13[%get3A_764] {strides = array<i32>} : memref<96xi32, #tpu.memory_space<vmem>>, vector<16xi32>,
            %swap3A_766 = arith.constant 0 : index
            %swap3A_767 = tpu.vector_load %run_scoped3A_13[%swap3A_766] {strides = array<i32>} : memref<96xi32, #tpu.memory_space<vmem>>, vector<16xi32>,
            tpu.vector_store %run_scoped3A_13[%swap3A_766], %get3A_765 {strides = array<i32>} : memref<96xi32, #tpu.memory_space<vmem>>, vector<16xi32>,
            %get3A_768 = arith.constant 64 : index
            %get3A_769 = tpu.vector_load %run_scoped3A_14[%get3A_768] {strides = array<i32>} : memref<96xi32, #tpu.memory_space<vmem>>, vector<16xi32>,
            %swap3A_770 = arith.constant 0 : index
            %swap3A_771 = tpu.vector_load %run_scoped3A_14[%swap3A_770] {strides = array<i32>} : memref<96xi32, #tpu.memory_space<vmem>>, vector<16xi32>,
            tpu.vector_store %run_scoped3A_14[%swap3A_770], %get3A_769 {strides = array<i32>} : memref<96xi32, #tpu.memory_space<vmem>>, vector<16xi32>,
          } else {
          }
          %sub3A_731 = arith.constant 64 : i32
          %sub3A_732 = arith.subi %add3A_725, %sub3A_731 : i32
          %select_n3A_733 = arith.select %ge3A_727, %sub3A_732, %add3A_725 : i32
          %convert_element_type3A_734 = arith.extui %ge3A_727 : i1 to i32
          %add3A_735 = arith.addi %scan3A_669, %convert_element_type3A_734 : i32
          scf.yield %select_n3A_733, %add3A_735 : i32, i32
        }
        %scan3A_627 = arith.constant 32 : i32
        %add3A_628 = arith.constant 1 : i32
        %add3A_629 = arith.addi %add3A_612, %add3A_628 : i32
        %mul3A_630 = arith.constant 512 : i32
        %mul3A_631 = arith.muli %add3A_629, %mul3A_630 : i32
        %dma_wait3A = arith.constant 0 : i32
        %dma_wait3A_632 = tpu.memref_slice %arg2[%arg1, %dma_wait3A, %mul3A_631] : memref<16x3x20992xi32, #tpu.memory_space<hbm>> -> memref<1x3x512xi32, #tpu.memory_space<hbm>>
        %dma_wait3A_633 = tpu.memref_squeeze %dma_wait3A_632 : memref<1x3x512xi32, #tpu.memory_space<hbm>> -> memref<3x512xi32, #tpu.memory_space<hbm>>
        %dma_wait3A_634 = arith.constant 0 : i32
        %dma_wait3A_635 = tpu.memref_slice %arg2[%arg1, %dma_wait3A_634, %mul3A_631] : memref<16x3x20992xi32, #tpu.memory_space<hbm>> -> memref<1x3x512xi32, #tpu.memory_space<hbm>>
        %dma_wait3A_636 = tpu.memref_squeeze %dma_wait3A_635 : memref<1x3x512xi32, #tpu.memory_space<hbm>> -> memref<3x512xi32, #tpu.memory_space<hbm>>
        tpu.wait_dma2 semaphore(%run_scoped3A_32 : memref<!tpu.dma_semaphore, #tpu.memory_space<semaphore_mem>>) src(%dma_wait3A_636 : memref<3x512xi32, #tpu.memory_space<hbm>>) dst(%run_scoped3A_0 : memref<3x512xi32, #tpu.memory_space<vmem>>)
        %mul3A_637 = arith.constant 2 : i32
        %mul3A_638 = arith.muli %scan3A_606, %mul3A_637 : i32
        %add3A_639 = arith.constant 1 : i32
        %add3A_640 = arith.addi %mul3A_638, %add3A_639 : i32
        %add3A_641 = arith.constant 1 : i32
        %add3A_642 = arith.addi %add3A_640, %add3A_641 : i32
        %mul3A_643 = arith.constant 512 : i32
        %mul3A_644 = arith.muli %add3A_642, %mul3A_643 : i32
        %dma_start3A_645 = arith.constant 0 : i32
        %dma_start3A_646 = tpu.memref_slice %arg2[%arg1, %dma_start3A_645, %mul3A_644] : memref<16x3x20992xi32, #tpu.memory_space<hbm>> -> memref<1x3x512xi32, #tpu.memory_space<hbm>>
        %dma_start3A_647 = tpu.memref_squeeze %dma_start3A_646 : memref<1x3x512xi32, #tpu.memory_space<hbm>> -> memref<3x512xi32, #tpu.memory_space<hbm>>
        %dma_start3A_648 = arith.constant 0 : i32
        %dma_start3A_649 = tpu.memref_slice %arg2[%arg1, %dma_start3A_648, %mul3A_644] : memref<16x3x20992xi32, #tpu.memory_space<hbm>> -> memref<1x3x512xi32, #tpu.memory_space<hbm>>
        %dma_start3A_650 = tpu.memref_squeeze %dma_start3A_649 : memref<1x3x512xi32, #tpu.memory_space<hbm>> -> memref<3x512xi32, #tpu.memory_space<hbm>>
        tpu.enqueue_dma source(%dma_start3A_650 : memref<3x512xi32, #tpu.memory_space<hbm>>) target(%run_scoped3A : memref<3x512xi32, #tpu.memory_space<vmem>>) target_semaphore(%run_scoped3A_32 : memref<!tpu.dma_semaphore, #tpu.memory_space<semaphore_mem>>)
        %scan3A_651 = arith.constant 0 : i32
        %scan3A_652 = arith.constant 32 : i32
        %scan3A_653 = arith.addi %scan3A_651, %scan3A_652 : i32
        %scan3A_654 = arith.constant 1 : i32
        %scan3A_655:2 = scf.for %scan3A_667 = %scan3A_651 to %scan3A_653 step %scan3A_654 iter_args(%scan3A_668 = %scan3A_626#0, %scan3A_669 = %scan3A_626#1) -> (i32, i32)  : i32 {
          %mul3A_670 = arith.constant 16 : i32
          %mul3A_671 = arith.muli %scan3A_667, %mul3A_670 : i32
          %get3A_672 = arith.constant 0 : i32
          %get3A_673 = arith.index_cast %get3A_672 : i32 to index
          %get3A_674 = arith.index_cast %mul3A_671 : i32 to index
          %get3A_675 = tpu.vector_load %run_scoped3A_0[%get3A_673, %get3A_674] {strides = array<i32>} : memref<3x512xi32, #tpu.memory_space<vmem>>, vector<16xi32>,
          %get3A_676 = arith.constant 1 : i32
          %get3A_677 = arith.index_cast %get3A_676 : i32 to index
          %get3A_678 = arith.index_cast %mul3A_671 : i32 to index
          %get3A_679 = tpu.vector_load %run_scoped3A_0[%get3A_677, %get3A_678] {strides = array<i32>} : memref<3x512xi32, #tpu.memory_space<vmem>>, vector<16xi32>,
          %get3A_680 = arith.constant 2 : i32
          %get3A_681 = arith.index_cast %get3A_680 : i32 to index
          %get3A_682 = arith.index_cast %mul3A_671 : i32 to index
          %get3A_683 = tpu.vector_load %run_scoped3A_0[%get3A_681, %get3A_682] {strides = array<i32>} : memref<3x512xi32, #tpu.memory_space<vmem>>, vector<16xi32>,
          %mul3A_684 = arith.constant 512 : i32
          %mul3A_685 = arith.muli %add3A_640, %mul3A_684 : i32
          %add3A_686 = arith.addi %mul3A_685, %mul3A_671 : i32
          %add3A_687 = vector.broadcast %add3A_686 : i32 to vector<16xi32>
          %add3A_688 = arith.addi %add3A_687, %iota3A_335 : vector<16xi32>
          %lt3A_689 = arith.constant 20000 : i32
          %lt3A_690 = vector.broadcast %lt3A_689 : i32 to vector<16xi32>
          %lt3A_691 = arith.cmpi slt, %add3A_688, %lt3A_690 : vector<16xi32>
          %ge3A_692 = vector.broadcast %mul3A_33 : i32 to vector<16xi32>
          %ge3A_693 = arith.cmpi sge, %get3A_679, %ge3A_692 : vector<16xi32>
          %add3A_694 = arith.constant 5000 : i32
          %add3A_695 = arith.addi %mul3A_33, %add3A_694 : i32
          %lt3A_696 = vector.broadcast %add3A_695 : i32 to vector<16xi32>
          %lt3A_697 = arith.cmpi slt, %get3A_679, %lt3A_696 : vector<16xi32>
          %and3A_698 = arith.andi %ge3A_693, %lt3A_697 : vector<16xi1>
          %and3A_699 = arith.andi %lt3A_691, %and3A_698 : vector<16xi1>
          %eq3A_700 = arith.constant 2 : i32
          %eq3A_701 = vector.broadcast %eq3A_700 : i32 to vector<16xi32>
          %eq3A_702 = arith.cmpi eq, %get3A_683, %eq3A_701 : vector<16xi32>
          %and3A_703 = arith.andi %and3A_699, %eq3A_702 : vector<16xi1>
          %sub3A_704 = vector.broadcast %mul3A_33 : i32 to vector<16xi32>
          %sub3A_705 = arith.subi %get3A_679, %sub3A_704 : vector<16xi32>
          %swap3A_706 = arith.constant 0 : index
          %swap3A_707 = tpu.vector_load %run_scoped3A_15[%swap3A_706] masked %and3A_703 {strides = array<i32>} : memref<16xi32, #tpu.memory_space<vmem>>, vector<16xi32>, vector<16xi1>
          tpu.vector_store %run_scoped3A_15[%swap3A_706], %get3A_675 masked %and3A_703 {strides = array<i32>} : memref<16xi32, #tpu.memory_space<vmem>>, vector<16xi32>, vector<16xi1>
          %swap3A_708 = arith.constant 0 : index
          %swap3A_709 = tpu.vector_load %run_scoped3A_16[%swap3A_708] masked %and3A_703 {strides = array<i32>} : memref<16xi32, #tpu.memory_space<vmem>>, vector<16xi32>, vector<16xi1>
          tpu.vector_store %run_scoped3A_16[%swap3A_708], %sub3A_705 masked %and3A_703 {strides = array<i32>} : memref<16xi32, #tpu.memory_space<vmem>>, vector<16xi32>, vector<16xi1>
          %get3A_710 = arith.constant 0 : index
          %get3A_711 = tpu.vector_load %run_scoped3A_15[%get3A_710] {strides = array<i32>} : memref<16xi32, #tpu.memory_space<vmem>>, vector<16xi32>,
          %swap3A_712 = arith.index_cast %scan3A_668 : i32 to index
          %swap3A_713 = tpu.vector_load %run_scoped3A_13[%swap3A_712] {strides = array<i32>} : memref<96xi32, #tpu.memory_space<vmem>>, vector<16xi32>,
          tpu.vector_store %run_scoped3A_13[%swap3A_712], %get3A_711 {strides = array<i32>} : memref<96xi32, #tpu.memory_space<vmem>>, vector<16xi32>,
          %get3A_714 = arith.constant 0 : index
          %get3A_715 = tpu.vector_load %run_scoped3A_16[%get3A_714] {strides = array<i32>} : memref<16xi32, #tpu.memory_space<vmem>>, vector<16xi32>,
          %swap3A_716 = arith.index_cast %scan3A_668 : i32 to index
          %swap3A_717 = tpu.vector_load %run_scoped3A_14[%swap3A_716] {strides = array<i32>} : memref<96xi32, #tpu.memory_space<vmem>>, vector<16xi32>,
          tpu.vector_store %run_scoped3A_14[%swap3A_716], %get3A_715 {strides = array<i32>} : memref<96xi32, #tpu.memory_space<vmem>>, vector<16xi32>,
          %all_reduce_population_count3A = tpu.all_reduce %and3A_703 {dim = 0 : i64, kind = #tpu.reduction_kind<sum>} : vector<16xi1> -> vector<16xi32>
          %reduce_max3A = arith.constant true
          %reduce_max3A_718 = vector.broadcast %reduce_max3A : i1 to vector<16xi1>
          %reduce_max3A_719 = arith.constant -2147483648 : i32
          %reduce_max3A_720 = vector.broadcast %reduce_max3A_719 : i32 to vector<16xi32>
          %reduce_max3A_721 = arith.xori %all_reduce_population_count3A, %reduce_max3A_720 : vector<16xi32>
          %reduce_max3A_722 = tpu.scan <max>, %reduce_max3A_721 masked %reduce_max3A_718 : vector<16xi32>, vector<16xi1> -> vector<16xi32>
          %reduce_max3A_723 = arith.xori %reduce_max3A_722, %reduce_max3A_720 : vector<16xi32>
          %reduce_max3A_724 = vector.extract %reduce_max3A_723[15] : i32 from vector<16xi32>
          %add3A_725 = arith.addi %scan3A_668, %reduce_max3A_724 : i32
          %ge3A_726 = arith.constant 64 : i32
          %ge3A_727 = arith.cmpi sge, %add3A_725, %ge3A_726 : i32
          %convert_element_type3A_728 = arith.extui %ge3A_727 : i1 to i32
          %cond3A_729 = arith.constant 0 : i32
          %cond3A_730 = arith.cmpi ne, %convert_element_type3A_728, %cond3A_729 : i32
          scf.if %cond3A_730 {
            %rem3A_736 = arith.constant 4 : i32
            %rem3A_737 = arith.remsi %scan3A_669, %rem3A_736 : i32
            %eq3A_738 = arith.constant 0 : i32
            %eq3A_739 = arith.cmpi eq, %rem3A_737, %eq3A_738 : i32
            %convert_element_type3A_740 = arith.extui %eq3A_739 : i1 to i32
            %cond3A_741 = arith.constant 0 : i32
            %cond3A_742 = arith.cmpi ne, %convert_element_type3A_740, %cond3A_741 : i32
            scf.if %cond3A_742 {
              %ge3A_772 = arith.constant 4 : i32
              %ge3A_773 = arith.cmpi sge, %scan3A_669, %ge3A_772 : i32
              %convert_element_type3A_774 = arith.extui %ge3A_773 : i1 to i32
              %cond3A_775 = arith.constant 0 : i32
              %cond3A_776 = arith.cmpi ne, %convert_element_type3A_774, %cond3A_775 : i32
              scf.if %cond3A_776 {
                %dma_wait3A_817 = arith.constant 0 : i32
                %dma_wait3A_818 = arith.constant 0 : i32
                %dma_wait3A_819 = tpu.memref_slice %arg6[%dma_wait3A_817, %dma_wait3A_818] : memref<10240x128xf32, #tpu.memory_space<vmem_shared>> -> memref<10240x128xf32, #tpu.memory_space<vmem_shared>>
                tpu.wait_indirect_dma semaphore(%run_scoped3A_24 : memref<!tpu.dma_semaphore, #tpu.memory_space<semaphore_mem>>) src(%run_scoped3A_1 : memref<64x128xf32, #tpu.memory_space<vmem>>) dst(%dma_wait3A_819 : memref<10240x128xf32, #tpu.memory_space<vmem_shared>>)
                %dma_wait3A_820 = arith.constant 0 : i32
                %dma_wait3A_821 = tpu.memref_slice %arg7[%dma_wait3A_820] : memref<10240xf32, #tpu.memory_space<vmem_shared>> -> memref<10240xf32, #tpu.memory_space<vmem_shared>>
                tpu.wait_indirect_dma semaphore(%run_scoped3A_28 : memref<!tpu.dma_semaphore, #tpu.memory_space<semaphore_mem>>) src(%run_scoped3A_17 : memref<64xf32, #tpu.memory_space<vmem>>) dst(%dma_wait3A_821 : memref<10240xf32, #tpu.memory_space<vmem_shared>>)
              } else {
              }
              %get3A_777 = arith.constant 0 : index
              %get3A_778 = tpu.vector_load %run_scoped3A_13[%get3A_777] {strides = array<i32>} : memref<96xi32, #tpu.memory_space<vmem>>, vector<16xi32>,
              %swap3A_779 = arith.constant 0 : index
              %swap3A_780 = tpu.vector_load %run_scoped3A_5[%swap3A_779] {strides = array<i32>} : memref<64xi32, #tpu.memory_space<vmem>>, vector<16xi32>,
              tpu.vector_store %run_scoped3A_5[%swap3A_779], %get3A_778 {strides = array<i32>} : memref<64xi32, #tpu.memory_space<vmem>>, vector<16xi32>,
              %get3A_781 = arith.constant 0 : index
              %get3A_782 = tpu.vector_load %run_scoped3A_14[%get3A_781] {strides = array<i32>} : memref<96xi32, #tpu.memory_space<vmem>>, vector<16xi32>,
              %swap3A_783 = arith.constant 0 : index
              %swap3A_784 = tpu.vector_load %run_scoped3A_9[%swap3A_783] {strides = array<i32>} : memref<64xi32, #tpu.memory_space<vmem>>, vector<16xi32>,
              tpu.vector_store %run_scoped3A_9[%swap3A_783], %get3A_782 {strides = array<i32>} : memref<64xi32, #tpu.memory_space<vmem>>, vector<16xi32>,
              %get3A_785 = arith.constant 16 : index
              %get3A_786 = tpu.vector_load %run_scoped3A_13[%get3A_785] {strides = array<i32>} : memref<96xi32, #tpu.memory_space<vmem>>, vector<16xi32>,
              %swap3A_787 = arith.constant 16 : index
              %swap3A_788 = tpu.vector_load %run_scoped3A_5[%swap3A_787] {strides = array<i32>} : memref<64xi32, #tpu.memory_space<vmem>>, vector<16xi32>,
              tpu.vector_store %run_scoped3A_5[%swap3A_787], %get3A_786 {strides = array<i32>} : memref<64xi32, #tpu.memory_space<vmem>>, vector<16xi32>,
              %get3A_789 = arith.constant 16 : index
              %get3A_790 = tpu.vector_load %run_scoped3A_14[%get3A_789] {strides = array<i32>} : memref<96xi32, #tpu.memory_space<vmem>>, vector<16xi32>,
              %swap3A_791 = arith.constant 16 : index
              %swap3A_792 = tpu.vector_load %run_scoped3A_9[%swap3A_791] {strides = array<i32>} : memref<64xi32, #tpu.memory_space<vmem>>, vector<16xi32>,
              tpu.vector_store %run_scoped3A_9[%swap3A_791], %get3A_790 {strides = array<i32>} : memref<64xi32, #tpu.memory_space<vmem>>, vector<16xi32>,
              %get3A_793 = arith.constant 32 : index
              %get3A_794 = tpu.vector_load %run_scoped3A_13[%get3A_793] {strides = array<i32>} : memref<96xi32, #tpu.memory_space<vmem>>, vector<16xi32>,
              %swap3A_795 = arith.constant 32 : index
              %swap3A_796 = tpu.vector_load %run_scoped3A_5[%swap3A_795] {strides = array<i32>} : memref<64xi32, #tpu.memory_space<vmem>>, vector<16xi32>,
              tpu.vector_store %run_scoped3A_5[%swap3A_795], %get3A_794 {strides = array<i32>} : memref<64xi32, #tpu.memory_space<vmem>>, vector<16xi32>,
              %get3A_797 = arith.constant 32 : index
              %get3A_798 = tpu.vector_load %run_scoped3A_14[%get3A_797] {strides = array<i32>} : memref<96xi32, #tpu.memory_space<vmem>>, vector<16xi32>,
              %swap3A_799 = arith.constant 32 : index
              %swap3A_800 = tpu.vector_load %run_scoped3A_9[%swap3A_799] {strides = array<i32>} : memref<64xi32, #tpu.memory_space<vmem>>, vector<16xi32>,
              tpu.vector_store %run_scoped3A_9[%swap3A_799], %get3A_798 {strides = array<i32>} : memref<64xi32, #tpu.memory_space<vmem>>, vector<16xi32>,
              %get3A_801 = arith.constant 48 : index
              %get3A_802 = tpu.vector_load %run_scoped3A_13[%get3A_801] {strides = array<i32>} : memref<96xi32, #tpu.memory_space<vmem>>, vector<16xi32>,
              %swap3A_803 = arith.constant 48 : index
              %swap3A_804 = tpu.vector_load %run_scoped3A_5[%swap3A_803] {strides = array<i32>} : memref<64xi32, #tpu.memory_space<vmem>>, vector<16xi32>,
              tpu.vector_store %run_scoped3A_5[%swap3A_803], %get3A_802 {strides = array<i32>} : memref<64xi32, #tpu.memory_space<vmem>>, vector<16xi32>,
              %get3A_805 = arith.constant 48 : index
              %get3A_806 = tpu.vector_load %run_scoped3A_14[%get3A_805] {strides = array<i32>} : memref<96xi32, #tpu.memory_space<vmem>>, vector<16xi32>,
              %swap3A_807 = arith.constant 48 : index
              %swap3A_808 = tpu.vector_load %run_scoped3A_9[%swap3A_807] {strides = array<i32>} : memref<64xi32, #tpu.memory_space<vmem>>, vector<16xi32>,
              tpu.vector_store %run_scoped3A_9[%swap3A_807], %get3A_806 {strides = array<i32>} : memref<64xi32, #tpu.memory_space<vmem>>, vector<16xi32>,
              %dma_start3A_809 = arith.constant 0 : i32
              %dma_start3A_810 = arith.constant 0 : i32
              %dma_start3A_811 = tpu.memref_slice %arg3[%dma_start3A_809, %dma_start3A_810] : memref<10000x128xf32, #tpu.memory_space<hbm>> -> memref<10000x128xf32, #tpu.memory_space<hbm>>
              tpu.enqueue_indirect_dma source(%dma_start3A_811 : memref<10000x128xf32, #tpu.memory_space<hbm>>) target(%run_scoped3A_1 : memref<64x128xf32, #tpu.memory_space<vmem>>) offsets(%run_scoped3A_5 : memref<64xi32, #tpu.memory_space<vmem>>) semaphore(%run_scoped3A_20 : memref<!tpu.dma_semaphore, #tpu.memory_space<semaphore_mem>>)
              %ge3A_812 = arith.constant 2 : i32
              %ge3A_813 = arith.cmpi sge, %scan3A_669, %ge3A_812 : i32
              %convert_element_type3A_814 = arith.extui %ge3A_813 : i1 to i32
              %cond3A_815 = arith.constant 0 : i32
              %cond3A_816 = arith.cmpi ne, %convert_element_type3A_814, %cond3A_815 : i32
              scf.if %cond3A_816 {
                %dma_wait3A_817 = arith.constant 0 : i32
                %dma_wait3A_818 = arith.constant 0 : i32
                %dma_wait3A_819 = tpu.memref_slice %arg3[%dma_wait3A_817, %dma_wait3A_818] : memref<10000x128xf32, #tpu.memory_space<hbm>> -> memref<10000x128xf32, #tpu.memory_space<hbm>>
                tpu.wait_indirect_dma semaphore(%run_scoped3A_22 : memref<!tpu.dma_semaphore, #tpu.memory_space<semaphore_mem>>) src(%dma_wait3A_819 : memref<10000x128xf32, #tpu.memory_space<hbm>>) dst(%run_scoped3A_3 : memref<64x128xf32, #tpu.memory_space<vmem>>)
                %dma_start3A_820 = arith.constant 0 : i32
                %dma_start3A_821 = arith.constant 0 : i32
                %dma_start3A_822 = tpu.memref_slice %arg6[%dma_start3A_820, %dma_start3A_821] : memref<10240x128xf32, #tpu.memory_space<vmem_shared>> -> memref<10240x128xf32, #tpu.memory_space<vmem_shared>>
                tpu.enqueue_indirect_dma source(%run_scoped3A_3 : memref<64x128xf32, #tpu.memory_space<vmem>>) target(%dma_start3A_822 : memref<10240x128xf32, #tpu.memory_space<vmem_shared>>) offsets(%run_scoped3A_11 : memref<64xi32, #tpu.memory_space<vmem>>) semaphore(%run_scoped3A_26 : memref<!tpu.dma_semaphore, #tpu.memory_space<semaphore_mem>>) {add = true}
                %dma_start3A_823 = arith.constant 0 : i32
                %dma_start3A_824 = tpu.memref_slice %arg7[%dma_start3A_823] : memref<10240xf32, #tpu.memory_space<vmem_shared>> -> memref<10240xf32, #tpu.memory_space<vmem_shared>>
                tpu.enqueue_indirect_dma source(%run_scoped3A_17 : memref<64xf32, #tpu.memory_space<vmem>>) target(%dma_start3A_824 : memref<10240xf32, #tpu.memory_space<vmem_shared>>) offsets(%run_scoped3A_11 : memref<64xi32, #tpu.memory_space<vmem>>) semaphore(%run_scoped3A_30 : memref<!tpu.dma_semaphore, #tpu.memory_space<semaphore_mem>>) {add = true}
              } else {
              }
            } else {
            }
            %rem3A_743 = arith.constant 4 : i32
            %rem3A_744 = arith.remsi %scan3A_669, %rem3A_743 : i32
            %eq3A_745 = arith.constant 1 : i32
            %eq3A_746 = arith.cmpi eq, %rem3A_744, %eq3A_745 : i32
            %convert_element_type3A_747 = arith.extui %eq3A_746 : i1 to i32
            %cond3A_748 = arith.constant 0 : i32
            %cond3A_749 = arith.cmpi ne, %convert_element_type3A_747, %cond3A_748 : i32
            scf.if %cond3A_749 {
              %ge3A_772 = arith.constant 4 : i32
              %ge3A_773 = arith.cmpi sge, %scan3A_669, %ge3A_772 : i32
              %convert_element_type3A_774 = arith.extui %ge3A_773 : i1 to i32
              %cond3A_775 = arith.constant 0 : i32
              %cond3A_776 = arith.cmpi ne, %convert_element_type3A_774, %cond3A_775 : i32
              scf.if %cond3A_776 {
                %dma_wait3A_817 = arith.constant 0 : i32
                %dma_wait3A_818 = arith.constant 0 : i32
                %dma_wait3A_819 = tpu.memref_slice %arg6[%dma_wait3A_817, %dma_wait3A_818] : memref<10240x128xf32, #tpu.memory_space<vmem_shared>> -> memref<10240x128xf32, #tpu.memory_space<vmem_shared>>
                tpu.wait_indirect_dma semaphore(%run_scoped3A_25 : memref<!tpu.dma_semaphore, #tpu.memory_space<semaphore_mem>>) src(%run_scoped3A_2 : memref<64x128xf32, #tpu.memory_space<vmem>>) dst(%dma_wait3A_819 : memref<10240x128xf32, #tpu.memory_space<vmem_shared>>)
                %dma_wait3A_820 = arith.constant 0 : i32
                %dma_wait3A_821 = tpu.memref_slice %arg7[%dma_wait3A_820] : memref<10240xf32, #tpu.memory_space<vmem_shared>> -> memref<10240xf32, #tpu.memory_space<vmem_shared>>
                tpu.wait_indirect_dma semaphore(%run_scoped3A_29 : memref<!tpu.dma_semaphore, #tpu.memory_space<semaphore_mem>>) src(%run_scoped3A_17 : memref<64xf32, #tpu.memory_space<vmem>>) dst(%dma_wait3A_821 : memref<10240xf32, #tpu.memory_space<vmem_shared>>)
              } else {
              }
              %get3A_777 = arith.constant 0 : index
              %get3A_778 = tpu.vector_load %run_scoped3A_13[%get3A_777] {strides = array<i32>} : memref<96xi32, #tpu.memory_space<vmem>>, vector<16xi32>,
              %swap3A_779 = arith.constant 0 : index
              %swap3A_780 = tpu.vector_load %run_scoped3A_6[%swap3A_779] {strides = array<i32>} : memref<64xi32, #tpu.memory_space<vmem>>, vector<16xi32>,
              tpu.vector_store %run_scoped3A_6[%swap3A_779], %get3A_778 {strides = array<i32>} : memref<64xi32, #tpu.memory_space<vmem>>, vector<16xi32>,
              %get3A_781 = arith.constant 0 : index
              %get3A_782 = tpu.vector_load %run_scoped3A_14[%get3A_781] {strides = array<i32>} : memref<96xi32, #tpu.memory_space<vmem>>, vector<16xi32>,
              %swap3A_783 = arith.constant 0 : index
              %swap3A_784 = tpu.vector_load %run_scoped3A_10[%swap3A_783] {strides = array<i32>} : memref<64xi32, #tpu.memory_space<vmem>>, vector<16xi32>,
              tpu.vector_store %run_scoped3A_10[%swap3A_783], %get3A_782 {strides = array<i32>} : memref<64xi32, #tpu.memory_space<vmem>>, vector<16xi32>,
              %get3A_785 = arith.constant 16 : index
              %get3A_786 = tpu.vector_load %run_scoped3A_13[%get3A_785] {strides = array<i32>} : memref<96xi32, #tpu.memory_space<vmem>>, vector<16xi32>,
              %swap3A_787 = arith.constant 16 : index
              %swap3A_788 = tpu.vector_load %run_scoped3A_6[%swap3A_787] {strides = array<i32>} : memref<64xi32, #tpu.memory_space<vmem>>, vector<16xi32>,
              tpu.vector_store %run_scoped3A_6[%swap3A_787], %get3A_786 {strides = array<i32>} : memref<64xi32, #tpu.memory_space<vmem>>, vector<16xi32>,
              %get3A_789 = arith.constant 16 : index
              %get3A_790 = tpu.vector_load %run_scoped3A_14[%get3A_789] {strides = array<i32>} : memref<96xi32, #tpu.memory_space<vmem>>, vector<16xi32>,
              %swap3A_791 = arith.constant 16 : index
              %swap3A_792 = tpu.vector_load %run_scoped3A_10[%swap3A_791] {strides = array<i32>} : memref<64xi32, #tpu.memory_space<vmem>>, vector<16xi32>,
              tpu.vector_store %run_scoped3A_10[%swap3A_791], %get3A_790 {strides = array<i32>} : memref<64xi32, #tpu.memory_space<vmem>>, vector<16xi32>,
              %get3A_793 = arith.constant 32 : index
              %get3A_794 = tpu.vector_load %run_scoped3A_13[%get3A_793] {strides = array<i32>} : memref<96xi32, #tpu.memory_space<vmem>>, vector<16xi32>,
              %swap3A_795 = arith.constant 32 : index
              %swap3A_796 = tpu.vector_load %run_scoped3A_6[%swap3A_795] {strides = array<i32>} : memref<64xi32, #tpu.memory_space<vmem>>, vector<16xi32>,
              tpu.vector_store %run_scoped3A_6[%swap3A_795], %get3A_794 {strides = array<i32>} : memref<64xi32, #tpu.memory_space<vmem>>, vector<16xi32>,
              %get3A_797 = arith.constant 32 : index
              %get3A_798 = tpu.vector_load %run_scoped3A_14[%get3A_797] {strides = array<i32>} : memref<96xi32, #tpu.memory_space<vmem>>, vector<16xi32>,
              %swap3A_799 = arith.constant 32 : index
              %swap3A_800 = tpu.vector_load %run_scoped3A_10[%swap3A_799] {strides = array<i32>} : memref<64xi32, #tpu.memory_space<vmem>>, vector<16xi32>,
              tpu.vector_store %run_scoped3A_10[%swap3A_799], %get3A_798 {strides = array<i32>} : memref<64xi32, #tpu.memory_space<vmem>>, vector<16xi32>,
              %get3A_801 = arith.constant 48 : index
              %get3A_802 = tpu.vector_load %run_scoped3A_13[%get3A_801] {strides = array<i32>} : memref<96xi32, #tpu.memory_space<vmem>>, vector<16xi32>,
              %swap3A_803 = arith.constant 48 : index
              %swap3A_804 = tpu.vector_load %run_scoped3A_6[%swap3A_803] {strides = array<i32>} : memref<64xi32, #tpu.memory_space<vmem>>, vector<16xi32>,
              tpu.vector_store %run_scoped3A_6[%swap3A_803], %get3A_802 {strides = array<i32>} : memref<64xi32, #tpu.memory_space<vmem>>, vector<16xi32>,
              %get3A_805 = arith.constant 48 : index
              %get3A_806 = tpu.vector_load %run_scoped3A_14[%get3A_805] {strides = array<i32>} : memref<96xi32, #tpu.memory_space<vmem>>, vector<16xi32>,
              %swap3A_807 = arith.constant 48 : index
              %swap3A_808 = tpu.vector_load %run_scoped3A_10[%swap3A_807] {strides = array<i32>} : memref<64xi32, #tpu.memory_space<vmem>>, vector<16xi32>,
              tpu.vector_store %run_scoped3A_10[%swap3A_807], %get3A_806 {strides = array<i32>} : memref<64xi32, #tpu.memory_space<vmem>>, vector<16xi32>,
              %dma_start3A_809 = arith.constant 0 : i32
              %dma_start3A_810 = arith.constant 0 : i32
              %dma_start3A_811 = tpu.memref_slice %arg3[%dma_start3A_809, %dma_start3A_810] : memref<10000x128xf32, #tpu.memory_space<hbm>> -> memref<10000x128xf32, #tpu.memory_space<hbm>>
              tpu.enqueue_indirect_dma source(%dma_start3A_811 : memref<10000x128xf32, #tpu.memory_space<hbm>>) target(%run_scoped3A_2 : memref<64x128xf32, #tpu.memory_space<vmem>>) offsets(%run_scoped3A_6 : memref<64xi32, #tpu.memory_space<vmem>>) semaphore(%run_scoped3A_21 : memref<!tpu.dma_semaphore, #tpu.memory_space<semaphore_mem>>)
              %ge3A_812 = arith.constant 2 : i32
              %ge3A_813 = arith.cmpi sge, %scan3A_669, %ge3A_812 : i32
              %convert_element_type3A_814 = arith.extui %ge3A_813 : i1 to i32
              %cond3A_815 = arith.constant 0 : i32
              %cond3A_816 = arith.cmpi ne, %convert_element_type3A_814, %cond3A_815 : i32
              scf.if %cond3A_816 {
                %dma_wait3A_817 = arith.constant 0 : i32
                %dma_wait3A_818 = arith.constant 0 : i32
                %dma_wait3A_819 = tpu.memref_slice %arg3[%dma_wait3A_817, %dma_wait3A_818] : memref<10000x128xf32, #tpu.memory_space<hbm>> -> memref<10000x128xf32, #tpu.memory_space<hbm>>
                tpu.wait_indirect_dma semaphore(%run_scoped3A_23 : memref<!tpu.dma_semaphore, #tpu.memory_space<semaphore_mem>>) src(%dma_wait3A_819 : memref<10000x128xf32, #tpu.memory_space<hbm>>) dst(%run_scoped3A_4 : memref<64x128xf32, #tpu.memory_space<vmem>>)
                %dma_start3A_820 = arith.constant 0 : i32
                %dma_start3A_821 = arith.constant 0 : i32
                %dma_start3A_822 = tpu.memref_slice %arg6[%dma_start3A_820, %dma_start3A_821] : memref<10240x128xf32, #tpu.memory_space<vmem_shared>> -> memref<10240x128xf32, #tpu.memory_space<vmem_shared>>
                tpu.enqueue_indirect_dma source(%run_scoped3A_4 : memref<64x128xf32, #tpu.memory_space<vmem>>) target(%dma_start3A_822 : memref<10240x128xf32, #tpu.memory_space<vmem_shared>>) offsets(%run_scoped3A_12 : memref<64xi32, #tpu.memory_space<vmem>>) semaphore(%run_scoped3A_27 : memref<!tpu.dma_semaphore, #tpu.memory_space<semaphore_mem>>) {add = true}
                %dma_start3A_823 = arith.constant 0 : i32
                %dma_start3A_824 = tpu.memref_slice %arg7[%dma_start3A_823] : memref<10240xf32, #tpu.memory_space<vmem_shared>> -> memref<10240xf32, #tpu.memory_space<vmem_shared>>
                tpu.enqueue_indirect_dma source(%run_scoped3A_17 : memref<64xf32, #tpu.memory_space<vmem>>) target(%dma_start3A_824 : memref<10240xf32, #tpu.memory_space<vmem_shared>>) offsets(%run_scoped3A_12 : memref<64xi32, #tpu.memory_space<vmem>>) semaphore(%run_scoped3A_31 : memref<!tpu.dma_semaphore, #tpu.memory_space<semaphore_mem>>) {add = true}
              } else {
              }
            } else {
            }
            %rem3A_750 = arith.constant 4 : i32
            %rem3A_751 = arith.remsi %scan3A_669, %rem3A_750 : i32
            %eq3A_752 = arith.constant 2 : i32
            %eq3A_753 = arith.cmpi eq, %rem3A_751, %eq3A_752 : i32
            %convert_element_type3A_754 = arith.extui %eq3A_753 : i1 to i32
            %cond3A_755 = arith.constant 0 : i32
            %cond3A_756 = arith.cmpi ne, %convert_element_type3A_754, %cond3A_755 : i32
            scf.if %cond3A_756 {
              %ge3A_772 = arith.constant 4 : i32
              %ge3A_773 = arith.cmpi sge, %scan3A_669, %ge3A_772 : i32
              %convert_element_type3A_774 = arith.extui %ge3A_773 : i1 to i32
              %cond3A_775 = arith.constant 0 : i32
              %cond3A_776 = arith.cmpi ne, %convert_element_type3A_774, %cond3A_775 : i32
              scf.if %cond3A_776 {
                %dma_wait3A_817 = arith.constant 0 : i32
                %dma_wait3A_818 = arith.constant 0 : i32
                %dma_wait3A_819 = tpu.memref_slice %arg6[%dma_wait3A_817, %dma_wait3A_818] : memref<10240x128xf32, #tpu.memory_space<vmem_shared>> -> memref<10240x128xf32, #tpu.memory_space<vmem_shared>>
                tpu.wait_indirect_dma semaphore(%run_scoped3A_26 : memref<!tpu.dma_semaphore, #tpu.memory_space<semaphore_mem>>) src(%run_scoped3A_3 : memref<64x128xf32, #tpu.memory_space<vmem>>) dst(%dma_wait3A_819 : memref<10240x128xf32, #tpu.memory_space<vmem_shared>>)
                %dma_wait3A_820 = arith.constant 0 : i32
                %dma_wait3A_821 = tpu.memref_slice %arg7[%dma_wait3A_820] : memref<10240xf32, #tpu.memory_space<vmem_shared>> -> memref<10240xf32, #tpu.memory_space<vmem_shared>>
                tpu.wait_indirect_dma semaphore(%run_scoped3A_30 : memref<!tpu.dma_semaphore, #tpu.memory_space<semaphore_mem>>) src(%run_scoped3A_17 : memref<64xf32, #tpu.memory_space<vmem>>) dst(%dma_wait3A_821 : memref<10240xf32, #tpu.memory_space<vmem_shared>>)
              } else {
              }
              %get3A_777 = arith.constant 0 : index
              %get3A_778 = tpu.vector_load %run_scoped3A_13[%get3A_777] {strides = array<i32>} : memref<96xi32, #tpu.memory_space<vmem>>, vector<16xi32>,
              %swap3A_779 = arith.constant 0 : index
              %swap3A_780 = tpu.vector_load %run_scoped3A_7[%swap3A_779] {strides = array<i32>} : memref<64xi32, #tpu.memory_space<vmem>>, vector<16xi32>,
              tpu.vector_store %run_scoped3A_7[%swap3A_779], %get3A_778 {strides = array<i32>} : memref<64xi32, #tpu.memory_space<vmem>>, vector<16xi32>,
              %get3A_781 = arith.constant 0 : index
              %get3A_782 = tpu.vector_load %run_scoped3A_14[%get3A_781] {strides = array<i32>} : memref<96xi32, #tpu.memory_space<vmem>>, vector<16xi32>,
              %swap3A_783 = arith.constant 0 : index
              %swap3A_784 = tpu.vector_load %run_scoped3A_11[%swap3A_783] {strides = array<i32>} : memref<64xi32, #tpu.memory_space<vmem>>, vector<16xi32>,
              tpu.vector_store %run_scoped3A_11[%swap3A_783], %get3A_782 {strides = array<i32>} : memref<64xi32, #tpu.memory_space<vmem>>, vector<16xi32>,
              %get3A_785 = arith.constant 16 : index
              %get3A_786 = tpu.vector_load %run_scoped3A_13[%get3A_785] {strides = array<i32>} : memref<96xi32, #tpu.memory_space<vmem>>, vector<16xi32>,
              %swap3A_787 = arith.constant 16 : index
              %swap3A_788 = tpu.vector_load %run_scoped3A_7[%swap3A_787] {strides = array<i32>} : memref<64xi32, #tpu.memory_space<vmem>>, vector<16xi32>,
              tpu.vector_store %run_scoped3A_7[%swap3A_787], %get3A_786 {strides = array<i32>} : memref<64xi32, #tpu.memory_space<vmem>>, vector<16xi32>,
              %get3A_789 = arith.constant 16 : index
              %get3A_790 = tpu.vector_load %run_scoped3A_14[%get3A_789] {strides = array<i32>} : memref<96xi32, #tpu.memory_space<vmem>>, vector<16xi32>,
              %swap3A_791 = arith.constant 16 : index
              %swap3A_792 = tpu.vector_load %run_scoped3A_11[%swap3A_791] {strides = array<i32>} : memref<64xi32, #tpu.memory_space<vmem>>, vector<16xi32>,
              tpu.vector_store %run_scoped3A_11[%swap3A_791], %get3A_790 {strides = array<i32>} : memref<64xi32, #tpu.memory_space<vmem>>, vector<16xi32>,
              %get3A_793 = arith.constant 32 : index
              %get3A_794 = tpu.vector_load %run_scoped3A_13[%get3A_793] {strides = array<i32>} : memref<96xi32, #tpu.memory_space<vmem>>, vector<16xi32>,
              %swap3A_795 = arith.constant 32 : index
              %swap3A_796 = tpu.vector_load %run_scoped3A_7[%swap3A_795] {strides = array<i32>} : memref<64xi32, #tpu.memory_space<vmem>>, vector<16xi32>,
              tpu.vector_store %run_scoped3A_7[%swap3A_795], %get3A_794 {strides = array<i32>} : memref<64xi32, #tpu.memory_space<vmem>>, vector<16xi32>,
              %get3A_797 = arith.constant 32 : index
              %get3A_798 = tpu.vector_load %run_scoped3A_14[%get3A_797] {strides = array<i32>} : memref<96xi32, #tpu.memory_space<vmem>>, vector<16xi32>,
              %swap3A_799 = arith.constant 32 : index
              %swap3A_800 = tpu.vector_load %run_scoped3A_11[%swap3A_799] {strides = array<i32>} : memref<64xi32, #tpu.memory_space<vmem>>, vector<16xi32>,
              tpu.vector_store %run_scoped3A_11[%swap3A_799], %get3A_798 {strides = array<i32>} : memref<64xi32, #tpu.memory_space<vmem>>, vector<16xi32>,
              %get3A_801 = arith.constant 48 : index
              %get3A_802 = tpu.vector_load %run_scoped3A_13[%get3A_801] {strides = array<i32>} : memref<96xi32, #tpu.memory_space<vmem>>, vector<16xi32>,
              %swap3A_803 = arith.constant 48 : index
              %swap3A_804 = tpu.vector_load %run_scoped3A_7[%swap3A_803] {strides = array<i32>} : memref<64xi32, #tpu.memory_space<vmem>>, vector<16xi32>,
              tpu.vector_store %run_scoped3A_7[%swap3A_803], %get3A_802 {strides = array<i32>} : memref<64xi32, #tpu.memory_space<vmem>>, vector<16xi32>,
              %get3A_805 = arith.constant 48 : index
              %get3A_806 = tpu.vector_load %run_scoped3A_14[%get3A_805] {strides = array<i32>} : memref<96xi32, #tpu.memory_space<vmem>>, vector<16xi32>,
              %swap3A_807 = arith.constant 48 : index
              %swap3A_808 = tpu.vector_load %run_scoped3A_11[%swap3A_807] {strides = array<i32>} : memref<64xi32, #tpu.memory_space<vmem>>, vector<16xi32>,
              tpu.vector_store %run_scoped3A_11[%swap3A_807], %get3A_806 {strides = array<i32>} : memref<64xi32, #tpu.memory_space<vmem>>, vector<16xi32>,
              %dma_start3A_809 = arith.constant 0 : i32
              %dma_start3A_810 = arith.constant 0 : i32
              %dma_start3A_811 = tpu.memref_slice %arg3[%dma_start3A_809, %dma_start3A_810] : memref<10000x128xf32, #tpu.memory_space<hbm>> -> memref<10000x128xf32, #tpu.memory_space<hbm>>
              tpu.enqueue_indirect_dma source(%dma_start3A_811 : memref<10000x128xf32, #tpu.memory_space<hbm>>) target(%run_scoped3A_3 : memref<64x128xf32, #tpu.memory_space<vmem>>) offsets(%run_scoped3A_7 : memref<64xi32, #tpu.memory_space<vmem>>) semaphore(%run_scoped3A_22 : memref<!tpu.dma_semaphore, #tpu.memory_space<semaphore_mem>>)
              %ge3A_812 = arith.constant 2 : i32
              %ge3A_813 = arith.cmpi sge, %scan3A_669, %ge3A_812 : i32
              %convert_element_type3A_814 = arith.extui %ge3A_813 : i1 to i32
              %cond3A_815 = arith.constant 0 : i32
              %cond3A_816 = arith.cmpi ne, %convert_element_type3A_814, %cond3A_815 : i32
              scf.if %cond3A_816 {
                %dma_wait3A_817 = arith.constant 0 : i32
                %dma_wait3A_818 = arith.constant 0 : i32
                %dma_wait3A_819 = tpu.memref_slice %arg3[%dma_wait3A_817, %dma_wait3A_818] : memref<10000x128xf32, #tpu.memory_space<hbm>> -> memref<10000x128xf32, #tpu.memory_space<hbm>>
                tpu.wait_indirect_dma semaphore(%run_scoped3A_20 : memref<!tpu.dma_semaphore, #tpu.memory_space<semaphore_mem>>) src(%dma_wait3A_819 : memref<10000x128xf32, #tpu.memory_space<hbm>>) dst(%run_scoped3A_1 : memref<64x128xf32, #tpu.memory_space<vmem>>)
                %dma_start3A_820 = arith.constant 0 : i32
                %dma_start3A_821 = arith.constant 0 : i32
                %dma_start3A_822 = tpu.memref_slice %arg6[%dma_start3A_820, %dma_start3A_821] : memref<10240x128xf32, #tpu.memory_space<vmem_shared>> -> memref<10240x128xf32, #tpu.memory_space<vmem_shared>>
                tpu.enqueue_indirect_dma source(%run_scoped3A_1 : memref<64x128xf32, #tpu.memory_space<vmem>>) target(%dma_start3A_822 : memref<10240x128xf32, #tpu.memory_space<vmem_shared>>) offsets(%run_scoped3A_9 : memref<64xi32, #tpu.memory_space<vmem>>) semaphore(%run_scoped3A_24 : memref<!tpu.dma_semaphore, #tpu.memory_space<semaphore_mem>>) {add = true}
                %dma_start3A_823 = arith.constant 0 : i32
                %dma_start3A_824 = tpu.memref_slice %arg7[%dma_start3A_823] : memref<10240xf32, #tpu.memory_space<vmem_shared>> -> memref<10240xf32, #tpu.memory_space<vmem_shared>>
                tpu.enqueue_indirect_dma source(%run_scoped3A_17 : memref<64xf32, #tpu.memory_space<vmem>>) target(%dma_start3A_824 : memref<10240xf32, #tpu.memory_space<vmem_shared>>) offsets(%run_scoped3A_9 : memref<64xi32, #tpu.memory_space<vmem>>) semaphore(%run_scoped3A_28 : memref<!tpu.dma_semaphore, #tpu.memory_space<semaphore_mem>>) {add = true}
              } else {
              }
            } else {
            }
            %rem3A_757 = arith.constant 4 : i32
            %rem3A_758 = arith.remsi %scan3A_669, %rem3A_757 : i32
            %eq3A_759 = arith.constant 3 : i32
            %eq3A_760 = arith.cmpi eq, %rem3A_758, %eq3A_759 : i32
            %convert_element_type3A_761 = arith.extui %eq3A_760 : i1 to i32
            %cond3A_762 = arith.constant 0 : i32
            %cond3A_763 = arith.cmpi ne, %convert_element_type3A_761, %cond3A_762 : i32
            scf.if %cond3A_763 {
              %ge3A_772 = arith.constant 4 : i32
              %ge3A_773 = arith.cmpi sge, %scan3A_669, %ge3A_772 : i32
              %convert_element_type3A_774 = arith.extui %ge3A_773 : i1 to i32
              %cond3A_775 = arith.constant 0 : i32
              %cond3A_776 = arith.cmpi ne, %convert_element_type3A_774, %cond3A_775 : i32
              scf.if %cond3A_776 {
                %dma_wait3A_817 = arith.constant 0 : i32
                %dma_wait3A_818 = arith.constant 0 : i32
                %dma_wait3A_819 = tpu.memref_slice %arg6[%dma_wait3A_817, %dma_wait3A_818] : memref<10240x128xf32, #tpu.memory_space<vmem_shared>> -> memref<10240x128xf32, #tpu.memory_space<vmem_shared>>
                tpu.wait_indirect_dma semaphore(%run_scoped3A_27 : memref<!tpu.dma_semaphore, #tpu.memory_space<semaphore_mem>>) src(%run_scoped3A_4 : memref<64x128xf32, #tpu.memory_space<vmem>>) dst(%dma_wait3A_819 : memref<10240x128xf32, #tpu.memory_space<vmem_shared>>)
                %dma_wait3A_820 = arith.constant 0 : i32
                %dma_wait3A_821 = tpu.memref_slice %arg7[%dma_wait3A_820] : memref<10240xf32, #tpu.memory_space<vmem_shared>> -> memref<10240xf32, #tpu.memory_space<vmem_shared>>
                tpu.wait_indirect_dma semaphore(%run_scoped3A_31 : memref<!tpu.dma_semaphore, #tpu.memory_space<semaphore_mem>>) src(%run_scoped3A_17 : memref<64xf32, #tpu.memory_space<vmem>>) dst(%dma_wait3A_821 : memref<10240xf32, #tpu.memory_space<vmem_shared>>)
              } else {
              }
              %get3A_777 = arith.constant 0 : index
              %get3A_778 = tpu.vector_load %run_scoped3A_13[%get3A_777] {strides = array<i32>} : memref<96xi32, #tpu.memory_space<vmem>>, vector<16xi32>,
              %swap3A_779 = arith.constant 0 : index
              %swap3A_780 = tpu.vector_load %run_scoped3A_8[%swap3A_779] {strides = array<i32>} : memref<64xi32, #tpu.memory_space<vmem>>, vector<16xi32>,
              tpu.vector_store %run_scoped3A_8[%swap3A_779], %get3A_778 {strides = array<i32>} : memref<64xi32, #tpu.memory_space<vmem>>, vector<16xi32>,
              %get3A_781 = arith.constant 0 : index
              %get3A_782 = tpu.vector_load %run_scoped3A_14[%get3A_781] {strides = array<i32>} : memref<96xi32, #tpu.memory_space<vmem>>, vector<16xi32>,
              %swap3A_783 = arith.constant 0 : index
              %swap3A_784 = tpu.vector_load %run_scoped3A_12[%swap3A_783] {strides = array<i32>} : memref<64xi32, #tpu.memory_space<vmem>>, vector<16xi32>,
              tpu.vector_store %run_scoped3A_12[%swap3A_783], %get3A_782 {strides = array<i32>} : memref<64xi32, #tpu.memory_space<vmem>>, vector<16xi32>,
              %get3A_785 = arith.constant 16 : index
              %get3A_786 = tpu.vector_load %run_scoped3A_13[%get3A_785] {strides = array<i32>} : memref<96xi32, #tpu.memory_space<vmem>>, vector<16xi32>,
              %swap3A_787 = arith.constant 16 : index
              %swap3A_788 = tpu.vector_load %run_scoped3A_8[%swap3A_787] {strides = array<i32>} : memref<64xi32, #tpu.memory_space<vmem>>, vector<16xi32>,
              tpu.vector_store %run_scoped3A_8[%swap3A_787], %get3A_786 {strides = array<i32>} : memref<64xi32, #tpu.memory_space<vmem>>, vector<16xi32>,
              %get3A_789 = arith.constant 16 : index
              %get3A_790 = tpu.vector_load %run_scoped3A_14[%get3A_789] {strides = array<i32>} : memref<96xi32, #tpu.memory_space<vmem>>, vector<16xi32>,
              %swap3A_791 = arith.constant 16 : index
              %swap3A_792 = tpu.vector_load %run_scoped3A_12[%swap3A_791] {strides = array<i32>} : memref<64xi32, #tpu.memory_space<vmem>>, vector<16xi32>,
              tpu.vector_store %run_scoped3A_12[%swap3A_791], %get3A_790 {strides = array<i32>} : memref<64xi32, #tpu.memory_space<vmem>>, vector<16xi32>,
              %get3A_793 = arith.constant 32 : index
              %get3A_794 = tpu.vector_load %run_scoped3A_13[%get3A_793] {strides = array<i32>} : memref<96xi32, #tpu.memory_space<vmem>>, vector<16xi32>,
              %swap3A_795 = arith.constant 32 : index
              %swap3A_796 = tpu.vector_load %run_scoped3A_8[%swap3A_795] {strides = array<i32>} : memref<64xi32, #tpu.memory_space<vmem>>, vector<16xi32>,
              tpu.vector_store %run_scoped3A_8[%swap3A_795], %get3A_794 {strides = array<i32>} : memref<64xi32, #tpu.memory_space<vmem>>, vector<16xi32>,
              %get3A_797 = arith.constant 32 : index
              %get3A_798 = tpu.vector_load %run_scoped3A_14[%get3A_797] {strides = array<i32>} : memref<96xi32, #tpu.memory_space<vmem>>, vector<16xi32>,
              %swap3A_799 = arith.constant 32 : index
              %swap3A_800 = tpu.vector_load %run_scoped3A_12[%swap3A_799] {strides = array<i32>} : memref<64xi32, #tpu.memory_space<vmem>>, vector<16xi32>,
              tpu.vector_store %run_scoped3A_12[%swap3A_799], %get3A_798 {strides = array<i32>} : memref<64xi32, #tpu.memory_space<vmem>>, vector<16xi32>,
              %get3A_801 = arith.constant 48 : index
              %get3A_802 = tpu.vector_load %run_scoped3A_13[%get3A_801] {strides = array<i32>} : memref<96xi32, #tpu.memory_space<vmem>>, vector<16xi32>,
              %swap3A_803 = arith.constant 48 : index
              %swap3A_804 = tpu.vector_load %run_scoped3A_8[%swap3A_803] {strides = array<i32>} : memref<64xi32, #tpu.memory_space<vmem>>, vector<16xi32>,
              tpu.vector_store %run_scoped3A_8[%swap3A_803], %get3A_802 {strides = array<i32>} : memref<64xi32, #tpu.memory_space<vmem>>, vector<16xi32>,
              %get3A_805 = arith.constant 48 : index
              %get3A_806 = tpu.vector_load %run_scoped3A_14[%get3A_805] {strides = array<i32>} : memref<96xi32, #tpu.memory_space<vmem>>, vector<16xi32>,
              %swap3A_807 = arith.constant 48 : index
              %swap3A_808 = tpu.vector_load %run_scoped3A_12[%swap3A_807] {strides = array<i32>} : memref<64xi32, #tpu.memory_space<vmem>>, vector<16xi32>,
              tpu.vector_store %run_scoped3A_12[%swap3A_807], %get3A_806 {strides = array<i32>} : memref<64xi32, #tpu.memory_space<vmem>>, vector<16xi32>,
              %dma_start3A_809 = arith.constant 0 : i32
              %dma_start3A_810 = arith.constant 0 : i32
              %dma_start3A_811 = tpu.memref_slice %arg3[%dma_start3A_809, %dma_start3A_810] : memref<10000x128xf32, #tpu.memory_space<hbm>> -> memref<10000x128xf32, #tpu.memory_space<hbm>>
              tpu.enqueue_indirect_dma source(%dma_start3A_811 : memref<10000x128xf32, #tpu.memory_space<hbm>>) target(%run_scoped3A_4 : memref<64x128xf32, #tpu.memory_space<vmem>>) offsets(%run_scoped3A_8 : memref<64xi32, #tpu.memory_space<vmem>>) semaphore(%run_scoped3A_23 : memref<!tpu.dma_semaphore, #tpu.memory_space<semaphore_mem>>)
              %ge3A_812 = arith.constant 2 : i32
              %ge3A_813 = arith.cmpi sge, %scan3A_669, %ge3A_812 : i32
              %convert_element_type3A_814 = arith.extui %ge3A_813 : i1 to i32
              %cond3A_815 = arith.constant 0 : i32
              %cond3A_816 = arith.cmpi ne, %convert_element_type3A_814, %cond3A_815 : i32
              scf.if %cond3A_816 {
                %dma_wait3A_817 = arith.constant 0 : i32
                %dma_wait3A_818 = arith.constant 0 : i32
                %dma_wait3A_819 = tpu.memref_slice %arg3[%dma_wait3A_817, %dma_wait3A_818] : memref<10000x128xf32, #tpu.memory_space<hbm>> -> memref<10000x128xf32, #tpu.memory_space<hbm>>
                tpu.wait_indirect_dma semaphore(%run_scoped3A_21 : memref<!tpu.dma_semaphore, #tpu.memory_space<semaphore_mem>>) src(%dma_wait3A_819 : memref<10000x128xf32, #tpu.memory_space<hbm>>) dst(%run_scoped3A_2 : memref<64x128xf32, #tpu.memory_space<vmem>>)
                %dma_start3A_820 = arith.constant 0 : i32
                %dma_start3A_821 = arith.constant 0 : i32
                %dma_start3A_822 = tpu.memref_slice %arg6[%dma_start3A_820, %dma_start3A_821] : memref<10240x128xf32, #tpu.memory_space<vmem_shared>> -> memref<10240x128xf32, #tpu.memory_space<vmem_shared>>
                tpu.enqueue_indirect_dma source(%run_scoped3A_2 : memref<64x128xf32, #tpu.memory_space<vmem>>) target(%dma_start3A_822 : memref<10240x128xf32, #tpu.memory_space<vmem_shared>>) offsets(%run_scoped3A_10 : memref<64xi32, #tpu.memory_space<vmem>>) semaphore(%run_scoped3A_25 : memref<!tpu.dma_semaphore, #tpu.memory_space<semaphore_mem>>) {add = true}
                %dma_start3A_823 = arith.constant 0 : i32
                %dma_start3A_824 = tpu.memref_slice %arg7[%dma_start3A_823] : memref<10240xf32, #tpu.memory_space<vmem_shared>> -> memref<10240xf32, #tpu.memory_space<vmem_shared>>
                tpu.enqueue_indirect_dma source(%run_scoped3A_17 : memref<64xf32, #tpu.memory_space<vmem>>) target(%dma_start3A_824 : memref<10240xf32, #tpu.memory_space<vmem_shared>>) offsets(%run_scoped3A_10 : memref<64xi32, #tpu.memory_space<vmem>>) semaphore(%run_scoped3A_29 : memref<!tpu.dma_semaphore, #tpu.memory_space<semaphore_mem>>) {add = true}
              } else {
              }
            } else {
            }
            %get3A_764 = arith.constant 64 : index
            %get3A_765 = tpu.vector_load %run_scoped3A_13[%get3A_764] {strides = array<i32>} : memref<96xi32, #tpu.memory_space<vmem>>, vector<16xi32>,
            %swap3A_766 = arith.constant 0 : index
            %swap3A_767 = tpu.vector_load %run_scoped3A_13[%swap3A_766] {strides = array<i32>} : memref<96xi32, #tpu.memory_space<vmem>>, vector<16xi32>,
            tpu.vector_store %run_scoped3A_13[%swap3A_766], %get3A_765 {strides = array<i32>} : memref<96xi32, #tpu.memory_space<vmem>>, vector<16xi32>,
            %get3A_768 = arith.constant 64 : index
            %get3A_769 = tpu.vector_load %run_scoped3A_14[%get3A_768] {strides = array<i32>} : memref<96xi32, #tpu.memory_space<vmem>>, vector<16xi32>,
            %swap3A_770 = arith.constant 0 : index
            %swap3A_771 = tpu.vector_load %run_scoped3A_14[%swap3A_770] {strides = array<i32>} : memref<96xi32, #tpu.memory_space<vmem>>, vector<16xi32>,
            tpu.vector_store %run_scoped3A_14[%swap3A_770], %get3A_769 {strides = array<i32>} : memref<96xi32, #tpu.memory_space<vmem>>, vector<16xi32>,
          } else {
          }
          %sub3A_731 = arith.constant 64 : i32
          %sub3A_732 = arith.subi %add3A_725, %sub3A_731 : i32
          %select_n3A_733 = arith.select %ge3A_727, %sub3A_732, %add3A_725 : i32
          %convert_element_type3A_734 = arith.extui %ge3A_727 : i1 to i32
          %add3A_735 = arith.addi %scan3A_669, %convert_element_type3A_734 : i32
          scf.yield %select_n3A_733, %add3A_735 : i32, i32
        }
        %scan3A_656 = arith.constant 32 : i32
        %add3A_657 = arith.constant 1 : i32
        %add3A_658 = arith.addi %add3A_640, %add3A_657 : i32
        %mul3A_659 = arith.constant 512 : i32
        %mul3A_660 = arith.muli %add3A_658, %mul3A_659 : i32
        %dma_wait3A_661 = arith.constant 0 : i32
        %dma_wait3A_662 = tpu.memref_slice %arg2[%arg1, %dma_wait3A_661, %mul3A_660] : memref<16x3x20992xi32, #tpu.memory_space<hbm>> -> memref<1x3x512xi32, #tpu.memory_space<hbm>>
        %dma_wait3A_663 = tpu.memref_squeeze %dma_wait3A_662 : memref<1x3x512xi32, #tpu.memory_space<hbm>> -> memref<3x512xi32, #tpu.memory_space<hbm>>
        %dma_wait3A_664 = arith.constant 0 : i32
        %dma_wait3A_665 = tpu.memref_slice %arg2[%arg1, %dma_wait3A_664, %mul3A_660] : memref<16x3x20992xi32, #tpu.memory_space<hbm>> -> memref<1x3x512xi32, #tpu.memory_space<hbm>>
        %dma_wait3A_666 = tpu.memref_squeeze %dma_wait3A_665 : memref<1x3x512xi32, #tpu.memory_space<hbm>> -> memref<3x512xi32, #tpu.memory_space<hbm>>
        tpu.wait_dma2 semaphore(%run_scoped3A_32 : memref<!tpu.dma_semaphore, #tpu.memory_space<semaphore_mem>>) src(%dma_wait3A_666 : memref<3x512xi32, #tpu.memory_space<hbm>>) dst(%run_scoped3A : memref<3x512xi32, #tpu.memory_space<vmem>>)
        scf.yield %scan3A_655#0, %scan3A_655#1 : i32, i32
      }
      %scan3A_343 = arith.constant 20 : i32
      %add3A_344 = arith.constant 0 : i32
      %add3A_345 = vector.broadcast %add3A_344 : i32 to vector<16xi32>
      %add3A_346 = arith.addi %add3A_345, %iota3A_335 : vector<16xi32>
      %lt3A_347 = vector.broadcast %scan3A_342#0 : i32 to vector<16xi32>
      %lt3A_348 = arith.cmpi slt, %add3A_346, %lt3A_347 : vector<16xi32>
      %get3A_349 = arith.constant 0 : index
      %get3A_350 = tpu.vector_load %run_scoped3A_13[%get3A_349] {strides = array<i32>} : memref<96xi32, #tpu.memory_space<vmem>>, vector<16xi32>,
      %jit3A_351 = arith.constant 0 : i32
      %broadcast_in_dim3A_352 = vector.broadcast %jit3A_351 : i32 to vector<16xi32>
      %select_n3A_353 = arith.select %lt3A_348, %get3A_350, %broadcast_in_dim3A_352 : vector<16xi1>, vector<16xi32>
      %get3A_354 = arith.constant 0 : index
      %get3A_355 = tpu.vector_load %run_scoped3A_14[%get3A_354] {strides = array<i32>} : memref<96xi32, #tpu.memory_space<vmem>>, vector<16xi32>,
      %and3A_356 = arith.constant 63 : i32
      %and3A_357 = vector.broadcast %and3A_356 : i32 to vector<16xi32>
      %and3A_358 = arith.andi %add3A_346, %and3A_357 : vector<16xi32>
      %add3A_359 = arith.constant 5000 : i32
      %add3A_360 = vector.broadcast %add3A_359 : i32 to vector<16xi32>
      %add3A_361 = arith.addi %add3A_360, %and3A_358 : vector<16xi32>
      %select_n3A_362 = arith.select %lt3A_348, %get3A_355, %add3A_361 : vector<16xi1>, vector<16xi32>
      %swap3A_363 = arith.constant 0 : index
      %swap3A_364 = tpu.vector_load %run_scoped3A_13[%swap3A_363] {strides = array<i32>} : memref<96xi32, #tpu.memory_space<vmem>>, vector<16xi32>,
      tpu.vector_store %run_scoped3A_13[%swap3A_363], %select_n3A_353 {strides = array<i32>} : memref<96xi32, #tpu.memory_space<vmem>>, vector<16xi32>,
      %swap3A_365 = arith.constant 0 : index
      %swap3A_366 = tpu.vector_load %run_scoped3A_14[%swap3A_365] {strides = array<i32>} : memref<96xi32, #tpu.memory_space<vmem>>, vector<16xi32>,
      tpu.vector_store %run_scoped3A_14[%swap3A_365], %select_n3A_362 {strides = array<i32>} : memref<96xi32, #tpu.memory_space<vmem>>, vector<16xi32>,
      %add3A_367 = arith.constant 16 : i32
      %add3A_368 = vector.broadcast %add3A_367 : i32 to vector<16xi32>
      %add3A_369 = arith.addi %add3A_368, %iota3A_335 : vector<16xi32>
      %lt3A_370 = vector.broadcast %scan3A_342#0 : i32 to vector<16xi32>
      %lt3A_371 = arith.cmpi slt, %add3A_369, %lt3A_370 : vector<16xi32>
      %get3A_372 = arith.constant 16 : index
      %get3A_373 = tpu.vector_load %run_scoped3A_13[%get3A_372] {strides = array<i32>} : memref<96xi32, #tpu.memory_space<vmem>>, vector<16xi32>,
      %jit3A_374 = arith.constant 0 : i32
      %broadcast_in_dim3A_375 = vector.broadcast %jit3A_374 : i32 to vector<16xi32>
      %select_n3A_376 = arith.select %lt3A_371, %get3A_373, %broadcast_in_dim3A_375 : vector<16xi1>, vector<16xi32>
      %get3A_377 = arith.constant 16 : index
      %get3A_378 = tpu.vector_load %run_scoped3A_14[%get3A_377] {strides = array<i32>} : memref<96xi32, #tpu.memory_space<vmem>>, vector<16xi32>,
      %and3A_379 = arith.constant 63 : i32
      %and3A_380 = vector.broadcast %and3A_379 : i32 to vector<16xi32>
      %and3A_381 = arith.andi %add3A_369, %and3A_380 : vector<16xi32>
      %add3A_382 = arith.constant 5000 : i32
      %add3A_383 = vector.broadcast %add3A_382 : i32 to vector<16xi32>
      %add3A_384 = arith.addi %add3A_383, %and3A_381 : vector<16xi32>
      %select_n3A_385 = arith.select %lt3A_371, %get3A_378, %add3A_384 : vector<16xi1>, vector<16xi32>
      %swap3A_386 = arith.constant 16 : index
      %swap3A_387 = tpu.vector_load %run_scoped3A_13[%swap3A_386] {strides = array<i32>} : memref<96xi32, #tpu.memory_space<vmem>>, vector<16xi32>,
      tpu.vector_store %run_scoped3A_13[%swap3A_386], %select_n3A_376 {strides = array<i32>} : memref<96xi32, #tpu.memory_space<vmem>>, vector<16xi32>,
      %swap3A_388 = arith.constant 16 : index
      %swap3A_389 = tpu.vector_load %run_scoped3A_14[%swap3A_388] {strides = array<i32>} : memref<96xi32, #tpu.memory_space<vmem>>, vector<16xi32>,
      tpu.vector_store %run_scoped3A_14[%swap3A_388], %select_n3A_385 {strides = array<i32>} : memref<96xi32, #tpu.memory_space<vmem>>, vector<16xi32>,
      %add3A_390 = arith.constant 32 : i32
      %add3A_391 = vector.broadcast %add3A_390 : i32 to vector<16xi32>
      %add3A_392 = arith.addi %add3A_391, %iota3A_335 : vector<16xi32>
      %lt3A_393 = vector.broadcast %scan3A_342#0 : i32 to vector<16xi32>
      %lt3A_394 = arith.cmpi slt, %add3A_392, %lt3A_393 : vector<16xi32>
      %get3A_395 = arith.constant 32 : index
      %get3A_396 = tpu.vector_load %run_scoped3A_13[%get3A_395] {strides = array<i32>} : memref<96xi32, #tpu.memory_space<vmem>>, vector<16xi32>,
      %jit3A_397 = arith.constant 0 : i32
      %broadcast_in_dim3A_398 = vector.broadcast %jit3A_397 : i32 to vector<16xi32>
      %select_n3A_399 = arith.select %lt3A_394, %get3A_396, %broadcast_in_dim3A_398 : vector<16xi1>, vector<16xi32>
      %get3A_400 = arith.constant 32 : index
      %get3A_401 = tpu.vector_load %run_scoped3A_14[%get3A_400] {strides = array<i32>} : memref<96xi32, #tpu.memory_space<vmem>>, vector<16xi32>,
      %and3A_402 = arith.constant 63 : i32
      %and3A_403 = vector.broadcast %and3A_402 : i32 to vector<16xi32>
      %and3A_404 = arith.andi %add3A_392, %and3A_403 : vector<16xi32>
      %add3A_405 = arith.constant 5000 : i32
      %add3A_406 = vector.broadcast %add3A_405 : i32 to vector<16xi32>
      %add3A_407 = arith.addi %add3A_406, %and3A_404 : vector<16xi32>
      %select_n3A_408 = arith.select %lt3A_394, %get3A_401, %add3A_407 : vector<16xi1>, vector<16xi32>
      %swap3A_409 = arith.constant 32 : index
      %swap3A_410 = tpu.vector_load %run_scoped3A_13[%swap3A_409] {strides = array<i32>} : memref<96xi32, #tpu.memory_space<vmem>>, vector<16xi32>,
      tpu.vector_store %run_scoped3A_13[%swap3A_409], %select_n3A_399 {strides = array<i32>} : memref<96xi32, #tpu.memory_space<vmem>>, vector<16xi32>,
      %swap3A_411 = arith.constant 32 : index
      %swap3A_412 = tpu.vector_load %run_scoped3A_14[%swap3A_411] {strides = array<i32>} : memref<96xi32, #tpu.memory_space<vmem>>, vector<16xi32>,
      tpu.vector_store %run_scoped3A_14[%swap3A_411], %select_n3A_408 {strides = array<i32>} : memref<96xi32, #tpu.memory_space<vmem>>, vector<16xi32>,
      %add3A_413 = arith.constant 48 : i32
      %add3A_414 = vector.broadcast %add3A_413 : i32 to vector<16xi32>
      %add3A_415 = arith.addi %add3A_414, %iota3A_335 : vector<16xi32>
      %lt3A_416 = vector.broadcast %scan3A_342#0 : i32 to vector<16xi32>
      %lt3A_417 = arith.cmpi slt, %add3A_415, %lt3A_416 : vector<16xi32>
      %get3A_418 = arith.constant 48 : index
      %get3A_419 = tpu.vector_load %run_scoped3A_13[%get3A_418] {strides = array<i32>} : memref<96xi32, #tpu.memory_space<vmem>>, vector<16xi32>,
      %jit3A_420 = arith.constant 0 : i32
      %broadcast_in_dim3A_421 = vector.broadcast %jit3A_420 : i32 to vector<16xi32>
      %select_n3A_422 = arith.select %lt3A_417, %get3A_419, %broadcast_in_dim3A_421 : vector<16xi1>, vector<16xi32>
      %get3A_423 = arith.constant 48 : index
      %get3A_424 = tpu.vector_load %run_scoped3A_14[%get3A_423] {strides = array<i32>} : memref<96xi32, #tpu.memory_space<vmem>>, vector<16xi32>,
      %and3A_425 = arith.constant 63 : i32
      %and3A_426 = vector.broadcast %and3A_425 : i32 to vector<16xi32>
      %and3A_427 = arith.andi %add3A_415, %and3A_426 : vector<16xi32>
      %add3A_428 = arith.constant 5000 : i32
      %add3A_429 = vector.broadcast %add3A_428 : i32 to vector<16xi32>
      %add3A_430 = arith.addi %add3A_429, %and3A_427 : vector<16xi32>
      %select_n3A_431 = arith.select %lt3A_417, %get3A_424, %add3A_430 : vector<16xi1>, vector<16xi32>
      %swap3A_432 = arith.constant 48 : index
      %swap3A_433 = tpu.vector_load %run_scoped3A_13[%swap3A_432] {strides = array<i32>} : memref<96xi32, #tpu.memory_space<vmem>>, vector<16xi32>,
      tpu.vector_store %run_scoped3A_13[%swap3A_432], %select_n3A_422 {strides = array<i32>} : memref<96xi32, #tpu.memory_space<vmem>>, vector<16xi32>,
      %swap3A_434 = arith.constant 48 : index
      %swap3A_435 = tpu.vector_load %run_scoped3A_14[%swap3A_434] {strides = array<i32>} : memref<96xi32, #tpu.memory_space<vmem>>, vector<16xi32>,
      tpu.vector_store %run_scoped3A_14[%swap3A_434], %select_n3A_431 {strides = array<i32>} : memref<96xi32, #tpu.memory_space<vmem>>, vector<16xi32>,
      %rem3A_436 = arith.constant 4 : i32
      %rem3A_437 = arith.remsi %scan3A_342#1, %rem3A_436 : i32
      %eq3A_438 = arith.constant 0 : i32
      %eq3A_439 = arith.cmpi eq, %rem3A_437, %eq3A_438 : i32
      %convert_element_type3A_440 = arith.extui %eq3A_439 : i1 to i32
      %cond3A_441 = arith.constant 0 : i32
      %cond3A_442 = arith.cmpi ne, %convert_element_type3A_440, %cond3A_441 : i32
      scf.if %cond3A_442 {
        %ge3A_606 = arith.constant 4 : i32
        %ge3A_607 = arith.cmpi sge, %scan3A_342#1, %ge3A_606 : i32
        %convert_element_type3A_608 = arith.extui %ge3A_607 : i1 to i32
        %cond3A_609 = arith.constant 0 : i32
        %cond3A_610 = arith.cmpi ne, %convert_element_type3A_608, %cond3A_609 : i32
        scf.if %cond3A_610 {
          %dma_wait3A = arith.constant 0 : i32
          %dma_wait3A_650 = arith.constant 0 : i32
          %dma_wait3A_651 = tpu.memref_slice %arg6[%dma_wait3A, %dma_wait3A_650] : memref<10240x128xf32, #tpu.memory_space<vmem_shared>> -> memref<10240x128xf32, #tpu.memory_space<vmem_shared>>
          tpu.wait_indirect_dma semaphore(%run_scoped3A_24 : memref<!tpu.dma_semaphore, #tpu.memory_space<semaphore_mem>>) src(%run_scoped3A_1 : memref<64x128xf32, #tpu.memory_space<vmem>>) dst(%dma_wait3A_651 : memref<10240x128xf32, #tpu.memory_space<vmem_shared>>)
          %dma_wait3A_652 = arith.constant 0 : i32
          %dma_wait3A_653 = tpu.memref_slice %arg7[%dma_wait3A_652] : memref<10240xf32, #tpu.memory_space<vmem_shared>> -> memref<10240xf32, #tpu.memory_space<vmem_shared>>
          tpu.wait_indirect_dma semaphore(%run_scoped3A_28 : memref<!tpu.dma_semaphore, #tpu.memory_space<semaphore_mem>>) src(%run_scoped3A_17 : memref<64xf32, #tpu.memory_space<vmem>>) dst(%dma_wait3A_653 : memref<10240xf32, #tpu.memory_space<vmem_shared>>)
        } else {
        }
        %get3A_611 = arith.constant 0 : index
        %get3A_612 = tpu.vector_load %run_scoped3A_13[%get3A_611] {strides = array<i32>} : memref<96xi32, #tpu.memory_space<vmem>>, vector<16xi32>,
        %swap3A_613 = arith.constant 0 : index
        %swap3A_614 = tpu.vector_load %run_scoped3A_5[%swap3A_613] {strides = array<i32>} : memref<64xi32, #tpu.memory_space<vmem>>, vector<16xi32>,
        tpu.vector_store %run_scoped3A_5[%swap3A_613], %get3A_612 {strides = array<i32>} : memref<64xi32, #tpu.memory_space<vmem>>, vector<16xi32>,
        %get3A_615 = arith.constant 0 : index
        %get3A_616 = tpu.vector_load %run_scoped3A_14[%get3A_615] {strides = array<i32>} : memref<96xi32, #tpu.memory_space<vmem>>, vector<16xi32>,
        %swap3A_617 = arith.constant 0 : index
        %swap3A_618 = tpu.vector_load %run_scoped3A_9[%swap3A_617] {strides = array<i32>} : memref<64xi32, #tpu.memory_space<vmem>>, vector<16xi32>,
        tpu.vector_store %run_scoped3A_9[%swap3A_617], %get3A_616 {strides = array<i32>} : memref<64xi32, #tpu.memory_space<vmem>>, vector<16xi32>,
        %get3A_619 = arith.constant 16 : index
        %get3A_620 = tpu.vector_load %run_scoped3A_13[%get3A_619] {strides = array<i32>} : memref<96xi32, #tpu.memory_space<vmem>>, vector<16xi32>,
        %swap3A_621 = arith.constant 16 : index
        %swap3A_622 = tpu.vector_load %run_scoped3A_5[%swap3A_621] {strides = array<i32>} : memref<64xi32, #tpu.memory_space<vmem>>, vector<16xi32>,
        tpu.vector_store %run_scoped3A_5[%swap3A_621], %get3A_620 {strides = array<i32>} : memref<64xi32, #tpu.memory_space<vmem>>, vector<16xi32>,
        %get3A_623 = arith.constant 16 : index
        %get3A_624 = tpu.vector_load %run_scoped3A_14[%get3A_623] {strides = array<i32>} : memref<96xi32, #tpu.memory_space<vmem>>, vector<16xi32>,
        %swap3A_625 = arith.constant 16 : index
        %swap3A_626 = tpu.vector_load %run_scoped3A_9[%swap3A_625] {strides = array<i32>} : memref<64xi32, #tpu.memory_space<vmem>>, vector<16xi32>,
        tpu.vector_store %run_scoped3A_9[%swap3A_625], %get3A_624 {strides = array<i32>} : memref<64xi32, #tpu.memory_space<vmem>>, vector<16xi32>,
        %get3A_627 = arith.constant 32 : index
        %get3A_628 = tpu.vector_load %run_scoped3A_13[%get3A_627] {strides = array<i32>} : memref<96xi32, #tpu.memory_space<vmem>>, vector<16xi32>,
        %swap3A_629 = arith.constant 32 : index
        %swap3A_630 = tpu.vector_load %run_scoped3A_5[%swap3A_629] {strides = array<i32>} : memref<64xi32, #tpu.memory_space<vmem>>, vector<16xi32>,
        tpu.vector_store %run_scoped3A_5[%swap3A_629], %get3A_628 {strides = array<i32>} : memref<64xi32, #tpu.memory_space<vmem>>, vector<16xi32>,
        %get3A_631 = arith.constant 32 : index
        %get3A_632 = tpu.vector_load %run_scoped3A_14[%get3A_631] {strides = array<i32>} : memref<96xi32, #tpu.memory_space<vmem>>, vector<16xi32>,
        %swap3A_633 = arith.constant 32 : index
        %swap3A_634 = tpu.vector_load %run_scoped3A_9[%swap3A_633] {strides = array<i32>} : memref<64xi32, #tpu.memory_space<vmem>>, vector<16xi32>,
        tpu.vector_store %run_scoped3A_9[%swap3A_633], %get3A_632 {strides = array<i32>} : memref<64xi32, #tpu.memory_space<vmem>>, vector<16xi32>,
        %get3A_635 = arith.constant 48 : index
        %get3A_636 = tpu.vector_load %run_scoped3A_13[%get3A_635] {strides = array<i32>} : memref<96xi32, #tpu.memory_space<vmem>>, vector<16xi32>,
        %swap3A_637 = arith.constant 48 : index
        %swap3A_638 = tpu.vector_load %run_scoped3A_5[%swap3A_637] {strides = array<i32>} : memref<64xi32, #tpu.memory_space<vmem>>, vector<16xi32>,
        tpu.vector_store %run_scoped3A_5[%swap3A_637], %get3A_636 {strides = array<i32>} : memref<64xi32, #tpu.memory_space<vmem>>, vector<16xi32>,
        %get3A_639 = arith.constant 48 : index
        %get3A_640 = tpu.vector_load %run_scoped3A_14[%get3A_639] {strides = array<i32>} : memref<96xi32, #tpu.memory_space<vmem>>, vector<16xi32>,
        %swap3A_641 = arith.constant 48 : index
        %swap3A_642 = tpu.vector_load %run_scoped3A_9[%swap3A_641] {strides = array<i32>} : memref<64xi32, #tpu.memory_space<vmem>>, vector<16xi32>,
        tpu.vector_store %run_scoped3A_9[%swap3A_641], %get3A_640 {strides = array<i32>} : memref<64xi32, #tpu.memory_space<vmem>>, vector<16xi32>,
        %dma_start3A = arith.constant 0 : i32
        %dma_start3A_643 = arith.constant 0 : i32
        %dma_start3A_644 = tpu.memref_slice %arg3[%dma_start3A, %dma_start3A_643] : memref<10000x128xf32, #tpu.memory_space<hbm>> -> memref<10000x128xf32, #tpu.memory_space<hbm>>
        tpu.enqueue_indirect_dma source(%dma_start3A_644 : memref<10000x128xf32, #tpu.memory_space<hbm>>) target(%run_scoped3A_1 : memref<64x128xf32, #tpu.memory_space<vmem>>) offsets(%run_scoped3A_5 : memref<64xi32, #tpu.memory_space<vmem>>) semaphore(%run_scoped3A_20 : memref<!tpu.dma_semaphore, #tpu.memory_space<semaphore_mem>>)
        %ge3A_645 = arith.constant 2 : i32
        %ge3A_646 = arith.cmpi sge, %scan3A_342#1, %ge3A_645 : i32
        %convert_element_type3A_647 = arith.extui %ge3A_646 : i1 to i32
        %cond3A_648 = arith.constant 0 : i32
        %cond3A_649 = arith.cmpi ne, %convert_element_type3A_647, %cond3A_648 : i32
        scf.if %cond3A_649 {
          %dma_wait3A = arith.constant 0 : i32
          %dma_wait3A_650 = arith.constant 0 : i32
          %dma_wait3A_651 = tpu.memref_slice %arg3[%dma_wait3A, %dma_wait3A_650] : memref<10000x128xf32, #tpu.memory_space<hbm>> -> memref<10000x128xf32, #tpu.memory_space<hbm>>
          tpu.wait_indirect_dma semaphore(%run_scoped3A_22 : memref<!tpu.dma_semaphore, #tpu.memory_space<semaphore_mem>>) src(%dma_wait3A_651 : memref<10000x128xf32, #tpu.memory_space<hbm>>) dst(%run_scoped3A_3 : memref<64x128xf32, #tpu.memory_space<vmem>>)
          %dma_start3A_652 = arith.constant 0 : i32
          %dma_start3A_653 = arith.constant 0 : i32
          %dma_start3A_654 = tpu.memref_slice %arg6[%dma_start3A_652, %dma_start3A_653] : memref<10240x128xf32, #tpu.memory_space<vmem_shared>> -> memref<10240x128xf32, #tpu.memory_space<vmem_shared>>
          tpu.enqueue_indirect_dma source(%run_scoped3A_3 : memref<64x128xf32, #tpu.memory_space<vmem>>) target(%dma_start3A_654 : memref<10240x128xf32, #tpu.memory_space<vmem_shared>>) offsets(%run_scoped3A_11 : memref<64xi32, #tpu.memory_space<vmem>>) semaphore(%run_scoped3A_26 : memref<!tpu.dma_semaphore, #tpu.memory_space<semaphore_mem>>) {add = true}
          %dma_start3A_655 = arith.constant 0 : i32
          %dma_start3A_656 = tpu.memref_slice %arg7[%dma_start3A_655] : memref<10240xf32, #tpu.memory_space<vmem_shared>> -> memref<10240xf32, #tpu.memory_space<vmem_shared>>
          tpu.enqueue_indirect_dma source(%run_scoped3A_17 : memref<64xf32, #tpu.memory_space<vmem>>) target(%dma_start3A_656 : memref<10240xf32, #tpu.memory_space<vmem_shared>>) offsets(%run_scoped3A_11 : memref<64xi32, #tpu.memory_space<vmem>>) semaphore(%run_scoped3A_30 : memref<!tpu.dma_semaphore, #tpu.memory_space<semaphore_mem>>) {add = true}
        } else {
        }
      } else {
      }
      %rem3A_443 = arith.constant 4 : i32
      %rem3A_444 = arith.remsi %scan3A_342#1, %rem3A_443 : i32
      %eq3A_445 = arith.constant 1 : i32
      %eq3A_446 = arith.cmpi eq, %rem3A_444, %eq3A_445 : i32
      %convert_element_type3A_447 = arith.extui %eq3A_446 : i1 to i32
      %cond3A_448 = arith.constant 0 : i32
      %cond3A_449 = arith.cmpi ne, %convert_element_type3A_447, %cond3A_448 : i32
      scf.if %cond3A_449 {
        %ge3A_606 = arith.constant 4 : i32
        %ge3A_607 = arith.cmpi sge, %scan3A_342#1, %ge3A_606 : i32
        %convert_element_type3A_608 = arith.extui %ge3A_607 : i1 to i32
        %cond3A_609 = arith.constant 0 : i32
        %cond3A_610 = arith.cmpi ne, %convert_element_type3A_608, %cond3A_609 : i32
        scf.if %cond3A_610 {
          %dma_wait3A = arith.constant 0 : i32
          %dma_wait3A_650 = arith.constant 0 : i32
          %dma_wait3A_651 = tpu.memref_slice %arg6[%dma_wait3A, %dma_wait3A_650] : memref<10240x128xf32, #tpu.memory_space<vmem_shared>> -> memref<10240x128xf32, #tpu.memory_space<vmem_shared>>
          tpu.wait_indirect_dma semaphore(%run_scoped3A_25 : memref<!tpu.dma_semaphore, #tpu.memory_space<semaphore_mem>>) src(%run_scoped3A_2 : memref<64x128xf32, #tpu.memory_space<vmem>>) dst(%dma_wait3A_651 : memref<10240x128xf32, #tpu.memory_space<vmem_shared>>)
          %dma_wait3A_652 = arith.constant 0 : i32
          %dma_wait3A_653 = tpu.memref_slice %arg7[%dma_wait3A_652] : memref<10240xf32, #tpu.memory_space<vmem_shared>> -> memref<10240xf32, #tpu.memory_space<vmem_shared>>
          tpu.wait_indirect_dma semaphore(%run_scoped3A_29 : memref<!tpu.dma_semaphore, #tpu.memory_space<semaphore_mem>>) src(%run_scoped3A_17 : memref<64xf32, #tpu.memory_space<vmem>>) dst(%dma_wait3A_653 : memref<10240xf32, #tpu.memory_space<vmem_shared>>)
        } else {
        }
        %get3A_611 = arith.constant 0 : index
        %get3A_612 = tpu.vector_load %run_scoped3A_13[%get3A_611] {strides = array<i32>} : memref<96xi32, #tpu.memory_space<vmem>>, vector<16xi32>,
        %swap3A_613 = arith.constant 0 : index
        %swap3A_614 = tpu.vector_load %run_scoped3A_6[%swap3A_613] {strides = array<i32>} : memref<64xi32, #tpu.memory_space<vmem>>, vector<16xi32>,
        tpu.vector_store %run_scoped3A_6[%swap3A_613], %get3A_612 {strides = array<i32>} : memref<64xi32, #tpu.memory_space<vmem>>, vector<16xi32>,
        %get3A_615 = arith.constant 0 : index
        %get3A_616 = tpu.vector_load %run_scoped3A_14[%get3A_615] {strides = array<i32>} : memref<96xi32, #tpu.memory_space<vmem>>, vector<16xi32>,
        %swap3A_617 = arith.constant 0 : index
        %swap3A_618 = tpu.vector_load %run_scoped3A_10[%swap3A_617] {strides = array<i32>} : memref<64xi32, #tpu.memory_space<vmem>>, vector<16xi32>,
        tpu.vector_store %run_scoped3A_10[%swap3A_617], %get3A_616 {strides = array<i32>} : memref<64xi32, #tpu.memory_space<vmem>>, vector<16xi32>,
        %get3A_619 = arith.constant 16 : index
        %get3A_620 = tpu.vector_load %run_scoped3A_13[%get3A_619] {strides = array<i32>} : memref<96xi32, #tpu.memory_space<vmem>>, vector<16xi32>,
        %swap3A_621 = arith.constant 16 : index
        %swap3A_622 = tpu.vector_load %run_scoped3A_6[%swap3A_621] {strides = array<i32>} : memref<64xi32, #tpu.memory_space<vmem>>, vector<16xi32>,
        tpu.vector_store %run_scoped3A_6[%swap3A_621], %get3A_620 {strides = array<i32>} : memref<64xi32, #tpu.memory_space<vmem>>, vector<16xi32>,
        %get3A_623 = arith.constant 16 : index
        %get3A_624 = tpu.vector_load %run_scoped3A_14[%get3A_623] {strides = array<i32>} : memref<96xi32, #tpu.memory_space<vmem>>, vector<16xi32>,
        %swap3A_625 = arith.constant 16 : index
        %swap3A_626 = tpu.vector_load %run_scoped3A_10[%swap3A_625] {strides = array<i32>} : memref<64xi32, #tpu.memory_space<vmem>>, vector<16xi32>,
        tpu.vector_store %run_scoped3A_10[%swap3A_625], %get3A_624 {strides = array<i32>} : memref<64xi32, #tpu.memory_space<vmem>>, vector<16xi32>,
        %get3A_627 = arith.constant 32 : index
        %get3A_628 = tpu.vector_load %run_scoped3A_13[%get3A_627] {strides = array<i32>} : memref<96xi32, #tpu.memory_space<vmem>>, vector<16xi32>,
        %swap3A_629 = arith.constant 32 : index
        %swap3A_630 = tpu.vector_load %run_scoped3A_6[%swap3A_629] {strides = array<i32>} : memref<64xi32, #tpu.memory_space<vmem>>, vector<16xi32>,
        tpu.vector_store %run_scoped3A_6[%swap3A_629], %get3A_628 {strides = array<i32>} : memref<64xi32, #tpu.memory_space<vmem>>, vector<16xi32>,
        %get3A_631 = arith.constant 32 : index
        %get3A_632 = tpu.vector_load %run_scoped3A_14[%get3A_631] {strides = array<i32>} : memref<96xi32, #tpu.memory_space<vmem>>, vector<16xi32>,
        %swap3A_633 = arith.constant 32 : index
        %swap3A_634 = tpu.vector_load %run_scoped3A_10[%swap3A_633] {strides = array<i32>} : memref<64xi32, #tpu.memory_space<vmem>>, vector<16xi32>,
        tpu.vector_store %run_scoped3A_10[%swap3A_633], %get3A_632 {strides = array<i32>} : memref<64xi32, #tpu.memory_space<vmem>>, vector<16xi32>,
        %get3A_635 = arith.constant 48 : index
        %get3A_636 = tpu.vector_load %run_scoped3A_13[%get3A_635] {strides = array<i32>} : memref<96xi32, #tpu.memory_space<vmem>>, vector<16xi32>,
        %swap3A_637 = arith.constant 48 : index
        %swap3A_638 = tpu.vector_load %run_scoped3A_6[%swap3A_637] {strides = array<i32>} : memref<64xi32, #tpu.memory_space<vmem>>, vector<16xi32>,
        tpu.vector_store %run_scoped3A_6[%swap3A_637], %get3A_636 {strides = array<i32>} : memref<64xi32, #tpu.memory_space<vmem>>, vector<16xi32>,
        %get3A_639 = arith.constant 48 : index
        %get3A_640 = tpu.vector_load %run_scoped3A_14[%get3A_639] {strides = array<i32>} : memref<96xi32, #tpu.memory_space<vmem>>, vector<16xi32>,
        %swap3A_641 = arith.constant 48 : index
        %swap3A_642 = tpu.vector_load %run_scoped3A_10[%swap3A_641] {strides = array<i32>} : memref<64xi32, #tpu.memory_space<vmem>>, vector<16xi32>,
        tpu.vector_store %run_scoped3A_10[%swap3A_641], %get3A_640 {strides = array<i32>} : memref<64xi32, #tpu.memory_space<vmem>>, vector<16xi32>,
        %dma_start3A = arith.constant 0 : i32
        %dma_start3A_643 = arith.constant 0 : i32
        %dma_start3A_644 = tpu.memref_slice %arg3[%dma_start3A, %dma_start3A_643] : memref<10000x128xf32, #tpu.memory_space<hbm>> -> memref<10000x128xf32, #tpu.memory_space<hbm>>
        tpu.enqueue_indirect_dma source(%dma_start3A_644 : memref<10000x128xf32, #tpu.memory_space<hbm>>) target(%run_scoped3A_2 : memref<64x128xf32, #tpu.memory_space<vmem>>) offsets(%run_scoped3A_6 : memref<64xi32, #tpu.memory_space<vmem>>) semaphore(%run_scoped3A_21 : memref<!tpu.dma_semaphore, #tpu.memory_space<semaphore_mem>>)
        %ge3A_645 = arith.constant 2 : i32
        %ge3A_646 = arith.cmpi sge, %scan3A_342#1, %ge3A_645 : i32
        %convert_element_type3A_647 = arith.extui %ge3A_646 : i1 to i32
        %cond3A_648 = arith.constant 0 : i32
        %cond3A_649 = arith.cmpi ne, %convert_element_type3A_647, %cond3A_648 : i32
        scf.if %cond3A_649 {
          %dma_wait3A = arith.constant 0 : i32
          %dma_wait3A_650 = arith.constant 0 : i32
          %dma_wait3A_651 = tpu.memref_slice %arg3[%dma_wait3A, %dma_wait3A_650] : memref<10000x128xf32, #tpu.memory_space<hbm>> -> memref<10000x128xf32, #tpu.memory_space<hbm>>
          tpu.wait_indirect_dma semaphore(%run_scoped3A_23 : memref<!tpu.dma_semaphore, #tpu.memory_space<semaphore_mem>>) src(%dma_wait3A_651 : memref<10000x128xf32, #tpu.memory_space<hbm>>) dst(%run_scoped3A_4 : memref<64x128xf32, #tpu.memory_space<vmem>>)
          %dma_start3A_652 = arith.constant 0 : i32
          %dma_start3A_653 = arith.constant 0 : i32
          %dma_start3A_654 = tpu.memref_slice %arg6[%dma_start3A_652, %dma_start3A_653] : memref<10240x128xf32, #tpu.memory_space<vmem_shared>> -> memref<10240x128xf32, #tpu.memory_space<vmem_shared>>
          tpu.enqueue_indirect_dma source(%run_scoped3A_4 : memref<64x128xf32, #tpu.memory_space<vmem>>) target(%dma_start3A_654 : memref<10240x128xf32, #tpu.memory_space<vmem_shared>>) offsets(%run_scoped3A_12 : memref<64xi32, #tpu.memory_space<vmem>>) semaphore(%run_scoped3A_27 : memref<!tpu.dma_semaphore, #tpu.memory_space<semaphore_mem>>) {add = true}
          %dma_start3A_655 = arith.constant 0 : i32
          %dma_start3A_656 = tpu.memref_slice %arg7[%dma_start3A_655] : memref<10240xf32, #tpu.memory_space<vmem_shared>> -> memref<10240xf32, #tpu.memory_space<vmem_shared>>
          tpu.enqueue_indirect_dma source(%run_scoped3A_17 : memref<64xf32, #tpu.memory_space<vmem>>) target(%dma_start3A_656 : memref<10240xf32, #tpu.memory_space<vmem_shared>>) offsets(%run_scoped3A_12 : memref<64xi32, #tpu.memory_space<vmem>>) semaphore(%run_scoped3A_31 : memref<!tpu.dma_semaphore, #tpu.memory_space<semaphore_mem>>) {add = true}
        } else {
        }
      } else {
      }
      %rem3A_450 = arith.constant 4 : i32
      %rem3A_451 = arith.remsi %scan3A_342#1, %rem3A_450 : i32
      %eq3A_452 = arith.constant 2 : i32
      %eq3A_453 = arith.cmpi eq, %rem3A_451, %eq3A_452 : i32
      %convert_element_type3A_454 = arith.extui %eq3A_453 : i1 to i32
      %cond3A_455 = arith.constant 0 : i32
      %cond3A_456 = arith.cmpi ne, %convert_element_type3A_454, %cond3A_455 : i32
      scf.if %cond3A_456 {
        %ge3A_606 = arith.constant 4 : i32
        %ge3A_607 = arith.cmpi sge, %scan3A_342#1, %ge3A_606 : i32
        %convert_element_type3A_608 = arith.extui %ge3A_607 : i1 to i32
        %cond3A_609 = arith.constant 0 : i32
        %cond3A_610 = arith.cmpi ne, %convert_element_type3A_608, %cond3A_609 : i32
        scf.if %cond3A_610 {
          %dma_wait3A = arith.constant 0 : i32
          %dma_wait3A_650 = arith.constant 0 : i32
          %dma_wait3A_651 = tpu.memref_slice %arg6[%dma_wait3A, %dma_wait3A_650] : memref<10240x128xf32, #tpu.memory_space<vmem_shared>> -> memref<10240x128xf32, #tpu.memory_space<vmem_shared>>
          tpu.wait_indirect_dma semaphore(%run_scoped3A_26 : memref<!tpu.dma_semaphore, #tpu.memory_space<semaphore_mem>>) src(%run_scoped3A_3 : memref<64x128xf32, #tpu.memory_space<vmem>>) dst(%dma_wait3A_651 : memref<10240x128xf32, #tpu.memory_space<vmem_shared>>)
          %dma_wait3A_652 = arith.constant 0 : i32
          %dma_wait3A_653 = tpu.memref_slice %arg7[%dma_wait3A_652] : memref<10240xf32, #tpu.memory_space<vmem_shared>> -> memref<10240xf32, #tpu.memory_space<vmem_shared>>
          tpu.wait_indirect_dma semaphore(%run_scoped3A_30 : memref<!tpu.dma_semaphore, #tpu.memory_space<semaphore_mem>>) src(%run_scoped3A_17 : memref<64xf32, #tpu.memory_space<vmem>>) dst(%dma_wait3A_653 : memref<10240xf32, #tpu.memory_space<vmem_shared>>)
        } else {
        }
        %get3A_611 = arith.constant 0 : index
        %get3A_612 = tpu.vector_load %run_scoped3A_13[%get3A_611] {strides = array<i32>} : memref<96xi32, #tpu.memory_space<vmem>>, vector<16xi32>,
        %swap3A_613 = arith.constant 0 : index
        %swap3A_614 = tpu.vector_load %run_scoped3A_7[%swap3A_613] {strides = array<i32>} : memref<64xi32, #tpu.memory_space<vmem>>, vector<16xi32>,
        tpu.vector_store %run_scoped3A_7[%swap3A_613], %get3A_612 {strides = array<i32>} : memref<64xi32, #tpu.memory_space<vmem>>, vector<16xi32>,
        %get3A_615 = arith.constant 0 : index
        %get3A_616 = tpu.vector_load %run_scoped3A_14[%get3A_615] {strides = array<i32>} : memref<96xi32, #tpu.memory_space<vmem>>, vector<16xi32>,
        %swap3A_617 = arith.constant 0 : index
        %swap3A_618 = tpu.vector_load %run_scoped3A_11[%swap3A_617] {strides = array<i32>} : memref<64xi32, #tpu.memory_space<vmem>>, vector<16xi32>,
        tpu.vector_store %run_scoped3A_11[%swap3A_617], %get3A_616 {strides = array<i32>} : memref<64xi32, #tpu.memory_space<vmem>>, vector<16xi32>,
        %get3A_619 = arith.constant 16 : index
        %get3A_620 = tpu.vector_load %run_scoped3A_13[%get3A_619] {strides = array<i32>} : memref<96xi32, #tpu.memory_space<vmem>>, vector<16xi32>,
        %swap3A_621 = arith.constant 16 : index
        %swap3A_622 = tpu.vector_load %run_scoped3A_7[%swap3A_621] {strides = array<i32>} : memref<64xi32, #tpu.memory_space<vmem>>, vector<16xi32>,
        tpu.vector_store %run_scoped3A_7[%swap3A_621], %get3A_620 {strides = array<i32>} : memref<64xi32, #tpu.memory_space<vmem>>, vector<16xi32>,
        %get3A_623 = arith.constant 16 : index
        %get3A_624 = tpu.vector_load %run_scoped3A_14[%get3A_623] {strides = array<i32>} : memref<96xi32, #tpu.memory_space<vmem>>, vector<16xi32>,
        %swap3A_625 = arith.constant 16 : index
        %swap3A_626 = tpu.vector_load %run_scoped3A_11[%swap3A_625] {strides = array<i32>} : memref<64xi32, #tpu.memory_space<vmem>>, vector<16xi32>,
        tpu.vector_store %run_scoped3A_11[%swap3A_625], %get3A_624 {strides = array<i32>} : memref<64xi32, #tpu.memory_space<vmem>>, vector<16xi32>,
        %get3A_627 = arith.constant 32 : index
        %get3A_628 = tpu.vector_load %run_scoped3A_13[%get3A_627] {strides = array<i32>} : memref<96xi32, #tpu.memory_space<vmem>>, vector<16xi32>,
        %swap3A_629 = arith.constant 32 : index
        %swap3A_630 = tpu.vector_load %run_scoped3A_7[%swap3A_629] {strides = array<i32>} : memref<64xi32, #tpu.memory_space<vmem>>, vector<16xi32>,
        tpu.vector_store %run_scoped3A_7[%swap3A_629], %get3A_628 {strides = array<i32>} : memref<64xi32, #tpu.memory_space<vmem>>, vector<16xi32>,
        %get3A_631 = arith.constant 32 : index
        %get3A_632 = tpu.vector_load %run_scoped3A_14[%get3A_631] {strides = array<i32>} : memref<96xi32, #tpu.memory_space<vmem>>, vector<16xi32>,
        %swap3A_633 = arith.constant 32 : index
        %swap3A_634 = tpu.vector_load %run_scoped3A_11[%swap3A_633] {strides = array<i32>} : memref<64xi32, #tpu.memory_space<vmem>>, vector<16xi32>,
        tpu.vector_store %run_scoped3A_11[%swap3A_633], %get3A_632 {strides = array<i32>} : memref<64xi32, #tpu.memory_space<vmem>>, vector<16xi32>,
        %get3A_635 = arith.constant 48 : index
        %get3A_636 = tpu.vector_load %run_scoped3A_13[%get3A_635] {strides = array<i32>} : memref<96xi32, #tpu.memory_space<vmem>>, vector<16xi32>,
        %swap3A_637 = arith.constant 48 : index
        %swap3A_638 = tpu.vector_load %run_scoped3A_7[%swap3A_637] {strides = array<i32>} : memref<64xi32, #tpu.memory_space<vmem>>, vector<16xi32>,
        tpu.vector_store %run_scoped3A_7[%swap3A_637], %get3A_636 {strides = array<i32>} : memref<64xi32, #tpu.memory_space<vmem>>, vector<16xi32>,
        %get3A_639 = arith.constant 48 : index
        %get3A_640 = tpu.vector_load %run_scoped3A_14[%get3A_639] {strides = array<i32>} : memref<96xi32, #tpu.memory_space<vmem>>, vector<16xi32>,
        %swap3A_641 = arith.constant 48 : index
        %swap3A_642 = tpu.vector_load %run_scoped3A_11[%swap3A_641] {strides = array<i32>} : memref<64xi32, #tpu.memory_space<vmem>>, vector<16xi32>,
        tpu.vector_store %run_scoped3A_11[%swap3A_641], %get3A_640 {strides = array<i32>} : memref<64xi32, #tpu.memory_space<vmem>>, vector<16xi32>,
        %dma_start3A = arith.constant 0 : i32
        %dma_start3A_643 = arith.constant 0 : i32
        %dma_start3A_644 = tpu.memref_slice %arg3[%dma_start3A, %dma_start3A_643] : memref<10000x128xf32, #tpu.memory_space<hbm>> -> memref<10000x128xf32, #tpu.memory_space<hbm>>
        tpu.enqueue_indirect_dma source(%dma_start3A_644 : memref<10000x128xf32, #tpu.memory_space<hbm>>) target(%run_scoped3A_3 : memref<64x128xf32, #tpu.memory_space<vmem>>) offsets(%run_scoped3A_7 : memref<64xi32, #tpu.memory_space<vmem>>) semaphore(%run_scoped3A_22 : memref<!tpu.dma_semaphore, #tpu.memory_space<semaphore_mem>>)
        %ge3A_645 = arith.constant 2 : i32
        %ge3A_646 = arith.cmpi sge, %scan3A_342#1, %ge3A_645 : i32
        %convert_element_type3A_647 = arith.extui %ge3A_646 : i1 to i32
        %cond3A_648 = arith.constant 0 : i32
        %cond3A_649 = arith.cmpi ne, %convert_element_type3A_647, %cond3A_648 : i32
        scf.if %cond3A_649 {
          %dma_wait3A = arith.constant 0 : i32
          %dma_wait3A_650 = arith.constant 0 : i32
          %dma_wait3A_651 = tpu.memref_slice %arg3[%dma_wait3A, %dma_wait3A_650] : memref<10000x128xf32, #tpu.memory_space<hbm>> -> memref<10000x128xf32, #tpu.memory_space<hbm>>
          tpu.wait_indirect_dma semaphore(%run_scoped3A_20 : memref<!tpu.dma_semaphore, #tpu.memory_space<semaphore_mem>>) src(%dma_wait3A_651 : memref<10000x128xf32, #tpu.memory_space<hbm>>) dst(%run_scoped3A_1 : memref<64x128xf32, #tpu.memory_space<vmem>>)
          %dma_start3A_652 = arith.constant 0 : i32
          %dma_start3A_653 = arith.constant 0 : i32
          %dma_start3A_654 = tpu.memref_slice %arg6[%dma_start3A_652, %dma_start3A_653] : memref<10240x128xf32, #tpu.memory_space<vmem_shared>> -> memref<10240x128xf32, #tpu.memory_space<vmem_shared>>
          tpu.enqueue_indirect_dma source(%run_scoped3A_1 : memref<64x128xf32, #tpu.memory_space<vmem>>) target(%dma_start3A_654 : memref<10240x128xf32, #tpu.memory_space<vmem_shared>>) offsets(%run_scoped3A_9 : memref<64xi32, #tpu.memory_space<vmem>>) semaphore(%run_scoped3A_24 : memref<!tpu.dma_semaphore, #tpu.memory_space<semaphore_mem>>) {add = true}
          %dma_start3A_655 = arith.constant 0 : i32
          %dma_start3A_656 = tpu.memref_slice %arg7[%dma_start3A_655] : memref<10240xf32, #tpu.memory_space<vmem_shared>> -> memref<10240xf32, #tpu.memory_space<vmem_shared>>
          tpu.enqueue_indirect_dma source(%run_scoped3A_17 : memref<64xf32, #tpu.memory_space<vmem>>) target(%dma_start3A_656 : memref<10240xf32, #tpu.memory_space<vmem_shared>>) offsets(%run_scoped3A_9 : memref<64xi32, #tpu.memory_space<vmem>>) semaphore(%run_scoped3A_28 : memref<!tpu.dma_semaphore, #tpu.memory_space<semaphore_mem>>) {add = true}
        } else {
        }
      } else {
      }
      %rem3A_457 = arith.constant 4 : i32
      %rem3A_458 = arith.remsi %scan3A_342#1, %rem3A_457 : i32
      %eq3A_459 = arith.constant 3 : i32
      %eq3A_460 = arith.cmpi eq, %rem3A_458, %eq3A_459 : i32
      %convert_element_type3A_461 = arith.extui %eq3A_460 : i1 to i32
      %cond3A_462 = arith.constant 0 : i32
      %cond3A_463 = arith.cmpi ne, %convert_element_type3A_461, %cond3A_462 : i32
      scf.if %cond3A_463 {
        %ge3A_606 = arith.constant 4 : i32
        %ge3A_607 = arith.cmpi sge, %scan3A_342#1, %ge3A_606 : i32
        %convert_element_type3A_608 = arith.extui %ge3A_607 : i1 to i32
        %cond3A_609 = arith.constant 0 : i32
        %cond3A_610 = arith.cmpi ne, %convert_element_type3A_608, %cond3A_609 : i32
        scf.if %cond3A_610 {
          %dma_wait3A = arith.constant 0 : i32
          %dma_wait3A_650 = arith.constant 0 : i32
          %dma_wait3A_651 = tpu.memref_slice %arg6[%dma_wait3A, %dma_wait3A_650] : memref<10240x128xf32, #tpu.memory_space<vmem_shared>> -> memref<10240x128xf32, #tpu.memory_space<vmem_shared>>
          tpu.wait_indirect_dma semaphore(%run_scoped3A_27 : memref<!tpu.dma_semaphore, #tpu.memory_space<semaphore_mem>>) src(%run_scoped3A_4 : memref<64x128xf32, #tpu.memory_space<vmem>>) dst(%dma_wait3A_651 : memref<10240x128xf32, #tpu.memory_space<vmem_shared>>)
          %dma_wait3A_652 = arith.constant 0 : i32
          %dma_wait3A_653 = tpu.memref_slice %arg7[%dma_wait3A_652] : memref<10240xf32, #tpu.memory_space<vmem_shared>> -> memref<10240xf32, #tpu.memory_space<vmem_shared>>
          tpu.wait_indirect_dma semaphore(%run_scoped3A_31 : memref<!tpu.dma_semaphore, #tpu.memory_space<semaphore_mem>>) src(%run_scoped3A_17 : memref<64xf32, #tpu.memory_space<vmem>>) dst(%dma_wait3A_653 : memref<10240xf32, #tpu.memory_space<vmem_shared>>)
        } else {
        }
        %get3A_611 = arith.constant 0 : index
        %get3A_612 = tpu.vector_load %run_scoped3A_13[%get3A_611] {strides = array<i32>} : memref<96xi32, #tpu.memory_space<vmem>>, vector<16xi32>,
        %swap3A_613 = arith.constant 0 : index
        %swap3A_614 = tpu.vector_load %run_scoped3A_8[%swap3A_613] {strides = array<i32>} : memref<64xi32, #tpu.memory_space<vmem>>, vector<16xi32>,
        tpu.vector_store %run_scoped3A_8[%swap3A_613], %get3A_612 {strides = array<i32>} : memref<64xi32, #tpu.memory_space<vmem>>, vector<16xi32>,
        %get3A_615 = arith.constant 0 : index
        %get3A_616 = tpu.vector_load %run_scoped3A_14[%get3A_615] {strides = array<i32>} : memref<96xi32, #tpu.memory_space<vmem>>, vector<16xi32>,
        %swap3A_617 = arith.constant 0 : index
        %swap3A_618 = tpu.vector_load %run_scoped3A_12[%swap3A_617] {strides = array<i32>} : memref<64xi32, #tpu.memory_space<vmem>>, vector<16xi32>,
        tpu.vector_store %run_scoped3A_12[%swap3A_617], %get3A_616 {strides = array<i32>} : memref<64xi32, #tpu.memory_space<vmem>>, vector<16xi32>,
        %get3A_619 = arith.constant 16 : index
        %get3A_620 = tpu.vector_load %run_scoped3A_13[%get3A_619] {strides = array<i32>} : memref<96xi32, #tpu.memory_space<vmem>>, vector<16xi32>,
        %swap3A_621 = arith.constant 16 : index
        %swap3A_622 = tpu.vector_load %run_scoped3A_8[%swap3A_621] {strides = array<i32>} : memref<64xi32, #tpu.memory_space<vmem>>, vector<16xi32>,
        tpu.vector_store %run_scoped3A_8[%swap3A_621], %get3A_620 {strides = array<i32>} : memref<64xi32, #tpu.memory_space<vmem>>, vector<16xi32>,
        %get3A_623 = arith.constant 16 : index
        %get3A_624 = tpu.vector_load %run_scoped3A_14[%get3A_623] {strides = array<i32>} : memref<96xi32, #tpu.memory_space<vmem>>, vector<16xi32>,
        %swap3A_625 = arith.constant 16 : index
        %swap3A_626 = tpu.vector_load %run_scoped3A_12[%swap3A_625] {strides = array<i32>} : memref<64xi32, #tpu.memory_space<vmem>>, vector<16xi32>,
        tpu.vector_store %run_scoped3A_12[%swap3A_625], %get3A_624 {strides = array<i32>} : memref<64xi32, #tpu.memory_space<vmem>>, vector<16xi32>,
        %get3A_627 = arith.constant 32 : index
        %get3A_628 = tpu.vector_load %run_scoped3A_13[%get3A_627] {strides = array<i32>} : memref<96xi32, #tpu.memory_space<vmem>>, vector<16xi32>,
        %swap3A_629 = arith.constant 32 : index
        %swap3A_630 = tpu.vector_load %run_scoped3A_8[%swap3A_629] {strides = array<i32>} : memref<64xi32, #tpu.memory_space<vmem>>, vector<16xi32>,
        tpu.vector_store %run_scoped3A_8[%swap3A_629], %get3A_628 {strides = array<i32>} : memref<64xi32, #tpu.memory_space<vmem>>, vector<16xi32>,
        %get3A_631 = arith.constant 32 : index
        %get3A_632 = tpu.vector_load %run_scoped3A_14[%get3A_631] {strides = array<i32>} : memref<96xi32, #tpu.memory_space<vmem>>, vector<16xi32>,
        %swap3A_633 = arith.constant 32 : index
        %swap3A_634 = tpu.vector_load %run_scoped3A_12[%swap3A_633] {strides = array<i32>} : memref<64xi32, #tpu.memory_space<vmem>>, vector<16xi32>,
        tpu.vector_store %run_scoped3A_12[%swap3A_633], %get3A_632 {strides = array<i32>} : memref<64xi32, #tpu.memory_space<vmem>>, vector<16xi32>,
        %get3A_635 = arith.constant 48 : index
        %get3A_636 = tpu.vector_load %run_scoped3A_13[%get3A_635] {strides = array<i32>} : memref<96xi32, #tpu.memory_space<vmem>>, vector<16xi32>,
        %swap3A_637 = arith.constant 48 : index
        %swap3A_638 = tpu.vector_load %run_scoped3A_8[%swap3A_637] {strides = array<i32>} : memref<64xi32, #tpu.memory_space<vmem>>, vector<16xi32>,
        tpu.vector_store %run_scoped3A_8[%swap3A_637], %get3A_636 {strides = array<i32>} : memref<64xi32, #tpu.memory_space<vmem>>, vector<16xi32>,
        %get3A_639 = arith.constant 48 : index
        %get3A_640 = tpu.vector_load %run_scoped3A_14[%get3A_639] {strides = array<i32>} : memref<96xi32, #tpu.memory_space<vmem>>, vector<16xi32>,
        %swap3A_641 = arith.constant 48 : index
        %swap3A_642 = tpu.vector_load %run_scoped3A_12[%swap3A_641] {strides = array<i32>} : memref<64xi32, #tpu.memory_space<vmem>>, vector<16xi32>,
        tpu.vector_store %run_scoped3A_12[%swap3A_641], %get3A_640 {strides = array<i32>} : memref<64xi32, #tpu.memory_space<vmem>>, vector<16xi32>,
        %dma_start3A = arith.constant 0 : i32
        %dma_start3A_643 = arith.constant 0 : i32
        %dma_start3A_644 = tpu.memref_slice %arg3[%dma_start3A, %dma_start3A_643] : memref<10000x128xf32, #tpu.memory_space<hbm>> -> memref<10000x128xf32, #tpu.memory_space<hbm>>
        tpu.enqueue_indirect_dma source(%dma_start3A_644 : memref<10000x128xf32, #tpu.memory_space<hbm>>) target(%run_scoped3A_4 : memref<64x128xf32, #tpu.memory_space<vmem>>) offsets(%run_scoped3A_8 : memref<64xi32, #tpu.memory_space<vmem>>) semaphore(%run_scoped3A_23 : memref<!tpu.dma_semaphore, #tpu.memory_space<semaphore_mem>>)
        %ge3A_645 = arith.constant 2 : i32
        %ge3A_646 = arith.cmpi sge, %scan3A_342#1, %ge3A_645 : i32
        %convert_element_type3A_647 = arith.extui %ge3A_646 : i1 to i32
        %cond3A_648 = arith.constant 0 : i32
        %cond3A_649 = arith.cmpi ne, %convert_element_type3A_647, %cond3A_648 : i32
        scf.if %cond3A_649 {
          %dma_wait3A = arith.constant 0 : i32
          %dma_wait3A_650 = arith.constant 0 : i32
          %dma_wait3A_651 = tpu.memref_slice %arg3[%dma_wait3A, %dma_wait3A_650] : memref<10000x128xf32, #tpu.memory_space<hbm>> -> memref<10000x128xf32, #tpu.memory_space<hbm>>
          tpu.wait_indirect_dma semaphore(%run_scoped3A_21 : memref<!tpu.dma_semaphore, #tpu.memory_space<semaphore_mem>>) src(%dma_wait3A_651 : memref<10000x128xf32, #tpu.memory_space<hbm>>) dst(%run_scoped3A_2 : memref<64x128xf32, #tpu.memory_space<vmem>>)
          %dma_start3A_652 = arith.constant 0 : i32
          %dma_start3A_653 = arith.constant 0 : i32
          %dma_start3A_654 = tpu.memref_slice %arg6[%dma_start3A_652, %dma_start3A_653] : memref<10240x128xf32, #tpu.memory_space<vmem_shared>> -> memref<10240x128xf32, #tpu.memory_space<vmem_shared>>
          tpu.enqueue_indirect_dma source(%run_scoped3A_2 : memref<64x128xf32, #tpu.memory_space<vmem>>) target(%dma_start3A_654 : memref<10240x128xf32, #tpu.memory_space<vmem_shared>>) offsets(%run_scoped3A_10 : memref<64xi32, #tpu.memory_space<vmem>>) semaphore(%run_scoped3A_25 : memref<!tpu.dma_semaphore, #tpu.memory_space<semaphore_mem>>) {add = true}
          %dma_start3A_655 = arith.constant 0 : i32
          %dma_start3A_656 = tpu.memref_slice %arg7[%dma_start3A_655] : memref<10240xf32, #tpu.memory_space<vmem_shared>> -> memref<10240xf32, #tpu.memory_space<vmem_shared>>
          tpu.enqueue_indirect_dma source(%run_scoped3A_17 : memref<64xf32, #tpu.memory_space<vmem>>) target(%dma_start3A_656 : memref<10240xf32, #tpu.memory_space<vmem_shared>>) offsets(%run_scoped3A_10 : memref<64xi32, #tpu.memory_space<vmem>>) semaphore(%run_scoped3A_29 : memref<!tpu.dma_semaphore, #tpu.memory_space<semaphore_mem>>) {add = true}
        } else {
        }
      } else {
      }
      %get3A_464 = arith.constant 64 : index
      %get3A_465 = tpu.vector_load %run_scoped3A_13[%get3A_464] {strides = array<i32>} : memref<96xi32, #tpu.memory_space<vmem>>, vector<16xi32>,
      %swap3A_466 = arith.constant 0 : index
      %swap3A_467 = tpu.vector_load %run_scoped3A_13[%swap3A_466] {strides = array<i32>} : memref<96xi32, #tpu.memory_space<vmem>>, vector<16xi32>,
      tpu.vector_store %run_scoped3A_13[%swap3A_466], %get3A_465 {strides = array<i32>} : memref<96xi32, #tpu.memory_space<vmem>>, vector<16xi32>,
      %get3A_468 = arith.constant 64 : index
      %get3A_469 = tpu.vector_load %run_scoped3A_14[%get3A_468] {strides = array<i32>} : memref<96xi32, #tpu.memory_space<vmem>>, vector<16xi32>,
      %swap3A_470 = arith.constant 0 : index
      %swap3A_471 = tpu.vector_load %run_scoped3A_14[%swap3A_470] {strides = array<i32>} : memref<96xi32, #tpu.memory_space<vmem>>, vector<16xi32>,
      tpu.vector_store %run_scoped3A_14[%swap3A_470], %get3A_469 {strides = array<i32>} : memref<96xi32, #tpu.memory_space<vmem>>, vector<16xi32>,
      %add3A_472 = arith.constant 1 : i32
      %add3A_473 = arith.addi %scan3A_342#1, %add3A_472 : i32
      %ge3A_474 = arith.constant 1 : i32
      %ge3A_475 = arith.cmpi sge, %add3A_473, %ge3A_474 : i32
      %sub3A_476 = arith.constant 1 : i32
      %sub3A_477 = arith.subi %add3A_473, %sub3A_476 : i32
      %rem3A_478 = arith.constant 4 : i32
      %rem3A_479 = arith.remsi %sub3A_477, %rem3A_478 : i32
      %eq3A_480 = arith.constant 0 : i32
      %eq3A_481 = arith.cmpi eq, %rem3A_479, %eq3A_480 : i32
      %and3A_482 = arith.andi %ge3A_475, %eq3A_481 : i1
      %convert_element_type3A_483 = arith.extui %and3A_482 : i1 to i32
      %cond3A_484 = arith.constant 0 : i32
      %cond3A_485 = arith.cmpi ne, %convert_element_type3A_483, %cond3A_484 : i32
      scf.if %cond3A_485 {
        %dma_wait3A = arith.constant 0 : i32
        %dma_wait3A_606 = arith.constant 0 : i32
        %dma_wait3A_607 = tpu.memref_slice %arg3[%dma_wait3A, %dma_wait3A_606] : memref<10000x128xf32, #tpu.memory_space<hbm>> -> memref<10000x128xf32, #tpu.memory_space<hbm>>
        tpu.wait_indirect_dma semaphore(%run_scoped3A_20 : memref<!tpu.dma_semaphore, #tpu.memory_space<semaphore_mem>>) src(%dma_wait3A_607 : memref<10000x128xf32, #tpu.memory_space<hbm>>) dst(%run_scoped3A_1 : memref<64x128xf32, #tpu.memory_space<vmem>>)
        %dma_start3A = arith.constant 0 : i32
        %dma_start3A_608 = arith.constant 0 : i32
        %dma_start3A_609 = tpu.memref_slice %arg6[%dma_start3A, %dma_start3A_608] : memref<10240x128xf32, #tpu.memory_space<vmem_shared>> -> memref<10240x128xf32, #tpu.memory_space<vmem_shared>>
        tpu.enqueue_indirect_dma source(%run_scoped3A_1 : memref<64x128xf32, #tpu.memory_space<vmem>>) target(%dma_start3A_609 : memref<10240x128xf32, #tpu.memory_space<vmem_shared>>) offsets(%run_scoped3A_9 : memref<64xi32, #tpu.memory_space<vmem>>) semaphore(%run_scoped3A_24 : memref<!tpu.dma_semaphore, #tpu.memory_space<semaphore_mem>>) {add = true}
        %dma_start3A_610 = arith.constant 0 : i32
        %dma_start3A_611 = tpu.memref_slice %arg7[%dma_start3A_610] : memref<10240xf32, #tpu.memory_space<vmem_shared>> -> memref<10240xf32, #tpu.memory_space<vmem_shared>>
        tpu.enqueue_indirect_dma source(%run_scoped3A_17 : memref<64xf32, #tpu.memory_space<vmem>>) target(%dma_start3A_611 : memref<10240xf32, #tpu.memory_space<vmem_shared>>) offsets(%run_scoped3A_9 : memref<64xi32, #tpu.memory_space<vmem>>) semaphore(%run_scoped3A_28 : memref<!tpu.dma_semaphore, #tpu.memory_space<semaphore_mem>>) {add = true}
      } else {
      }
      %ge3A_486 = arith.constant 2 : i32
      %ge3A_487 = arith.cmpi sge, %add3A_473, %ge3A_486 : i32
      %sub3A_488 = arith.constant 2 : i32
      %sub3A_489 = arith.subi %add3A_473, %sub3A_488 : i32
      %rem3A_490 = arith.constant 4 : i32
      %rem3A_491 = arith.remsi %sub3A_489, %rem3A_490 : i32
      %eq3A_492 = arith.constant 0 : i32
      %eq3A_493 = arith.cmpi eq, %rem3A_491, %eq3A_492 : i32
      %and3A_494 = arith.andi %ge3A_487, %eq3A_493 : i1
      %convert_element_type3A_495 = arith.extui %and3A_494 : i1 to i32
      %cond3A_496 = arith.constant 0 : i32
      %cond3A_497 = arith.cmpi ne, %convert_element_type3A_495, %cond3A_496 : i32
      scf.if %cond3A_497 {
        %dma_wait3A = arith.constant 0 : i32
        %dma_wait3A_606 = arith.constant 0 : i32
        %dma_wait3A_607 = tpu.memref_slice %arg3[%dma_wait3A, %dma_wait3A_606] : memref<10000x128xf32, #tpu.memory_space<hbm>> -> memref<10000x128xf32, #tpu.memory_space<hbm>>
        tpu.wait_indirect_dma semaphore(%run_scoped3A_20 : memref<!tpu.dma_semaphore, #tpu.memory_space<semaphore_mem>>) src(%dma_wait3A_607 : memref<10000x128xf32, #tpu.memory_space<hbm>>) dst(%run_scoped3A_1 : memref<64x128xf32, #tpu.memory_space<vmem>>)
        %dma_start3A = arith.constant 0 : i32
        %dma_start3A_608 = arith.constant 0 : i32
        %dma_start3A_609 = tpu.memref_slice %arg6[%dma_start3A, %dma_start3A_608] : memref<10240x128xf32, #tpu.memory_space<vmem_shared>> -> memref<10240x128xf32, #tpu.memory_space<vmem_shared>>
        tpu.enqueue_indirect_dma source(%run_scoped3A_1 : memref<64x128xf32, #tpu.memory_space<vmem>>) target(%dma_start3A_609 : memref<10240x128xf32, #tpu.memory_space<vmem_shared>>) offsets(%run_scoped3A_9 : memref<64xi32, #tpu.memory_space<vmem>>) semaphore(%run_scoped3A_24 : memref<!tpu.dma_semaphore, #tpu.memory_space<semaphore_mem>>) {add = true}
        %dma_start3A_610 = arith.constant 0 : i32
        %dma_start3A_611 = tpu.memref_slice %arg7[%dma_start3A_610] : memref<10240xf32, #tpu.memory_space<vmem_shared>> -> memref<10240xf32, #tpu.memory_space<vmem_shared>>
        tpu.enqueue_indirect_dma source(%run_scoped3A_17 : memref<64xf32, #tpu.memory_space<vmem>>) target(%dma_start3A_611 : memref<10240xf32, #tpu.memory_space<vmem_shared>>) offsets(%run_scoped3A_9 : memref<64xi32, #tpu.memory_space<vmem>>) semaphore(%run_scoped3A_28 : memref<!tpu.dma_semaphore, #tpu.memory_space<semaphore_mem>>) {add = true}
      } else {
      }
      %ge3A_498 = arith.constant 1 : i32
      %ge3A_499 = arith.cmpi sge, %add3A_473, %ge3A_498 : i32
      %sub3A_500 = arith.constant 1 : i32
      %sub3A_501 = arith.subi %add3A_473, %sub3A_500 : i32
      %rem3A_502 = arith.constant 4 : i32
      %rem3A_503 = arith.remsi %sub3A_501, %rem3A_502 : i32
      %eq3A_504 = arith.constant 1 : i32
      %eq3A_505 = arith.cmpi eq, %rem3A_503, %eq3A_504 : i32
      %and3A_506 = arith.andi %ge3A_499, %eq3A_505 : i1
      %convert_element_type3A_507 = arith.extui %and3A_506 : i1 to i32
      %cond3A_508 = arith.constant 0 : i32
      %cond3A_509 = arith.cmpi ne, %convert_element_type3A_507, %cond3A_508 : i32
      scf.if %cond3A_509 {
        %dma_wait3A = arith.constant 0 : i32
        %dma_wait3A_606 = arith.constant 0 : i32
        %dma_wait3A_607 = tpu.memref_slice %arg3[%dma_wait3A, %dma_wait3A_606] : memref<10000x128xf32, #tpu.memory_space<hbm>> -> memref<10000x128xf32, #tpu.memory_space<hbm>>
        tpu.wait_indirect_dma semaphore(%run_scoped3A_21 : memref<!tpu.dma_semaphore, #tpu.memory_space<semaphore_mem>>) src(%dma_wait3A_607 : memref<10000x128xf32, #tpu.memory_space<hbm>>) dst(%run_scoped3A_2 : memref<64x128xf32, #tpu.memory_space<vmem>>)
        %dma_start3A = arith.constant 0 : i32
        %dma_start3A_608 = arith.constant 0 : i32
        %dma_start3A_609 = tpu.memref_slice %arg6[%dma_start3A, %dma_start3A_608] : memref<10240x128xf32, #tpu.memory_space<vmem_shared>> -> memref<10240x128xf32, #tpu.memory_space<vmem_shared>>
        tpu.enqueue_indirect_dma source(%run_scoped3A_2 : memref<64x128xf32, #tpu.memory_space<vmem>>) target(%dma_start3A_609 : memref<10240x128xf32, #tpu.memory_space<vmem_shared>>) offsets(%run_scoped3A_10 : memref<64xi32, #tpu.memory_space<vmem>>) semaphore(%run_scoped3A_25 : memref<!tpu.dma_semaphore, #tpu.memory_space<semaphore_mem>>) {add = true}
        %dma_start3A_610 = arith.constant 0 : i32
        %dma_start3A_611 = tpu.memref_slice %arg7[%dma_start3A_610] : memref<10240xf32, #tpu.memory_space<vmem_shared>> -> memref<10240xf32, #tpu.memory_space<vmem_shared>>
        tpu.enqueue_indirect_dma source(%run_scoped3A_17 : memref<64xf32, #tpu.memory_space<vmem>>) target(%dma_start3A_611 : memref<10240xf32, #tpu.memory_space<vmem_shared>>) offsets(%run_scoped3A_10 : memref<64xi32, #tpu.memory_space<vmem>>) semaphore(%run_scoped3A_29 : memref<!tpu.dma_semaphore, #tpu.memory_space<semaphore_mem>>) {add = true}
      } else {
      }
      %ge3A_510 = arith.constant 2 : i32
      %ge3A_511 = arith.cmpi sge, %add3A_473, %ge3A_510 : i32
      %sub3A_512 = arith.constant 2 : i32
      %sub3A_513 = arith.subi %add3A_473, %sub3A_512 : i32
      %rem3A_514 = arith.constant 4 : i32
      %rem3A_515 = arith.remsi %sub3A_513, %rem3A_514 : i32
      %eq3A_516 = arith.constant 1 : i32
      %eq3A_517 = arith.cmpi eq, %rem3A_515, %eq3A_516 : i32
      %and3A_518 = arith.andi %ge3A_511, %eq3A_517 : i1
      %convert_element_type3A_519 = arith.extui %and3A_518 : i1 to i32
      %cond3A_520 = arith.constant 0 : i32
      %cond3A_521 = arith.cmpi ne, %convert_element_type3A_519, %cond3A_520 : i32
      scf.if %cond3A_521 {
        %dma_wait3A = arith.constant 0 : i32
        %dma_wait3A_606 = arith.constant 0 : i32
        %dma_wait3A_607 = tpu.memref_slice %arg3[%dma_wait3A, %dma_wait3A_606] : memref<10000x128xf32, #tpu.memory_space<hbm>> -> memref<10000x128xf32, #tpu.memory_space<hbm>>
        tpu.wait_indirect_dma semaphore(%run_scoped3A_21 : memref<!tpu.dma_semaphore, #tpu.memory_space<semaphore_mem>>) src(%dma_wait3A_607 : memref<10000x128xf32, #tpu.memory_space<hbm>>) dst(%run_scoped3A_2 : memref<64x128xf32, #tpu.memory_space<vmem>>)
        %dma_start3A = arith.constant 0 : i32
        %dma_start3A_608 = arith.constant 0 : i32
        %dma_start3A_609 = tpu.memref_slice %arg6[%dma_start3A, %dma_start3A_608] : memref<10240x128xf32, #tpu.memory_space<vmem_shared>> -> memref<10240x128xf32, #tpu.memory_space<vmem_shared>>
        tpu.enqueue_indirect_dma source(%run_scoped3A_2 : memref<64x128xf32, #tpu.memory_space<vmem>>) target(%dma_start3A_609 : memref<10240x128xf32, #tpu.memory_space<vmem_shared>>) offsets(%run_scoped3A_10 : memref<64xi32, #tpu.memory_space<vmem>>) semaphore(%run_scoped3A_25 : memref<!tpu.dma_semaphore, #tpu.memory_space<semaphore_mem>>) {add = true}
        %dma_start3A_610 = arith.constant 0 : i32
        %dma_start3A_611 = tpu.memref_slice %arg7[%dma_start3A_610] : memref<10240xf32, #tpu.memory_space<vmem_shared>> -> memref<10240xf32, #tpu.memory_space<vmem_shared>>
        tpu.enqueue_indirect_dma source(%run_scoped3A_17 : memref<64xf32, #tpu.memory_space<vmem>>) target(%dma_start3A_611 : memref<10240xf32, #tpu.memory_space<vmem_shared>>) offsets(%run_scoped3A_10 : memref<64xi32, #tpu.memory_space<vmem>>) semaphore(%run_scoped3A_29 : memref<!tpu.dma_semaphore, #tpu.memory_space<semaphore_mem>>) {add = true}
      } else {
      }
      %ge3A_522 = arith.constant 1 : i32
      %ge3A_523 = arith.cmpi sge, %add3A_473, %ge3A_522 : i32
      %sub3A_524 = arith.constant 1 : i32
      %sub3A_525 = arith.subi %add3A_473, %sub3A_524 : i32
      %rem3A_526 = arith.constant 4 : i32
      %rem3A_527 = arith.remsi %sub3A_525, %rem3A_526 : i32
      %eq3A_528 = arith.constant 2 : i32
      %eq3A_529 = arith.cmpi eq, %rem3A_527, %eq3A_528 : i32
      %and3A_530 = arith.andi %ge3A_523, %eq3A_529 : i1
      %convert_element_type3A_531 = arith.extui %and3A_530 : i1 to i32
      %cond3A_532 = arith.constant 0 : i32
      %cond3A_533 = arith.cmpi ne, %convert_element_type3A_531, %cond3A_532 : i32
      scf.if %cond3A_533 {
        %dma_wait3A = arith.constant 0 : i32
        %dma_wait3A_606 = arith.constant 0 : i32
        %dma_wait3A_607 = tpu.memref_slice %arg3[%dma_wait3A, %dma_wait3A_606] : memref<10000x128xf32, #tpu.memory_space<hbm>> -> memref<10000x128xf32, #tpu.memory_space<hbm>>
        tpu.wait_indirect_dma semaphore(%run_scoped3A_22 : memref<!tpu.dma_semaphore, #tpu.memory_space<semaphore_mem>>) src(%dma_wait3A_607 : memref<10000x128xf32, #tpu.memory_space<hbm>>) dst(%run_scoped3A_3 : memref<64x128xf32, #tpu.memory_space<vmem>>)
        %dma_start3A = arith.constant 0 : i32
        %dma_start3A_608 = arith.constant 0 : i32
        %dma_start3A_609 = tpu.memref_slice %arg6[%dma_start3A, %dma_start3A_608] : memref<10240x128xf32, #tpu.memory_space<vmem_shared>> -> memref<10240x128xf32, #tpu.memory_space<vmem_shared>>
        tpu.enqueue_indirect_dma source(%run_scoped3A_3 : memref<64x128xf32, #tpu.memory_space<vmem>>) target(%dma_start3A_609 : memref<10240x128xf32, #tpu.memory_space<vmem_shared>>) offsets(%run_scoped3A_11 : memref<64xi32, #tpu.memory_space<vmem>>) semaphore(%run_scoped3A_26 : memref<!tpu.dma_semaphore, #tpu.memory_space<semaphore_mem>>) {add = true}
        %dma_start3A_610 = arith.constant 0 : i32
        %dma_start3A_611 = tpu.memref_slice %arg7[%dma_start3A_610] : memref<10240xf32, #tpu.memory_space<vmem_shared>> -> memref<10240xf32, #tpu.memory_space<vmem_shared>>
        tpu.enqueue_indirect_dma source(%run_scoped3A_17 : memref<64xf32, #tpu.memory_space<vmem>>) target(%dma_start3A_611 : memref<10240xf32, #tpu.memory_space<vmem_shared>>) offsets(%run_scoped3A_11 : memref<64xi32, #tpu.memory_space<vmem>>) semaphore(%run_scoped3A_30 : memref<!tpu.dma_semaphore, #tpu.memory_space<semaphore_mem>>) {add = true}
      } else {
      }
      %ge3A_534 = arith.constant 2 : i32
      %ge3A_535 = arith.cmpi sge, %add3A_473, %ge3A_534 : i32
      %sub3A_536 = arith.constant 2 : i32
      %sub3A_537 = arith.subi %add3A_473, %sub3A_536 : i32
      %rem3A_538 = arith.constant 4 : i32
      %rem3A_539 = arith.remsi %sub3A_537, %rem3A_538 : i32
      %eq3A_540 = arith.constant 2 : i32
      %eq3A_541 = arith.cmpi eq, %rem3A_539, %eq3A_540 : i32
      %and3A_542 = arith.andi %ge3A_535, %eq3A_541 : i1
      %convert_element_type3A_543 = arith.extui %and3A_542 : i1 to i32
      %cond3A_544 = arith.constant 0 : i32
      %cond3A_545 = arith.cmpi ne, %convert_element_type3A_543, %cond3A_544 : i32
      scf.if %cond3A_545 {
        %dma_wait3A = arith.constant 0 : i32
        %dma_wait3A_606 = arith.constant 0 : i32
        %dma_wait3A_607 = tpu.memref_slice %arg3[%dma_wait3A, %dma_wait3A_606] : memref<10000x128xf32, #tpu.memory_space<hbm>> -> memref<10000x128xf32, #tpu.memory_space<hbm>>
        tpu.wait_indirect_dma semaphore(%run_scoped3A_22 : memref<!tpu.dma_semaphore, #tpu.memory_space<semaphore_mem>>) src(%dma_wait3A_607 : memref<10000x128xf32, #tpu.memory_space<hbm>>) dst(%run_scoped3A_3 : memref<64x128xf32, #tpu.memory_space<vmem>>)
        %dma_start3A = arith.constant 0 : i32
        %dma_start3A_608 = arith.constant 0 : i32
        %dma_start3A_609 = tpu.memref_slice %arg6[%dma_start3A, %dma_start3A_608] : memref<10240x128xf32, #tpu.memory_space<vmem_shared>> -> memref<10240x128xf32, #tpu.memory_space<vmem_shared>>
        tpu.enqueue_indirect_dma source(%run_scoped3A_3 : memref<64x128xf32, #tpu.memory_space<vmem>>) target(%dma_start3A_609 : memref<10240x128xf32, #tpu.memory_space<vmem_shared>>) offsets(%run_scoped3A_11 : memref<64xi32, #tpu.memory_space<vmem>>) semaphore(%run_scoped3A_26 : memref<!tpu.dma_semaphore, #tpu.memory_space<semaphore_mem>>) {add = true}
        %dma_start3A_610 = arith.constant 0 : i32
        %dma_start3A_611 = tpu.memref_slice %arg7[%dma_start3A_610] : memref<10240xf32, #tpu.memory_space<vmem_shared>> -> memref<10240xf32, #tpu.memory_space<vmem_shared>>
        tpu.enqueue_indirect_dma source(%run_scoped3A_17 : memref<64xf32, #tpu.memory_space<vmem>>) target(%dma_start3A_611 : memref<10240xf32, #tpu.memory_space<vmem_shared>>) offsets(%run_scoped3A_11 : memref<64xi32, #tpu.memory_space<vmem>>) semaphore(%run_scoped3A_30 : memref<!tpu.dma_semaphore, #tpu.memory_space<semaphore_mem>>) {add = true}
      } else {
      }
      %ge3A_546 = arith.constant 1 : i32
      %ge3A_547 = arith.cmpi sge, %add3A_473, %ge3A_546 : i32
      %sub3A_548 = arith.constant 1 : i32
      %sub3A_549 = arith.subi %add3A_473, %sub3A_548 : i32
      %rem3A_550 = arith.constant 4 : i32
      %rem3A_551 = arith.remsi %sub3A_549, %rem3A_550 : i32
      %eq3A_552 = arith.constant 3 : i32
      %eq3A_553 = arith.cmpi eq, %rem3A_551, %eq3A_552 : i32
      %and3A_554 = arith.andi %ge3A_547, %eq3A_553 : i1
      %convert_element_type3A_555 = arith.extui %and3A_554 : i1 to i32
      %cond3A_556 = arith.constant 0 : i32
      %cond3A_557 = arith.cmpi ne, %convert_element_type3A_555, %cond3A_556 : i32
      scf.if %cond3A_557 {
        %dma_wait3A = arith.constant 0 : i32
        %dma_wait3A_606 = arith.constant 0 : i32
        %dma_wait3A_607 = tpu.memref_slice %arg3[%dma_wait3A, %dma_wait3A_606] : memref<10000x128xf32, #tpu.memory_space<hbm>> -> memref<10000x128xf32, #tpu.memory_space<hbm>>
        tpu.wait_indirect_dma semaphore(%run_scoped3A_23 : memref<!tpu.dma_semaphore, #tpu.memory_space<semaphore_mem>>) src(%dma_wait3A_607 : memref<10000x128xf32, #tpu.memory_space<hbm>>) dst(%run_scoped3A_4 : memref<64x128xf32, #tpu.memory_space<vmem>>)
        %dma_start3A = arith.constant 0 : i32
        %dma_start3A_608 = arith.constant 0 : i32
        %dma_start3A_609 = tpu.memref_slice %arg6[%dma_start3A, %dma_start3A_608] : memref<10240x128xf32, #tpu.memory_space<vmem_shared>> -> memref<10240x128xf32, #tpu.memory_space<vmem_shared>>
        tpu.enqueue_indirect_dma source(%run_scoped3A_4 : memref<64x128xf32, #tpu.memory_space<vmem>>) target(%dma_start3A_609 : memref<10240x128xf32, #tpu.memory_space<vmem_shared>>) offsets(%run_scoped3A_12 : memref<64xi32, #tpu.memory_space<vmem>>) semaphore(%run_scoped3A_27 : memref<!tpu.dma_semaphore, #tpu.memory_space<semaphore_mem>>) {add = true}
        %dma_start3A_610 = arith.constant 0 : i32
        %dma_start3A_611 = tpu.memref_slice %arg7[%dma_start3A_610] : memref<10240xf32, #tpu.memory_space<vmem_shared>> -> memref<10240xf32, #tpu.memory_space<vmem_shared>>
        tpu.enqueue_indirect_dma source(%run_scoped3A_17 : memref<64xf32, #tpu.memory_space<vmem>>) target(%dma_start3A_611 : memref<10240xf32, #tpu.memory_space<vmem_shared>>) offsets(%run_scoped3A_12 : memref<64xi32, #tpu.memory_space<vmem>>) semaphore(%run_scoped3A_31 : memref<!tpu.dma_semaphore, #tpu.memory_space<semaphore_mem>>) {add = true}
      } else {
      }
      %ge3A_558 = arith.constant 2 : i32
      %ge3A_559 = arith.cmpi sge, %add3A_473, %ge3A_558 : i32
      %sub3A_560 = arith.constant 2 : i32
      %sub3A_561 = arith.subi %add3A_473, %sub3A_560 : i32
      %rem3A_562 = arith.constant 4 : i32
      %rem3A_563 = arith.remsi %sub3A_561, %rem3A_562 : i32
      %eq3A_564 = arith.constant 3 : i32
      %eq3A_565 = arith.cmpi eq, %rem3A_563, %eq3A_564 : i32
      %and3A_566 = arith.andi %ge3A_559, %eq3A_565 : i1
      %convert_element_type3A_567 = arith.extui %and3A_566 : i1 to i32
      %cond3A_568 = arith.constant 0 : i32
      %cond3A_569 = arith.cmpi ne, %convert_element_type3A_567, %cond3A_568 : i32
      scf.if %cond3A_569 {
        %dma_wait3A = arith.constant 0 : i32
        %dma_wait3A_606 = arith.constant 0 : i32
        %dma_wait3A_607 = tpu.memref_slice %arg3[%dma_wait3A, %dma_wait3A_606] : memref<10000x128xf32, #tpu.memory_space<hbm>> -> memref<10000x128xf32, #tpu.memory_space<hbm>>
        tpu.wait_indirect_dma semaphore(%run_scoped3A_23 : memref<!tpu.dma_semaphore, #tpu.memory_space<semaphore_mem>>) src(%dma_wait3A_607 : memref<10000x128xf32, #tpu.memory_space<hbm>>) dst(%run_scoped3A_4 : memref<64x128xf32, #tpu.memory_space<vmem>>)
        %dma_start3A = arith.constant 0 : i32
        %dma_start3A_608 = arith.constant 0 : i32
        %dma_start3A_609 = tpu.memref_slice %arg6[%dma_start3A, %dma_start3A_608] : memref<10240x128xf32, #tpu.memory_space<vmem_shared>> -> memref<10240x128xf32, #tpu.memory_space<vmem_shared>>
        tpu.enqueue_indirect_dma source(%run_scoped3A_4 : memref<64x128xf32, #tpu.memory_space<vmem>>) target(%dma_start3A_609 : memref<10240x128xf32, #tpu.memory_space<vmem_shared>>) offsets(%run_scoped3A_12 : memref<64xi32, #tpu.memory_space<vmem>>) semaphore(%run_scoped3A_27 : memref<!tpu.dma_semaphore, #tpu.memory_space<semaphore_mem>>) {add = true}
        %dma_start3A_610 = arith.constant 0 : i32
        %dma_start3A_611 = tpu.memref_slice %arg7[%dma_start3A_610] : memref<10240xf32, #tpu.memory_space<vmem_shared>> -> memref<10240xf32, #tpu.memory_space<vmem_shared>>
        tpu.enqueue_indirect_dma source(%run_scoped3A_17 : memref<64xf32, #tpu.memory_space<vmem>>) target(%dma_start3A_611 : memref<10240xf32, #tpu.memory_space<vmem_shared>>) offsets(%run_scoped3A_12 : memref<64xi32, #tpu.memory_space<vmem>>) semaphore(%run_scoped3A_31 : memref<!tpu.dma_semaphore, #tpu.memory_space<semaphore_mem>>) {add = true}
      } else {
      }
      %ge3A_570 = arith.constant 1 : i32
      %ge3A_571 = arith.cmpi sge, %add3A_473, %ge3A_570 : i32
      %convert_element_type3A_572 = arith.extui %ge3A_571 : i1 to i32
      %cond3A_573 = arith.constant 0 : i32
      %cond3A_574 = arith.cmpi ne, %convert_element_type3A_572, %cond3A_573 : i32
      scf.if %cond3A_574 {
        %dma_wait3A = arith.constant 0 : i32
        %dma_wait3A_606 = arith.constant 0 : i32
        %dma_wait3A_607 = tpu.memref_slice %arg6[%dma_wait3A, %dma_wait3A_606] : memref<10240x128xf32, #tpu.memory_space<vmem_shared>> -> memref<10240x128xf32, #tpu.memory_space<vmem_shared>>
        tpu.wait_indirect_dma semaphore(%run_scoped3A_24 : memref<!tpu.dma_semaphore, #tpu.memory_space<semaphore_mem>>) src(%run_scoped3A_1 : memref<64x128xf32, #tpu.memory_space<vmem>>) dst(%dma_wait3A_607 : memref<10240x128xf32, #tpu.memory_space<vmem_shared>>)
        %dma_wait3A_608 = arith.constant 0 : i32
        %dma_wait3A_609 = tpu.memref_slice %arg7[%dma_wait3A_608] : memref<10240xf32, #tpu.memory_space<vmem_shared>> -> memref<10240xf32, #tpu.memory_space<vmem_shared>>
        tpu.wait_indirect_dma semaphore(%run_scoped3A_28 : memref<!tpu.dma_semaphore, #tpu.memory_space<semaphore_mem>>) src(%run_scoped3A_17 : memref<64xf32, #tpu.memory_space<vmem>>) dst(%dma_wait3A_609 : memref<10240xf32, #tpu.memory_space<vmem_shared>>)
      } else {
      }
      %ge3A_575 = arith.constant 2 : i32
      %ge3A_576 = arith.cmpi sge, %add3A_473, %ge3A_575 : i32
      %convert_element_type3A_577 = arith.extui %ge3A_576 : i1 to i32
      %cond3A_578 = arith.constant 0 : i32
      %cond3A_579 = arith.cmpi ne, %convert_element_type3A_577, %cond3A_578 : i32
      scf.if %cond3A_579 {
        %dma_wait3A = arith.constant 0 : i32
        %dma_wait3A_606 = arith.constant 0 : i32
        %dma_wait3A_607 = tpu.memref_slice %arg6[%dma_wait3A, %dma_wait3A_606] : memref<10240x128xf32, #tpu.memory_space<vmem_shared>> -> memref<10240x128xf32, #tpu.memory_space<vmem_shared>>
        tpu.wait_indirect_dma semaphore(%run_scoped3A_25 : memref<!tpu.dma_semaphore, #tpu.memory_space<semaphore_mem>>) src(%run_scoped3A_2 : memref<64x128xf32, #tpu.memory_space<vmem>>) dst(%dma_wait3A_607 : memref<10240x128xf32, #tpu.memory_space<vmem_shared>>)
        %dma_wait3A_608 = arith.constant 0 : i32
        %dma_wait3A_609 = tpu.memref_slice %arg7[%dma_wait3A_608] : memref<10240xf32, #tpu.memory_space<vmem_shared>> -> memref<10240xf32, #tpu.memory_space<vmem_shared>>
        tpu.wait_indirect_dma semaphore(%run_scoped3A_29 : memref<!tpu.dma_semaphore, #tpu.memory_space<semaphore_mem>>) src(%run_scoped3A_17 : memref<64xf32, #tpu.memory_space<vmem>>) dst(%dma_wait3A_609 : memref<10240xf32, #tpu.memory_space<vmem_shared>>)
      } else {
      }
      %ge3A_580 = arith.constant 3 : i32
      %ge3A_581 = arith.cmpi sge, %add3A_473, %ge3A_580 : i32
      %convert_element_type3A_582 = arith.extui %ge3A_581 : i1 to i32
      %cond3A_583 = arith.constant 0 : i32
      %cond3A_584 = arith.cmpi ne, %convert_element_type3A_582, %cond3A_583 : i32
      scf.if %cond3A_584 {
        %dma_wait3A = arith.constant 0 : i32
        %dma_wait3A_606 = arith.constant 0 : i32
        %dma_wait3A_607 = tpu.memref_slice %arg6[%dma_wait3A, %dma_wait3A_606] : memref<10240x128xf32, #tpu.memory_space<vmem_shared>> -> memref<10240x128xf32, #tpu.memory_space<vmem_shared>>
        tpu.wait_indirect_dma semaphore(%run_scoped3A_26 : memref<!tpu.dma_semaphore, #tpu.memory_space<semaphore_mem>>) src(%run_scoped3A_3 : memref<64x128xf32, #tpu.memory_space<vmem>>) dst(%dma_wait3A_607 : memref<10240x128xf32, #tpu.memory_space<vmem_shared>>)
        %dma_wait3A_608 = arith.constant 0 : i32
        %dma_wait3A_609 = tpu.memref_slice %arg7[%dma_wait3A_608] : memref<10240xf32, #tpu.memory_space<vmem_shared>> -> memref<10240xf32, #tpu.memory_space<vmem_shared>>
        tpu.wait_indirect_dma semaphore(%run_scoped3A_30 : memref<!tpu.dma_semaphore, #tpu.memory_space<semaphore_mem>>) src(%run_scoped3A_17 : memref<64xf32, #tpu.memory_space<vmem>>) dst(%dma_wait3A_609 : memref<10240xf32, #tpu.memory_space<vmem_shared>>)
      } else {
      }
      %ge3A_585 = arith.constant 4 : i32
      %ge3A_586 = arith.cmpi sge, %add3A_473, %ge3A_585 : i32
      %convert_element_type3A_587 = arith.extui %ge3A_586 : i1 to i32
      %cond3A_588 = arith.constant 0 : i32
      %cond3A_589 = arith.cmpi ne, %convert_element_type3A_587, %cond3A_588 : i32
      scf.if %cond3A_589 {
        %dma_wait3A = arith.constant 0 : i32
        %dma_wait3A_606 = arith.constant 0 : i32
        %dma_wait3A_607 = tpu.memref_slice %arg6[%dma_wait3A, %dma_wait3A_606] : memref<10240x128xf32, #tpu.memory_space<vmem_shared>> -> memref<10240x128xf32, #tpu.memory_space<vmem_shared>>
        tpu.wait_indirect_dma semaphore(%run_scoped3A_27 : memref<!tpu.dma_semaphore, #tpu.memory_space<semaphore_mem>>) src(%run_scoped3A_4 : memref<64x128xf32, #tpu.memory_space<vmem>>) dst(%dma_wait3A_607 : memref<10240x128xf32, #tpu.memory_space<vmem_shared>>)
        %dma_wait3A_608 = arith.constant 0 : i32
        %dma_wait3A_609 = tpu.memref_slice %arg7[%dma_wait3A_608] : memref<10240xf32, #tpu.memory_space<vmem_shared>> -> memref<10240xf32, #tpu.memory_space<vmem_shared>>
        tpu.wait_indirect_dma semaphore(%run_scoped3A_31 : memref<!tpu.dma_semaphore, #tpu.memory_space<semaphore_mem>>) src(%run_scoped3A_17 : memref<64xf32, #tpu.memory_space<vmem>>) dst(%dma_wait3A_609 : memref<10240xf32, #tpu.memory_space<vmem_shared>>)
      } else {
      }
      %barrier3A_590 = arith.constant 0 : index
      tpu.barrier barrier_id(%barrier3A_590)
      %scan3A_591 = arith.constant 0 : i32
      %scan3A_592 = arith.constant 0 : i32
      %scan3A_593 = arith.constant 10 : i32
      %scan3A_594 = arith.addi %scan3A_592, %scan3A_593 : i32
      %scan3A_595 = arith.constant 1 : i32
      scf.for %scan3A_606 = %scan3A_592 to %scan3A_594 step %scan3A_595  : i32 {
        %mul3A_607 = arith.constant 320 : i32
        %mul3A_608 = arith.muli %arg1, %mul3A_607 : i32
        %mul3A_609 = arith.constant 32 : i32
        %mul3A_610 = arith.muli %scan3A_606, %mul3A_609 : i32
        %add3A_611 = arith.addi %mul3A_608, %mul3A_610 : i32
        "tpu.region"() ({
          %run_scoped3A_619 = tpu.sem_alloc : memref<!tpu.dma_semaphore, #tpu.memory_space<semaphore_mem>>
          %dma_start3A = arith.constant 0 : i32
          %dma_start3A_620 = tpu.memref_slice %arg6[%add3A_611, %dma_start3A] : memref<10240x128xf32, #tpu.memory_space<vmem_shared>> -> memref<32x128xf32, #tpu.memory_space<vmem_shared>>
          %dma_start3A_621 = arith.constant 0 : i32
          %dma_start3A_622 = tpu.memref_slice %arg6[%add3A_611, %dma_start3A_621] : memref<10240x128xf32, #tpu.memory_space<vmem_shared>> -> memref<32x128xf32, #tpu.memory_space<vmem_shared>>
          tpu.enqueue_dma source(%dma_start3A_622 : memref<32x128xf32, #tpu.memory_space<vmem_shared>>) target(%run_scoped3A_18 : memref<32x128xf32, #tpu.memory_space<vmem>>) target_semaphore(%run_scoped3A_619 : memref<!tpu.dma_semaphore, #tpu.memory_space<semaphore_mem>>)
          %dma_wait3A = arith.constant 0 : i32
          %dma_wait3A_623 = tpu.memref_slice %arg6[%add3A_611, %dma_wait3A] : memref<10240x128xf32, #tpu.memory_space<vmem_shared>> -> memref<32x128xf32, #tpu.memory_space<vmem_shared>>
          %dma_wait3A_624 = arith.constant 0 : i32
          %dma_wait3A_625 = tpu.memref_slice %arg6[%add3A_611, %dma_wait3A_624] : memref<10240x128xf32, #tpu.memory_space<vmem_shared>> -> memref<32x128xf32, #tpu.memory_space<vmem_shared>>
          tpu.wait_dma2 semaphore(%run_scoped3A_619 : memref<!tpu.dma_semaphore, #tpu.memory_space<semaphore_mem>>) src(%dma_wait3A_625 : memref<32x128xf32, #tpu.memory_space<vmem_shared>>) dst(%run_scoped3A_18 : memref<32x128xf32, #tpu.memory_space<vmem>>)
          tpu.yield
        }) : () -> ()
        %mul3A_612 = arith.constant 320 : i32
        %mul3A_613 = arith.muli %arg1, %mul3A_612 : i32
        %add3A_614 = arith.constant 10240 : i32
        %add3A_615 = arith.addi %add3A_614, %mul3A_613 : i32
        %mul3A_616 = arith.constant 32 : i32
        %mul3A_617 = arith.muli %scan3A_606, %mul3A_616 : i32
        %add3A_618 = arith.addi %add3A_615, %mul3A_617 : i32
        "tpu.region"() ({
          %run_scoped3A_619 = tpu.sem_alloc : memref<!tpu.dma_semaphore, #tpu.memory_space<semaphore_mem>>
          %dma_start3A = arith.constant 0 : i32
          %dma_start3A_620 = tpu.memref_slice %arg4[%arg0, %add3A_618, %dma_start3A] : memref<2x15360x128xf32, #tpu.memory_space<hbm>> -> memref<1x32x128xf32, #tpu.memory_space<hbm>>
          %dma_start3A_621 = tpu.memref_squeeze %dma_start3A_620 : memref<1x32x128xf32, #tpu.memory_space<hbm>> -> memref<32x128xf32, #tpu.memory_space<hbm>>
          %dma_start3A_622 = arith.constant 0 : i32
          %dma_start3A_623 = tpu.memref_slice %arg4[%arg0, %add3A_618, %dma_start3A_622] : memref<2x15360x128xf32, #tpu.memory_space<hbm>> -> memref<1x32x128xf32, #tpu.memory_space<hbm>>
          %dma_start3A_624 = tpu.memref_squeeze %dma_start3A_623 : memref<1x32x128xf32, #tpu.memory_space<hbm>> -> memref<32x128xf32, #tpu.memory_space<hbm>>
          tpu.enqueue_dma source(%run_scoped3A_18 : memref<32x128xf32, #tpu.memory_space<vmem>>) target(%dma_start3A_624 : memref<32x128xf32, #tpu.memory_space<hbm>>) target_semaphore(%run_scoped3A_619 : memref<!tpu.dma_semaphore, #tpu.memory_space<semaphore_mem>>)
          %dma_wait3A = arith.constant 0 : i32
          %dma_wait3A_625 = tpu.memref_slice %arg4[%arg0, %add3A_618, %dma_wait3A] : memref<2x15360x128xf32, #tpu.memory_space<hbm>> -> memref<1x32x128xf32, #tpu.memory_space<hbm>>
          %dma_wait3A_626 = tpu.memref_squeeze %dma_wait3A_625 : memref<1x32x128xf32, #tpu.memory_space<hbm>> -> memref<32x128xf32, #tpu.memory_space<hbm>>
          %dma_wait3A_627 = arith.constant 0 : i32
          %dma_wait3A_628 = tpu.memref_slice %arg4[%arg0, %add3A_618, %dma_wait3A_627] : memref<2x15360x128xf32, #tpu.memory_space<hbm>> -> memref<1x32x128xf32, #tpu.memory_space<hbm>>
          %dma_wait3A_629 = tpu.memref_squeeze %dma_wait3A_628 : memref<1x32x128xf32, #tpu.memory_space<hbm>> -> memref<32x128xf32, #tpu.memory_space<hbm>>
          tpu.wait_dma2 semaphore(%run_scoped3A_619 : memref<!tpu.dma_semaphore, #tpu.memory_space<semaphore_mem>>) src(%run_scoped3A_18 : memref<32x128xf32, #tpu.memory_space<vmem>>) dst(%dma_wait3A_629 : memref<32x128xf32, #tpu.memory_space<hbm>>)
          tpu.yield
        }) : () -> ()
      }
      %scan3A_596 = arith.constant 10 : i32
      %mul3A_597 = arith.constant 320 : i32
      %mul3A_598 = arith.muli %arg1, %mul3A_597 : i32
      "tpu.region"() ({
        %run_scoped3A_606 = tpu.sem_alloc : memref<!tpu.dma_semaphore, #tpu.memory_space<semaphore_mem>>
        %dma_start3A = arith.constant 0 : i32
        %dma_start3A_607 = tpu.memref_slice %run_scoped3A_19[%dma_start3A] : memref<640xf32, #tpu.memory_space<vmem>> -> memref<320xf32, #tpu.memory_space<vmem>>
        %dma_start3A_608 = tpu.memref_slice %arg7[%mul3A_598] : memref<10240xf32, #tpu.memory_space<vmem_shared>> -> memref<320xf32, #tpu.memory_space<vmem_shared>>
        %dma_start3A_609 = arith.constant 0 : i32
        %dma_start3A_610 = tpu.memref_slice %run_scoped3A_19[%dma_start3A_609] : memref<640xf32, #tpu.memory_space<vmem>> -> memref<320xf32, #tpu.memory_space<vmem>>
        %dma_start3A_611 = tpu.memref_slice %arg7[%mul3A_598] : memref<10240xf32, #tpu.memory_space<vmem_shared>> -> memref<320xf32, #tpu.memory_space<vmem_shared>>
        tpu.enqueue_dma source(%dma_start3A_611 : memref<320xf32, #tpu.memory_space<vmem_shared>>) target(%dma_start3A_610 : memref<320xf32, #tpu.memory_space<vmem>>) target_semaphore(%run_scoped3A_606 : memref<!tpu.dma_semaphore, #tpu.memory_space<semaphore_mem>>)
        %dma_wait3A = arith.constant 0 : i32
        %dma_wait3A_612 = tpu.memref_slice %run_scoped3A_19[%dma_wait3A] : memref<640xf32, #tpu.memory_space<vmem>> -> memref<320xf32, #tpu.memory_space<vmem>>
        %dma_wait3A_613 = tpu.memref_slice %arg7[%mul3A_598] : memref<10240xf32, #tpu.memory_space<vmem_shared>> -> memref<320xf32, #tpu.memory_space<vmem_shared>>
        %dma_wait3A_614 = arith.constant 0 : i32
        %dma_wait3A_615 = tpu.memref_slice %run_scoped3A_19[%dma_wait3A_614] : memref<640xf32, #tpu.memory_space<vmem>> -> memref<320xf32, #tpu.memory_space<vmem>>
        %dma_wait3A_616 = tpu.memref_slice %arg7[%mul3A_598] : memref<10240xf32, #tpu.memory_space<vmem_shared>> -> memref<320xf32, #tpu.memory_space<vmem_shared>>
        tpu.wait_dma2 semaphore(%run_scoped3A_606 : memref<!tpu.dma_semaphore, #tpu.memory_space<semaphore_mem>>) src(%dma_wait3A_616 : memref<320xf32, #tpu.memory_space<vmem_shared>>) dst(%dma_wait3A_615 : memref<320xf32, #tpu.memory_space<vmem>>)
        tpu.yield
      }) : () -> ()
      %mul3A_599 = arith.constant 15360 : i32
      %mul3A_600 = arith.muli %arg0, %mul3A_599 : i32
      %add3A_601 = arith.constant 10240 : i32
      %add3A_602 = arith.addi %mul3A_600, %add3A_601 : i32
      %mul3A_603 = arith.constant 320 : i32
      %mul3A_604 = arith.muli %arg1, %mul3A_603 : i32
      %add3A_605 = arith.addi %add3A_602, %mul3A_604 : i32
      "tpu.region"() ({
        %run_scoped3A_606 = tpu.sem_alloc : memref<!tpu.dma_semaphore, #tpu.memory_space<semaphore_mem>>
        %dma_start3A = arith.constant 0 : i32
        %dma_start3A_607 = tpu.memref_slice %run_scoped3A_19[%dma_start3A] : memref<640xf32, #tpu.memory_space<vmem>> -> memref<320xf32, #tpu.memory_space<vmem>>
        %dma_start3A_608 = tpu.memref_slice %arg5[%add3A_605] : memref<30720xf32, #tpu.memory_space<hbm>> -> memref<320xf32, #tpu.memory_space<hbm>>
        %dma_start3A_609 = tpu.memref_slice %arg5[%add3A_605] : memref<30720xf32, #tpu.memory_space<hbm>> -> memref<320xf32, #tpu.memory_space<hbm>>
        %dma_start3A_610 = arith.constant 0 : i32
        %dma_start3A_611 = tpu.memref_slice %run_scoped3A_19[%dma_start3A_610] : memref<640xf32, #tpu.memory_space<vmem>> -> memref<320xf32, #tpu.memory_space<vmem>>
        tpu.enqueue_dma source(%dma_start3A_611 : memref<320xf32, #tpu.memory_space<vmem>>) target(%dma_start3A_609 : memref<320xf32, #tpu.memory_space<hbm>>) target_semaphore(%run_scoped3A_606 : memref<!tpu.dma_semaphore, #tpu.memory_space<semaphore_mem>>)
        %dma_wait3A = arith.constant 0 : i32
        %dma_wait3A_612 = tpu.memref_slice %run_scoped3A_19[%dma_wait3A] : memref<640xf32, #tpu.memory_space<vmem>> -> memref<320xf32, #tpu.memory_space<vmem>>
        %dma_wait3A_613 = tpu.memref_slice %arg5[%add3A_605] : memref<30720xf32, #tpu.memory_space<hbm>> -> memref<320xf32, #tpu.memory_space<hbm>>
        %dma_wait3A_614 = tpu.memref_slice %arg5[%add3A_605] : memref<30720xf32, #tpu.memory_space<hbm>> -> memref<320xf32, #tpu.memory_space<hbm>>
        %dma_wait3A_615 = arith.constant 0 : i32
        %dma_wait3A_616 = tpu.memref_slice %run_scoped3A_19[%dma_wait3A_615] : memref<640xf32, #tpu.memory_space<vmem>> -> memref<320xf32, #tpu.memory_space<vmem>>
        tpu.wait_dma2 semaphore(%run_scoped3A_606 : memref<!tpu.dma_semaphore, #tpu.memory_space<semaphore_mem>>) src(%dma_wait3A_616 : memref<320xf32, #tpu.memory_space<vmem>>) dst(%dma_wait3A_614 : memref<320xf32, #tpu.memory_space<hbm>>)
        tpu.yield
      }) : () -> ()
      tpu.yield
    }) : () -> ()
    return
  }
}

module attributes {stable_mosaic.version = 14 : i64} {
  func.func @_tc_body(%arg0: i32, %arg1: memref<5000x128xf32, #tpu.memory_space<vmem>>, %arg2: memref<1x15360x128xf32, #tpu.memory_space<vmem>>, %arg3: memref<1x120x128xf32, #tpu.memory_space<vmem>>, %arg4: memref<3x128x128xf32, #tpu.memory_space<vmem>>, %arg5: memref<128x128xf32, #tpu.memory_space<vmem>>, %arg6: memref<1x128xf32, #tpu.memory_space<vmem>>, %arg7: memref<128x4xf32, #tpu.memory_space<vmem>>, %arg8: memref<1x4xf32, #tpu.memory_space<vmem>>, %arg9: memref<5000x4xf32, #tpu.memory_space<vmem>>) attributes {dimension_semantics = [#tpu.dimension_semantics<arbitrary>], iteration_bounds = array<i64: 2>, scalar_prefetch = 0 : i64, scratch_operands = 0 : i64, tpu.core_type = #tpu.core_type<tc>, window_params = [{transform_indices = @transform_0, window_bounds = array<i64: 5000, 128>}, {transform_indices = @transform_1, window_bounds = array<i64: 1, 15360, 128>}, {transform_indices = @transform_2, window_bounds = array<i64: 1, 120, 128>}, {pipeline_mode = #tpu.pipeline_mode<synchronous>, transform_indices = @transform_3, window_bounds = array<i64: 3, 128, 128>}, {pipeline_mode = #tpu.pipeline_mode<synchronous>, transform_indices = @transform_4, window_bounds = array<i64: 128, 128>}, {pipeline_mode = #tpu.pipeline_mode<synchronous>, transform_indices = @transform_5, window_bounds = array<i64: 1, 128>}, {pipeline_mode = #tpu.pipeline_mode<synchronous>, transform_indices = @transform_6, window_bounds = array<i64: 128, 4>}, {pipeline_mode = #tpu.pipeline_mode<synchronous>, transform_indices = @transform_7, window_bounds = array<i64: 1, 4>}, {transform_indices = @transform_8, window_bounds = array<i64: 5000, 4>}]} {
    %get3A = arith.constant 0 : index
    %get3A_0 = arith.constant 0 : index
    %get3A_1 = vector.load %arg1[%get3A, %get3A_0] : memref<5000x128xf32, #tpu.memory_space<vmem>>, vector<5000x128xf32>
    %get3A_2 = arith.constant 0 : index
    %get3A_3 = arith.constant 0 : index
    %get3A_4 = vector.load %arg5[%get3A_2, %get3A_3] : memref<128x128xf32, #tpu.memory_space<vmem>>, vector<128x128xf32>
    %dot_general3A = arith.constant dense<0.000000e+00> : vector<5000x128xf32>
    %dot_general3A_5 = tpu.matmul %get3A_1, %get3A_4, %dot_general3A {dimension_numbers = #tpu.dot_dimension_numbers<[1], [0], [0], [1], [0, 0, 1, 1], [], []>, transpose_lhs_hint = false} : vector<5000x128xf32>, vector<128x128xf32>, vector<5000x128xf32> -> vector<5000x128xf32>
    %get3A_6 = arith.constant 0 : index
    %get3A_7 = arith.constant 0 : index
    %get3A_8 = vector.load %arg6[%get3A_6, %get3A_7] : memref<1x128xf32, #tpu.memory_space<vmem>>, vector<1x128xf32>
    %get3A_9 = vector.shape_cast %get3A_8 : vector<1x128xf32> to vector<128xf32>
    %broadcast_in_dim3A = vector.shape_cast %get3A_9 : vector<128xf32> to vector<1x128xf32>
    %add3A = vector.broadcast %broadcast_in_dim3A : vector<1x128xf32> to vector<5000x128xf32>
    %add3A_10 = arith.addf %dot_general3A_5, %add3A : vector<5000x128xf32>
    %get3A_11 = arith.constant 0 : index
    %get3A_12 = arith.constant 0 : index
    %get3A_13 = arith.constant 0 : index
    %get3A_14 = vector.load %arg3[%get3A_11, %get3A_12, %get3A_13] : memref<1x120x128xf32, #tpu.memory_space<vmem>>, vector<1x120x128xf32>
    %get3A_15 = vector.shape_cast %get3A_14 : vector<1x120x128xf32> to vector<120x128xf32>
    %reshape3A = vector.shape_cast %get3A_15 : vector<120x128xf32> to vector<15360xf32>
    %get3A_16 = arith.constant 0 : index
    %get3A_17 = arith.constant 0 : index
    %get3A_18 = arith.constant 0 : index
    %get3A_19 = vector.load %arg2[%get3A_16, %get3A_17, %get3A_18] : memref<1x15360x128xf32, #tpu.memory_space<vmem>>, vector<1x5000x128xf32>
    %get3A_20 = vector.shape_cast %get3A_19 : vector<1x5000x128xf32> to vector<5000x128xf32>
    %slice3A = vector.extract_strided_slice %reshape3A {offsets = [0], sizes = [5000], strides = [1]} : vector<15360xf32> to vector<5000xf32>
    %max3A = arith.constant 1.000000e+00 : f32
    %max3A_21 = vector.broadcast %max3A : f32 to vector<5000xf32>
    %max3A_22 = arith.maximumf %slice3A, %max3A_21 : vector<5000xf32>
    %broadcast_in_dim3A_23 = vector.shape_cast %max3A_22 : vector<5000xf32> to vector<5000x1xf32>
    %div3A = vector.broadcast %broadcast_in_dim3A_23 : vector<5000x1xf32> to vector<5000x128xf32>
    %div3A_24 = arith.divf %get3A_20, %div3A : vector<5000x128xf32>
    %get3A_25 = arith.constant 0 : index
    %get3A_26 = arith.constant 0 : index
    %get3A_27 = arith.constant 0 : index
    %get3A_28 = vector.load %arg4[%get3A_25, %get3A_26, %get3A_27] : memref<3x128x128xf32, #tpu.memory_space<vmem>>, vector<1x128x128xf32>
    %get3A_29 = vector.shape_cast %get3A_28 : vector<1x128x128xf32> to vector<128x128xf32>
    %dot_general3A_30 = arith.constant dense<0.000000e+00> : vector<5000x128xf32>
    %dot_general3A_31 = tpu.matmul %div3A_24, %get3A_29, %dot_general3A_30 {dimension_numbers = #tpu.dot_dimension_numbers<[1], [0], [0], [1], [0, 0, 1, 1], [], []>, transpose_lhs_hint = false} : vector<5000x128xf32>, vector<128x128xf32>, vector<5000x128xf32> -> vector<5000x128xf32>
    %add3A_32 = arith.addf %add3A_10, %dot_general3A_31 : vector<5000x128xf32>
    %get3A_33 = arith.constant 0 : index
    %get3A_34 = arith.constant 5120 : index
    %get3A_35 = arith.constant 0 : index
    %get3A_36 = vector.load %arg2[%get3A_33, %get3A_34, %get3A_35] : memref<1x15360x128xf32, #tpu.memory_space<vmem>>, vector<1x5000x128xf32>
    %get3A_37 = vector.shape_cast %get3A_36 : vector<1x5000x128xf32> to vector<5000x128xf32>
    %slice3A_38 = vector.extract_strided_slice %reshape3A {offsets = [5120], sizes = [5000], strides = [1]} : vector<15360xf32> to vector<5000xf32>
    %max3A_39 = arith.constant 1.000000e+00 : f32
    %max3A_40 = vector.broadcast %max3A_39 : f32 to vector<5000xf32>
    %max3A_41 = arith.maximumf %slice3A_38, %max3A_40 : vector<5000xf32>
    %broadcast_in_dim3A_42 = vector.shape_cast %max3A_41 : vector<5000xf32> to vector<5000x1xf32>
    %div3A_43 = vector.broadcast %broadcast_in_dim3A_42 : vector<5000x1xf32> to vector<5000x128xf32>
    %div3A_44 = arith.divf %get3A_37, %div3A_43 : vector<5000x128xf32>
    %get3A_45 = arith.constant 1 : index
    %get3A_46 = arith.constant 0 : index
    %get3A_47 = arith.constant 0 : index
    %get3A_48 = vector.load %arg4[%get3A_45, %get3A_46, %get3A_47] : memref<3x128x128xf32, #tpu.memory_space<vmem>>, vector<1x128x128xf32>
    %get3A_49 = vector.shape_cast %get3A_48 : vector<1x128x128xf32> to vector<128x128xf32>
    %dot_general3A_50 = arith.constant dense<0.000000e+00> : vector<5000x128xf32>
    %dot_general3A_51 = tpu.matmul %div3A_44, %get3A_49, %dot_general3A_50 {dimension_numbers = #tpu.dot_dimension_numbers<[1], [0], [0], [1], [0, 0, 1, 1], [], []>, transpose_lhs_hint = false} : vector<5000x128xf32>, vector<128x128xf32>, vector<5000x128xf32> -> vector<5000x128xf32>
    %add3A_52 = arith.addf %add3A_32, %dot_general3A_51 : vector<5000x128xf32>
    %get3A_53 = arith.constant 0 : index
    %get3A_54 = arith.constant 10240 : index
    %get3A_55 = arith.constant 0 : index
    %get3A_56 = vector.load %arg2[%get3A_53, %get3A_54, %get3A_55] : memref<1x15360x128xf32, #tpu.memory_space<vmem>>, vector<1x5000x128xf32>
    %get3A_57 = vector.shape_cast %get3A_56 : vector<1x5000x128xf32> to vector<5000x128xf32>
    %slice3A_58 = vector.extract_strided_slice %reshape3A {offsets = [10240], sizes = [5000], strides = [1]} : vector<15360xf32> to vector<5000xf32>
    %max3A_59 = arith.constant 1.000000e+00 : f32
    %max3A_60 = vector.broadcast %max3A_59 : f32 to vector<5000xf32>
    %max3A_61 = arith.maximumf %slice3A_58, %max3A_60 : vector<5000xf32>
    %broadcast_in_dim3A_62 = vector.shape_cast %max3A_61 : vector<5000xf32> to vector<5000x1xf32>
    %div3A_63 = vector.broadcast %broadcast_in_dim3A_62 : vector<5000x1xf32> to vector<5000x128xf32>
    %div3A_64 = arith.divf %get3A_57, %div3A_63 : vector<5000x128xf32>
    %get3A_65 = arith.constant 2 : index
    %get3A_66 = arith.constant 0 : index
    %get3A_67 = arith.constant 0 : index
    %get3A_68 = vector.load %arg4[%get3A_65, %get3A_66, %get3A_67] : memref<3x128x128xf32, #tpu.memory_space<vmem>>, vector<1x128x128xf32>
    %get3A_69 = vector.shape_cast %get3A_68 : vector<1x128x128xf32> to vector<128x128xf32>
    %dot_general3A_70 = arith.constant dense<0.000000e+00> : vector<5000x128xf32>
    %dot_general3A_71 = tpu.matmul %div3A_64, %get3A_69, %dot_general3A_70 {dimension_numbers = #tpu.dot_dimension_numbers<[1], [0], [0], [1], [0, 0, 1, 1], [], []>, transpose_lhs_hint = false} : vector<5000x128xf32>, vector<128x128xf32>, vector<5000x128xf32> -> vector<5000x128xf32>
    %add3A_72 = arith.addf %add3A_52, %dot_general3A_71 : vector<5000x128xf32>
    %max3A_73 = arith.constant 0.000000e+00 : f32
    %max3A_74 = vector.broadcast %max3A_73 : f32 to vector<5000x128xf32>
    %max3A_75 = arith.maximumf %add3A_72, %max3A_74 : vector<5000x128xf32>
    %get3A_76 = arith.constant 0 : index
    %get3A_77 = arith.constant 0 : index
    %get3A_78 = vector.load %arg7[%get3A_76, %get3A_77] : memref<128x4xf32, #tpu.memory_space<vmem>>, vector<128x4xf32>
    %dot_general3A_79 = arith.constant dense<0.000000e+00> : vector<5000x4xf32>
    %dot_general3A_80 = tpu.matmul %max3A_75, %get3A_78, %dot_general3A_79 {dimension_numbers = #tpu.dot_dimension_numbers<[1], [0], [0], [1], [0, 0, 1, 1], [], []>, transpose_lhs_hint = false} : vector<5000x128xf32>, vector<128x4xf32>, vector<5000x4xf32> -> vector<5000x4xf32>
    %get3A_81 = arith.constant 0 : index
    %get3A_82 = arith.constant 0 : index
    %get3A_83 = vector.load %arg8[%get3A_81, %get3A_82] : memref<1x4xf32, #tpu.memory_space<vmem>>, vector<1x4xf32>
    %get3A_84 = vector.shape_cast %get3A_83 : vector<1x4xf32> to vector<4xf32>
    %broadcast_in_dim3A_85 = vector.shape_cast %get3A_84 : vector<4xf32> to vector<1x4xf32>
    %add3A_86 = vector.broadcast %broadcast_in_dim3A_85 : vector<1x4xf32> to vector<5000x4xf32>
    %add3A_87 = arith.addf %dot_general3A_80, %add3A_86 : vector<5000x4xf32>
    %swap3A = arith.constant 0 : index
    %swap3A_88 = arith.constant 0 : index
    %swap3A_89 = vector.load %arg9[%swap3A, %swap3A_88] : memref<5000x4xf32, #tpu.memory_space<vmem>>, vector<5000x4xf32>
    tpu.vector_store %arg9[%swap3A, %swap3A_88], %add3A_87 {strides = array<i32>} : memref<5000x4xf32, #tpu.memory_space<vmem>>, vector<5000x4xf32>,
    return
  }
  func.func @transform_0(%arg0: i32) -> (i32, i32) {
    %c0_i32 = arith.constant 0 : i32
    %c0_i32_0 = arith.constant 0 : i32
    return %arg0, %c0_i32 : i32, i32
  }
  func.func @transform_1(%arg0: i32) -> (i32, i32, i32) {
    %c0_i32 = arith.constant 0 : i32
    %c0_i32_0 = arith.constant 0 : i32
    %c0_i32_1 = arith.constant 0 : i32
    return %arg0, %c0_i32, %c0_i32_0 : i32, i32, i32
  }
  func.func @transform_2(%arg0: i32) -> (i32, i32, i32) {
    %c0_i32 = arith.constant 0 : i32
    %c0_i32_0 = arith.constant 0 : i32
    %c0_i32_1 = arith.constant 0 : i32
    return %arg0, %c0_i32, %c0_i32_0 : i32, i32, i32
  }
  func.func @transform_3(%arg0: i32) -> (i32, i32, i32) {
    %c0_i32 = arith.constant 0 : i32
    %c0_i32_0 = arith.constant 0 : i32
    %c0_i32_1 = arith.constant 0 : i32
    %c0_i32_2 = arith.constant 0 : i32
    return %c0_i32, %c0_i32_0, %c0_i32_1 : i32, i32, i32
  }
  func.func @transform_4(%arg0: i32) -> (i32, i32) {
    %c0_i32 = arith.constant 0 : i32
    %c0_i32_0 = arith.constant 0 : i32
    %c0_i32_1 = arith.constant 0 : i32
    return %c0_i32, %c0_i32_0 : i32, i32
  }
  func.func @transform_5(%arg0: i32) -> (i32, i32) {
    %c0_i32 = arith.constant 0 : i32
    %c0_i32_0 = arith.constant 0 : i32
    %c0_i32_1 = arith.constant 0 : i32
    return %c0_i32, %c0_i32_0 : i32, i32
  }
  func.func @transform_6(%arg0: i32) -> (i32, i32) {
    %c0_i32 = arith.constant 0 : i32
    %c0_i32_0 = arith.constant 0 : i32
    %c0_i32_1 = arith.constant 0 : i32
    return %c0_i32, %c0_i32_0 : i32, i32
  }
  func.func @transform_7(%arg0: i32) -> (i32, i32) {
    %c0_i32 = arith.constant 0 : i32
    %c0_i32_0 = arith.constant 0 : i32
    %c0_i32_1 = arith.constant 0 : i32
    return %c0_i32, %c0_i32_0 : i32, i32
  }
  func.func @transform_8(%arg0: i32) -> (i32, i32) {
    %c0_i32 = arith.constant 0 : i32
    %c0_i32_0 = arith.constant 0 : i32
    return %arg0, %c0_i32 : i32, i32
  }
}

</mosaic_0001>

<sc_bundles>
// kernel: kernel.4.cloned.1.call-start
scs
__scs_entry_jumppad:
0x0: {  	(pc) =	sbr.rel $0x88, $3  }
0x1: {  	(tag) =	ssettag $0x0;
	lr =	simm.s32 $0x1  }
0x2: {  	[smem:$0x3F99] =	sst lr;
	_ =	strace $0xD0000000  }
0x3: {  	_ = 	snop  }
0x4: {  	_ = 	snop  }
0x5: {  	_ = 	snop  }
0x6: {  	_ = 	snop  }
0x7: {  	_ = 	snop  }
__scs_overlays_trampoline_lowered:
0x8: {  	[smem:$0x3FA8] =	sst s0  }
0x9: {  	[smem:$0x3FA9] =	sst s1  }
0xa: {  	[smem:$0x3FAA] =	sst s2  }
0xb: {  	[smem:$0x3FAB] =	sst s3  }
0xc: {  	[smem:$0x3FAC] =	sst s4  }
0xd: {  	[smem:$0x3FAD] =	sst s5  }
0xe: {  	[smem:$0x3FAE] =	sst s6  }
0xf: {  	[smem:$0x3FAF] =	sst s7  }
0x10: {  	[smem:$0x3FB0] =	sst s8  }
0x11: {  	[smem:$0x3FB1] =	sst s9;
	s0 =	simm.s32 @!p0 $0x0  }
0x12: {  	s1 =	sld [smem:$0x3F97];
	s0 =	simm.s32 @p0 $0x1  }
0x13: {  	[smem:$0x3FB2] =	sst s0;
	s0 =	simm.s32 @!p1 $0x0  }
0x14: {  	s2 =	sld [smem:$0x3F96];
	s0 =	simm.s32 @p1 $0x1  }
0x15: {  	[smem:$0x3FB3] =	sst s0;
	s0 =	simm.s32 @!p2 $0x0  }
0x16: {  	s3 =	sld [smem:$0x3FDB];
	s0 =	simm.s32 @p2 $0x1  }
0x17: {  	s4 =	simm.s32 $0x1BF5;
	[smem:$0x3FB5] =	sst s0  }
0x18: {  	s0 =	sld [smem:$0x3F98];
	_ =	swait.ge [sflag:s4], $0x0  }
0x19: {  	s7 =	sld [smem:$0x3F99]  }
0x1a: {  	s8 =	sadd.s32 $0xFFFFE003, lr  }
0x1b: {  	s9 =	sadd.s32 $0xFFFFFEF7, lr;
	s5 =	simm.s32 $0xFFFFFFFF;
	p2 =	slt.u32 s8, $0xFFFFF086  }
0x1c: {  	p1 =	slt.u32 s9, $0xF7A;
	s5 =	simm.s32 @!p2 $0x0  }
0x1d: {  	s5 =	simm.s32 @p1 $0x1;
	p0 =	seq.s32 s7, s2  }
0x1e: {  	s7 =	smul.u32 @!p0 $0xF7A, s2;
	p2 =	seq.s32 @!p0 s5, $0x0  }
0x1f: {  	s9 =	smul.u32 $0xF7A, s1;
	s8 =	simm.s32 @!p0 $0x1BF5;
	p2 =	por !p2, p0  }
0x20: {  	[sflag:s8] =	ssyncset.s32 @!p0 $0xFFFFF086;
	s6 =	sadd.s32 @!p0 s3, s7;
	s7 =	simm.s32 @!p0 $0x108  }
0x21: {  	s3 =	sadd.s32 s3, s9;
	s6 =	sadd.s32 @!p0 $0x88, s6;
	s7 =	simm.s32 @p2 $0x1082  }
0x22: {  	[simem:s7], [sflag:s8] =	dma.local @!p0 [hbm:s6], $0xF7A  }
0x23: {  	s9 =	sor.u32 $0xD0000000, s2;
	s6 =	simm.s32 $0x108;
	_ =	swait.ge @!p0 [sflag:s8], $0x0  }
0x24: {  	s3 =	sadd.s32 $0x88, s3;
	s6 =	simm.s32 @!p1 $0x1082;
	[sflag:s4] =	ssyncset.s32 $0xFFFFF086  }
0x25: {  	[simem:s6], [sflag:s4] =	dma.local [hbm:s3], $0xF7A  }
0x26: {  	[smem:$0x3F99] =	sst s1;
	(tag) =	ssettag s2;
	_ =	strace s9  }
0x27: {  	s1 =	sld [smem:$0x3FA9]  }
0x28: {  	s2 =	sld [smem:$0x3FAA]  }
0x29: {  	s4 =	sld [smem:$0x3FAC]  }
0x2a: {  	p0 =	seq.s32 s5, $0x0;
	s5 =	sld [smem:$0x3FAD]  }
0x2b: {  	s6 =	sld [smem:$0x3FAE]  }
0x2c: {  	s7 =	sld [smem:$0x3FAF]  }
0x2d: {  	s3 =	simm.s32 $0x108;
	s8 =	sld [smem:$0x3FB0]  }
0x2e: {  	s3 =	simm.s32 @!p0 $0x1082;
	s9 =	sld [smem:$0x3FB1]  }
0x2f: {  	lr =	sadd.s32 s0, s3;
	s0 =	sld [smem:$0x3FA8]  }
0x30: {  	s3 =	sld [smem:$0x3FAB]  }
0x31: {  	[smem:$0x3FB4] =	sst s10  }
0x32: {  	s10 =	sld [smem:$0x3FB2];
	_ =	sdelay $0x3  }
0x33: {  	p0 =	seq.s32 s10, $0x1;
	s10 =	sld [smem:$0x3FB4];
	_ =	sdelay $0x3  }
0x34: {  	[smem:$0x3FB4] =	sst s10  }
0x35: {  	s10 =	sld [smem:$0x3FB3];
	_ =	sdelay $0x3  }
0x36: {  	p1 =	seq.s32 s10, $0x1;
	s10 =	sld [smem:$0x3FB4];
	_ =	sdelay $0x3  }
0x37: {  	[smem:$0x3FB4] =	sst s10  }
0x38: {  	s10 =	sld [smem:$0x3FB5]  }
0x39: {  	_ = 	snop;
	(pc) =	sbr.ind lr, $3  }
0x3a: {  	_ = 	snop  }
0x3b: {  	_ = 	snop  }
0x3c: {  	p2 =	seq.s32 s10, $0x1;
	s10 =	sld [smem:$0x3FB4]  }
0x3d: {  	_ =	shalt  }
0x3e: {  	_ =	shalt  }
0x3f: {  	_ =	shalt  }
0x40: {  	_ =	shalt  }
0x41: {  	_ =	shalt  }
0x42: {  	_ =	shalt  }
0x43: {  	_ =	shalt  }
0x44: {  	_ =	shalt  }
0x45: {  	_ =	shalt  }
0x46: {  	_ =	shalt  }
0x47: {  	_ =	shalt  }
0x48: {  	_ =	shalt  }
0x49: {  	_ =	shalt  }
0x4a: {  	_ =	shalt  }
0x4b: {  	_ =	shalt  }
0x4c: {  	_ =	shalt  }
0x4d: {  	_ =	shalt  }
0x4e: {  	_ =	shalt  }
0x4f: {  	_ =	shalt  }
0x50: {  	_ =	shalt  }
0x51: {  	_ =	shalt  }
0x52: {  	_ =	shalt  }
0x53: {  	_ =	shalt  }
0x54: {  	_ =	shalt  }
0x55: {  	_ =	shalt  }
0x56: {  	_ =	shalt  }
0x57: {  	_ =	shalt  }
0x58: {  	_ =	shalt  }
0x59: {  	_ =	shalt  }
0x5a: {  	_ =	shalt  }
0x5b: {  	_ =	shalt  }
0x5c: {  	_ =	shalt  }
0x5d: {  	_ =	shalt  }
0x5e: {  	_ =	shalt  }
0x5f: {  	_ =	shalt  }
0x60: {  	_ =	shalt  }
0x61: {  	_ =	shalt  }
0x62: {  	_ =	shalt  }
0x63: {  	_ =	shalt  }
0x64: {  	_ =	shalt  }
0x65: {  	_ =	shalt  }
0x66: {  	_ =	shalt  }
0x67: {  	_ =	shalt  }
0x68: {  	_ =	shalt  }
0x69: {  	_ =	shalt  }
0x6a: {  	_ =	shalt  }
0x6b: {  	_ =	shalt  }
0x6c: {  	_ =	shalt  }
0x6d: {  	_ =	shalt  }
0x6e: {  	_ =	shalt  }
0x6f: {  	_ =	shalt  }
0x70: {  	_ =	shalt  }
0x71: {  	_ =	shalt  }
0x72: {  	_ =	shalt  }
0x73: {  	_ =	shalt  }
0x74: {  	_ =	shalt  }
0x75: {  	_ =	shalt  }
0x76: {  	_ =	shalt  }
0x77: {  	_ =	shalt  }
0x78: {  	_ =	shalt  }
0x79: {  	_ =	shalt  }
0x7a: {  	_ =	shalt  }
0x7b: {  	_ =	shalt  }
0x7c: {  	_ =	shalt  }
0x7d: {  	_ =	shalt  }
0x7e: {  	_ =	shalt  }
0x7f: {  	_ =	shalt  }
0x80: {  	_ =	shalt  }
0x81: {  	_ =	shalt  }
0x82: {  	_ =	shalt  }
0x83: {  	_ =	shalt  }
0x84: {  	_ =	shalt  }
0x85: {  	_ =	shalt  }
0x86: {  	_ =	shalt  }
0x87: {  	_ =	shalt  }
.Lfunc_end0:
.L_simem_size_0:
called_computation_lowered:
.L_overlay_start_0:
0x88: {  	s2 =	sld [smem:$0x3FD9]  }
0x89: {  	s3 =	sld [smem:$0x3FFE];
	_ =	sdelay $0x1  }
0x8a: {  	s1 =	srdreg.scid  }
0x8b: {  	s0 =	sand.u32 $0x1, s1  }
0x8c: {  	s17 =	sshll.u32 s0, $0xA;
	s2 =	sadd.s32 s3, s2  }
0x8d: {  	s2 =	sadd.s32 s2, s17  }
0x8e: {  	[smem:$0x3FC0] =	sst s2  }
0x8f: {  	_ = 	snop  }
0x90: {  	s2 =	sld [smem:$0x3FC9]  }
0x91: {  	s18 =	sld [smem:$0x3FD0];
	(tm) =	ssettm $0x1  }
0x92: {  	s4 =	sld [smem:$0x3FFB];
	_ =	sdelay $0x3  }
0x93: {  	_ =	strace s4  }
0x94: {  	s4 =	sld [smem:$0x3FFC];
	_ =	sdelay $0x3  }
0x95: {  	_ =	strace s4  }
0x96: {  	s4 =	sld [smem:$0x3FFD];
	_ =	sdelay $0x3  }
0x97: {  	_ =	strace s4  }
0x98: {  	_ =	strace $0x8FFFFFFF  }
0x99: {  	s19 =	sld [smem:$0x3FDB];
	_ =	sdelay $0x1  }
0x9a: {  	s5 =	simm.s32 $_scs_section_size  }
0x9b: {  	s6 =	simm.s32 $_size__tile_overlayer_lowered;
	s7 =	simm.s32 $_tile_overlayer_lowered  }
0x9c: {  	s22 =	simm.s32 $0x1BFF;
	s21 =	sshll.u32 s7, $0x1;
	s4 =	sadd.s32 s5, s19  }
0x9d: {  	s8 =	simm.s32 $0x0;
	s20 =	sshll.u32 s6, $0x1;
	s6 =	sadd.s32 s21, s4  }
0x9e: {  	[timem:s8], [sflag:s22] =	dma.local [hbm:s6], s20  }
0x9f: {  	_ =	swait.ge [sflag:s22], s20  }
0xa0: {  	s5 =	ssub.s32 $0x0, s20;
	[sflag:s22] =	ssyncset.done $0x0  }
0xa1: {  	[sflag:s22] =	ssyncadd.s32 s5;
	_ =	sdelay $0x1  }
0xa2: {  	s23 =	simm.s32 $0x1B8B  }
0xa3: {  	_ =	swait.ge [sflag:s23], $0x1  }
0xa4: {  	[sflag:s23] =	ssyncset.done $0x0  }
0xa5: {  	s25 =	simm.s32 $0x1B8E;
	s24 =	sld [smem:$0x3FFE];
	[sflag:s23] =	ssyncadd.s32 $0xFFFFFFFF  }
0xa6: {  	s26 =	simm.s32 $execute0_lowered;
	[smem:$0x3FD2] =	sst s25  }
0xa7: {  	s6 =	sshll.u32 s26, $0x1;
	_ =	strace $0x80000046;
	[dreg:$0x1] =	wrdreg $0xFFFFFFFF  }
0xa8: {  	s28 =	simm.s32 $_size_execute0_lowered;
	s4 =	sadd.s32 s4, s6;
	[dreg:$0x0] =	wrdreg $0x0  }
0xa9: {  	s6 =	sshll.u32 s28, $0x1;
	[dreg:$0x2] =	wrdreg s4  }
0xaa: {  	[dreg:$0x3] =	wrdreg s6  }
0xab: {  	[dreg:$0x4] =	wrdreg $0xC0  }
0xac: {  	_ =	task [dreg:s8], $0x5FFFF  }
0xad: {  	[dreg:$0x1] =	wrdreg $0xFFFFFFFF  }
0xae: {  	[dreg:$0x0] =	wrdreg $0x60  }
0xaf: {  	[dreg:$0x2] =	wrdreg s24  }
0xb0: {  	[dreg:$0x3] =	wrdreg s2  }
0xb1: {  	[dreg:$0x4] =	wrdreg s18  }
0xb2: {  	[dreg:$0x5] =	wrdreg $0x0  }
0xb3: {  	[dreg:$0x6] =	wrdreg $0x140000  }
0xb4: {  	[dreg:$0x7] =	wrdreg $0x9  }
0xb5: {  	_ =	task.clear_ibuf [dreg:s8], $0x8FFFF;
	_ =	strace $0x90000046  }
0xb6: {  	s29 =	simm.s32 $0x9;
	_ =	strace $0x80000048  }
0xb7: {  	_ =	swait.ge [sflag:s29], $0x1  }
0xb8: {  	[sflag:s29] =	ssyncadd.s32 $0xFFFFFFFF  }
0xb9: {  	_ =	strace $0x90000048  }
0xba: {  	_ =	sfence  }
0xbb: {  	s30 =	sld [smem:$0x0];
	_ =	sdelay $0x2  }
0xbc: {  	s31 =	sshll.u32 s1, $0xD;
	s1 =	sshrl.u32 s1, $0x2  }
0xbd: {  	s3 =	sand.u32 $0x4000, s31;
	s1 =	sadd.s32 s1, s30  }
0xbe: {  	s0 =	sor.u32 s3, s0;
	s1 =	sshll.u32 s1, $0x11  }
0xbf: {  	s0 =	sor.u32 s1, s0  }
0xc0: {  	s0 =	sadd.s32 $0x8F2B, s0  }
0xc1: {  	[sflag:s0] =	ssyncadd.remote.s32 $0x1  }
0xc2: {  	_ =	sfence.sel $0xFFFF  }
0xc3: {  	[dreg:$0x0] =	wrdreg $0xFFFFFFFF;
	(pc) =	sbr.abs _section_cstart, $3  }
0xc4: {  	[dreg:$0x1] =	wrdreg $0xFFFFFFFF  }
0xc5: {  	_ =	task.clear_ibuf [dreg:s8], $0x2FFFF;
	_ =	strace $0x9FFFFFFF  }
0xc6: {  	(tm) =	ssettm $0x7FFFFFFF  }
0xc7: {  	_ =	shalt  }
tec
execute0_lowered:
.L_overlay_start_1:
0x0: {  	(tag) =	ssettag $0x1  }
0x1: {  	s2 =	rddreg [dreg:$0x0];
	s18 =	stileid.u32  }
0x2: {  	s0 =	rddreg [dreg:$0x1];
	s10 =	smul.u32 $0x50000, s18  }
0x3: {  	s9 =	rddreg [dreg:$0x2];
	s11 =	smul.u32 $0x280, s18  }
0x4: {  	s3 =	rddreg [dreg:$0x3];
	s7 =	smul.u32 $0x14800, s18  }
0x5: {  	s1 =	srdreg.scid;
	s29 =	smul.u32 $0x28000, s18  }
0x6: {  	s4 =	rddreg [dreg:$0x4];
	s16 =	smul.u32 $0x140, s18  }
0x7: {  	s5 =	simm.s32 $0x0;
	s8 =	sand.u32 $0x1, s1;
	s23 =	smul.u32 $0x14000, s18  }
0x8: {  	[smem:$0x7FF] =	sst s5;
	s1 =	smul.u32 $0x1388, s8  }
0x9: {  	s6 =	sadd.s32 $0x1600, s2;
	s12 =	ssub.s32 $0x2, s8;
	s13 =	smul.u32 $0x1E0000, s8  }
0xa: {  	_ =	strace $0x80000047;
	s15 =	smul.u32 $0x3C00, s8;
	s14 =	sshrl.u32 s12, $0x1  }
0xb: {  	s10 =	sshrl.u32 s10, $0x2;
	s30 =	sadd.s32 s11, s4;
	s31 =	sshrl.u32 s7, $0x3  }
0xc: {  	s20 =	sadd.s32 s16, s4;
	s14 =	ssub.s32 s12, s14;
	[dreg:$0x6] =	wrdreg s30  }
0xd: {  	s8 =	sadd.s32 s10, s3;
	s12 =	sadd.s32 s6, s31;
	[dreg:$0xa] =	wrdreg s20  }
0xe: {  	s11 =	sadd.s32 s11, s15;
	[dreg:$0x7] =	wrdreg s12;
	s24 =	smax.u32 s14, $0x1  }
0xf: {  	s10 =	sshrl.u32 s29, $0x2;
	s20 =	sadd.s32 $0x2000, s8;
	[dreg:$0xc] =	wrdreg s24  }
0x10: {  	s30 =	sadd.s32 s23, s13;
	s23 =	sadd.s32 $0x4000, s8;
	[dreg:$0x18] =	wrdreg s20  }
0x11: {  	s11 =	sshrl.u32 s11, $0x3;
	s12 =	sadd.s32 s10, s3;
	[dreg:$0x1a] =	wrdreg s23  }
0x12: {  	s17 =	smul.u32 $0xA000, s18;
	s11 =	sadd.s32 s9, s11;
	[dreg:$0x9] =	wrdreg s12  }
0x13: {  	s2 =	sadd.s32 $0x2A600, s2;
	s24 =	sadd.s32 $0x5000, s8;
	[dreg:$0x8] =	wrdreg s11  }
0x14: {  	s19 =	sadd.s32 s13, s17;
	s20 =	sadd.s32 $0x1000, s12;
	[dreg:$0x1b] =	wrdreg s24  }
0x15: {  	s23 =	sadd.s32 $0x3000, s12;
	s11 =	sadd.s32 s16, s15;
	[smem:$0x7F5] =	sst s20  }
0x16: {  	[smem:$0x7F7] =	sst s23;
	s24 =	sadd.s32 $0x4000, s12;
	s10 =	sshrl.u32 s11, $0x3  }
0x17: {  	s11 =	sshrl.u32 s19, $0x3;
	s19 =	sadd.s32 $0x1000, s8;
	[smem:$0x7F8] =	sst s24  }
0x18: {  	s9 =	sadd.s32 s9, s10;
	[dreg:$0x17] =	wrdreg s19;
	s10 =	sadd.s32 $0xB000, s8  }
0x19: {  	s21 =	sadd.s32 s2, s11;
	s11 =	sadd.s32 $0xC000, s8;
	[smem:$0x7EC] =	sst s10  }
0x1a: {  	s19 =	sadd.s32 $0x13000, s8;
	[smem:$0x7ED] =	sst s11  }
0x1b: {  	s9 =	sadd.s32 $0x500, s9;
	[smem:$0x7F4] =	sst s19  }
0x1c: {  	s25 =	sadd.s32 $0x28000, s21;
	[dreg:$0xb] =	wrdreg s9  }
0x1d: {  	s26 =	sadd.s32 $0x28200, s21;
	[dreg:$0xd] =	wrdreg s25  }
0x1e: {  	s29 =	sadd.s32 $0x28400, s21;
	[dreg:$0xe] =	wrdreg s26  }
0x1f: {  	s31 =	sadd.s32 $0x28600, s21;
	[dreg:$0xf] =	wrdreg s29  }
0x20: {  	s13 =	sadd.s32 $0x28800, s21;
	[dreg:$0x10] =	wrdreg s31  }
0x21: {  	s14 =	sadd.s32 $0x28A00, s21;
	[dreg:$0x11] =	wrdreg s13  }
0x22: {  	s15 =	sadd.s32 $0x28C00, s21;
	[dreg:$0x12] =	wrdreg s14  }
0x23: {  	s16 =	sadd.s32 $0x28E00, s21;
	[dreg:$0x13] =	wrdreg s15  }
0x24: {  	s17 =	sadd.s32 $0x29000, s21;
	[dreg:$0x14] =	wrdreg s16  }
0x25: {  	s18 =	sadd.s32 $0x29200, s21;
	[dreg:$0x15] =	wrdreg s17  }
0x26: {  	s21 =	sadd.s32 $0x3000, s8;
	[dreg:$0x16] =	wrdreg s18  }
0x27: {  	[dreg:$0x19] =	wrdreg s21;
	s25 =	sadd.s32 $0x6000, s8  }
0x28: {  	s26 =	sadd.s32 $0x7000, s8;
	[dreg:$0x1c] =	wrdreg s25  }
0x29: {  	s29 =	sadd.s32 $0x8000, s8;
	[dreg:$0x1d] =	wrdreg s26  }
0x2a: {  	s9 =	sshrl.u32 s30, $0x3;
	s30 =	sadd.s32 $0x9000, s8;
	[dreg:$0x1e] =	wrdreg s29  }
0x2b: {  	s31 =	sadd.s32 $0xA000, s8;
	[dreg:$0x1f] =	wrdreg s30  }
0x2c: {  	p0 =	por $0x0, $0x0;
	s13 =	sadd.s32 $0xD000, s8;
	[smem:$0x7EB] =	sst s31  }
0x2d: {  	s28 =	sadd.s32 $0x1000, s7;
	s14 =	sadd.s32 $0xE000, s8;
	[smem:$0x7EE] =	sst s13  }
0x2e: {  	s20 =	simm.s32 $0x1E900;
	s15 =	sadd.s32 $0xF000, s8;
	[smem:$0x7EF] =	sst s14  }
0x2f: {  	s23 =	simm.s32 $0x14A80;
	s16 =	sadd.s32 $0x10000, s8;
	[smem:$0x7F0] =	sst s15  }
0x30: {  	s24 =	simm.s32 $0x1D780;
	s17 =	sadd.s32 $0x11000, s8;
	[smem:$0x7F1] =	sst s16  }
0x31: {  	s19 =	simm.s32 $0xE;
	s18 =	sadd.s32 $0x12000, s8;
	[smem:$0x7F2] =	sst s17  }
0x32: {  	s21 =	sadd.s32 $0x2000, s12;
	s22 =	sadd.s32 s9, s2;
	[smem:$0x7F3] =	sst s18  }
0x33: {  	s2 =	sadd.s32 $0x1388, s1;
	[smem:$0x7F6] =	sst s21;
	s25 =	sadd.s32 $0x5000, s12  }
.Ltmp0:
0x34: {  	v2 =	vimm.f32 $0.0e+00;
	s26 =	sadd.s32 $0x6000, s12;
	[smem:$0x7F9] =	sst s25;
	(pc) =	sbr.rel .LBB2_1-.Ltmp0, $4  }
0x35: {  	v3 =	vlaneseq.u32;
	v4 =	vimm.f32 $1.000000000e+00;
	vm0 =	vmxor vm0, vm0;
	s29 =	sadd.s32 $0x7000, s12;
	s30 =	sadd.s32 $0x8000, s12;
	[smem:$0x7FA] =	sst s26  }
0x36: {  	v5 =	vadd.s32 $0x1388, v3;
	v6 =	vor.u32 $0x10, v3;
	v7 =	vadd.s32 $0x1398, v3;
	s31 =	sadd.s32 $0x9000, s12;
	s18 =	simm.s32 $0x1D900;
	[smem:$0x7FB] =	sst s29  }
0x37: {  	v8 =	vor.u32 $0x20, v3;
	v9 =	vadd.s32 $0x13A8, v3;
	v10 =	vor.u32 $0x30, v3;
	s21 =	simm.s32 $0x14280;
	s13 =	simm.s32 $0x0;
	[smem:$0x7FC] =	sst s30  }
0x38: {  	v11 =	vadd.s32 $0x13B8, v3;
	v0 =	vmov s1;
	[smem:$0x7FD] =	sst s31;
	s25 =	simm.s32 $0x1D800;
	s26 =	simm.s32 $0xD;
	v1 =	vmov s2  }
.LBB2_56:
0x39: {  	p1 =	slt.s32 s30, $0x4  }
0x3a: {  	s2 =	simm.s32 @!p1 $0x7  }
0x3b: {  	_ =	swait.ge @!p1 [sflag:s2], $0x2000  }
0x3c: {  	[sflag:s2] =	ssyncset.done @!p1 $0x0  }
0x3d: {  	[sflag:s2] =	ssyncadd.s32 @!p1 $0xFFFFE000;
	s2 =	simm.s32 @!p1 $0xB  }
0x3e: {  	_ =	swait.ge @!p1 [sflag:s2], $0x40  }
0x3f: {  	[sflag:s2] =	ssyncset.done @!p1 $0x0  }
0x40: {  	[sflag:s2] =	ssyncadd.s32 @!p1 $0xFFFFFFC0  }
0x41: {  	[tilespmem:$0x1D380] =	vst v19  }
0x42: {  	[tilespmem:$0x1D580] =	vst v14  }
0x43: {  	[tilespmem:$0x1D390] =	vst v17  }
0x44: {  	[tilespmem:$0x1D590] =	vst v15  }
0x45: {  	[tilespmem:$0x1D3A0] =	vst v18  }
0x46: {  	s31 =	simm.s32 $0x40;
	s9 =	simm.s32 $0x1D380;
	[tilespmem:$0x1D5A0] =	vst v13  }
0x47: {  	s10 =	simm.s32 $0x19280;
	p2 =	slt.s32 s30, $0x2;
	p5 =	por $0x0, $0x0;
	[tilespmem:$0x1D3B0] =	vst v16  }
0x48: {  	p4 =	por $0x1, $0x1;
	p6 =	por @!p2 $0x0, $0x0;
	s2 =	simm.s32 @!p2 $0x1;
	[tilespmem:$0x1D5B0] =	vst v12  }
0x49: {  	[tilespmem:s10], [sflag:$0x3] =	stream.indirect.gather [hbm4b:s0+s31], $0x80, s9, s31, $0xb8;
	[tilespmem:$0x1EB80] =	vst v63  }
0x4a: {  	p3 =	por @!p2 $0x1, $0x1;
	p5 =	por @!p2 p6, p6;
	_ =	swait.ge @!p2 [sflag:s2], $0x2000  }
0x4b: {  	p1 =	por $0x0, $0x0;
	s9 =	simm.s32 @!p2 $0x1D480;
	[sflag:s2] =	ssyncset.done @!p2 $0x0  }
0x4c: {  	s10 =	simm.s32 @!p2 $0x15280;
	[sflag:s2] =	ssyncadd.s32 @!p2 $0xFFFFE000;
	s2 =	simm.s32 @!p2 $0x40  }
0x4d: {  	[spmem:s3] =	stream.indirect.scatter.add.f32 @!p2 [tilespmem:s10], [sflag:$0x5], $0x80, s9, s2, $0xb8;
	[tilespmem:$0x1EB80] =	vst v63  }
0x4e: {  	p4 =	por @!p2 p3, p3;
	p1 =	por @!p2 p6, p6;
	s10 =	simm.s32 @!p2 $0x1D880  }
0x4f: {  	[spmem:s4] =	stream.indirect.scatter.add.f32 @!p2 [tilespmem:s10], [sflag:$0x9], $0x1, s9, s2, $0xb8;
	[tilespmem:$0x1EB80] =	vst v63  }
.LBB2_57:
0x50: {  	v12 =	vld [tilespmem:$0x1D6C0]  }
0x51: {  	v13 =	vld [tilespmem:$0x1D740];
	_ =	sdelay $0x1  }
0x52: {  	p3 =	sgt.u32 s30, $0x7FFFFFFE  }
0x53: {  	p2 =	sne.s32 @!p3 s1, $0x0  }
0x54: {  	p2 =	por p2, p3;
	[tilespmem:$0x1D680] =	vst v12  }
0x55: {  	s1 =	simm.s32 @!p2 $0x1;
	[tilespmem:$0x1D700] =	vst v13  }
0x56: {  	_ =	swait.ge @!p2 [sflag:s1], $0x2000  }
0x57: {  	s17 =	sadd.s32 $0xFFFFFFFF, s30;
	s2 =	simm.s32 @!p2 $0x1D480;
	[sflag:s1] =	ssyncset.done @!p2 $0x0  }
0x58: {  	s9 =	simm.s32 @!p2 $0x15280;
	[sflag:s1] =	ssyncadd.s32 @!p2 $0xFFFFE000;
	s1 =	simm.s32 @!p2 $0x40  }
0x59: {  	[spmem:s3] =	stream.indirect.scatter.add.f32 @!p2 [tilespmem:s9], [sflag:$0x5], $0x80, s2, s1, $0xb8;
	[tilespmem:$0x1EB80] =	vst v63  }
0x5a: {  	s29 =	sshra.s32 s17, $0x1F;
	s9 =	simm.s32 @!p2 $0x1D880  }
0x5b: {  	[spmem:s4] =	stream.indirect.scatter.add.f32 @!p2 [tilespmem:s9], [sflag:$0x9], $0x1, s2, s1, $0xb8;
	[tilespmem:$0x1EB80] =	vst v63  }
0x5c: {  	s1 =	sshrl.u32 s29, $0x1E  }
0x5d: {  	s31 =	sadd.s32 s1, s17  }
0x5e: {  	s1 =	sadd.s32 $0x1, s30;
	s9 =	sand.u32 $0xFFFFFFFC, s31  }
0x5f: {  	p2 =	slt.s32 s1, $0x2;
	s2 =	ssub.s32 s17, s9  }
0x60: {  	p6 =	sne.s32 @!p2 s2, $0x0  }
0x61: {  	p6 =	por p6, p2  }
0x62: {  	s9 =	simm.s32 @!p6 $0x1  }
0x63: {  	_ =	swait.ge @!p6 [sflag:s9], $0x2000  }
0x64: {  	p5 =	por !p5, !p5;
	s10 =	simm.s32 @!p6 $0x1D480;
	[sflag:s9] =	ssyncset.done @!p6 $0x0  }
0x65: {  	s11 =	simm.s32 @!p6 $0x15280;
	[sflag:s9] =	ssyncadd.s32 @!p6 $0xFFFFE000;
	s9 =	simm.s32 @!p6 $0x40  }
0x66: {  	[spmem:s3] =	stream.indirect.scatter.add.f32 @!p6 [tilespmem:s11], [sflag:$0x5], $0x80, s10, s9, $0xb8;
	[tilespmem:$0x1EB80] =	vst v63  }
0x67: {  	p5 =	por p3, p5;
	s11 =	simm.s32 @!p6 $0x1D880  }
0x68: {  	[spmem:s4] =	stream.indirect.scatter.add.f32 @!p6 [tilespmem:s11], [sflag:$0x9], $0x1, s10, s9, $0xb8;
	[tilespmem:$0x1EB80] =	vst v63  }
0x69: {  	s9 =	simm.s32 @!p5 $0x2  }
0x6a: {  	_ =	swait.ge @!p5 [sflag:s9], $0x2000  }
0x6b: {  	s10 =	simm.s32 @!p5 $0x1D500;
	[sflag:s9] =	ssyncset.done @!p5 $0x0  }
0x6c: {  	s11 =	simm.s32 @!p5 $0x17280;
	[sflag:s9] =	ssyncadd.s32 @!p5 $0xFFFFE000;
	s9 =	simm.s32 @!p5 $0x40  }
0x6d: {  	[spmem:s3] =	stream.indirect.scatter.add.f32 @!p5 [tilespmem:s11], [sflag:$0x6], $0x80, s10, s9, $0xb8;
	[tilespmem:$0x1EB80] =	vst v63  }
0x6e: {  	s11 =	simm.s32 @!p5 $0x1D880  }
0x6f: {  	[spmem:s4] =	stream.indirect.scatter.add.f32 @!p5 [tilespmem:s11], [sflag:$0xA], $0x1, s10, s9, $0xb8;
	[tilespmem:$0x1EB80] =	vst v63  }
0x70: {  	p5 =	sne.s32 @!p2 s2, $0x1  }
0x71: {  	p5 =	por p5, p2  }
0x72: {  	s9 =	simm.s32 @!p5 $0x2  }
0x73: {  	_ =	swait.ge @!p5 [sflag:s9], $0x2000  }
0x74: {  	p4 =	por !p4, !p4;
	s10 =	simm.s32 @!p5 $0x1D500;
	[sflag:s9] =	ssyncset.done @!p5 $0x0  }
0x75: {  	s11 =	simm.s32 @!p5 $0x17280;
	[sflag:s9] =	ssyncadd.s32 @!p5 $0xFFFFE000;
	s9 =	simm.s32 @!p5 $0x40  }
0x76: {  	[spmem:s3] =	stream.indirect.scatter.add.f32 @!p5 [tilespmem:s11], [sflag:$0x6], $0x80, s10, s9, $0xb8;
	[tilespmem:$0x1EB80] =	vst v63  }
0x77: {  	p4 =	por p3, p4;
	s11 =	simm.s32 @!p5 $0x1D880  }
0x78: {  	[spmem:s4] =	stream.indirect.scatter.add.f32 @!p5 [tilespmem:s11], [sflag:$0xA], $0x1, s10, s9, $0xb8;
	[tilespmem:$0x1EB80] =	vst v63  }
0x79: {  	s9 =	simm.s32 @!p4 $0x3  }
0x7a: {  	_ =	swait.ge @!p4 [sflag:s9], $0x2000  }
0x7b: {  	s10 =	simm.s32 @!p4 $0x1D580;
	[sflag:s9] =	ssyncset.done @!p4 $0x0  }
0x7c: {  	s11 =	simm.s32 @!p4 $0x19280;
	[sflag:s9] =	ssyncadd.s32 @!p4 $0xFFFFE000;
	s9 =	simm.s32 @!p4 $0x40  }
0x7d: {  	[spmem:s3] =	stream.indirect.scatter.add.f32 @!p4 [tilespmem:s11], [sflag:$0x7], $0x80, s10, s9, $0xb8;
	[tilespmem:$0x1EB80] =	vst v63  }
0x7e: {  	s11 =	simm.s32 @!p4 $0x1D880  }
0x7f: {  	[spmem:s4] =	stream.indirect.scatter.add.f32 @!p4 [tilespmem:s11], [sflag:$0xB], $0x1, s10, s9, $0xb8;
	[tilespmem:$0x1EB80] =	vst v63  }
0x80: {  	p4 =	sne.s32 @!p2 s2, $0x2  }
0x81: {  	p4 =	por p4, p2  }
0x82: {  	s9 =	simm.s32 @!p4 $0x3  }
0x83: {  	_ =	swait.ge @!p4 [sflag:s9], $0x2000  }
0x84: {  	p1 =	por !p1, !p1;
	s10 =	simm.s32 @!p4 $0x1D580;
	[sflag:s9] =	ssyncset.done @!p4 $0x0  }
0x85: {  	s11 =	simm.s32 @!p4 $0x19280;
	[sflag:s9] =	ssyncadd.s32 @!p4 $0xFFFFE000;
	s9 =	simm.s32 @!p4 $0x40  }
0x86: {  	[spmem:s3] =	stream.indirect.scatter.add.f32 @!p4 [tilespmem:s11], [sflag:$0x7], $0x80, s10, s9, $0xb8;
	[tilespmem:$0x1EB80] =	vst v63  }
0x87: {  	p1 =	por p3, p1;
	s11 =	simm.s32 @!p4 $0x1D880  }
0x88: {  	[spmem:s4] =	stream.indirect.scatter.add.f32 @!p4 [tilespmem:s11], [sflag:$0xB], $0x1, s10, s9, $0xb8;
	[tilespmem:$0x1EB80] =	vst v63  }
0x89: {  	s9 =	simm.s32 @!p1 $0x4  }
0x8a: {  	_ =	swait.ge @!p1 [sflag:s9], $0x2000  }
0x8b: {  	s10 =	simm.s32 @!p1 $0x1D600;
	[sflag:s9] =	ssyncset.done @!p1 $0x0  }
0x8c: {  	s11 =	simm.s32 @!p1 $0x1B280;
	[sflag:s9] =	ssyncadd.s32 @!p1 $0xFFFFE000;
	s9 =	simm.s32 @!p1 $0x40  }
0x8d: {  	[spmem:s3] =	stream.indirect.scatter.add.f32 @!p1 [tilespmem:s11], [sflag:$0x8], $0x80, s10, s9, $0xb8;
	[tilespmem:$0x1EB80] =	vst v63  }
0x8e: {  	s11 =	simm.s32 @!p1 $0x1D880  }
0x8f: {  	[spmem:s4] =	stream.indirect.scatter.add.f32 @!p1 [tilespmem:s11], [sflag:$0xC], $0x1, s10, s9, $0xb8;
	[tilespmem:$0x1EB80] =	vst v63  }
0x90: {  	p1 =	sne.s32 @!p2 s2, $0x3  }
0x91: {  	p1 =	por p2, p1  }
.Ltmp1:
0x92: {  	_ = 	snop;
	(pc) =	sbr.rel @p1 .LBB2_59-.Ltmp1, $1  }
0x93: {  	_ =	sdelay $0x3  }
0x94: {  	s2 =	simm.s32 $0x4  }
0x95: {  	_ =	swait.ge [sflag:s2], $0x2000  }
0x96: {  	s30 =	simm.s32 $0x40;
	[sflag:s2] =	ssyncset.done $0x0  }
0x97: {  	s9 =	simm.s32 $0x1D600;
	s10 =	simm.s32 $0x1B280;
	[sflag:s2] =	ssyncadd.s32 $0xFFFFE000  }
0x98: {  	[spmem:s3] =	stream.indirect.scatter.add.f32 [tilespmem:s10], [sflag:$0x8], $0x80, s9, s30, $0xb8;
	[tilespmem:$0x1EB80] =	vst v63  }
0x99: {  	s31 =	simm.s32 $0x1D880  }
0x9a: {  	[spmem:s4] =	stream.indirect.scatter.add.f32 [tilespmem:s31], [sflag:$0xC], $0x1, s9, s30, $0xb8;
	[tilespmem:$0x1EB80] =	vst v63  }
.LBB2_60:
0x9b: {  	s2 =	simm.s32 $0x5  }
0x9c: {  	_ =	swait.ge [sflag:s2], $0x2000  }
0x9d: {  	[sflag:s2] =	ssyncset.done $0x0  }
0x9e: {  	s31 =	simm.s32 $0x9;
	[sflag:s2] =	ssyncadd.s32 $0xFFFFE000  }
0x9f: {  	_ =	swait.ge [sflag:s31], $0x40  }
0xa0: {  	[sflag:s31] =	ssyncset.done $0x0  }
0xa1: {  	s2 =	simm.s32 @!p2 $0x6;
	[sflag:s31] =	ssyncadd.s32 $0xFFFFFFC0  }
0xa2: {  	_ =	swait.ge @!p2 [sflag:s2], $0x2000  }
0xa3: {  	[sflag:s2] =	ssyncset.done @!p2 $0x0  }
0xa4: {  	[sflag:s2] =	ssyncadd.s32 @!p2 $0xFFFFE000;
	s2 =	simm.s32 @!p2 $0xA  }
0xa5: {  	p1 =	seq.s32 @!p2 s1, $0x2;
	_ =	swait.ge @!p2 [sflag:s2], $0x40  }
0xa6: {  	p3 =	por p1, p2;
	[sflag:s2] =	ssyncset.done @!p2 $0x0  }
0xa7: {  	[sflag:s2] =	ssyncadd.s32 @!p2 $0xFFFFFFC0;
	s2 =	simm.s32 @!p3 $0x7  }
0xa8: {  	_ =	swait.ge @!p3 [sflag:s2], $0x2000  }
0xa9: {  	[sflag:s2] =	ssyncset.done @!p3 $0x0  }
0xaa: {  	p4 =	slt.u32 @!p3 s1, $0x4;
	[sflag:s2] =	ssyncadd.s32 @!p3 $0xFFFFE000;
	s2 =	simm.s32 @!p3 $0xB  }
0xab: {  	p1 =	por @!p2 p4, p1;
	_ =	swait.ge @!p3 [sflag:s2], $0x40  }
0xac: {  	p1 =	por p1, p2;
	[sflag:s2] =	ssyncset.done @!p3 $0x0  }
0xad: {  	s1 =	simm.s32 @!p1 $0x8;
	[sflag:s2] =	ssyncadd.s32 @!p3 $0xFFFFFFC0  }
0xae: {  	_ =	swait.ge @!p1 [sflag:s1], $0x2000  }
0xaf: {  	[sflag:s1] =	ssyncset.done @!p1 $0x0  }
0xb0: {  	[sflag:s1] =	ssyncadd.s32 @!p1 $0xFFFFE000;
	s1 =	simm.s32 @!p1 $0xC  }
0xb1: {  	_ =	swait.ge @!p1 [sflag:s1], $0x40  }
0xb2: {  	[sflag:s1] =	ssyncset.done @!p1 $0x0  }
0xb3: {  	[sflag:s1] =	ssyncadd.s32 @!p1 $0xFFFFFFC0  }
.LBB2_61:
0xb4: {  	[bflag:$0x0] =	sbarrier.arrive $0xFFFF  }
0xb5: {  	s1 =	rddreg [dreg:$0x9]  }
0xb6: {  	[tilespmem:s18], [sflag:$0xE] =	stream.linear.gather [spmem:s1], $0x1000, $0x38;
	[tilespmem:$0x1EB80] =	vst v63  }
0xb7: {  	_ =	swait.ge [sflag:s19], $0x1000  }
0xb8: {  	[sflag:s19] =	ssyncset.done $0x0  }
0xb9: {  	s10 =	rddreg [dreg:$0xd];
	[sflag:s19] =	ssyncadd.s32 $0xFFFFF000  }
0xba: {  	[hbm4b:s10+s5] =	stream.linear.scatter [tilespmem:s18], [sflag:$0xE], $0x1000, $0x38;
	[tilespmem:$0x1EB80] =	vst v63  }
0xbb: {  	_ =	swait.ge [sflag:s19], $0x1000  }
0xbc: {  	s11 =	sld [smem:$0x7F5]  }
0xbd: {  	[sflag:s19] =	ssyncset.done $0x0  }
0xbe: {  	[sflag:s19] =	ssyncadd.s32 $0xFFFFF000  }
0xbf: {  	[tilespmem:s18], [sflag:$0xE] =	stream.linear.gather [spmem:s11], $0x1000, $0x38;
	[tilespmem:$0x1EB80] =	vst v63  }
0xc0: {  	_ =	swait.ge [sflag:s19], $0x1000  }
0xc1: {  	[sflag:s19] =	ssyncset.done $0x0  }
0xc2: {  	s12 =	rddreg [dreg:$0xe];
	[sflag:s19] =	ssyncadd.s32 $0xFFFFF000  }
0xc3: {  	[hbm4b:s12+s5] =	stream.linear.scatter [tilespmem:s18], [sflag:$0xE], $0x1000, $0x38;
	[tilespmem:$0x1EB80] =	vst v63  }
0xc4: {  	_ =	swait.ge [sflag:s19], $0x1000  }
0xc5: {  	s14 =	sld [smem:$0x7F6]  }
0xc6: {  	[sflag:s19] =	ssyncset.done $0x0  }
0xc7: {  	[sflag:s19] =	ssyncadd.s32 $0xFFFFF000  }
0xc8: {  	[tilespmem:s18], [sflag:$0xE] =	stream.linear.gather [spmem:s14], $0x1000, $0x38;
	[tilespmem:$0x1EB80] =	vst v63  }
0xc9: {  	_ =	swait.ge [sflag:s19], $0x1000  }
0xca: {  	[sflag:s19] =	ssyncset.done $0x0  }
0xcb: {  	s15 =	rddreg [dreg:$0xf];
	[sflag:s19] =	ssyncadd.s32 $0xFFFFF000  }
0xcc: {  	[hbm4b:s15+s5] =	stream.linear.scatter [tilespmem:s18], [sflag:$0xE], $0x1000, $0x38;
	[tilespmem:$0x1EB80] =	vst v63  }
0xcd: {  	_ =	swait.ge [sflag:s19], $0x1000  }
0xce: {  	s16 =	sld [smem:$0x7F7]  }
0xcf: {  	[sflag:s19] =	ssyncset.done $0x0  }
0xd0: {  	[sflag:s19] =	ssyncadd.s32 $0xFFFFF000  }
0xd1: {  	[tilespmem:s18], [sflag:$0xE] =	stream.linear.gather [spmem:s16], $0x1000, $0x38;
	[tilespmem:$0x1EB80] =	vst v63  }
0xd2: {  	_ =	swait.ge [sflag:s19], $0x1000  }
0xd3: {  	[sflag:s19] =	ssyncset.done $0x0  }
0xd4: {  	s17 =	rddreg [dreg:$0x10];
	[sflag:s19] =	ssyncadd.s32 $0xFFFFF000  }
0xd5: {  	[hbm4b:s17+s5] =	stream.linear.scatter [tilespmem:s18], [sflag:$0xE], $0x1000, $0x38;
	[tilespmem:$0x1EB80] =	vst v63  }
0xd6: {  	_ =	swait.ge [sflag:s19], $0x1000  }
0xd7: {  	s29 =	sld [smem:$0x7F8]  }
0xd8: {  	[sflag:s19] =	ssyncset.done $0x0  }
0xd9: {  	[sflag:s19] =	ssyncadd.s32 $0xFFFFF000  }
0xda: {  	[tilespmem:s18], [sflag:$0xE] =	stream.linear.gather [spmem:s29], $0x1000, $0x38;
	[tilespmem:$0x1EB80] =	vst v63  }
0xdb: {  	_ =	swait.ge [sflag:s19], $0x1000  }
0xdc: {  	[sflag:s19] =	ssyncset.done $0x0  }
0xdd: {  	s30 =	rddreg [dreg:$0x11];
	[sflag:s19] =	ssyncadd.s32 $0xFFFFF000  }
0xde: {  	[hbm4b:s30+s5] =	stream.linear.scatter [tilespmem:s18], [sflag:$0xE], $0x1000, $0x38;
	[tilespmem:$0x1EB80] =	vst v63  }
0xdf: {  	_ =	swait.ge [sflag:s19], $0x1000  }
0xe0: {  	s31 =	sld [smem:$0x7F9]  }
0xe1: {  	[sflag:s19] =	ssyncset.done $0x0  }
0xe2: {  	[sflag:s19] =	ssyncadd.s32 $0xFFFFF000  }
0xe3: {  	[tilespmem:s18], [sflag:$0xE] =	stream.linear.gather [spmem:s31], $0x1000, $0x38;
	[tilespmem:$0x1EB80] =	vst v63  }
0xe4: {  	_ =	swait.ge [sflag:s19], $0x1000  }
0xe5: {  	[sflag:s19] =	ssyncset.done $0x0  }
0xe6: {  	s2 =	rddreg [dreg:$0x12];
	[sflag:s19] =	ssyncadd.s32 $0xFFFFF000  }
0xe7: {  	[hbm4b:s2+s5] =	stream.linear.scatter [tilespmem:s18], [sflag:$0xE], $0x1000, $0x38;
	[tilespmem:$0x1EB80] =	vst v63  }
0xe8: {  	_ =	swait.ge [sflag:s19], $0x1000  }
0xe9: {  	s9 =	sld [smem:$0x7FA]  }
0xea: {  	[sflag:s19] =	ssyncset.done $0x0  }
0xeb: {  	[sflag:s19] =	ssyncadd.s32 $0xFFFFF000  }
0xec: {  	[tilespmem:s18], [sflag:$0xE] =	stream.linear.gather [spmem:s9], $0x1000, $0x38;
	[tilespmem:$0x1EB80] =	vst v63  }
0xed: {  	_ =	swait.ge [sflag:s19], $0x1000  }
0xee: {  	[sflag:s19] =	ssyncset.done $0x0  }
0xef: {  	s10 =	rddreg [dreg:$0x13];
	[sflag:s19] =	ssyncadd.s32 $0xFFFFF000  }
0xf0: {  	[hbm4b:s10+s5] =	stream.linear.scatter [tilespmem:s18], [sflag:$0xE], $0x1000, $0x38;
	[tilespmem:$0x1EB80] =	vst v63  }
0xf1: {  	_ =	swait.ge [sflag:s19], $0x1000  }
0xf2: {  	s11 =	sld [smem:$0x7FB]  }
0xf3: {  	[sflag:s19] =	ssyncset.done $0x0  }
0xf4: {  	[sflag:s19] =	ssyncadd.s32 $0xFFFFF000  }
0xf5: {  	[tilespmem:s18], [sflag:$0xE] =	stream.linear.gather [spmem:s11], $0x1000, $0x38;
	[tilespmem:$0x1EB80] =	vst v63  }
0xf6: {  	_ =	swait.ge [sflag:s19], $0x1000  }
0xf7: {  	[sflag:s19] =	ssyncset.done $0x0  }
0xf8: {  	s12 =	rddreg [dreg:$0x14];
	[sflag:s19] =	ssyncadd.s32 $0xFFFFF000  }
0xf9: {  	[hbm4b:s12+s5] =	stream.linear.scatter [tilespmem:s18], [sflag:$0xE], $0x1000, $0x38;
	[tilespmem:$0x1EB80] =	vst v63  }
0xfa: {  	_ =	swait.ge [sflag:s19], $0x1000  }
0xfb: {  	s14 =	sld [smem:$0x7FC]  }
0xfc: {  	[sflag:s19] =	ssyncset.done $0x0  }
0xfd: {  	[sflag:s19] =	ssyncadd.s32 $0xFFFFF000  }
0xfe: {  	[tilespmem:s18], [sflag:$0xE] =	stream.linear.gather [spmem:s14], $0x1000, $0x38;
	[tilespmem:$0x1EB80] =	vst v63  }
0xff: {  	_ =	swait.ge [sflag:s19], $0x1000  }
0x100: {  	[sflag:s19] =	ssyncset.done $0x0  }
0x101: {  	s15 =	rddreg [dreg:$0x15];
	[sflag:s19] =	ssyncadd.s32 $0xFFFFF000  }
0x102: {  	[hbm4b:s15+s5] =	stream.linear.scatter [tilespmem:s18], [sflag:$0xE], $0x1000, $0x38;
	[tilespmem:$0x1EB80] =	vst v63  }
0x103: {  	_ =	swait.ge [sflag:s19], $0x1000  }
0x104: {  	s16 =	sld [smem:$0x7FD]  }
0x105: {  	[sflag:s19] =	ssyncset.done $0x0  }
0x106: {  	[sflag:s19] =	ssyncadd.s32 $0xFFFFF000  }
0x107: {  	[tilespmem:s18], [sflag:$0xE] =	stream.linear.gather [spmem:s16], $0x1000, $0x38;
	[tilespmem:$0x1EB80] =	vst v63  }
0x108: {  	_ =	swait.ge [sflag:s19], $0x1000  }
0x109: {  	[sflag:s19] =	ssyncset.done $0x0  }
0x10a: {  	s17 =	rddreg [dreg:$0x16];
	[sflag:s19] =	ssyncadd.s32 $0xFFFFF000  }
0x10b: {  	[hbm4b:s17+s5] =	stream.linear.scatter [tilespmem:s18], [sflag:$0xE], $0x1000, $0x38;
	[tilespmem:$0x1EB80] =	vst v63  }
0x10c: {  	_ =	swait.ge [sflag:s19], $0x1000  }
0x10d: {  	[sflag:s19] =	ssyncset.done $0x0  }
0x10e: {  	s29 =	rddreg [dreg:$0xa];
	[sflag:s19] =	ssyncadd.s32 $0xFFFFF000  }
0x10f: {  	[tilespmem:s20], [sflag:$0xE] =	stream.linear.gather [spmem:s29], $0x140, $0x38;
	[tilespmem:$0x1EB80] =	vst v63  }
0x110: {  	_ =	swait.ge [sflag:s19], $0x140  }
0x111: {  	[sflag:s19] =	ssyncset.done $0x0  }
0x112: {  	s30 =	rddreg [dreg:$0xb];
	[sflag:s19] =	ssyncadd.s32 $0xFFFFFEC0  }
0x113: {  	[hbm4b:s30+s5] =	stream.linear.scatter [tilespmem:s20], [sflag:$0xE], $0x140, $0x38;
	[tilespmem:$0x1EB80] =	vst v63  }
0x114: {  	_ =	swait.ge [sflag:s19], $0x140  }
0x115: {  	s13 =	sadd.s32 $0x1, s13;
	s31 =	rddreg [dreg:$0xc]  }
0x116: {  	p1 =	sne.s32 s13, s31  }
.Ltmp2:
0x117: {  	_ = 	snop;
	(pc) =	sbr.rel @!p1 .LBB2_62-.Ltmp2, $3  }
0x118: {  	_ =	sdelay $0x1  }
0x119: {  	[sflag:s19] =	ssyncset.done $0x0  }
0x11a: {  	[sflag:s19] =	ssyncadd.s32 $0xFFFFFEC0  }
.LBB2_1:
0x11b: {  	s1 =	sand.u32 $0x3E00, s5  }
0x11c: {  	s2 =	sand.u32 $0x70, s5;
	s11 =	sshrl.u32 s1, $0x2  }
0x11d: {  	s1 =	simm.s32 $0x40;
	s11 =	sor.u32 s2, s11;
	s2 =	simm.s32 $0x0  }
.LBB2_2:
0x11e: {  	p1 =	sne.s32 s1, $0x3FC0  }
0x11f: {  	[tilespmem:s11+$0x1D900] =	vst v2;
	s2 =	sadd.s32 $0x10, s2;
	s11 =	smov.u32 s1;
	s1 =	sadd.s32 $0x40, s1  }
.Ltmp3:
0x120: {  	(pc) =	sbr.rel @p1 .LBB2_2-.Ltmp3, $4  }
0x121: {  	_ = 	snop  }
0x122: {  	s11 =	sand.u32 $0x3E00, s11  }
0x123: {  	s14 =	sand.u32 $0x70, s2;
	s11 =	sshrl.u32 s11, $0x2  }
0x124: {  	s11 =	sor.u32 s14, s11  }
0x125: {  	[tilespmem:s11+$0x1D900] =	vst v2  }
0x126: {  	[tilespmem:$0x1E900] =	vst v2  }
0x127: {  	[tilespmem:$0x1E910] =	vst v2  }
0x128: {  	[tilespmem:$0x1E920] =	vst v2  }
0x129: {  	[tilespmem:$0x1E930] =	vst v2  }
0x12a: {  	[tilespmem:$0x1E940] =	vst v2  }
0x12b: {  	[tilespmem:$0x1E950] =	vst v2  }
0x12c: {  	[tilespmem:$0x1E960] =	vst v2  }
0x12d: {  	[tilespmem:$0x1E970] =	vst v2  }
0x12e: {  	[tilespmem:$0x1E980] =	vst v2  }
0x12f: {  	[tilespmem:$0x1E990] =	vst v2  }
0x130: {  	[tilespmem:$0x1E9A0] =	vst v2  }
0x131: {  	[tilespmem:$0x1E9B0] =	vst v2  }
0x132: {  	[tilespmem:$0x1E9C0] =	vst v2  }
0x133: {  	[tilespmem:$0x1E9D0] =	vst v2  }
0x134: {  	[tilespmem:$0x1E9E0] =	vst v2  }
0x135: {  	[tilespmem:$0x1E9F0] =	vst v2  }
0x136: {  	[tilespmem:$0x1EA00] =	vst v2  }
0x137: {  	[tilespmem:$0x1EA10] =	vst v2  }
0x138: {  	[tilespmem:$0x1EA20] =	vst v2  }
0x139: {  	[tilespmem:$0x1EA30] =	vst v2  }
0x13a: {  	[tilespmem:$0x1EA40] =	vst v2  }
0x13b: {  	[tilespmem:$0x1EA50] =	vst v2  }
0x13c: {  	[tilespmem:$0x1EA60] =	vst v2  }
0x13d: {  	[tilespmem:$0x1EA70] =	vst v2  }
0x13e: {  	[tilespmem:$0x1EA80] =	vst v2  }
0x13f: {  	[tilespmem:$0x1EA90] =	vst v2  }
0x140: {  	[tilespmem:$0x1EAA0] =	vst v2  }
0x141: {  	[tilespmem:$0x1EAB0] =	vst v2  }
0x142: {  	[tilespmem:$0x1EAC0] =	vst v2  }
0x143: {  	[tilespmem:$0x1EAD0] =	vst v2  }
0x144: {  	[tilespmem:$0x1EAE0] =	vst v2  }
0x145: {  	[tilespmem:$0x1EAF0] =	vst v2  }
0x146: {  	[tilespmem:$0x1EB00] =	vst v2  }
0x147: {  	[tilespmem:$0x1EB10] =	vst v2  }
0x148: {  	[tilespmem:$0x1EB20] =	vst v2  }
0x149: {  	[tilespmem:$0x1EB30] =	vst v2  }
0x14a: {  	[tilespmem:$0x1EB40] =	vst v2  }
0x14b: {  	[tilespmem:$0x1EB50] =	vst v2  }
0x14c: {  	[tilespmem:$0x1EB60] =	vst v2  }
0x14d: {  	[tilespmem:$0x1EB70] =	vst v2  }
0x14e: {  	[tilespmem:$0x1D880] =	vst v4  }
0x14f: {  	[tilespmem:$0x1D890] =	vst v4  }
0x150: {  	[tilespmem:$0x1D8A0] =	vst v4  }
0x151: {  	[tilespmem:$0x1D8B0] =	vst v4  }
0x152: {  	[spmem:s8] =	stream.linear.scatter [tilespmem:s18], [sflag:$0xE], $0x1000, $0x38;
	[tilespmem:$0x1EB80] =	vst v63  }
0x153: {  	_ =	swait.ge [sflag:s19], $0x1000  }
0x154: {  	[sflag:s19] =	ssyncset.done $0x0  }
0x155: {  	s1 =	rddreg [dreg:$0x17];
	[sflag:s19] =	ssyncadd.s32 $0xFFFFF000  }
0x156: {  	[spmem:s1] =	stream.linear.scatter [tilespmem:s18], [sflag:$0xE], $0x1000, $0x38;
	[tilespmem:$0x1EB80] =	vst v63  }
0x157: {  	_ =	swait.ge [sflag:s19], $0x1000  }
0x158: {  	[sflag:s19] =	ssyncset.done $0x0  }
0x159: {  	s2 =	rddreg [dreg:$0x18];
	[sflag:s19] =	ssyncadd.s32 $0xFFFFF000  }
0x15a: {  	[spmem:s2] =	stream.linear.scatter [tilespmem:s18], [sflag:$0xE], $0x1000, $0x38;
	[tilespmem:$0x1EB80] =	vst v63  }
0x15b: {  	_ =	swait.ge [sflag:s19], $0x1000  }
0x15c: {  	[sflag:s19] =	ssyncset.done $0x0  }
0x15d: {  	s9 =	rddreg [dreg:$0x19];
	[sflag:s19] =	ssyncadd.s32 $0xFFFFF000  }
0x15e: {  	[spmem:s9] =	stream.linear.scatter [tilespmem:s18], [sflag:$0xE], $0x1000, $0x38;
	[tilespmem:$0x1EB80] =	vst v63  }
0x15f: {  	_ =	swait.ge [sflag:s19], $0x1000  }
0x160: {  	[sflag:s19] =	ssyncset.done $0x0  }
0x161: {  	s10 =	rddreg [dreg:$0x1a];
	[sflag:s19] =	ssyncadd.s32 $0xFFFFF000  }
0x162: {  	[spmem:s10] =	stream.linear.scatter [tilespmem:s18], [sflag:$0xE], $0x1000, $0x38;
	[tilespmem:$0x1EB80] =	vst v63  }
0x163: {  	_ =	swait.ge [sflag:s19], $0x1000  }
0x164: {  	[sflag:s19] =	ssyncset.done $0x0  }
0x165: {  	s11 =	rddreg [dreg:$0x1b];
	[sflag:s19] =	ssyncadd.s32 $0xFFFFF000  }
0x166: {  	[spmem:s11] =	stream.linear.scatter [tilespmem:s18], [sflag:$0xE], $0x1000, $0x38;
	[tilespmem:$0x1EB80] =	vst v63  }
0x167: {  	_ =	swait.ge [sflag:s19], $0x1000  }
0x168: {  	[sflag:s19] =	ssyncset.done $0x0  }
0x169: {  	s12 =	rddreg [dreg:$0x1c];
	[sflag:s19] =	ssyncadd.s32 $0xFFFFF000  }
0x16a: {  	[spmem:s12] =	stream.linear.scatter [tilespmem:s18], [sflag:$0xE], $0x1000, $0x38;
	[tilespmem:$0x1EB80] =	vst v63  }
0x16b: {  	_ =	swait.ge [sflag:s19], $0x1000  }
0x16c: {  	[sflag:s19] =	ssyncset.done $0x0  }
0x16d: {  	s14 =	rddreg [dreg:$0x1d];
	[sflag:s19] =	ssyncadd.s32 $0xFFFFF000  }
0x16e: {  	[spmem:s14] =	stream.linear.scatter [tilespmem:s18], [sflag:$0xE], $0x1000, $0x38;
	[tilespmem:$0x1EB80] =	vst v63  }
0x16f: {  	_ =	swait.ge [sflag:s19], $0x1000  }
0x170: {  	[sflag:s19] =	ssyncset.done $0x0  }
0x171: {  	s15 =	rddreg [dreg:$0x1e];
	[sflag:s19] =	ssyncadd.s32 $0xFFFFF000  }
0x172: {  	[spmem:s15] =	stream.linear.scatter [tilespmem:s18], [sflag:$0xE], $0x1000, $0x38;
	[tilespmem:$0x1EB80] =	vst v63  }
0x173: {  	_ =	swait.ge [sflag:s19], $0x1000  }
0x174: {  	[sflag:s19] =	ssyncset.done $0x0  }
0x175: {  	s16 =	rddreg [dreg:$0x1f];
	[sflag:s19] =	ssyncadd.s32 $0xFFFFF000  }
0x176: {  	[spmem:s16] =	stream.linear.scatter [tilespmem:s18], [sflag:$0xE], $0x1000, $0x38;
	[tilespmem:$0x1EB80] =	vst v63  }
0x177: {  	_ =	swait.ge [sflag:s19], $0x1000  }
0x178: {  	s17 =	sld [smem:$0x7EB]  }
0x179: {  	[sflag:s19] =	ssyncset.done $0x0  }
0x17a: {  	[sflag:s19] =	ssyncadd.s32 $0xFFFFF000  }
0x17b: {  	[spmem:s17] =	stream.linear.scatter [tilespmem:s18], [sflag:$0xE], $0x1000, $0x38;
	[tilespmem:$0x1EB80] =	vst v63  }
0x17c: {  	_ =	swait.ge [sflag:s19], $0x1000  }
0x17d: {  	s29 =	sld [smem:$0x7EC]  }
0x17e: {  	[sflag:s19] =	ssyncset.done $0x0  }
0x17f: {  	[sflag:s19] =	ssyncadd.s32 $0xFFFFF000  }
0x180: {  	[spmem:s29] =	stream.linear.scatter [tilespmem:s18], [sflag:$0xE], $0x1000, $0x38;
	[tilespmem:$0x1EB80] =	vst v63  }
0x181: {  	_ =	swait.ge [sflag:s19], $0x1000  }
0x182: {  	s2 =	sld [smem:$0x7ED]  }
0x183: {  	[sflag:s19] =	ssyncset.done $0x0  }
0x184: {  	[sflag:s19] =	ssyncadd.s32 $0xFFFFF000  }
0x185: {  	[spmem:s2] =	stream.linear.scatter [tilespmem:s18], [sflag:$0xE], $0x1000, $0x38;
	[tilespmem:$0x1EB80] =	vst v63  }
0x186: {  	_ =	swait.ge [sflag:s19], $0x1000  }
0x187: {  	s9 =	sld [smem:$0x7EE]  }
0x188: {  	[sflag:s19] =	ssyncset.done $0x0  }
0x189: {  	[sflag:s19] =	ssyncadd.s32 $0xFFFFF000  }
0x18a: {  	[spmem:s9] =	stream.linear.scatter [tilespmem:s18], [sflag:$0xE], $0x1000, $0x38;
	[tilespmem:$0x1EB80] =	vst v63  }
0x18b: {  	_ =	swait.ge [sflag:s19], $0x1000  }
0x18c: {  	s10 =	sld [smem:$0x7EF]  }
0x18d: {  	[sflag:s19] =	ssyncset.done $0x0  }
0x18e: {  	[sflag:s19] =	ssyncadd.s32 $0xFFFFF000  }
0x18f: {  	[spmem:s10] =	stream.linear.scatter [tilespmem:s18], [sflag:$0xE], $0x1000, $0x38;
	[tilespmem:$0x1EB80] =	vst v63  }
0x190: {  	_ =	swait.ge [sflag:s19], $0x1000  }
0x191: {  	s11 =	sld [smem:$0x7F0]  }
0x192: {  	[sflag:s19] =	ssyncset.done $0x0  }
0x193: {  	[sflag:s19] =	ssyncadd.s32 $0xFFFFF000  }
0x194: {  	[spmem:s11] =	stream.linear.scatter [tilespmem:s18], [sflag:$0xE], $0x1000, $0x38;
	[tilespmem:$0x1EB80] =	vst v63  }
0x195: {  	_ =	swait.ge [sflag:s19], $0x1000  }
0x196: {  	s12 =	sld [smem:$0x7F1]  }
0x197: {  	[sflag:s19] =	ssyncset.done $0x0  }
0x198: {  	[sflag:s19] =	ssyncadd.s32 $0xFFFFF000  }
0x199: {  	[spmem:s12] =	stream.linear.scatter [tilespmem:s18], [sflag:$0xE], $0x1000, $0x38;
	[tilespmem:$0x1EB80] =	vst v63  }
0x19a: {  	_ =	swait.ge [sflag:s19], $0x1000  }
0x19b: {  	s14 =	sld [smem:$0x7F2]  }
0x19c: {  	[sflag:s19] =	ssyncset.done $0x0  }
0x19d: {  	[sflag:s19] =	ssyncadd.s32 $0xFFFFF000  }
0x19e: {  	[spmem:s14] =	stream.linear.scatter [tilespmem:s18], [sflag:$0xE], $0x1000, $0x38;
	[tilespmem:$0x1EB80] =	vst v63  }
0x19f: {  	_ =	swait.ge [sflag:s19], $0x1000  }
0x1a0: {  	s15 =	sld [smem:$0x7F3]  }
0x1a1: {  	[sflag:s19] =	ssyncset.done $0x0  }
0x1a2: {  	[sflag:s19] =	ssyncadd.s32 $0xFFFFF000  }
0x1a3: {  	[spmem:s15] =	stream.linear.scatter [tilespmem:s18], [sflag:$0xE], $0x1000, $0x38;
	[tilespmem:$0x1EB80] =	vst v63  }
0x1a4: {  	_ =	swait.ge [sflag:s19], $0x1000  }
0x1a5: {  	s16 =	sld [smem:$0x7F4]  }
0x1a6: {  	[sflag:s19] =	ssyncset.done $0x0  }
0x1a7: {  	[sflag:s19] =	ssyncadd.s32 $0xFFFFF000  }
0x1a8: {  	[spmem:s16] =	stream.linear.scatter [tilespmem:s18], [sflag:$0xE], $0x1000, $0x38;
	[tilespmem:$0x1EB80] =	vst v63  }
0x1a9: {  	_ =	swait.ge [sflag:s19], $0x1000  }
0x1aa: {  	[sflag:s19] =	ssyncset.done $0x0  }
0x1ab: {  	s17 =	rddreg [dreg:$0x6];
	[sflag:s19] =	ssyncadd.s32 $0xFFFFF000  }
0x1ac: {  	[spmem:s17] =	stream.linear.scatter [tilespmem:s20], [sflag:$0xE], $0x280, $0x38;
	[tilespmem:$0x1EB80] =	vst v63  }
0x1ad: {  	_ =	swait.ge [sflag:s19], $0x280  }
0x1ae: {  	[sflag:s19] =	ssyncset.done $0x0  }
0x1af: {  	[sflag:s19] =	ssyncadd.s32 $0xFFFFFD80  }
0x1b0: {  	[bflag:$0x0] =	sbarrier.arrive $0xFFFF  }
.Ltmp4:
0x1b1: {  	s31 =	simm.s32 $0x0;
	s29 =	rddreg [dreg:$0x7];
	(pc) =	sbr.rel .LBB2_4-.Ltmp4, $4  }
0x1b2: {  	[tilespmem:s21], [sflag:$0xE] =	stream.linear.gather [hbm4b:s29+s31], $0x800, $0x38;
	[tilespmem:$0x1EB80] =	vst v63  }
0x1b3: {  	s30 =	simm.s32 $0x0;
	_ =	swait.ge [sflag:s19], $0x800  }
0x1b4: {  	s1 =	simm.s32 $0x200;
	s2 =	simm.s32 $0x0;
	[sflag:s19] =	ssyncset.done $0x0  }
0x1b5: {  	s11 =	simm.s32 $0x0;
	s14 =	simm.s32 $0x0;
	[sflag:s19] =	ssyncadd.s32 $0xFFFFF800  }
.LBB2_18:
0x1b6: {  	s14 =	sadd.s32 $0x1, s14  }
0x1b7: {  	p1 =	sne.s32 s14, $0x14  }
.Ltmp5:
0x1b8: {  	_ = 	snop;
	(pc) =	sbr.rel @!p1 .LBB2_19-.Ltmp5, $4  }
0x1b9: {  	_ = 	snop  }
0x1ba: {  	_ =	swait.ge [sflag:s26], $0x800  }
0x1bb: {  	[sflag:s26] =	ssyncset.done $0x0  }
0x1bc: {  	s11 =	sadd.s32 $0x400, s11;
	s1 =	sadd.s32 $0x400, s1;
	[sflag:s26] =	ssyncadd.s32 $0xFFFFF800  }
.LBB2_4:
0x1bd: {  	s15 =	sshll.u32 s14, $0xC  }
0x1be: {  	s16 =	sadd.s32 s15, s7  }
.Ltmp6:
0x1bf: {  	s16 =	sadd.s32 $0x800, s16;
	(pc) =	sbr.rel .LBB2_5-.Ltmp6, $4  }
0x1c0: {  	s16 =	sshrl.u32 s16, $0x3  }
0x1c1: {  	s16 =	sadd.s32 s6, s16  }
0x1c2: {  	[tilespmem:s23], [sflag:$0xD] =	stream.linear.gather [hbm4b:s16+s31], $0x800, $0x38;
	[tilespmem:$0x1EB80] =	vst v63  }
0x1c3: {  	s17 =	simm.s32 $0x0;
	s16 =	simm.s32 $0x0  }
.LBB2_8:
0x1c4: {  	p1 =	seq.s32 s29, $0x2  }
0x1c5: {  	p2 =	slt.s32 @p1 s30, $0x4  }
0x1c6: {  	p2 =	por p2, !p1  }
0x1c7: {  	s9 =	simm.s32 @!p2 $0x7  }
0x1c8: {  	_ =	swait.ge @!p2 [sflag:s9], $0x2000  }
0x1c9: {  	[sflag:s9] =	ssyncset.done @!p2 $0x0  }
0x1ca: {  	[sflag:s9] =	ssyncadd.s32 @!p2 $0xFFFFE000;
	s9 =	simm.s32 @!p2 $0xB  }
0x1cb: {  	_ =	swait.ge @!p2 [sflag:s9], $0x40  }
0x1cc: {  	[sflag:s9] =	ssyncset.done @!p2 $0x0  }
0x1cd: {  	[sflag:s9] =	ssyncadd.s32 @!p2 $0xFFFFFFC0  }
0x1ce: {  	v12 =	vld @p1 [tilespmem:$0x1D680]  }
0x1cf: {  	v13 =	vld @p1 [tilespmem:$0x1D700]  }
0x1d0: {  	v14 =	vld @p1 [tilespmem:$0x1D690]  }
0x1d1: {  	v15 =	vld @p1 [tilespmem:$0x1D710]  }
0x1d2: {  	v16 =	vld @p1 [tilespmem:$0x1D6A0]  }
0x1d3: {  	[tilespmem:$0x1D380] =	vst @p1 v12;
	v12 =	vld @p1 [tilespmem:$0x1D720]  }
0x1d4: {  	[tilespmem:$0x1D580] =	vst @p1 v13;
	v13 =	vld @p1 [tilespmem:$0x1D6B0]  }
0x1d5: {  	[tilespmem:$0x1D390] =	vst @p1 v14;
	v14 =	vld @p1 [tilespmem:$0x1D730]  }
0x1d6: {  	[tilespmem:$0x1D590] =	vst @p1 v15  }
0x1d7: {  	[tilespmem:$0x1D3A0] =	vst @p1 v16  }
0x1d8: {  	[tilespmem:$0x1D5A0] =	vst @p1 v12  }
0x1d9: {  	s10 =	simm.s32 @p1 $0x1D380;
	p2 =	slt.s32 @p1 s30, $0x2;
	[tilespmem:$0x1D3B0] =	vst @p1 v13  }
0x1da: {  	s12 =	simm.s32 @p1 $0x19280;
	s9 =	simm.s32 @p1 $0x40;
	p2 =	por p2, !p1;
	[tilespmem:$0x1D5B0] =	vst @p1 v14  }
0x1db: {  	[tilespmem:s12], [sflag:$0x3] =	stream.indirect.gather @p1 [hbm4b:s0+s9], $0x80, s10, s9, $0xb8;
	[tilespmem:$0x1EB80] =	vst v63  }
0x1dc: {  	s9 =	simm.s32 @!p2 $0x1  }
0x1dd: {  	_ =	swait.ge @!p2 [sflag:s9], $0x2000  }
0x1de: {  	s10 =	simm.s32 @!p2 $0x1D480;
	[sflag:s9] =	ssyncset.done @!p2 $0x0  }
0x1df: {  	s12 =	simm.s32 @!p2 $0x15280;
	[sflag:s9] =	ssyncadd.s32 @!p2 $0xFFFFE000;
	s9 =	simm.s32 @!p2 $0x40  }
0x1e0: {  	[spmem:s3] =	stream.indirect.scatter.add.f32 @!p2 [tilespmem:s12], [sflag:$0x5], $0x80, s10, s9, $0xb8;
	[tilespmem:$0x1EB80] =	vst v63  }
0x1e1: {  	s12 =	simm.s32 @!p2 $0x1D880  }
0x1e2: {  	[spmem:s4] =	stream.indirect.scatter.add.f32 @!p2 [tilespmem:s12], [sflag:$0x9], $0x1, s10, s9, $0xb8;
	[tilespmem:$0x1EB80] =	vst v63  }
0x1e3: {  	p2 =	seq.s32 @!p1 s29, $0x3  }
0x1e4: {  	p3 =	por !p2, p1  }
0x1e5: {  	p4 =	slt.s32 @!p3 s30, $0x4  }
0x1e6: {  	p4 =	por @!p1 p4, !p2  }
0x1e7: {  	p4 =	por p4, p1  }
0x1e8: {  	s9 =	simm.s32 @!p4 $0x8  }
0x1e9: {  	_ =	swait.ge @!p4 [sflag:s9], $0x2000  }
0x1ea: {  	[sflag:s9] =	ssyncset.done @!p4 $0x0  }
0x1eb: {  	[sflag:s9] =	ssyncadd.s32 @!p4 $0xFFFFE000;
	s9 =	simm.s32 @!p4 $0xC  }
0x1ec: {  	_ =	swait.ge @!p4 [sflag:s9], $0x40  }
0x1ed: {  	[sflag:s9] =	ssyncset.done @!p4 $0x0  }
0x1ee: {  	[sflag:s9] =	ssyncadd.s32 @!p4 $0xFFFFFFC0  }
0x1ef: {  	v12 =	vld @!p3 [tilespmem:$0x1D680]  }
0x1f0: {  	v13 =	vld @!p3 [tilespmem:$0x1D700]  }
0x1f1: {  	v14 =	vld @!p3 [tilespmem:$0x1D690]  }
0x1f2: {  	v15 =	vld @!p3 [tilespmem:$0x1D710]  }
0x1f3: {  	v16 =	vld @!p3 [tilespmem:$0x1D6A0]  }
0x1f4: {  	[tilespmem:$0x1D400] =	vst @!p3 v12;
	v12 =	vld @!p3 [tilespmem:$0x1D720]  }
0x1f5: {  	[tilespmem:$0x1D600] =	vst @!p3 v13;
	v13 =	vld @!p3 [tilespmem:$0x1D6B0]  }
0x1f6: {  	[tilespmem:$0x1D410] =	vst @!p3 v14;
	v14 =	vld @!p3 [tilespmem:$0x1D730]  }
0x1f7: {  	[tilespmem:$0x1D610] =	vst @!p3 v15  }
0x1f8: {  	[tilespmem:$0x1D420] =	vst @!p3 v16  }
0x1f9: {  	[tilespmem:$0x1D620] =	vst @!p3 v12  }
0x1fa: {  	[tilespmem:$0x1D430] =	vst @!p3 v13  }
0x1fb: {  	s10 =	simm.s32 @!p3 $0x1D400;
	s12 =	simm.s32 @!p3 $0x1B280;
	s9 =	simm.s32 @!p3 $0x40;
	[tilespmem:$0x1D630] =	vst @!p3 v14  }
0x1fc: {  	[tilespmem:s12], [sflag:$0x4] =	stream.indirect.gather @!p3 [hbm4b:s0+s9], $0x80, s10, s9, $0xb8;
	[tilespmem:$0x1EB80] =	vst v63  }
0x1fd: {  	p3 =	slt.s32 @!p3 s30, $0x2  }
0x1fe: {  	p2 =	por @!p1 p3, !p2  }
0x1ff: {  	p1 =	por p2, p1  }
0x200: {  	s9 =	simm.s32 @!p1 $0x2  }
0x201: {  	_ =	swait.ge @!p1 [sflag:s9], $0x2000  }
0x202: {  	s10 =	simm.s32 @!p1 $0x1D500;
	[sflag:s9] =	ssyncset.done @!p1 $0x0  }
0x203: {  	s12 =	simm.s32 @!p1 $0x17280;
	[sflag:s9] =	ssyncadd.s32 @!p1 $0xFFFFE000;
	s9 =	simm.s32 @!p1 $0x40  }
0x204: {  	[spmem:s3] =	stream.indirect.scatter.add.f32 @!p1 [tilespmem:s12], [sflag:$0x6], $0x80, s10, s9, $0xb8;
	[tilespmem:$0x1EB80] =	vst v63  }
0x205: {  	s12 =	simm.s32 @!p1 $0x1D880  }
0x206: {  	[spmem:s4] =	stream.indirect.scatter.add.f32 @!p1 [tilespmem:s12], [sflag:$0xA], $0x1, s10, s9, $0xb8;
	[tilespmem:$0x1EB80] =	vst v63  }
.LBB2_9:
0x207: {  	v12 =	vld [tilespmem:$0x1D6C0]  }
0x208: {  	v13 =	vld [tilespmem:$0x1D740];
	_ =	sdelay $0x3  }
0x209: {  	[tilespmem:$0x1D680] =	vst v12  }
0x20a: {  	[tilespmem:$0x1D700] =	vst v13  }
.LBB2_10:
0x20b: {  	s17 =	sadd.s32 $0x10, s17  }
0x20c: {  	p2 =	sne.s32 s17, $0x200  }
.Ltmp7:
0x20d: {  	_ = 	snop;
	(pc) =	sbr.rel @!p2 .LBB2_11-.Ltmp7, $4  }
0x20e: {  	_ = 	snop  }
0x20f: {  	p1 =	sgt.s32 s2, $0x3F;
	s9 =	simm.s32 $0x1  }
0x210: {  	s10 =	sadd.s32 $0xFFFFFFC0, s2;
	s9 =	simm.s32 @!p1 $0x0  }
0x211: {  	s16 =	sadd.s32 $0x40, s16;
	s2 =	smov.u32 @p1 s10;
	s30 =	sadd.s32 s9, s30  }
.LBB2_5:
0x212: {  	s29 =	sand.u32 $0x70, s17;
	s12 =	sand.u32 $0x600, s16  }
0x213: {  	s12 =	sor.u32 s29, s12  }
0x214: {  	s29 =	sadd.s32 $0x14280, s12  }
0x215: {  	v12 =	vld [tilespmem:s29+$0x80];
	_ =	sdelay $0x1  }
0x216: {  	v13 =	vld [tilespmem:s29+$0x100];
	_ =	sdelay $0x1  }
0x217: {  	s9 =	sadd.s32 s17, s11  }
0x218: {  	vm1 =	vmmov vm0;
	p1 =	slt.u32 s9, $0x4E20;
	vm2 =	vge.s32 v12, v0;
	vm3 =	vlt.s32 v12, v1  }
0x219: {  	vm1 =	vmneg @p1 vm1;
	vm2 =	vmand vm2, vm3  }
0x21a: {  	vm1 =	vmand vm1, vm2;
	vm2 =	vlt.s32 v13, $0x2  }
0x21b: {  	vm1 =	vmand vm2, vm1  }
0x21c: {  	v14 =	vmpcnt.ones.xlane vm1;
	_ =	sdelay $0x1  }
0x21d: {  	v14 =	vxor.u32 $0x80000000, v14  }
0x21e: {  	(xrf0) =	vmax.scan.msk.u32 $0xffff, v14;
	_ =	sdelay $0x5  }
0x21f: {  	v14, _, _ =	vpop (xrf0)  }
0x220: {  	(v2sf) =	vpush v14, $0xF;
	_ =	sdelay $0x4  }
0x221: {  	v61 =	vld [tilespmem:s12+$0x14280];
	_ =	sdelay $0x2  }
0x222: {  	v13 =	vmul.u32 $0x1400, v13  }
0x223: {  	v12 =	vsub.s32 v12, v0  }
0x224: {  	v12 =	vadd.s32 v13, v12;
	[tilespmem:s24+$0x0] =	vst.msk vm1, v61  }
0x225: {  	[tilespmem:s25+$0x0] =	vst.msk vm1, v12;
	v62 =	vld [tilespmem:$0x1D780]  }
0x226: {  	v63 =	vld [tilespmem:$0x1D800];
	_ =	sdelay $0x2  }
0x227: {  	s10 =	spop (v2sf)  }
0x228: {  	[tilespmem:s2+$0x1D680] =	vst v62;
	s29 =	sadd.s32 s10, s2  }
0x229: {  	[tilespmem:s2+$0x1D700] =	vst v63;
	s2 =	sadd.s32 $0x80000000, s29  }
0x22a: {  	p1 =	slt.s32 s2, $0x40  }
.Ltmp8:
0x22b: {  	_ = 	snop;
	(pc) =	sbr.rel @p1 .LBB2_10-.Ltmp8, $1  }
0x22c: {  	_ =	sdelay $0x3  }
0x22d: {  	s12 =	sshra.s32 s30, $0x1F  }
0x22e: {  	s12 =	sshrl.u32 s12, $0x1E  }
0x22f: {  	s12 =	sadd.s32 s12, s30  }
0x230: {  	s12 =	sand.u32 $0xFFFFFFFC, s12  }
0x231: {  	s29 =	ssub.s32 s30, s12  }
0x232: {  	p1 =	sgt.s32 s29, $0x1  }
.Ltmp9:
0x233: {  	_ = 	snop;
	(pc) =	sbr.rel @p1 .LBB2_8-.Ltmp9, $1  }
0x234: {  	_ =	sdelay $0x3  }
0x235: {  	p1 =	seq.s32 s29, $0x0  }
0x236: {  	p2 =	slt.s32 @p1 s30, $0x4  }
0x237: {  	p2 =	por p2, !p1  }
0x238: {  	s12 =	simm.s32 @!p2 $0x5  }
0x239: {  	_ =	swait.ge @!p2 [sflag:s12], $0x2000  }
0x23a: {  	[sflag:s12] =	ssyncset.done @!p2 $0x0  }
0x23b: {  	[sflag:s12] =	ssyncadd.s32 @!p2 $0xFFFFE000;
	s12 =	simm.s32 @!p2 $0x9  }
0x23c: {  	_ =	swait.ge @!p2 [sflag:s12], $0x40  }
0x23d: {  	[sflag:s12] =	ssyncset.done @!p2 $0x0  }
0x23e: {  	[sflag:s12] =	ssyncadd.s32 @!p2 $0xFFFFFFC0  }
0x23f: {  	v12 =	vld @p1 [tilespmem:$0x1D680]  }
0x240: {  	v13 =	vld @p1 [tilespmem:$0x1D700]  }
0x241: {  	v14 =	vld @p1 [tilespmem:$0x1D690]  }
0x242: {  	v15 =	vld @p1 [tilespmem:$0x1D710]  }
0x243: {  	v16 =	vld @p1 [tilespmem:$0x1D6A0]  }
0x244: {  	[tilespmem:$0x1D280] =	vst @p1 v12;
	v12 =	vld @p1 [tilespmem:$0x1D720]  }
0x245: {  	[tilespmem:$0x1D480] =	vst @p1 v13;
	v13 =	vld @p1 [tilespmem:$0x1D6B0]  }
0x246: {  	[tilespmem:$0x1D290] =	vst @p1 v14;
	v14 =	vld @p1 [tilespmem:$0x1D730]  }
0x247: {  	[tilespmem:$0x1D490] =	vst @p1 v15  }
0x248: {  	[tilespmem:$0x1D2A0] =	vst @p1 v16  }
0x249: {  	[tilespmem:$0x1D4A0] =	vst @p1 v12  }
0x24a: {  	s9 =	simm.s32 @p1 $0x1D280;
	p2 =	slt.s32 @p1 s30, $0x2;
	[tilespmem:$0x1D2B0] =	vst @p1 v13  }
0x24b: {  	s10 =	simm.s32 @p1 $0x15280;
	s12 =	simm.s32 @p1 $0x40;
	p2 =	por p2, !p1;
	[tilespmem:$0x1D4B0] =	vst @p1 v14  }
0x24c: {  	[tilespmem:s10], [sflag:$0x1] =	stream.indirect.gather @p1 [hbm4b:s0+s12], $0x80, s9, s12, $0xb8;
	[tilespmem:$0x1EB80] =	vst v63  }
0x24d: {  	s9 =	simm.s32 @!p2 $0x3  }
0x24e: {  	_ =	swait.ge @!p2 [sflag:s9], $0x2000  }
0x24f: {  	s10 =	simm.s32 @!p2 $0x1D580;
	[sflag:s9] =	ssyncset.done @!p2 $0x0  }
0x250: {  	s12 =	simm.s32 @!p2 $0x19280;
	[sflag:s9] =	ssyncadd.s32 @!p2 $0xFFFFE000;
	s9 =	simm.s32 @!p2 $0x40  }
0x251: {  	[spmem:s3] =	stream.indirect.scatter.add.f32 @!p2 [tilespmem:s12], [sflag:$0x7], $0x80, s10, s9, $0xb8;
	[tilespmem:$0x1EB80] =	vst v63  }
0x252: {  	s12 =	simm.s32 @!p2 $0x1D880  }
0x253: {  	[spmem:s4] =	stream.indirect.scatter.add.f32 @!p2 [tilespmem:s12], [sflag:$0xB], $0x1, s10, s9, $0xb8;
	[tilespmem:$0x1EB80] =	vst v63  }
0x254: {  	p2 =	seq.s32 @!p1 s29, $0x1  }
0x255: {  	p3 =	por !p2, p1  }
0x256: {  	p4 =	slt.s32 @!p3 s30, $0x4  }
0x257: {  	p4 =	por @!p1 p4, !p2  }
0x258: {  	p4 =	por p4, p1  }
0x259: {  	s9 =	simm.s32 @!p4 $0x6  }
0x25a: {  	_ =	swait.ge @!p4 [sflag:s9], $0x2000  }
0x25b: {  	[sflag:s9] =	ssyncset.done @!p4 $0x0  }
0x25c: {  	[sflag:s9] =	ssyncadd.s32 @!p4 $0xFFFFE000;
	s9 =	simm.s32 @!p4 $0xA  }
0x25d: {  	_ =	swait.ge @!p4 [sflag:s9], $0x40  }
0x25e: {  	[sflag:s9] =	ssyncset.done @!p4 $0x0  }
0x25f: {  	[sflag:s9] =	ssyncadd.s32 @!p4 $0xFFFFFFC0  }
0x260: {  	v12 =	vld @!p3 [tilespmem:$0x1D680]  }
0x261: {  	v13 =	vld @!p3 [tilespmem:$0x1D700]  }
0x262: {  	v14 =	vld @!p3 [tilespmem:$0x1D690]  }
0x263: {  	v15 =	vld @!p3 [tilespmem:$0x1D710]  }
0x264: {  	v16 =	vld @!p3 [tilespmem:$0x1D6A0]  }
0x265: {  	[tilespmem:$0x1D300] =	vst @!p3 v12;
	v12 =	vld @!p3 [tilespmem:$0x1D720]  }
0x266: {  	[tilespmem:$0x1D500] =	vst @!p3 v13;
	v13 =	vld @!p3 [tilespmem:$0x1D6B0]  }
0x267: {  	[tilespmem:$0x1D310] =	vst @!p3 v14;
	v14 =	vld @!p3 [tilespmem:$0x1D730]  }
0x268: {  	[tilespmem:$0x1D510] =	vst @!p3 v15  }
0x269: {  	[tilespmem:$0x1D320] =	vst @!p3 v16  }
0x26a: {  	[tilespmem:$0x1D520] =	vst @!p3 v12  }
0x26b: {  	[tilespmem:$0x1D330] =	vst @!p3 v13  }
0x26c: {  	s10 =	simm.s32 @!p3 $0x1D300;
	s12 =	simm.s32 @!p3 $0x17280;
	s9 =	simm.s32 @!p3 $0x40;
	[tilespmem:$0x1D530] =	vst @!p3 v14  }
0x26d: {  	[tilespmem:s12], [sflag:$0x2] =	stream.indirect.gather @!p3 [hbm4b:s0+s9], $0x80, s10, s9, $0xb8;
	[tilespmem:$0x1EB80] =	vst v63  }
0x26e: {  	p3 =	slt.s32 @!p3 s30, $0x2  }
0x26f: {  	p2 =	por @!p1 p3, !p2  }
0x270: {  	p1 =	por p2, p1  }
0x271: {  	s9 =	simm.s32 @!p1 $0x4  }
0x272: {  	_ =	swait.ge @!p1 [sflag:s9], $0x2000  }
.Ltmp10:
0x273: {  	s10 =	simm.s32 @!p1 $0x1D600;
	[sflag:s9] =	ssyncset.done @!p1 $0x0;
	(pc) =	sbr.rel .LBB2_9-.Ltmp10, $4  }
0x274: {  	s12 =	simm.s32 @!p1 $0x1B280;
	[sflag:s9] =	ssyncadd.s32 @!p1 $0xFFFFE000;
	s9 =	simm.s32 @!p1 $0x40  }
0x275: {  	[spmem:s3] =	stream.indirect.scatter.add.f32 @!p1 [tilespmem:s12], [sflag:$0x8], $0x80, s10, s9, $0xb8;
	[tilespmem:$0x1EB80] =	vst v63  }
0x276: {  	s12 =	simm.s32 @!p1 $0x1D880  }
0x277: {  	[spmem:s4] =	stream.indirect.scatter.add.f32 @!p1 [tilespmem:s12], [sflag:$0xC], $0x1, s10, s9, $0xb8;
	[tilespmem:$0x1EB80] =	vst v63  }
.LBB2_11:
.Ltmp11:
0x278: {  	(pc) =	sbr.rel .LBB2_12-.Ltmp11, $4  }
0x279: {  	_ =	swait.ge [sflag:s26], $0x800;
	s9 =	sadd.s32 s15, s28  }
0x27a: {  	s15 =	simm.s32 $0x0;
	[sflag:s26] =	ssyncset.done $0x0;
	s9 =	sshrl.u32 s9, $0x3  }
0x27b: {  	s16 =	simm.s32 $0x0;
	[sflag:s26] =	ssyncadd.s32 $0xFFFFF800;
	s9 =	sadd.s32 s6, s9  }
0x27c: {  	[tilespmem:s21], [sflag:$0xD] =	stream.linear.gather [hbm4b:s9+s15], $0x800, $0x38;
	[tilespmem:$0x1EB80] =	vst v63  }
.LBB2_15:
0x27d: {  	p1 =	seq.s32 s17, $0x2  }
0x27e: {  	p2 =	slt.s32 @p1 s30, $0x4  }
0x27f: {  	p2 =	por p2, !p1  }
0x280: {  	s9 =	simm.s32 @!p2 $0x7  }
0x281: {  	_ =	swait.ge @!p2 [sflag:s9], $0x2000  }
0x282: {  	[sflag:s9] =	ssyncset.done @!p2 $0x0  }
0x283: {  	[sflag:s9] =	ssyncadd.s32 @!p2 $0xFFFFE000;
	s9 =	simm.s32 @!p2 $0xB  }
0x284: {  	_ =	swait.ge @!p2 [sflag:s9], $0x40  }
0x285: {  	[sflag:s9] =	ssyncset.done @!p2 $0x0  }
0x286: {  	[sflag:s9] =	ssyncadd.s32 @!p2 $0xFFFFFFC0  }
0x287: {  	v12 =	vld @p1 [tilespmem:$0x1D680]  }
0x288: {  	v13 =	vld @p1 [tilespmem:$0x1D700]  }
0x289: {  	v14 =	vld @p1 [tilespmem:$0x1D690]  }
0x28a: {  	v15 =	vld @p1 [tilespmem:$0x1D710]  }
0x28b: {  	v16 =	vld @p1 [tilespmem:$0x1D6A0]  }
0x28c: {  	[tilespmem:$0x1D380] =	vst @p1 v12;
	v12 =	vld @p1 [tilespmem:$0x1D720]  }
0x28d: {  	[tilespmem:$0x1D580] =	vst @p1 v13;
	v13 =	vld @p1 [tilespmem:$0x1D6B0]  }
0x28e: {  	[tilespmem:$0x1D390] =	vst @p1 v14;
	v14 =	vld @p1 [tilespmem:$0x1D730]  }
0x28f: {  	[tilespmem:$0x1D590] =	vst @p1 v15  }
0x290: {  	[tilespmem:$0x1D3A0] =	vst @p1 v16  }
0x291: {  	[tilespmem:$0x1D5A0] =	vst @p1 v12  }
0x292: {  	s10 =	simm.s32 @p1 $0x1D380;
	p2 =	slt.s32 @p1 s30, $0x2;
	[tilespmem:$0x1D3B0] =	vst @p1 v13  }
0x293: {  	s12 =	simm.s32 @p1 $0x19280;
	s9 =	simm.s32 @p1 $0x40;
	p2 =	por p2, !p1;
	[tilespmem:$0x1D5B0] =	vst @p1 v14  }
0x294: {  	[tilespmem:s12], [sflag:$0x3] =	stream.indirect.gather @p1 [hbm4b:s0+s9], $0x80, s10, s9, $0xb8;
	[tilespmem:$0x1EB80] =	vst v63  }
0x295: {  	s9 =	simm.s32 @!p2 $0x1  }
0x296: {  	_ =	swait.ge @!p2 [sflag:s9], $0x2000  }
0x297: {  	s10 =	simm.s32 @!p2 $0x1D480;
	[sflag:s9] =	ssyncset.done @!p2 $0x0  }
0x298: {  	s12 =	simm.s32 @!p2 $0x15280;
	[sflag:s9] =	ssyncadd.s32 @!p2 $0xFFFFE000;
	s9 =	simm.s32 @!p2 $0x40  }
0x299: {  	[spmem:s3] =	stream.indirect.scatter.add.f32 @!p2 [tilespmem:s12], [sflag:$0x5], $0x80, s10, s9, $0xb8;
	[tilespmem:$0x1EB80] =	vst v63  }
0x29a: {  	s12 =	simm.s32 @!p2 $0x1D880  }
0x29b: {  	[spmem:s4] =	stream.indirect.scatter.add.f32 @!p2 [tilespmem:s12], [sflag:$0x9], $0x1, s10, s9, $0xb8;
	[tilespmem:$0x1EB80] =	vst v63  }
0x29c: {  	p2 =	seq.s32 @!p1 s17, $0x3  }
0x29d: {  	p3 =	por !p2, p1  }
0x29e: {  	p4 =	slt.s32 @!p3 s30, $0x4  }
0x29f: {  	p4 =	por @!p1 p4, !p2  }
0x2a0: {  	p4 =	por p4, p1  }
0x2a1: {  	s9 =	simm.s32 @!p4 $0x8  }
0x2a2: {  	_ =	swait.ge @!p4 [sflag:s9], $0x2000  }
0x2a3: {  	[sflag:s9] =	ssyncset.done @!p4 $0x0  }
0x2a4: {  	[sflag:s9] =	ssyncadd.s32 @!p4 $0xFFFFE000;
	s9 =	simm.s32 @!p4 $0xC  }
0x2a5: {  	_ =	swait.ge @!p4 [sflag:s9], $0x40  }
0x2a6: {  	[sflag:s9] =	ssyncset.done @!p4 $0x0  }
0x2a7: {  	[sflag:s9] =	ssyncadd.s32 @!p4 $0xFFFFFFC0  }
0x2a8: {  	v12 =	vld @!p3 [tilespmem:$0x1D680]  }
0x2a9: {  	v13 =	vld @!p3 [tilespmem:$0x1D700]  }
0x2aa: {  	v14 =	vld @!p3 [tilespmem:$0x1D690]  }
0x2ab: {  	v15 =	vld @!p3 [tilespmem:$0x1D710]  }
0x2ac: {  	v16 =	vld @!p3 [tilespmem:$0x1D6A0]  }
0x2ad: {  	[tilespmem:$0x1D400] =	vst @!p3 v12;
	v12 =	vld @!p3 [tilespmem:$0x1D720]  }
0x2ae: {  	[tilespmem:$0x1D600] =	vst @!p3 v13;
	v13 =	vld @!p3 [tilespmem:$0x1D6B0]  }
0x2af: {  	[tilespmem:$0x1D410] =	vst @!p3 v14;
	v14 =	vld @!p3 [tilespmem:$0x1D730]  }
0x2b0: {  	[tilespmem:$0x1D610] =	vst @!p3 v15  }
0x2b1: {  	[tilespmem:$0x1D420] =	vst @!p3 v16  }
0x2b2: {  	[tilespmem:$0x1D620] =	vst @!p3 v12  }
0x2b3: {  	[tilespmem:$0x1D430] =	vst @!p3 v13  }
0x2b4: {  	s10 =	simm.s32 @!p3 $0x1D400;
	s12 =	simm.s32 @!p3 $0x1B280;
	s9 =	simm.s32 @!p3 $0x40;
	[tilespmem:$0x1D630] =	vst @!p3 v14  }
0x2b5: {  	[tilespmem:s12], [sflag:$0x4] =	stream.indirect.gather @!p3 [hbm4b:s0+s9], $0x80, s10, s9, $0xb8;
	[tilespmem:$0x1EB80] =	vst v63  }
0x2b6: {  	p3 =	slt.s32 @!p3 s30, $0x2  }
0x2b7: {  	p2 =	por @!p1 p3, !p2  }
0x2b8: {  	p1 =	por p2, p1  }
0x2b9: {  	s9 =	simm.s32 @!p1 $0x2  }
0x2ba: {  	_ =	swait.ge @!p1 [sflag:s9], $0x2000  }
0x2bb: {  	s10 =	simm.s32 @!p1 $0x1D500;
	[sflag:s9] =	ssyncset.done @!p1 $0x0  }
0x2bc: {  	s12 =	simm.s32 @!p1 $0x17280;
	[sflag:s9] =	ssyncadd.s32 @!p1 $0xFFFFE000;
	s9 =	simm.s32 @!p1 $0x40  }
0x2bd: {  	[spmem:s3] =	stream.indirect.scatter.add.f32 @!p1 [tilespmem:s12], [sflag:$0x6], $0x80, s10, s9, $0xb8;
	[tilespmem:$0x1EB80] =	vst v63  }
0x2be: {  	s12 =	simm.s32 @!p1 $0x1D880  }
0x2bf: {  	[spmem:s4] =	stream.indirect.scatter.add.f32 @!p1 [tilespmem:s12], [sflag:$0xA], $0x1, s10, s9, $0xb8;
	[tilespmem:$0x1EB80] =	vst v63  }
.LBB2_16:
0x2c0: {  	v12 =	vld [tilespmem:$0x1D6C0]  }
0x2c1: {  	v13 =	vld [tilespmem:$0x1D740];
	_ =	sdelay $0x3  }
0x2c2: {  	[tilespmem:$0x1D680] =	vst v12  }
0x2c3: {  	[tilespmem:$0x1D700] =	vst v13  }
.LBB2_17:
0x2c4: {  	s16 =	sadd.s32 $0x10, s16  }
0x2c5: {  	p2 =	sne.s32 s16, $0x200  }
.Ltmp12:
0x2c6: {  	_ = 	snop;
	(pc) =	sbr.rel @!p2 .LBB2_18-.Ltmp12, $4  }
0x2c7: {  	_ = 	snop  }
0x2c8: {  	p1 =	sgt.s32 s2, $0x3F;
	s9 =	simm.s32 $0x1  }
0x2c9: {  	s10 =	sadd.s32 $0xFFFFFFC0, s2;
	s9 =	simm.s32 @!p1 $0x0  }
0x2ca: {  	s15 =	sadd.s32 $0x40, s15;
	s2 =	smov.u32 @p1 s10;
	s30 =	sadd.s32 s9, s30  }
.LBB2_12:
0x2cb: {  	s9 =	sand.u32 $0x70, s16;
	s10 =	sand.u32 $0x600, s15  }
0x2cc: {  	s9 =	sor.u32 s9, s10  }
0x2cd: {  	s10 =	sadd.s32 $0x14A80, s9  }
0x2ce: {  	v12 =	vld [tilespmem:s10+$0x80];
	_ =	sdelay $0x1  }
0x2cf: {  	v13 =	vld [tilespmem:s10+$0x100];
	_ =	sdelay $0x1  }
0x2d0: {  	s12 =	sadd.s32 s16, s1  }
0x2d1: {  	vm1 =	vmmov vm0;
	p1 =	slt.u32 s12, $0x4E20;
	vm2 =	vge.s32 v12, v0;
	vm3 =	vlt.s32 v12, v1  }
0x2d2: {  	vm1 =	vmneg @p1 vm1;
	vm2 =	vmand vm2, vm3  }
0x2d3: {  	vm1 =	vmand vm1, vm2;
	vm2 =	vlt.s32 v13, $0x2  }
0x2d4: {  	vm1 =	vmand vm2, vm1  }
0x2d5: {  	v14 =	vmpcnt.ones.xlane vm1;
	_ =	sdelay $0x1  }
0x2d6: {  	v14 =	vxor.u32 $0x80000000, v14  }
0x2d7: {  	(xrf0) =	vmax.scan.msk.u32 $0xffff, v14;
	_ =	sdelay $0x5  }
0x2d8: {  	v14, _, _ =	vpop (xrf0)  }
0x2d9: {  	(v2sf) =	vpush v14, $0xF;
	_ =	sdelay $0x4  }
0x2da: {  	v61 =	vld [tilespmem:s9+$0x14A80];
	_ =	sdelay $0x2  }
0x2db: {  	v13 =	vmul.u32 $0x1400, v13  }
0x2dc: {  	v12 =	vsub.s32 v12, v0  }
0x2dd: {  	v12 =	vadd.s32 v13, v12;
	[tilespmem:s24+$0x0] =	vst.msk vm1, v61  }
0x2de: {  	[tilespmem:s25+$0x0] =	vst.msk vm1, v12;
	v62 =	vld [tilespmem:$0x1D780]  }
0x2df: {  	v63 =	vld [tilespmem:$0x1D800];
	_ =	sdelay $0x2  }
0x2e0: {  	s17 =	spop (v2sf)  }
0x2e1: {  	[tilespmem:s2+$0x1D680] =	vst v62;
	s29 =	sadd.s32 s17, s2  }
0x2e2: {  	[tilespmem:s2+$0x1D700] =	vst v63;
	s2 =	sadd.s32 $0x80000000, s29  }
0x2e3: {  	p1 =	slt.s32 s2, $0x40  }
.Ltmp13:
0x2e4: {  	_ = 	snop;
	(pc) =	sbr.rel @p1 .LBB2_17-.Ltmp13, $1  }
0x2e5: {  	_ =	sdelay $0x3  }
0x2e6: {  	s9 =	sshra.s32 s30, $0x1F  }
0x2e7: {  	s9 =	sshrl.u32 s9, $0x1E  }
0x2e8: {  	s9 =	sadd.s32 s9, s30  }
0x2e9: {  	s9 =	sand.u32 $0xFFFFFFFC, s9  }
0x2ea: {  	s17 =	ssub.s32 s30, s9  }
0x2eb: {  	p1 =	sgt.s32 s17, $0x1  }
.Ltmp14:
0x2ec: {  	_ = 	snop;
	(pc) =	sbr.rel @p1 .LBB2_15-.Ltmp14, $1  }
0x2ed: {  	_ =	sdelay $0x3  }
0x2ee: {  	p1 =	seq.s32 s17, $0x0  }
0x2ef: {  	p2 =	slt.s32 @p1 s30, $0x4  }
0x2f0: {  	p2 =	por p2, !p1  }
0x2f1: {  	s9 =	simm.s32 @!p2 $0x5  }
0x2f2: {  	_ =	swait.ge @!p2 [sflag:s9], $0x2000  }
0x2f3: {  	[sflag:s9] =	ssyncset.done @!p2 $0x0  }
0x2f4: {  	[sflag:s9] =	ssyncadd.s32 @!p2 $0xFFFFE000;
	s9 =	simm.s32 @!p2 $0x9  }
0x2f5: {  	_ =	swait.ge @!p2 [sflag:s9], $0x40  }
0x2f6: {  	[sflag:s9] =	ssyncset.done @!p2 $0x0  }
0x2f7: {  	[sflag:s9] =	ssyncadd.s32 @!p2 $0xFFFFFFC0  }
0x2f8: {  	v12 =	vld @p1 [tilespmem:$0x1D680]  }
0x2f9: {  	v13 =	vld @p1 [tilespmem:$0x1D700]  }
0x2fa: {  	v14 =	vld @p1 [tilespmem:$0x1D690]  }
0x2fb: {  	v15 =	vld @p1 [tilespmem:$0x1D710]  }
0x2fc: {  	v16 =	vld @p1 [tilespmem:$0x1D6A0]  }
0x2fd: {  	[tilespmem:$0x1D280] =	vst @p1 v12;
	v12 =	vld @p1 [tilespmem:$0x1D720]  }
0x2fe: {  	[tilespmem:$0x1D480] =	vst @p1 v13;
	v13 =	vld @p1 [tilespmem:$0x1D6B0]  }
0x2ff: {  	[tilespmem:$0x1D290] =	vst @p1 v14;
	v14 =	vld @p1 [tilespmem:$0x1D730]  }
0x300: {  	[tilespmem:$0x1D490] =	vst @p1 v15  }
0x301: {  	[tilespmem:$0x1D2A0] =	vst @p1 v16  }
0x302: {  	[tilespmem:$0x1D4A0] =	vst @p1 v12  }
0x303: {  	s10 =	simm.s32 @p1 $0x1D280;
	p2 =	slt.s32 @p1 s30, $0x2;
	[tilespmem:$0x1D2B0] =	vst @p1 v13  }
0x304: {  	s12 =	simm.s32 @p1 $0x15280;
	s9 =	simm.s32 @p1 $0x40;
	p2 =	por p2, !p1;
	[tilespmem:$0x1D4B0] =	vst @p1 v14  }
0x305: {  	[tilespmem:s12], [sflag:$0x1] =	stream.indirect.gather @p1 [hbm4b:s0+s9], $0x80, s10, s9, $0xb8;
	[tilespmem:$0x1EB80] =	vst v63  }
0x306: {  	s9 =	simm.s32 @!p2 $0x3  }
0x307: {  	_ =	swait.ge @!p2 [sflag:s9], $0x2000  }
0x308: {  	s10 =	simm.s32 @!p2 $0x1D580;
	[sflag:s9] =	ssyncset.done @!p2 $0x0  }
0x309: {  	s12 =	simm.s32 @!p2 $0x19280;
	[sflag:s9] =	ssyncadd.s32 @!p2 $0xFFFFE000;
	s9 =	simm.s32 @!p2 $0x40  }
0x30a: {  	[spmem:s3] =	stream.indirect.scatter.add.f32 @!p2 [tilespmem:s12], [sflag:$0x7], $0x80, s10, s9, $0xb8;
	[tilespmem:$0x1EB80] =	vst v63  }
0x30b: {  	s12 =	simm.s32 @!p2 $0x1D880  }
0x30c: {  	[spmem:s4] =	stream.indirect.scatter.add.f32 @!p2 [tilespmem:s12], [sflag:$0xB], $0x1, s10, s9, $0xb8;
	[tilespmem:$0x1EB80] =	vst v63  }
0x30d: {  	p2 =	seq.s32 @!p1 s17, $0x1  }
0x30e: {  	p3 =	por !p2, p1  }
0x30f: {  	p4 =	slt.s32 @!p3 s30, $0x4  }
0x310: {  	p4 =	por @!p1 p4, !p2  }
0x311: {  	p4 =	por p4, p1  }
0x312: {  	s9 =	simm.s32 @!p4 $0x6  }
0x313: {  	_ =	swait.ge @!p4 [sflag:s9], $0x2000  }
0x314: {  	[sflag:s9] =	ssyncset.done @!p4 $0x0  }
0x315: {  	[sflag:s9] =	ssyncadd.s32 @!p4 $0xFFFFE000;
	s9 =	simm.s32 @!p4 $0xA  }
0x316: {  	_ =	swait.ge @!p4 [sflag:s9], $0x40  }
0x317: {  	[sflag:s9] =	ssyncset.done @!p4 $0x0  }
0x318: {  	[sflag:s9] =	ssyncadd.s32 @!p4 $0xFFFFFFC0  }
0x319: {  	v12 =	vld @!p3 [tilespmem:$0x1D680]  }
0x31a: {  	v13 =	vld @!p3 [tilespmem:$0x1D700]  }
0x31b: {  	v14 =	vld @!p3 [tilespmem:$0x1D690]  }
0x31c: {  	v15 =	vld @!p3 [tilespmem:$0x1D710]  }
0x31d: {  	v16 =	vld @!p3 [tilespmem:$0x1D6A0]  }
0x31e: {  	[tilespmem:$0x1D300] =	vst @!p3 v12;
	v12 =	vld @!p3 [tilespmem:$0x1D720]  }
0x31f: {  	[tilespmem:$0x1D500] =	vst @!p3 v13;
	v13 =	vld @!p3 [tilespmem:$0x1D6B0]  }
0x320: {  	[tilespmem:$0x1D310] =	vst @!p3 v14;
	v14 =	vld @!p3 [tilespmem:$0x1D730]  }
0x321: {  	[tilespmem:$0x1D510] =	vst @!p3 v15  }
0x322: {  	[tilespmem:$0x1D320] =	vst @!p3 v16  }
0x323: {  	[tilespmem:$0x1D520] =	vst @!p3 v12  }
0x324: {  	[tilespmem:$0x1D330] =	vst @!p3 v13  }
0x325: {  	s10 =	simm.s32 @!p3 $0x1D300;
	s12 =	simm.s32 @!p3 $0x17280;
	s9 =	simm.s32 @!p3 $0x40;
	[tilespmem:$0x1D530] =	vst @!p3 v14  }
0x326: {  	[tilespmem:s12], [sflag:$0x2] =	stream.indirect.gather @!p3 [hbm4b:s0+s9], $0x80, s10, s9, $0xb8;
	[tilespmem:$0x1EB80] =	vst v63  }
0x327: {  	p3 =	slt.s32 @!p3 s30, $0x2  }
0x328: {  	p2 =	por @!p1 p3, !p2  }
0x329: {  	p1 =	por p2, p1  }
0x32a: {  	s9 =	simm.s32 @!p1 $0x4  }
0x32b: {  	_ =	swait.ge @!p1 [sflag:s9], $0x2000  }
.Ltmp15:
0x32c: {  	s10 =	simm.s32 @!p1 $0x1D600;
	[sflag:s9] =	ssyncset.done @!p1 $0x0;
	(pc) =	sbr.rel .LBB2_16-.Ltmp15, $4  }
0x32d: {  	s12 =	simm.s32 @!p1 $0x1B280;
	[sflag:s9] =	ssyncadd.s32 @!p1 $0xFFFFE000;
	s9 =	simm.s32 @!p1 $0x40  }
0x32e: {  	[spmem:s3] =	stream.indirect.scatter.add.f32 @!p1 [tilespmem:s12], [sflag:$0x8], $0x80, s10, s9, $0xb8;
	[tilespmem:$0x1EB80] =	vst v63  }
0x32f: {  	s12 =	simm.s32 @!p1 $0x1D880  }
0x330: {  	[spmem:s4] =	stream.indirect.scatter.add.f32 @!p1 [tilespmem:s12], [sflag:$0xC], $0x1, s10, s9, $0xb8;
	[tilespmem:$0x1EB80] =	vst v63  }
.LBB2_19:
0x331: {  	v12 =	vld [tilespmem:$0x1D680]  }
0x332: {  	v13 =	vld [tilespmem:$0x1D700]  }
0x333: {  	v15 =	vld [tilespmem:$0x1D690]  }
0x334: {  	v16 =	vmov s2;
	v18 =	vld [tilespmem:$0x1D710];
	s1 =	sshra.s32 s30, $0x1F  }
0x335: {  	v20 =	vld [tilespmem:$0x1D6A0];
	vm1 =	vgt.s32 v16, v3;
	s1 =	sshrl.u32 s1, $0x1E  }
0x336: {  	s1 =	sadd.s32 s1, s30;
	v19 =	vnsel vm1, $0x0, v12;
	v12 =	vld [tilespmem:$0x1D720]  }
0x337: {  	v21 =	vld [tilespmem:$0x1D6B0];
	s1 =	sand.u32 $0xFFFFFFFC, s1;
	v14 =	vsel vm1, v13, v5;
	vm1 =	vgt.s32 v16, v6;
	[tilespmem:$0x1D680] =	vst v19  }
0x338: {  	v22 =	vld [tilespmem:$0x1D730];
	s1 =	ssub.s32 s30, s1;
	[tilespmem:$0x1D700] =	vst v14;
	v17 =	vnsel vm1, $0x0, v15  }
0x339: {  	p1 =	sgt.s32 s1, $0x1;
	v15 =	vsel vm1, v18, v7;
	vm1 =	vgt.s32 v16, v8;
	[tilespmem:$0x1D690] =	vst v17  }
.Ltmp16:
0x33a: {  	[tilespmem:$0x1D710] =	vst v15;
	v18 =	vnsel vm1, $0x0, v20;
	(pc) =	sbr.rel @p1 .LBB2_22-.Ltmp16, $4  }
0x33b: {  	[tilespmem:$0x1D6A0] =	vst v18;
	v13 =	vsel vm1, v12, v9;
	vm1 =	vgt.s32 v16, v10  }
0x33c: {  	[tilespmem:$0x1D720] =	vst v13;
	v16 =	vnsel vm1, $0x0, v21  }
0x33d: {  	v12 =	vsel vm1, v22, v11;
	[tilespmem:$0x1D6B0] =	vst v16  }
0x33e: {  	[tilespmem:$0x1D730] =	vst v12  }
0x33f: {  	p1 =	seq.s32 s1, $0x0  }
.Ltmp17:
0x340: {  	_ = 	snop;
	(pc) =	sbr.rel @p1 .LBB2_24-.Ltmp17, $1  }
0x341: {  	_ =	sdelay $0x3  }
0x342: {  	p2 =	seq.s32 s1, $0x1  }
0x343: {  	p1 =	slt.s32 @p2 s30, $0x4  }
0x344: {  	p1 =	por p1, !p2  }
0x345: {  	s2 =	simm.s32 @!p1 $0x6  }
0x346: {  	_ =	swait.ge @!p1 [sflag:s2], $0x2000  }
0x347: {  	[sflag:s2] =	ssyncset.done @!p1 $0x0  }
0x348: {  	[sflag:s2] =	ssyncadd.s32 @!p1 $0xFFFFE000;
	s2 =	simm.s32 @!p1 $0xA  }
0x349: {  	_ =	swait.ge @!p1 [sflag:s2], $0x40  }
0x34a: {  	[sflag:s2] =	ssyncset.done @!p1 $0x0  }
0x34b: {  	[sflag:s2] =	ssyncadd.s32 @!p1 $0xFFFFFFC0  }
0x34c: {  	[tilespmem:$0x1D300] =	vst @p2 v19  }
0x34d: {  	[tilespmem:$0x1D500] =	vst @p2 v14  }
0x34e: {  	[tilespmem:$0x1D310] =	vst @p2 v17  }
0x34f: {  	[tilespmem:$0x1D510] =	vst @p2 v15  }
0x350: {  	[tilespmem:$0x1D320] =	vst @p2 v18  }
0x351: {  	[tilespmem:$0x1D520] =	vst @p2 v13  }
0x352: {  	s9 =	simm.s32 @p2 $0x1D300;
	p3 =	slt.s32 @p2 s30, $0x2;
	[tilespmem:$0x1D330] =	vst @p2 v16  }
0x353: {  	s10 =	simm.s32 @p2 $0x17280;
	s2 =	simm.s32 @p2 $0x40;
	p1 =	por p3, !p2;
	[tilespmem:$0x1D530] =	vst @p2 v12  }
0x354: {  	[tilespmem:s10], [sflag:$0x2] =	stream.indirect.gather @p2 [hbm4b:s0+s2], $0x80, s9, s2, $0xb8;
	[tilespmem:$0x1EB80] =	vst v63  }
0x355: {  	s2 =	simm.s32 @!p1 $0x4  }
0x356: {  	p5 =	por @p2 $0x0, $0x0;
	_ =	swait.ge @!p1 [sflag:s2], $0x2000  }
0x357: {  	p6 =	por @p2 $0x1, $0x1;
	s9 =	simm.s32 @!p1 $0x1D600;
	[sflag:s2] =	ssyncset.done @!p1 $0x0  }
0x358: {  	s10 =	simm.s32 @!p1 $0x1B280;
	[sflag:s2] =	ssyncadd.s32 @!p1 $0xFFFFE000;
	s2 =	simm.s32 @!p1 $0x40  }
0x359: {  	[spmem:s3] =	stream.indirect.scatter.add.f32 @!p1 [tilespmem:s10], [sflag:$0x8], $0x80, s9, s2, $0xb8;
	[tilespmem:$0x1EB80] =	vst v63  }
.Ltmp18:
0x35a: {  	p3 =	por !p3, !p2;
	p4 =	por @!p1 $0x0, $0x0;
	(pc) =	sbr.rel .LBB2_26-.Ltmp18, $4  }
0x35b: {  	p4 =	por @!p3 p5, p5;
	p5 =	por @!p1 $0x1, $0x1;
	s10 =	simm.s32 @!p1 $0x1D880  }
0x35c: {  	[spmem:s4] =	stream.indirect.scatter.add.f32 @!p1 [tilespmem:s10], [sflag:$0xC], $0x1, s9, s2, $0xb8;
	[tilespmem:$0x1EB80] =	vst v63  }
0x35d: {  	p5 =	por @!p3 p6, p6;
	p1 =	por p4, p4  }
0x35e: {  	p5 =	por @!p2 p0, p0;
	p4 =	por @!p2 p0, p0;
	p1 =	por @!p2 p0, p0  }
.LBB2_22:
0x35f: {  	p1 =	seq.s32 s1, $0x2  }
.Ltmp19:
0x360: {  	_ = 	snop;
	(pc) =	sbr.rel @p1 .LBB2_25-.Ltmp19, $1  }
0x361: {  	_ =	sdelay $0x3  }
0x362: {  	p2 =	seq.s32 s1, $0x3  }
0x363: {  	p1 =	slt.s32 @p2 s30, $0x4  }
0x364: {  	p1 =	por p1, !p2  }
0x365: {  	s2 =	simm.s32 @!p1 $0x8  }
0x366: {  	_ =	swait.ge @!p1 [sflag:s2], $0x2000  }
0x367: {  	[sflag:s2] =	ssyncset.done @!p1 $0x0  }
0x368: {  	[sflag:s2] =	ssyncadd.s32 @!p1 $0xFFFFE000;
	s2 =	simm.s32 @!p1 $0xC  }
0x369: {  	_ =	swait.ge @!p1 [sflag:s2], $0x40  }
0x36a: {  	[sflag:s2] =	ssyncset.done @!p1 $0x0  }
0x36b: {  	[sflag:s2] =	ssyncadd.s32 @!p1 $0xFFFFFFC0  }
0x36c: {  	[tilespmem:$0x1D400] =	vst @p2 v19  }
0x36d: {  	[tilespmem:$0x1D600] =	vst @p2 v14  }
0x36e: {  	[tilespmem:$0x1D410] =	vst @p2 v17  }
0x36f: {  	[tilespmem:$0x1D610] =	vst @p2 v15  }
0x370: {  	[tilespmem:$0x1D420] =	vst @p2 v18  }
0x371: {  	[tilespmem:$0x1D620] =	vst @p2 v13  }
0x372: {  	s9 =	simm.s32 @p2 $0x1D400;
	p3 =	slt.s32 @p2 s30, $0x2;
	[tilespmem:$0x1D430] =	vst @p2 v16  }
0x373: {  	s10 =	simm.s32 @p2 $0x1B280;
	s2 =	simm.s32 @p2 $0x40;
	p1 =	por p3, !p2;
	[tilespmem:$0x1D630] =	vst @p2 v12  }
0x374: {  	[tilespmem:s10], [sflag:$0x4] =	stream.indirect.gather @p2 [hbm4b:s0+s2], $0x80, s9, s2, $0xb8;
	[tilespmem:$0x1EB80] =	vst v63  }
0x375: {  	s2 =	simm.s32 @!p1 $0x2  }
0x376: {  	p5 =	por @p2 $0x0, $0x0;
	_ =	swait.ge @!p1 [sflag:s2], $0x2000  }
0x377: {  	p3 =	por !p3, !p2;
	s9 =	simm.s32 @!p1 $0x1D500;
	[sflag:s2] =	ssyncset.done @!p1 $0x0  }
0x378: {  	s10 =	simm.s32 @!p1 $0x17280;
	[sflag:s2] =	ssyncadd.s32 @!p1 $0xFFFFE000;
	s2 =	simm.s32 @!p1 $0x40  }
0x379: {  	[spmem:s3] =	stream.indirect.scatter.add.f32 @!p1 [tilespmem:s10], [sflag:$0x6], $0x80, s9, s2, $0xb8;
	[tilespmem:$0x1EB80] =	vst v63  }
.Ltmp20:
0x37a: {  	p4 =	por @!p1 $0x0, $0x0;
	s10 =	simm.s32 @!p1 $0x1D880;
	(pc) =	sbr.rel .LBB2_26-.Ltmp20, $4  }
0x37b: {  	[spmem:s4] =	stream.indirect.scatter.add.f32 @!p1 [tilespmem:s10], [sflag:$0xA], $0x1, s9, s2, $0xb8;
	[tilespmem:$0x1EB80] =	vst v63  }
0x37c: {  	p6 =	por @p2 $0x1, $0x1;
	p4 =	por @!p3 p5, p5;
	p1 =	por @!p1 $0x1, $0x1  }
0x37d: {  	p5 =	por p4, p4;
	p1 =	por @!p3 p6, p6  }
0x37e: {  	p4 =	por @!p2 p0, p0;
	p5 =	por @!p2 p0, p0;
	p1 =	por @!p2 p0, p0  }
.LBB2_59:
.Ltmp21:
0x37f: {  	(pc) =	sbr.rel @p3 .LBB2_61-.Ltmp21, $4  }
.Ltmp22:
0x380: {  	(pc) =	sbr.rel @!p3 .LBB2_60-.Ltmp22, $4  }
0x381: {  	_ = 	snop  }
0x382: {  	_ = 	snop  }
0x383: {  	_ = 	snop  }
0x384: {  	_ = 	snop  }
.LBB2_24:
0x385: {  	p1 =	slt.s32 s30, $0x4  }
0x386: {  	s2 =	simm.s32 @!p1 $0x5  }
0x387: {  	_ =	swait.ge @!p1 [sflag:s2], $0x2000  }
0x388: {  	[sflag:s2] =	ssyncset.done @!p1 $0x0  }
0x389: {  	[sflag:s2] =	ssyncadd.s32 @!p1 $0xFFFFE000;
	s2 =	simm.s32 @!p1 $0x9  }
0x38a: {  	_ =	swait.ge @!p1 [sflag:s2], $0x40  }
0x38b: {  	[sflag:s2] =	ssyncset.done @!p1 $0x0  }
0x38c: {  	[sflag:s2] =	ssyncadd.s32 @!p1 $0xFFFFFFC0  }
0x38d: {  	[tilespmem:$0x1D280] =	vst v19  }
0x38e: {  	[tilespmem:$0x1D480] =	vst v14  }
0x38f: {  	[tilespmem:$0x1D290] =	vst v17  }
0x390: {  	[tilespmem:$0x1D490] =	vst v15  }
0x391: {  	[tilespmem:$0x1D2A0] =	vst v18  }
0x392: {  	s31 =	simm.s32 $0x40;
	s9 =	simm.s32 $0x1D280;
	[tilespmem:$0x1D4A0] =	vst v13  }
0x393: {  	s10 =	simm.s32 $0x15280;
	p2 =	slt.s32 s30, $0x2;
	p5 =	por $0x0, $0x0;
	[tilespmem:$0x1D2B0] =	vst v16  }
0x394: {  	p4 =	por $0x0, $0x0;
	p3 =	por @!p2 $0x0, $0x0;
	s2 =	simm.s32 @!p2 $0x3;
	[tilespmem:$0x1D4B0] =	vst v12  }
0x395: {  	[tilespmem:s10], [sflag:$0x1] =	stream.indirect.gather [hbm4b:s0+s31], $0x80, s9, s31, $0xb8;
	[tilespmem:$0x1EB80] =	vst v63  }
0x396: {  	p5 =	por @!p2 p3, p3;
	p1 =	por $0x0, $0x0;
	_ =	swait.ge @!p2 [sflag:s2], $0x2000  }
.Ltmp23:
0x397: {  	s9 =	simm.s32 @!p2 $0x1D580;
	[sflag:s2] =	ssyncset.done @!p2 $0x0;
	(pc) =	sbr.rel .LBB2_26-.Ltmp23, $4  }
0x398: {  	s10 =	simm.s32 @!p2 $0x19280;
	[sflag:s2] =	ssyncadd.s32 @!p2 $0xFFFFE000;
	s2 =	simm.s32 @!p2 $0x40  }
0x399: {  	[spmem:s3] =	stream.indirect.scatter.add.f32 @!p2 [tilespmem:s10], [sflag:$0x7], $0x80, s9, s2, $0xb8;
	[tilespmem:$0x1EB80] =	vst v63  }
0x39a: {  	p4 =	por @!p2 p3, p3;
	p1 =	por @!p2 p3, p3;
	s10 =	simm.s32 @!p2 $0x1D880  }
0x39b: {  	[spmem:s4] =	stream.indirect.scatter.add.f32 @!p2 [tilespmem:s10], [sflag:$0xB], $0x1, s9, s2, $0xb8;
	[tilespmem:$0x1EB80] =	vst v63  }
.LBB2_25:
0x39c: {  	p1 =	slt.s32 s30, $0x4  }
0x39d: {  	s2 =	simm.s32 @!p1 $0x7  }
0x39e: {  	_ =	swait.ge @!p1 [sflag:s2], $0x2000  }
0x39f: {  	[sflag:s2] =	ssyncset.done @!p1 $0x0  }
0x3a0: {  	[sflag:s2] =	ssyncadd.s32 @!p1 $0xFFFFE000;
	s2 =	simm.s32 @!p1 $0xB  }
0x3a1: {  	_ =	swait.ge @!p1 [sflag:s2], $0x40  }
0x3a2: {  	[sflag:s2] =	ssyncset.done @!p1 $0x0  }
0x3a3: {  	[sflag:s2] =	ssyncadd.s32 @!p1 $0xFFFFFFC0  }
0x3a4: {  	[tilespmem:$0x1D380] =	vst v19  }
0x3a5: {  	[tilespmem:$0x1D580] =	vst v14  }
0x3a6: {  	[tilespmem:$0x1D390] =	vst v17  }
0x3a7: {  	[tilespmem:$0x1D590] =	vst v15  }
0x3a8: {  	[tilespmem:$0x1D3A0] =	vst v18  }
0x3a9: {  	s31 =	simm.s32 $0x40;
	s9 =	simm.s32 $0x1D380;
	[tilespmem:$0x1D5A0] =	vst v13  }
0x3aa: {  	s10 =	simm.s32 $0x19280;
	p2 =	slt.s32 s30, $0x2;
	p5 =	por $0x0, $0x0;
	[tilespmem:$0x1D3B0] =	vst v16  }
0x3ab: {  	p4 =	por $0x1, $0x1;
	p6 =	por @!p2 $0x0, $0x0;
	s2 =	simm.s32 @!p2 $0x1;
	[tilespmem:$0x1D5B0] =	vst v12  }
0x3ac: {  	[tilespmem:s10], [sflag:$0x3] =	stream.indirect.gather [hbm4b:s0+s31], $0x80, s9, s31, $0xb8;
	[tilespmem:$0x1EB80] =	vst v63  }
0x3ad: {  	p3 =	por @!p2 $0x1, $0x1;
	p5 =	por @!p2 p6, p6;
	_ =	swait.ge @!p2 [sflag:s2], $0x2000  }
0x3ae: {  	p1 =	por $0x0, $0x0;
	s9 =	simm.s32 @!p2 $0x1D480;
	[sflag:s2] =	ssyncset.done @!p2 $0x0  }
0x3af: {  	s10 =	simm.s32 @!p2 $0x15280;
	[sflag:s2] =	ssyncadd.s32 @!p2 $0xFFFFE000;
	s2 =	simm.s32 @!p2 $0x40  }
0x3b0: {  	[spmem:s3] =	stream.indirect.scatter.add.f32 @!p2 [tilespmem:s10], [sflag:$0x5], $0x80, s9, s2, $0xb8;
	[tilespmem:$0x1EB80] =	vst v63  }
0x3b1: {  	p4 =	por @!p2 p3, p3;
	p1 =	por @!p2 p6, p6;
	s10 =	simm.s32 @!p2 $0x1D880  }
0x3b2: {  	[spmem:s4] =	stream.indirect.scatter.add.f32 @!p2 [tilespmem:s10], [sflag:$0x9], $0x1, s9, s2, $0xb8;
	[tilespmem:$0x1EB80] =	vst v63  }
.LBB2_26:
0x3b3: {  	v12 =	vld [tilespmem:$0x1D6C0]  }
0x3b4: {  	v13 =	vld [tilespmem:$0x1D740];
	_ =	sdelay $0x1  }
0x3b5: {  	p3 =	sgt.u32 s30, $0x7FFFFFFE  }
0x3b6: {  	p2 =	sne.s32 @!p3 s1, $0x0  }
0x3b7: {  	p2 =	por p2, p3;
	[tilespmem:$0x1D680] =	vst v12  }
0x3b8: {  	s1 =	simm.s32 @!p2 $0x1;
	[tilespmem:$0x1D700] =	vst v13  }
0x3b9: {  	_ =	swait.ge @!p2 [sflag:s1], $0x2000  }
0x3ba: {  	s17 =	sadd.s32 $0xFFFFFFFF, s30;
	s2 =	simm.s32 @!p2 $0x1D480;
	[sflag:s1] =	ssyncset.done @!p2 $0x0  }
0x3bb: {  	s9 =	simm.s32 @!p2 $0x15280;
	[sflag:s1] =	ssyncadd.s32 @!p2 $0xFFFFE000;
	s1 =	simm.s32 @!p2 $0x40  }
0x3bc: {  	[spmem:s3] =	stream.indirect.scatter.add.f32 @!p2 [tilespmem:s9], [sflag:$0x5], $0x80, s2, s1, $0xb8;
	[tilespmem:$0x1EB80] =	vst v63  }
0x3bd: {  	s29 =	sshra.s32 s17, $0x1F;
	s9 =	simm.s32 @!p2 $0x1D880  }
0x3be: {  	[spmem:s4] =	stream.indirect.scatter.add.f32 @!p2 [tilespmem:s9], [sflag:$0x9], $0x1, s2, s1, $0xb8;
	[tilespmem:$0x1EB80] =	vst v63  }
0x3bf: {  	s1 =	sshrl.u32 s29, $0x1E  }
0x3c0: {  	s31 =	sadd.s32 s1, s17  }
0x3c1: {  	s1 =	sadd.s32 $0x1, s30;
	s9 =	sand.u32 $0xFFFFFFFC, s31  }
0x3c2: {  	p2 =	slt.s32 s1, $0x2;
	s2 =	ssub.s32 s17, s9  }
0x3c3: {  	p6 =	sne.s32 @!p2 s2, $0x0  }
0x3c4: {  	p6 =	por p6, p2  }
0x3c5: {  	s9 =	simm.s32 @!p6 $0x1  }
0x3c6: {  	_ =	swait.ge @!p6 [sflag:s9], $0x2000  }
0x3c7: {  	p5 =	por !p5, !p5;
	s10 =	simm.s32 @!p6 $0x1D480;
	[sflag:s9] =	ssyncset.done @!p6 $0x0  }
0x3c8: {  	s11 =	simm.s32 @!p6 $0x15280;
	[sflag:s9] =	ssyncadd.s32 @!p6 $0xFFFFE000;
	s9 =	simm.s32 @!p6 $0x40  }
0x3c9: {  	[spmem:s3] =	stream.indirect.scatter.add.f32 @!p6 [tilespmem:s11], [sflag:$0x5], $0x80, s10, s9, $0xb8;
	[tilespmem:$0x1EB80] =	vst v63  }
0x3ca: {  	p5 =	por p3, p5;
	s11 =	simm.s32 @!p6 $0x1D880  }
0x3cb: {  	[spmem:s4] =	stream.indirect.scatter.add.f32 @!p6 [tilespmem:s11], [sflag:$0x9], $0x1, s10, s9, $0xb8;
	[tilespmem:$0x1EB80] =	vst v63  }
0x3cc: {  	s9 =	simm.s32 @!p5 $0x2  }
0x3cd: {  	_ =	swait.ge @!p5 [sflag:s9], $0x2000  }
0x3ce: {  	s10 =	simm.s32 @!p5 $0x1D500;
	[sflag:s9] =	ssyncset.done @!p5 $0x0  }
0x3cf: {  	s11 =	simm.s32 @!p5 $0x17280;
	[sflag:s9] =	ssyncadd.s32 @!p5 $0xFFFFE000;
	s9 =	simm.s32 @!p5 $0x40  }
0x3d0: {  	[spmem:s3] =	stream.indirect.scatter.add.f32 @!p5 [tilespmem:s11], [sflag:$0x6], $0x80, s10, s9, $0xb8;
	[tilespmem:$0x1EB80] =	vst v63  }
0x3d1: {  	s11 =	simm.s32 @!p5 $0x1D880  }
0x3d2: {  	[spmem:s4] =	stream.indirect.scatter.add.f32 @!p5 [tilespmem:s11], [sflag:$0xA], $0x1, s10, s9, $0xb8;
	[tilespmem:$0x1EB80] =	vst v63  }
0x3d3: {  	p5 =	sne.s32 @!p2 s2, $0x1  }
0x3d4: {  	p5 =	por p5, p2  }
0x3d5: {  	s9 =	simm.s32 @!p5 $0x2  }
0x3d6: {  	_ =	swait.ge @!p5 [sflag:s9], $0x2000  }
0x3d7: {  	p4 =	por !p4, !p4;
	s10 =	simm.s32 @!p5 $0x1D500;
	[sflag:s9] =	ssyncset.done @!p5 $0x0  }
0x3d8: {  	s11 =	simm.s32 @!p5 $0x17280;
	[sflag:s9] =	ssyncadd.s32 @!p5 $0xFFFFE000;
	s9 =	simm.s32 @!p5 $0x40  }
0x3d9: {  	[spmem:s3] =	stream.indirect.scatter.add.f32 @!p5 [tilespmem:s11], [sflag:$0x6], $0x80, s10, s9, $0xb8;
	[tilespmem:$0x1EB80] =	vst v63  }
0x3da: {  	p4 =	por p3, p4;
	s11 =	simm.s32 @!p5 $0x1D880  }
0x3db: {  	[spmem:s4] =	stream.indirect.scatter.add.f32 @!p5 [tilespmem:s11], [sflag:$0xA], $0x1, s10, s9, $0xb8;
	[tilespmem:$0x1EB80] =	vst v63  }
0x3dc: {  	s9 =	simm.s32 @!p4 $0x3  }
0x3dd: {  	_ =	swait.ge @!p4 [sflag:s9], $0x2000  }
0x3de: {  	s10 =	simm.s32 @!p4 $0x1D580;
	[sflag:s9] =	ssyncset.done @!p4 $0x0  }
0x3df: {  	s11 =	simm.s32 @!p4 $0x19280;
	[sflag:s9] =	ssyncadd.s32 @!p4 $0xFFFFE000;
	s9 =	simm.s32 @!p4 $0x40  }
0x3e0: {  	[spmem:s3] =	stream.indirect.scatter.add.f32 @!p4 [tilespmem:s11], [sflag:$0x7], $0x80, s10, s9, $0xb8;
	[tilespmem:$0x1EB80] =	vst v63  }
0x3e1: {  	s11 =	simm.s32 @!p4 $0x1D880  }
0x3e2: {  	[spmem:s4] =	stream.indirect.scatter.add.f32 @!p4 [tilespmem:s11], [sflag:$0xB], $0x1, s10, s9, $0xb8;
	[tilespmem:$0x1EB80] =	vst v63  }
0x3e3: {  	p4 =	sne.s32 @!p2 s2, $0x2  }
0x3e4: {  	p4 =	por p4, p2  }
0x3e5: {  	s9 =	simm.s32 @!p4 $0x3  }
0x3e6: {  	_ =	swait.ge @!p4 [sflag:s9], $0x2000  }
0x3e7: {  	p1 =	por !p1, !p1;
	s10 =	simm.s32 @!p4 $0x1D580;
	[sflag:s9] =	ssyncset.done @!p4 $0x0  }
0x3e8: {  	s11 =	simm.s32 @!p4 $0x19280;
	[sflag:s9] =	ssyncadd.s32 @!p4 $0xFFFFE000;
	s9 =	simm.s32 @!p4 $0x40  }
0x3e9: {  	[spmem:s3] =	stream.indirect.scatter.add.f32 @!p4 [tilespmem:s11], [sflag:$0x7], $0x80, s10, s9, $0xb8;
	[tilespmem:$0x1EB80] =	vst v63  }
0x3ea: {  	p1 =	por p3, p1;
	s11 =	simm.s32 @!p4 $0x1D880  }
0x3eb: {  	[spmem:s4] =	stream.indirect.scatter.add.f32 @!p4 [tilespmem:s11], [sflag:$0xB], $0x1, s10, s9, $0xb8;
	[tilespmem:$0x1EB80] =	vst v63  }
0x3ec: {  	s9 =	simm.s32 @!p1 $0x4  }
0x3ed: {  	_ =	swait.ge @!p1 [sflag:s9], $0x2000  }
0x3ee: {  	s10 =	simm.s32 @!p1 $0x1D600;
	[sflag:s9] =	ssyncset.done @!p1 $0x0  }
0x3ef: {  	s11 =	simm.s32 @!p1 $0x1B280;
	[sflag:s9] =	ssyncadd.s32 @!p1 $0xFFFFE000;
	s9 =	simm.s32 @!p1 $0x40  }
0x3f0: {  	[spmem:s3] =	stream.indirect.scatter.add.f32 @!p1 [tilespmem:s11], [sflag:$0x8], $0x80, s10, s9, $0xb8;
	[tilespmem:$0x1EB80] =	vst v63  }
0x3f1: {  	s11 =	simm.s32 @!p1 $0x1D880  }
0x3f2: {  	[spmem:s4] =	stream.indirect.scatter.add.f32 @!p1 [tilespmem:s11], [sflag:$0xC], $0x1, s10, s9, $0xb8;
	[tilespmem:$0x1EB80] =	vst v63  }
0x3f3: {  	p1 =	sne.s32 @!p2 s2, $0x3  }
0x3f4: {  	p1 =	por p2, p1  }
.Ltmp24:
0x3f5: {  	_ = 	snop;
	(pc) =	sbr.rel @p1 .LBB2_28-.Ltmp24, $1  }
0x3f6: {  	_ =	sdelay $0x3  }
0x3f7: {  	s2 =	simm.s32 $0x4  }
0x3f8: {  	_ =	swait.ge [sflag:s2], $0x2000  }
0x3f9: {  	s30 =	simm.s32 $0x40;
	[sflag:s2] =	ssyncset.done $0x0  }
0x3fa: {  	s9 =	simm.s32 $0x1D600;
	s10 =	simm.s32 $0x1B280;
	[sflag:s2] =	ssyncadd.s32 $0xFFFFE000  }
0x3fb: {  	[spmem:s3] =	stream.indirect.scatter.add.f32 [tilespmem:s10], [sflag:$0x8], $0x80, s9, s30, $0xb8;
	[tilespmem:$0x1EB80] =	vst v63  }
0x3fc: {  	s31 =	simm.s32 $0x1D880  }
0x3fd: {  	[spmem:s4] =	stream.indirect.scatter.add.f32 [tilespmem:s31], [sflag:$0xC], $0x1, s9, s30, $0xb8;
	[tilespmem:$0x1EB80] =	vst v63  }
.LBB2_29:
0x3fe: {  	s2 =	simm.s32 $0x5  }
0x3ff: {  	_ =	swait.ge [sflag:s2], $0x2000  }
0x400: {  	[sflag:s2] =	ssyncset.done $0x0  }
0x401: {  	s31 =	simm.s32 $0x9;
	[sflag:s2] =	ssyncadd.s32 $0xFFFFE000  }
0x402: {  	_ =	swait.ge [sflag:s31], $0x40  }
0x403: {  	[sflag:s31] =	ssyncset.done $0x0  }
0x404: {  	s2 =	simm.s32 @!p2 $0x6;
	[sflag:s31] =	ssyncadd.s32 $0xFFFFFFC0  }
0x405: {  	_ =	swait.ge @!p2 [sflag:s2], $0x2000  }
0x406: {  	[sflag:s2] =	ssyncset.done @!p2 $0x0  }
0x407: {  	[sflag:s2] =	ssyncadd.s32 @!p2 $0xFFFFE000;
	s2 =	simm.s32 @!p2 $0xA  }
0x408: {  	p1 =	seq.s32 @!p2 s1, $0x2;
	_ =	swait.ge @!p2 [sflag:s2], $0x40  }
0x409: {  	p3 =	por p1, p2;
	[sflag:s2] =	ssyncset.done @!p2 $0x0  }
0x40a: {  	[sflag:s2] =	ssyncadd.s32 @!p2 $0xFFFFFFC0;
	s2 =	simm.s32 @!p3 $0x7  }
0x40b: {  	_ =	swait.ge @!p3 [sflag:s2], $0x2000  }
0x40c: {  	[sflag:s2] =	ssyncset.done @!p3 $0x0  }
0x40d: {  	p4 =	slt.u32 @!p3 s1, $0x4;
	[sflag:s2] =	ssyncadd.s32 @!p3 $0xFFFFE000;
	s2 =	simm.s32 @!p3 $0xB  }
0x40e: {  	p1 =	por @!p2 p4, p1;
	_ =	swait.ge @!p3 [sflag:s2], $0x40  }
0x40f: {  	p1 =	por p1, p2;
	[sflag:s2] =	ssyncset.done @!p3 $0x0  }
0x410: {  	s1 =	simm.s32 @!p1 $0x8;
	[sflag:s2] =	ssyncadd.s32 @!p3 $0xFFFFFFC0  }
0x411: {  	_ =	swait.ge @!p1 [sflag:s1], $0x2000  }
0x412: {  	[sflag:s1] =	ssyncset.done @!p1 $0x0  }
0x413: {  	[sflag:s1] =	ssyncadd.s32 @!p1 $0xFFFFE000;
	s1 =	simm.s32 @!p1 $0xC  }
0x414: {  	_ =	swait.ge @!p1 [sflag:s1], $0x40  }
0x415: {  	[sflag:s1] =	ssyncset.done @!p1 $0x0  }
0x416: {  	[sflag:s1] =	ssyncadd.s32 @!p1 $0xFFFFFFC0  }
.LBB2_30:
0x417: {  	[bflag:$0x0] =	sbarrier.arrive $0xFFFF  }
0x418: {  	[tilespmem:s18], [sflag:$0xE] =	stream.linear.gather [spmem:s8], $0x1000, $0x38;
	[tilespmem:$0x1EB80] =	vst v63  }
0x419: {  	_ =	swait.ge [sflag:s19], $0x1000  }
0x41a: {  	[sflag:s19] =	ssyncset.done $0x0  }
0x41b: {  	s1 =	sadd.s32 $0x0, s22;
	[sflag:s19] =	ssyncadd.s32 $0xFFFFF000  }
0x41c: {  	[hbm4b:s1+s5] =	stream.linear.scatter [tilespmem:s18], [sflag:$0xE], $0x1000, $0x38;
	[tilespmem:$0x1EB80] =	vst v63  }
0x41d: {  	_ =	swait.ge [sflag:s19], $0x1000  }
0x41e: {  	s2 =	smov.u32 s8;
	s1 =	simm.s32 $0x200;
	[sflag:s19] =	ssyncset.done $0x0  }
.LBB2_31:
0x41f: {  	p1 =	sne.s32 s1, $0x2600;
	[sflag:s19] =	ssyncadd.s32 $0xFFFFF000;
	s2 =	sadd.s32 $0x1000, s2  }
0x420: {  	[tilespmem:s18], [sflag:$0xE] =	stream.linear.gather [spmem:s2], $0x1000, $0x38;
	[tilespmem:$0x1EB80] =	vst v63  }
0x421: {  	s9 =	smov.u32 s1;
	s1 =	sadd.s32 $0x200, s1;
	_ =	swait.ge [sflag:s19], $0x1000  }
.Ltmp25:
0x422: {  	[sflag:s19] =	ssyncset.done $0x0;
	(pc) =	sbr.rel @p1 .LBB2_31-.Ltmp25, $4  }
0x423: {  	s9 =	sadd.s32 s9, s22;
	[sflag:s19] =	ssyncadd.s32 $0xFFFFF000  }
0x424: {  	[hbm4b:s9+s5] =	stream.linear.scatter [tilespmem:s18], [sflag:$0xE], $0x1000, $0x38;
	[tilespmem:$0x1EB80] =	vst v63  }
0x425: {  	_ =	swait.ge [sflag:s19], $0x1000  }
0x426: {  	[sflag:s19] =	ssyncset.done $0x0  }
0x427: {  	[sflag:s19] =	ssyncadd.s32 $0xFFFFF000;
	s1 =	rddreg [dreg:$0x6]  }
0x428: {  	[tilespmem:s20], [sflag:$0xE] =	stream.linear.gather [spmem:s1], $0x280, $0x38;
	[tilespmem:$0x1EB80] =	vst v63  }
0x429: {  	_ =	swait.ge [sflag:s19], $0x280  }
0x42a: {  	[sflag:s19] =	ssyncset.done $0x0  }
0x42b: {  	s1 =	simm.s32 $0x0;
	s2 =	rddreg [dreg:$0x8];
	[sflag:s19] =	ssyncadd.s32 $0xFFFFFD80  }
0x42c: {  	[hbm4b:s2+s1] =	stream.linear.scatter [tilespmem:s20], [sflag:$0xE], $0x280, $0x38;
	[tilespmem:$0x1EB80] =	vst v63  }
0x42d: {  	_ =	swait.ge [sflag:s19], $0x280  }
0x42e: {  	s31 =	sand.u32 $0x3E00, s1;
	[sflag:s19] =	ssyncset.done $0x0  }
0x42f: {  	s9 =	sand.u32 $0x70, s1;
	s10 =	sshrl.u32 s31, $0x2;
	[sflag:s19] =	ssyncadd.s32 $0xFFFFFD80  }
0x430: {  	s11 =	sor.u32 s9, s10;
	s2 =	simm.s32 $0x40;
	[bflag:$0x0] =	sbarrier.arrive $0xFFFF  }
.LBB2_33:
0x431: {  	p1 =	sne.s32 s2, $0x3FC0  }
0x432: {  	[tilespmem:s11+$0x1D900] =	vst v2;
	s1 =	sadd.s32 $0x10, s1;
	s9 =	smov.u32 s2;
	s2 =	sadd.s32 $0x40, s2  }
.Ltmp26:
0x433: {  	(pc) =	sbr.rel @p1 .LBB2_33-.Ltmp26, $4  }
0x434: {  	_ = 	snop  }
0x435: {  	s9 =	sand.u32 $0x3E00, s9  }
0x436: {  	s10 =	sand.u32 $0x70, s1;
	s9 =	sshrl.u32 s9, $0x2  }
0x437: {  	s11 =	sor.u32 s10, s9  }
0x438: {  	[tilespmem:s11+$0x1D900] =	vst v2  }
0x439: {  	[tilespmem:$0x1E900] =	vst v2  }
0x43a: {  	[tilespmem:$0x1E910] =	vst v2  }
0x43b: {  	[tilespmem:$0x1E920] =	vst v2  }
0x43c: {  	[tilespmem:$0x1E930] =	vst v2  }
0x43d: {  	[tilespmem:$0x1E940] =	vst v2  }
0x43e: {  	[tilespmem:$0x1E950] =	vst v2  }
0x43f: {  	[tilespmem:$0x1E960] =	vst v2  }
0x440: {  	[tilespmem:$0x1E970] =	vst v2  }
0x441: {  	[tilespmem:$0x1E980] =	vst v2  }
0x442: {  	[tilespmem:$0x1E990] =	vst v2  }
0x443: {  	[tilespmem:$0x1E9A0] =	vst v2  }
0x444: {  	[tilespmem:$0x1E9B0] =	vst v2  }
0x445: {  	[tilespmem:$0x1E9C0] =	vst v2  }
0x446: {  	[tilespmem:$0x1E9D0] =	vst v2  }
0x447: {  	[tilespmem:$0x1E9E0] =	vst v2  }
0x448: {  	[tilespmem:$0x1E9F0] =	vst v2  }
0x449: {  	[tilespmem:$0x1EA00] =	vst v2  }
0x44a: {  	[tilespmem:$0x1EA10] =	vst v2  }
0x44b: {  	[tilespmem:$0x1EA20] =	vst v2  }
0x44c: {  	[tilespmem:$0x1EA30] =	vst v2  }
0x44d: {  	[tilespmem:$0x1EA40] =	vst v2  }
0x44e: {  	[tilespmem:$0x1EA50] =	vst v2  }
0x44f: {  	[tilespmem:$0x1EA60] =	vst v2  }
0x450: {  	[tilespmem:$0x1EA70] =	vst v2  }
0x451: {  	[tilespmem:$0x1EA80] =	vst v2  }
0x452: {  	[tilespmem:$0x1EA90] =	vst v2  }
0x453: {  	[tilespmem:$0x1EAA0] =	vst v2  }
0x454: {  	[tilespmem:$0x1EAB0] =	vst v2  }
0x455: {  	[tilespmem:$0x1EAC0] =	vst v2  }
0x456: {  	[tilespmem:$0x1EAD0] =	vst v2  }
0x457: {  	[tilespmem:$0x1EAE0] =	vst v2  }
0x458: {  	[tilespmem:$0x1EAF0] =	vst v2  }
0x459: {  	[tilespmem:$0x1EB00] =	vst v2  }
0x45a: {  	[tilespmem:$0x1EB10] =	vst v2  }
0x45b: {  	[tilespmem:$0x1EB20] =	vst v2  }
0x45c: {  	[tilespmem:$0x1EB30] =	vst v2  }
0x45d: {  	[tilespmem:$0x1EB40] =	vst v2  }
0x45e: {  	[tilespmem:$0x1EB50] =	vst v2  }
0x45f: {  	[tilespmem:$0x1EB60] =	vst v2  }
0x460: {  	[tilespmem:$0x1EB70] =	vst v2;
	s1 =	rddreg [dreg:$0x9]  }
0x461: {  	[spmem:s1] =	stream.linear.scatter [tilespmem:s18], [sflag:$0xE], $0x1000, $0x38;
	[tilespmem:$0x1EB80] =	vst v63  }
0x462: {  	_ =	swait.ge [sflag:s19], $0x1000  }
0x463: {  	s29 =	sld [smem:$0x7F5]  }
0x464: {  	[sflag:s19] =	ssyncset.done $0x0  }
0x465: {  	[sflag:s19] =	ssyncadd.s32 $0xFFFFF000  }
0x466: {  	[spmem:s29] =	stream.linear.scatter [tilespmem:s18], [sflag:$0xE], $0x1000, $0x38;
	[tilespmem:$0x1EB80] =	vst v63  }
0x467: {  	_ =	swait.ge [sflag:s19], $0x1000  }
0x468: {  	s2 =	sld [smem:$0x7F6]  }
0x469: {  	[sflag:s19] =	ssyncset.done $0x0  }
0x46a: {  	[sflag:s19] =	ssyncadd.s32 $0xFFFFF000  }
0x46b: {  	[spmem:s2] =	stream.linear.scatter [tilespmem:s18], [sflag:$0xE], $0x1000, $0x38;
	[tilespmem:$0x1EB80] =	vst v63  }
0x46c: {  	_ =	swait.ge [sflag:s19], $0x1000  }
0x46d: {  	s9 =	sld [smem:$0x7F7]  }
0x46e: {  	[sflag:s19] =	ssyncset.done $0x0  }
0x46f: {  	[sflag:s19] =	ssyncadd.s32 $0xFFFFF000  }
0x470: {  	[spmem:s9] =	stream.linear.scatter [tilespmem:s18], [sflag:$0xE], $0x1000, $0x38;
	[tilespmem:$0x1EB80] =	vst v63  }
0x471: {  	_ =	swait.ge [sflag:s19], $0x1000  }
0x472: {  	s10 =	sld [smem:$0x7F8]  }
0x473: {  	[sflag:s19] =	ssyncset.done $0x0  }
0x474: {  	[sflag:s19] =	ssyncadd.s32 $0xFFFFF000  }
0x475: {  	[spmem:s10] =	stream.linear.scatter [tilespmem:s18], [sflag:$0xE], $0x1000, $0x38;
	[tilespmem:$0x1EB80] =	vst v63  }
0x476: {  	_ =	swait.ge [sflag:s19], $0x1000  }
0x477: {  	s11 =	sld [smem:$0x7F9]  }
0x478: {  	[sflag:s19] =	ssyncset.done $0x0  }
0x479: {  	[sflag:s19] =	ssyncadd.s32 $0xFFFFF000  }
0x47a: {  	[spmem:s11] =	stream.linear.scatter [tilespmem:s18], [sflag:$0xE], $0x1000, $0x38;
	[tilespmem:$0x1EB80] =	vst v63  }
0x47b: {  	_ =	swait.ge [sflag:s19], $0x1000  }
0x47c: {  	s12 =	sld [smem:$0x7FA]  }
0x47d: {  	[sflag:s19] =	ssyncset.done $0x0  }
0x47e: {  	[sflag:s19] =	ssyncadd.s32 $0xFFFFF000  }
0x47f: {  	[spmem:s12] =	stream.linear.scatter [tilespmem:s18], [sflag:$0xE], $0x1000, $0x38;
	[tilespmem:$0x1EB80] =	vst v63  }
0x480: {  	_ =	swait.ge [sflag:s19], $0x1000  }
0x481: {  	s14 =	sld [smem:$0x7FB]  }
0x482: {  	[sflag:s19] =	ssyncset.done $0x0  }
0x483: {  	[sflag:s19] =	ssyncadd.s32 $0xFFFFF000  }
0x484: {  	[spmem:s14] =	stream.linear.scatter [tilespmem:s18], [sflag:$0xE], $0x1000, $0x38;
	[tilespmem:$0x1EB80] =	vst v63  }
0x485: {  	_ =	swait.ge [sflag:s19], $0x1000  }
0x486: {  	s15 =	sld [smem:$0x7FC]  }
0x487: {  	[sflag:s19] =	ssyncset.done $0x0  }
0x488: {  	[sflag:s19] =	ssyncadd.s32 $0xFFFFF000  }
0x489: {  	[spmem:s15] =	stream.linear.scatter [tilespmem:s18], [sflag:$0xE], $0x1000, $0x38;
	[tilespmem:$0x1EB80] =	vst v63  }
0x48a: {  	_ =	swait.ge [sflag:s19], $0x1000  }
0x48b: {  	s16 =	sld [smem:$0x7FD]  }
0x48c: {  	[sflag:s19] =	ssyncset.done $0x0  }
0x48d: {  	[sflag:s19] =	ssyncadd.s32 $0xFFFFF000  }
0x48e: {  	[spmem:s16] =	stream.linear.scatter [tilespmem:s18], [sflag:$0xE], $0x1000, $0x38;
	[tilespmem:$0x1EB80] =	vst v63  }
0x48f: {  	_ =	swait.ge [sflag:s19], $0x1000  }
0x490: {  	[sflag:s19] =	ssyncset.done $0x0  }
0x491: {  	s17 =	rddreg [dreg:$0xa];
	[sflag:s19] =	ssyncadd.s32 $0xFFFFF000  }
0x492: {  	[spmem:s17] =	stream.linear.scatter [tilespmem:s20], [sflag:$0xE], $0x140, $0x38;
	[tilespmem:$0x1EB80] =	vst v63  }
0x493: {  	_ =	swait.ge [sflag:s19], $0x140  }
0x494: {  	[sflag:s19] =	ssyncset.done $0x0  }
0x495: {  	[sflag:s19] =	ssyncadd.s32 $0xFFFFFEC0  }
0x496: {  	[bflag:$0x0] =	sbarrier.arrive $0xFFFF  }
.Ltmp27:
0x497: {  	s31 =	simm.s32 $0x0;
	s29 =	rddreg [dreg:$0x7];
	(pc) =	sbr.rel .LBB2_35-.Ltmp27, $4  }
0x498: {  	[tilespmem:s21], [sflag:$0xE] =	stream.linear.gather [hbm4b:s29+s31], $0x800, $0x38;
	[tilespmem:$0x1EB80] =	vst v63  }
0x499: {  	s30 =	simm.s32 $0x0;
	_ =	swait.ge [sflag:s19], $0x800  }
0x49a: {  	s1 =	simm.s32 $0x200;
	s2 =	simm.s32 $0x0;
	[sflag:s19] =	ssyncset.done $0x0  }
0x49b: {  	s11 =	simm.s32 $0x0;
	s14 =	simm.s32 $0x0;
	[sflag:s19] =	ssyncadd.s32 $0xFFFFF800  }
.LBB2_49:
0x49c: {  	s14 =	sadd.s32 $0x1, s14  }
0x49d: {  	p1 =	sne.s32 s14, $0x14  }
.Ltmp28:
0x49e: {  	_ = 	snop;
	(pc) =	sbr.rel @!p1 .LBB2_50-.Ltmp28, $4  }
0x49f: {  	_ = 	snop  }
0x4a0: {  	_ =	swait.ge [sflag:s26], $0x800  }
0x4a1: {  	[sflag:s26] =	ssyncset.done $0x0  }
0x4a2: {  	s11 =	sadd.s32 $0x400, s11;
	s1 =	sadd.s32 $0x400, s1;
	[sflag:s26] =	ssyncadd.s32 $0xFFFFF800  }
.LBB2_35:
0x4a3: {  	s15 =	sshll.u32 s14, $0xC  }
.Ltmp29:
0x4a4: {  	s9 =	sadd.s32 s15, s7;
	(pc) =	sbr.rel .LBB2_36-.Ltmp29, $4  }
0x4a5: {  	s9 =	sadd.s32 $0x800, s9  }
0x4a6: {  	s9 =	sshrl.u32 s9, $0x3  }
0x4a7: {  	s16 =	simm.s32 $0x0;
	s17 =	simm.s32 $0x0;
	s9 =	sadd.s32 s6, s9  }
0x4a8: {  	[tilespmem:s23], [sflag:$0xD] =	stream.linear.gather [hbm4b:s9+s31], $0x800, $0x38;
	[tilespmem:$0x1EB80] =	vst v63  }
.LBB2_39:
0x4a9: {  	p1 =	seq.s32 s29, $0x2  }
0x4aa: {  	p2 =	slt.s32 @p1 s30, $0x4  }
0x4ab: {  	p2 =	por p2, !p1  }
0x4ac: {  	s9 =	simm.s32 @!p2 $0x7  }
0x4ad: {  	_ =	swait.ge @!p2 [sflag:s9], $0x2000  }
0x4ae: {  	[sflag:s9] =	ssyncset.done @!p2 $0x0  }
0x4af: {  	[sflag:s9] =	ssyncadd.s32 @!p2 $0xFFFFE000;
	s9 =	simm.s32 @!p2 $0xB  }
0x4b0: {  	_ =	swait.ge @!p2 [sflag:s9], $0x40  }
0x4b1: {  	[sflag:s9] =	ssyncset.done @!p2 $0x0  }
0x4b2: {  	[sflag:s9] =	ssyncadd.s32 @!p2 $0xFFFFFFC0  }
0x4b3: {  	v12 =	vld @p1 [tilespmem:$0x1D680]  }
0x4b4: {  	v13 =	vld @p1 [tilespmem:$0x1D700]  }
0x4b5: {  	v14 =	vld @p1 [tilespmem:$0x1D690]  }
0x4b6: {  	v15 =	vld @p1 [tilespmem:$0x1D710]  }
0x4b7: {  	v16 =	vld @p1 [tilespmem:$0x1D6A0]  }
0x4b8: {  	[tilespmem:$0x1D380] =	vst @p1 v12;
	v12 =	vld @p1 [tilespmem:$0x1D720]  }
0x4b9: {  	[tilespmem:$0x1D580] =	vst @p1 v13;
	v13 =	vld @p1 [tilespmem:$0x1D6B0]  }
0x4ba: {  	[tilespmem:$0x1D390] =	vst @p1 v14;
	v14 =	vld @p1 [tilespmem:$0x1D730]  }
0x4bb: {  	[tilespmem:$0x1D590] =	vst @p1 v15  }
0x4bc: {  	[tilespmem:$0x1D3A0] =	vst @p1 v16  }
0x4bd: {  	[tilespmem:$0x1D5A0] =	vst @p1 v12  }
0x4be: {  	s10 =	simm.s32 @p1 $0x1D380;
	p2 =	slt.s32 @p1 s30, $0x2;
	[tilespmem:$0x1D3B0] =	vst @p1 v13  }
0x4bf: {  	s12 =	simm.s32 @p1 $0x19280;
	s9 =	simm.s32 @p1 $0x40;
	p2 =	por p2, !p1;
	[tilespmem:$0x1D5B0] =	vst @p1 v14  }
0x4c0: {  	[tilespmem:s12], [sflag:$0x3] =	stream.indirect.gather @p1 [hbm4b:s0+s9], $0x80, s10, s9, $0xb8;
	[tilespmem:$0x1EB80] =	vst v63  }
0x4c1: {  	s9 =	simm.s32 @!p2 $0x1  }
0x4c2: {  	_ =	swait.ge @!p2 [sflag:s9], $0x2000  }
0x4c3: {  	s10 =	simm.s32 @!p2 $0x1D480;
	[sflag:s9] =	ssyncset.done @!p2 $0x0  }
0x4c4: {  	s12 =	simm.s32 @!p2 $0x15280;
	[sflag:s9] =	ssyncadd.s32 @!p2 $0xFFFFE000;
	s9 =	simm.s32 @!p2 $0x40  }
0x4c5: {  	[spmem:s3] =	stream.indirect.scatter.add.f32 @!p2 [tilespmem:s12], [sflag:$0x5], $0x80, s10, s9, $0xb8;
	[tilespmem:$0x1EB80] =	vst v63  }
0x4c6: {  	s12 =	simm.s32 @!p2 $0x1D880  }
0x4c7: {  	[spmem:s4] =	stream.indirect.scatter.add.f32 @!p2 [tilespmem:s12], [sflag:$0x9], $0x1, s10, s9, $0xb8;
	[tilespmem:$0x1EB80] =	vst v63  }
0x4c8: {  	p2 =	seq.s32 @!p1 s29, $0x3  }
0x4c9: {  	p3 =	por !p2, p1  }
0x4ca: {  	p4 =	slt.s32 @!p3 s30, $0x4  }
0x4cb: {  	p4 =	por @!p1 p4, !p2  }
0x4cc: {  	p4 =	por p4, p1  }
0x4cd: {  	s9 =	simm.s32 @!p4 $0x8  }
0x4ce: {  	_ =	swait.ge @!p4 [sflag:s9], $0x2000  }
0x4cf: {  	[sflag:s9] =	ssyncset.done @!p4 $0x0  }
0x4d0: {  	[sflag:s9] =	ssyncadd.s32 @!p4 $0xFFFFE000;
	s9 =	simm.s32 @!p4 $0xC  }
0x4d1: {  	_ =	swait.ge @!p4 [sflag:s9], $0x40  }
0x4d2: {  	[sflag:s9] =	ssyncset.done @!p4 $0x0  }
0x4d3: {  	[sflag:s9] =	ssyncadd.s32 @!p4 $0xFFFFFFC0  }
0x4d4: {  	v12 =	vld @!p3 [tilespmem:$0x1D680]  }
0x4d5: {  	v13 =	vld @!p3 [tilespmem:$0x1D700]  }
0x4d6: {  	v14 =	vld @!p3 [tilespmem:$0x1D690]  }
0x4d7: {  	v15 =	vld @!p3 [tilespmem:$0x1D710]  }
0x4d8: {  	v16 =	vld @!p3 [tilespmem:$0x1D6A0]  }
0x4d9: {  	[tilespmem:$0x1D400] =	vst @!p3 v12;
	v12 =	vld @!p3 [tilespmem:$0x1D720]  }
0x4da: {  	[tilespmem:$0x1D600] =	vst @!p3 v13;
	v13 =	vld @!p3 [tilespmem:$0x1D6B0]  }
0x4db: {  	[tilespmem:$0x1D410] =	vst @!p3 v14;
	v14 =	vld @!p3 [tilespmem:$0x1D730]  }
0x4dc: {  	[tilespmem:$0x1D610] =	vst @!p3 v15  }
0x4dd: {  	[tilespmem:$0x1D420] =	vst @!p3 v16  }
0x4de: {  	[tilespmem:$0x1D620] =	vst @!p3 v12  }
0x4df: {  	[tilespmem:$0x1D430] =	vst @!p3 v13  }
0x4e0: {  	s10 =	simm.s32 @!p3 $0x1D400;
	s12 =	simm.s32 @!p3 $0x1B280;
	s9 =	simm.s32 @!p3 $0x40;
	[tilespmem:$0x1D630] =	vst @!p3 v14  }
0x4e1: {  	[tilespmem:s12], [sflag:$0x4] =	stream.indirect.gather @!p3 [hbm4b:s0+s9], $0x80, s10, s9, $0xb8;
	[tilespmem:$0x1EB80] =	vst v63  }
0x4e2: {  	p3 =	slt.s32 @!p3 s30, $0x2  }
0x4e3: {  	p2 =	por @!p1 p3, !p2  }
0x4e4: {  	p1 =	por p2, p1  }
0x4e5: {  	s9 =	simm.s32 @!p1 $0x2  }
0x4e6: {  	_ =	swait.ge @!p1 [sflag:s9], $0x2000  }
0x4e7: {  	s10 =	simm.s32 @!p1 $0x1D500;
	[sflag:s9] =	ssyncset.done @!p1 $0x0  }
0x4e8: {  	s12 =	simm.s32 @!p1 $0x17280;
	[sflag:s9] =	ssyncadd.s32 @!p1 $0xFFFFE000;
	s9 =	simm.s32 @!p1 $0x40  }
0x4e9: {  	[spmem:s3] =	stream.indirect.scatter.add.f32 @!p1 [tilespmem:s12], [sflag:$0x6], $0x80, s10, s9, $0xb8;
	[tilespmem:$0x1EB80] =	vst v63  }
0x4ea: {  	s12 =	simm.s32 @!p1 $0x1D880  }
0x4eb: {  	[spmem:s4] =	stream.indirect.scatter.add.f32 @!p1 [tilespmem:s12], [sflag:$0xA], $0x1, s10, s9, $0xb8;
	[tilespmem:$0x1EB80] =	vst v63  }
.LBB2_40:
0x4ec: {  	v12 =	vld [tilespmem:$0x1D6C0]  }
0x4ed: {  	v13 =	vld [tilespmem:$0x1D740];
	_ =	sdelay $0x3  }
0x4ee: {  	[tilespmem:$0x1D680] =	vst v12  }
0x4ef: {  	[tilespmem:$0x1D700] =	vst v13  }
.LBB2_41:
0x4f0: {  	s17 =	sadd.s32 $0x10, s17  }
0x4f1: {  	p2 =	sne.s32 s17, $0x200  }
.Ltmp30:
0x4f2: {  	_ = 	snop;
	(pc) =	sbr.rel @!p2 .LBB2_42-.Ltmp30, $4  }
0x4f3: {  	_ = 	snop  }
0x4f4: {  	p1 =	sgt.s32 s2, $0x3F;
	s9 =	simm.s32 $0x1  }
0x4f5: {  	s10 =	sadd.s32 $0xFFFFFFC0, s2;
	s9 =	simm.s32 @!p1 $0x0  }
0x4f6: {  	s16 =	sadd.s32 $0x40, s16;
	s2 =	smov.u32 @p1 s10;
	s30 =	sadd.s32 s9, s30  }
.LBB2_36:
0x4f7: {  	s9 =	sand.u32 $0x70, s17;
	s10 =	sand.u32 $0x600, s16  }
0x4f8: {  	s9 =	sor.u32 s9, s10  }
0x4f9: {  	s10 =	sadd.s32 $0x14280, s9  }
0x4fa: {  	v12 =	vld [tilespmem:s10+$0x80];
	_ =	sdelay $0x1  }
0x4fb: {  	v13 =	vld [tilespmem:s10+$0x100];
	_ =	sdelay $0x1  }
0x4fc: {  	s29 =	sadd.s32 s17, s11  }
0x4fd: {  	vm1 =	vmmov vm0;
	p1 =	slt.u32 s29, $0x4E20;
	vm2 =	vge.s32 v12, v0;
	vm3 =	vlt.s32 v12, v1  }
0x4fe: {  	vm1 =	vmneg @p1 vm1;
	vm2 =	vmand vm2, vm3  }
0x4ff: {  	vm1 =	vmand vm1, vm2;
	vm2 =	veq.s32 v13, $0x2  }
0x500: {  	vm1 =	vmand vm2, vm1  }
0x501: {  	v60 =	vmpcnt.ones.xlane vm1;
	_ =	sdelay $0x1  }
0x502: {  	v13 =	vxor.u32 $0x80000000, v60  }
0x503: {  	(xrf0) =	vmax.scan.msk.u32 $0xffff, v13;
	_ =	sdelay $0x5  }
0x504: {  	v13, _, _ =	vpop (xrf0)  }
0x505: {  	(v2sf) =	vpush v13, $0xF;
	_ =	sdelay $0x4  }
0x506: {  	v61 =	vld [tilespmem:s9+$0x14280];
	_ =	sdelay $0x4  }
0x507: {  	v12 =	vsub.s32 v12, v0;
	[tilespmem:s24+$0x0] =	vst.msk vm1, v61  }
0x508: {  	[tilespmem:s25+$0x0] =	vst.msk vm1, v12;
	v62 =	vld [tilespmem:$0x1D780]  }
0x509: {  	v63 =	vld [tilespmem:$0x1D800];
	_ =	sdelay $0x2  }
0x50a: {  	s12 =	spop (v2sf)  }
0x50b: {  	[tilespmem:s2+$0x1D680] =	vst v62;
	s29 =	sadd.s32 s12, s2  }
0x50c: {  	[tilespmem:s2+$0x1D700] =	vst v63;
	s2 =	sadd.s32 $0x80000000, s29  }
0x50d: {  	p1 =	slt.s32 s2, $0x40  }
.Ltmp31:
0x50e: {  	_ = 	snop;
	(pc) =	sbr.rel @p1 .LBB2_41-.Ltmp31, $1  }
0x50f: {  	_ =	sdelay $0x3  }
0x510: {  	s9 =	sshra.s32 s30, $0x1F  }
0x511: {  	s9 =	sshrl.u32 s9, $0x1E  }
0x512: {  	s9 =	sadd.s32 s9, s30  }
0x513: {  	s9 =	sand.u32 $0xFFFFFFFC, s9  }
0x514: {  	s29 =	ssub.s32 s30, s9  }
0x515: {  	p1 =	sgt.s32 s29, $0x1  }
.Ltmp32:
0x516: {  	_ = 	snop;
	(pc) =	sbr.rel @p1 .LBB2_39-.Ltmp32, $1  }
0x517: {  	_ =	sdelay $0x3  }
0x518: {  	p1 =	seq.s32 s29, $0x0  }
0x519: {  	p2 =	slt.s32 @p1 s30, $0x4  }
0x51a: {  	p2 =	por p2, !p1  }
0x51b: {  	s9 =	simm.s32 @!p2 $0x5  }
0x51c: {  	_ =	swait.ge @!p2 [sflag:s9], $0x2000  }
0x51d: {  	[sflag:s9] =	ssyncset.done @!p2 $0x0  }
0x51e: {  	[sflag:s9] =	ssyncadd.s32 @!p2 $0xFFFFE000;
	s9 =	simm.s32 @!p2 $0x9  }
0x51f: {  	_ =	swait.ge @!p2 [sflag:s9], $0x40  }
0x520: {  	[sflag:s9] =	ssyncset.done @!p2 $0x0  }
0x521: {  	[sflag:s9] =	ssyncadd.s32 @!p2 $0xFFFFFFC0  }
0x522: {  	v12 =	vld @p1 [tilespmem:$0x1D680]  }
0x523: {  	v13 =	vld @p1 [tilespmem:$0x1D700]  }
0x524: {  	v14 =	vld @p1 [tilespmem:$0x1D690]  }
0x525: {  	v15 =	vld @p1 [tilespmem:$0x1D710]  }
0x526: {  	v16 =	vld @p1 [tilespmem:$0x1D6A0]  }
0x527: {  	[tilespmem:$0x1D280] =	vst @p1 v12;
	v12 =	vld @p1 [tilespmem:$0x1D720]  }
0x528: {  	[tilespmem:$0x1D480] =	vst @p1 v13;
	v13 =	vld @p1 [tilespmem:$0x1D6B0]  }
0x529: {  	[tilespmem:$0x1D290] =	vst @p1 v14;
	v14 =	vld @p1 [tilespmem:$0x1D730]  }
0x52a: {  	[tilespmem:$0x1D490] =	vst @p1 v15  }
0x52b: {  	[tilespmem:$0x1D2A0] =	vst @p1 v16  }
0x52c: {  	[tilespmem:$0x1D4A0] =	vst @p1 v12  }
0x52d: {  	s10 =	simm.s32 @p1 $0x1D280;
	p2 =	slt.s32 @p1 s30, $0x2;
	[tilespmem:$0x1D2B0] =	vst @p1 v13  }
0x52e: {  	s12 =	simm.s32 @p1 $0x15280;
	s9 =	simm.s32 @p1 $0x40;
	p2 =	por p2, !p1;
	[tilespmem:$0x1D4B0] =	vst @p1 v14  }
0x52f: {  	[tilespmem:s12], [sflag:$0x1] =	stream.indirect.gather @p1 [hbm4b:s0+s9], $0x80, s10, s9, $0xb8;
	[tilespmem:$0x1EB80] =	vst v63  }
0x530: {  	s9 =	simm.s32 @!p2 $0x3  }
0x531: {  	_ =	swait.ge @!p2 [sflag:s9], $0x2000  }
0x532: {  	s10 =	simm.s32 @!p2 $0x1D580;
	[sflag:s9] =	ssyncset.done @!p2 $0x0  }
0x533: {  	s12 =	simm.s32 @!p2 $0x19280;
	[sflag:s9] =	ssyncadd.s32 @!p2 $0xFFFFE000;
	s9 =	simm.s32 @!p2 $0x40  }
0x534: {  	[spmem:s3] =	stream.indirect.scatter.add.f32 @!p2 [tilespmem:s12], [sflag:$0x7], $0x80, s10, s9, $0xb8;
	[tilespmem:$0x1EB80] =	vst v63  }
0x535: {  	s12 =	simm.s32 @!p2 $0x1D880  }
0x536: {  	[spmem:s4] =	stream.indirect.scatter.add.f32 @!p2 [tilespmem:s12], [sflag:$0xB], $0x1, s10, s9, $0xb8;
	[tilespmem:$0x1EB80] =	vst v63  }
0x537: {  	p2 =	seq.s32 @!p1 s29, $0x1  }
0x538: {  	p3 =	por !p2, p1  }
0x539: {  	p4 =	slt.s32 @!p3 s30, $0x4  }
0x53a: {  	p4 =	por @!p1 p4, !p2  }
0x53b: {  	p4 =	por p4, p1  }
0x53c: {  	s9 =	simm.s32 @!p4 $0x6  }
0x53d: {  	_ =	swait.ge @!p4 [sflag:s9], $0x2000  }
0x53e: {  	[sflag:s9] =	ssyncset.done @!p4 $0x0  }
0x53f: {  	[sflag:s9] =	ssyncadd.s32 @!p4 $0xFFFFE000;
	s9 =	simm.s32 @!p4 $0xA  }
0x540: {  	_ =	swait.ge @!p4 [sflag:s9], $0x40  }
0x541: {  	[sflag:s9] =	ssyncset.done @!p4 $0x0  }
0x542: {  	[sflag:s9] =	ssyncadd.s32 @!p4 $0xFFFFFFC0  }
0x543: {  	v12 =	vld @!p3 [tilespmem:$0x1D680]  }
0x544: {  	v13 =	vld @!p3 [tilespmem:$0x1D700]  }
0x545: {  	v14 =	vld @!p3 [tilespmem:$0x1D690]  }
0x546: {  	v15 =	vld @!p3 [tilespmem:$0x1D710]  }
0x547: {  	v16 =	vld @!p3 [tilespmem:$0x1D6A0]  }
0x548: {  	[tilespmem:$0x1D300] =	vst @!p3 v12;
	v12 =	vld @!p3 [tilespmem:$0x1D720]  }
0x549: {  	[tilespmem:$0x1D500] =	vst @!p3 v13;
	v13 =	vld @!p3 [tilespmem:$0x1D6B0]  }
0x54a: {  	[tilespmem:$0x1D310] =	vst @!p3 v14;
	v14 =	vld @!p3 [tilespmem:$0x1D730]  }
0x54b: {  	[tilespmem:$0x1D510] =	vst @!p3 v15  }
0x54c: {  	[tilespmem:$0x1D320] =	vst @!p3 v16  }
0x54d: {  	[tilespmem:$0x1D520] =	vst @!p3 v12  }
0x54e: {  	[tilespmem:$0x1D330] =	vst @!p3 v13  }
0x54f: {  	s10 =	simm.s32 @!p3 $0x1D300;
	s12 =	simm.s32 @!p3 $0x17280;
	s9 =	simm.s32 @!p3 $0x40;
	[tilespmem:$0x1D530] =	vst @!p3 v14  }
0x550: {  	[tilespmem:s12], [sflag:$0x2] =	stream.indirect.gather @!p3 [hbm4b:s0+s9], $0x80, s10, s9, $0xb8;
	[tilespmem:$0x1EB80] =	vst v63  }
0x551: {  	p3 =	slt.s32 @!p3 s30, $0x2  }
0x552: {  	p2 =	por @!p1 p3, !p2  }
0x553: {  	p1 =	por p2, p1  }
0x554: {  	s9 =	simm.s32 @!p1 $0x4  }
0x555: {  	_ =	swait.ge @!p1 [sflag:s9], $0x2000  }
.Ltmp33:
0x556: {  	s10 =	simm.s32 @!p1 $0x1D600;
	[sflag:s9] =	ssyncset.done @!p1 $0x0;
	(pc) =	sbr.rel .LBB2_40-.Ltmp33, $4  }
0x557: {  	s12 =	simm.s32 @!p1 $0x1B280;
	[sflag:s9] =	ssyncadd.s32 @!p1 $0xFFFFE000;
	s9 =	simm.s32 @!p1 $0x40  }
0x558: {  	[spmem:s3] =	stream.indirect.scatter.add.f32 @!p1 [tilespmem:s12], [sflag:$0x8], $0x80, s10, s9, $0xb8;
	[tilespmem:$0x1EB80] =	vst v63  }
0x559: {  	s12 =	simm.s32 @!p1 $0x1D880  }
0x55a: {  	[spmem:s4] =	stream.indirect.scatter.add.f32 @!p1 [tilespmem:s12], [sflag:$0xC], $0x1, s10, s9, $0xb8;
	[tilespmem:$0x1EB80] =	vst v63  }
.LBB2_42:
.Ltmp34:
0x55b: {  	(pc) =	sbr.rel .LBB2_43-.Ltmp34, $4  }
0x55c: {  	_ =	swait.ge [sflag:s26], $0x800;
	s9 =	sadd.s32 s15, s28  }
0x55d: {  	s15 =	simm.s32 $0x0;
	[sflag:s26] =	ssyncset.done $0x0;
	s9 =	sshrl.u32 s9, $0x3  }
0x55e: {  	s16 =	simm.s32 $0x0;
	[sflag:s26] =	ssyncadd.s32 $0xFFFFF800;
	s9 =	sadd.s32 s6, s9  }
0x55f: {  	[tilespmem:s21], [sflag:$0xD] =	stream.linear.gather [hbm4b:s9+s15], $0x800, $0x38;
	[tilespmem:$0x1EB80] =	vst v63  }
.LBB2_46:
0x560: {  	p1 =	seq.s32 s17, $0x2  }
0x561: {  	p2 =	slt.s32 @p1 s30, $0x4  }
0x562: {  	p2 =	por p2, !p1  }
0x563: {  	s9 =	simm.s32 @!p2 $0x7  }
0x564: {  	_ =	swait.ge @!p2 [sflag:s9], $0x2000  }
0x565: {  	[sflag:s9] =	ssyncset.done @!p2 $0x0  }
0x566: {  	[sflag:s9] =	ssyncadd.s32 @!p2 $0xFFFFE000;
	s9 =	simm.s32 @!p2 $0xB  }
0x567: {  	_ =	swait.ge @!p2 [sflag:s9], $0x40  }
0x568: {  	[sflag:s9] =	ssyncset.done @!p2 $0x0  }
0x569: {  	[sflag:s9] =	ssyncadd.s32 @!p2 $0xFFFFFFC0  }
0x56a: {  	v12 =	vld @p1 [tilespmem:$0x1D680]  }
0x56b: {  	v13 =	vld @p1 [tilespmem:$0x1D700]  }
0x56c: {  	v14 =	vld @p1 [tilespmem:$0x1D690]  }
0x56d: {  	v15 =	vld @p1 [tilespmem:$0x1D710]  }
0x56e: {  	v16 =	vld @p1 [tilespmem:$0x1D6A0]  }
0x56f: {  	[tilespmem:$0x1D380] =	vst @p1 v12;
	v12 =	vld @p1 [tilespmem:$0x1D720]  }
0x570: {  	[tilespmem:$0x1D580] =	vst @p1 v13;
	v13 =	vld @p1 [tilespmem:$0x1D6B0]  }
0x571: {  	[tilespmem:$0x1D390] =	vst @p1 v14;
	v14 =	vld @p1 [tilespmem:$0x1D730]  }
0x572: {  	[tilespmem:$0x1D590] =	vst @p1 v15  }
0x573: {  	[tilespmem:$0x1D3A0] =	vst @p1 v16  }
0x574: {  	[tilespmem:$0x1D5A0] =	vst @p1 v12  }
0x575: {  	s10 =	simm.s32 @p1 $0x1D380;
	p2 =	slt.s32 @p1 s30, $0x2;
	[tilespmem:$0x1D3B0] =	vst @p1 v13  }
0x576: {  	s12 =	simm.s32 @p1 $0x19280;
	s9 =	simm.s32 @p1 $0x40;
	p2 =	por p2, !p1;
	[tilespmem:$0x1D5B0] =	vst @p1 v14  }
0x577: {  	[tilespmem:s12], [sflag:$0x3] =	stream.indirect.gather @p1 [hbm4b:s0+s9], $0x80, s10, s9, $0xb8;
	[tilespmem:$0x1EB80] =	vst v63  }
0x578: {  	s9 =	simm.s32 @!p2 $0x1  }
0x579: {  	_ =	swait.ge @!p2 [sflag:s9], $0x2000  }
0x57a: {  	s10 =	simm.s32 @!p2 $0x1D480;
	[sflag:s9] =	ssyncset.done @!p2 $0x0  }
0x57b: {  	s12 =	simm.s32 @!p2 $0x15280;
	[sflag:s9] =	ssyncadd.s32 @!p2 $0xFFFFE000;
	s9 =	simm.s32 @!p2 $0x40  }
0x57c: {  	[spmem:s3] =	stream.indirect.scatter.add.f32 @!p2 [tilespmem:s12], [sflag:$0x5], $0x80, s10, s9, $0xb8;
	[tilespmem:$0x1EB80] =	vst v63  }
0x57d: {  	s12 =	simm.s32 @!p2 $0x1D880  }
0x57e: {  	[spmem:s4] =	stream.indirect.scatter.add.f32 @!p2 [tilespmem:s12], [sflag:$0x9], $0x1, s10, s9, $0xb8;
	[tilespmem:$0x1EB80] =	vst v63  }
0x57f: {  	p2 =	seq.s32 @!p1 s17, $0x3  }
0x580: {  	p3 =	por !p2, p1  }
0x581: {  	p4 =	slt.s32 @!p3 s30, $0x4  }
0x582: {  	p4 =	por @!p1 p4, !p2  }
0x583: {  	p4 =	por p4, p1  }
0x584: {  	s9 =	simm.s32 @!p4 $0x8  }
0x585: {  	_ =	swait.ge @!p4 [sflag:s9], $0x2000  }
0x586: {  	[sflag:s9] =	ssyncset.done @!p4 $0x0  }
0x587: {  	[sflag:s9] =	ssyncadd.s32 @!p4 $0xFFFFE000;
	s9 =	simm.s32 @!p4 $0xC  }
0x588: {  	_ =	swait.ge @!p4 [sflag:s9], $0x40  }
0x589: {  	[sflag:s9] =	ssyncset.done @!p4 $0x0  }
0x58a: {  	[sflag:s9] =	ssyncadd.s32 @!p4 $0xFFFFFFC0  }
0x58b: {  	v12 =	vld @!p3 [tilespmem:$0x1D680]  }
0x58c: {  	v13 =	vld @!p3 [tilespmem:$0x1D700]  }
0x58d: {  	v14 =	vld @!p3 [tilespmem:$0x1D690]  }
0x58e: {  	v15 =	vld @!p3 [tilespmem:$0x1D710]  }
0x58f: {  	v16 =	vld @!p3 [tilespmem:$0x1D6A0]  }
0x590: {  	[tilespmem:$0x1D400] =	vst @!p3 v12;
	v12 =	vld @!p3 [tilespmem:$0x1D720]  }
0x591: {  	[tilespmem:$0x1D600] =	vst @!p3 v13;
	v13 =	vld @!p3 [tilespmem:$0x1D6B0]  }
0x592: {  	[tilespmem:$0x1D410] =	vst @!p3 v14;
	v14 =	vld @!p3 [tilespmem:$0x1D730]  }
0x593: {  	[tilespmem:$0x1D610] =	vst @!p3 v15  }
0x594: {  	[tilespmem:$0x1D420] =	vst @!p3 v16  }
0x595: {  	[tilespmem:$0x1D620] =	vst @!p3 v12  }
0x596: {  	[tilespmem:$0x1D430] =	vst @!p3 v13  }
0x597: {  	s10 =	simm.s32 @!p3 $0x1D400;
	s12 =	simm.s32 @!p3 $0x1B280;
	s9 =	simm.s32 @!p3 $0x40;
	[tilespmem:$0x1D630] =	vst @!p3 v14  }
0x598: {  	[tilespmem:s12], [sflag:$0x4] =	stream.indirect.gather @!p3 [hbm4b:s0+s9], $0x80, s10, s9, $0xb8;
	[tilespmem:$0x1EB80] =	vst v63  }
0x599: {  	p3 =	slt.s32 @!p3 s30, $0x2  }
0x59a: {  	p2 =	por @!p1 p3, !p2  }
0x59b: {  	p1 =	por p2, p1  }
0x59c: {  	s9 =	simm.s32 @!p1 $0x2  }
0x59d: {  	_ =	swait.ge @!p1 [sflag:s9], $0x2000  }
0x59e: {  	s10 =	simm.s32 @!p1 $0x1D500;
	[sflag:s9] =	ssyncset.done @!p1 $0x0  }
0x59f: {  	s12 =	simm.s32 @!p1 $0x17280;
	[sflag:s9] =	ssyncadd.s32 @!p1 $0xFFFFE000;
	s9 =	simm.s32 @!p1 $0x40  }
0x5a0: {  	[spmem:s3] =	stream.indirect.scatter.add.f32 @!p1 [tilespmem:s12], [sflag:$0x6], $0x80, s10, s9, $0xb8;
	[tilespmem:$0x1EB80] =	vst v63  }
0x5a1: {  	s12 =	simm.s32 @!p1 $0x1D880  }
0x5a2: {  	[spmem:s4] =	stream.indirect.scatter.add.f32 @!p1 [tilespmem:s12], [sflag:$0xA], $0x1, s10, s9, $0xb8;
	[tilespmem:$0x1EB80] =	vst v63  }
.LBB2_47:
0x5a3: {  	v12 =	vld [tilespmem:$0x1D6C0]  }
0x5a4: {  	v13 =	vld [tilespmem:$0x1D740];
	_ =	sdelay $0x3  }
0x5a5: {  	[tilespmem:$0x1D680] =	vst v12  }
0x5a6: {  	[tilespmem:$0x1D700] =	vst v13  }
.LBB2_48:
0x5a7: {  	s16 =	sadd.s32 $0x10, s16  }
0x5a8: {  	p2 =	sne.s32 s16, $0x200  }
.Ltmp35:
0x5a9: {  	_ = 	snop;
	(pc) =	sbr.rel @!p2 .LBB2_49-.Ltmp35, $4  }
0x5aa: {  	_ = 	snop  }
0x5ab: {  	p1 =	sgt.s32 s2, $0x3F;
	s9 =	simm.s32 $0x1  }
0x5ac: {  	s10 =	sadd.s32 $0xFFFFFFC0, s2;
	s9 =	simm.s32 @!p1 $0x0  }
0x5ad: {  	s15 =	sadd.s32 $0x40, s15;
	s2 =	smov.u32 @p1 s10;
	s30 =	sadd.s32 s9, s30  }
.LBB2_43:
0x5ae: {  	s9 =	sand.u32 $0x70, s16;
	s10 =	sand.u32 $0x600, s15  }
0x5af: {  	s9 =	sor.u32 s9, s10  }
0x5b0: {  	s10 =	sadd.s32 $0x14A80, s9  }
0x5b1: {  	v12 =	vld [tilespmem:s10+$0x80];
	_ =	sdelay $0x1  }
0x5b2: {  	v13 =	vld [tilespmem:s10+$0x100];
	_ =	sdelay $0x1  }
0x5b3: {  	s12 =	sadd.s32 s16, s1  }
0x5b4: {  	vm1 =	vmmov vm0;
	p1 =	slt.u32 s12, $0x4E20;
	vm2 =	vge.s32 v12, v0;
	vm3 =	vlt.s32 v12, v1  }
0x5b5: {  	vm1 =	vmneg @p1 vm1;
	vm2 =	vmand vm2, vm3  }
0x5b6: {  	vm1 =	vmand vm1, vm2;
	vm2 =	veq.s32 v13, $0x2  }
0x5b7: {  	vm1 =	vmand vm2, vm1  }
0x5b8: {  	v60 =	vmpcnt.ones.xlane vm1;
	_ =	sdelay $0x1  }
0x5b9: {  	v13 =	vxor.u32 $0x80000000, v60  }
0x5ba: {  	(xrf0) =	vmax.scan.msk.u32 $0xffff, v13;
	_ =	sdelay $0x5  }
0x5bb: {  	v13, _, _ =	vpop (xrf0)  }
0x5bc: {  	(v2sf) =	vpush v13, $0xF;
	_ =	sdelay $0x4  }
0x5bd: {  	v61 =	vld [tilespmem:s9+$0x14A80];
	_ =	sdelay $0x4  }
0x5be: {  	v12 =	vsub.s32 v12, v0;
	[tilespmem:s24+$0x0] =	vst.msk vm1, v61  }
0x5bf: {  	[tilespmem:s25+$0x0] =	vst.msk vm1, v12;
	v62 =	vld [tilespmem:$0x1D780]  }
0x5c0: {  	v63 =	vld [tilespmem:$0x1D800];
	_ =	sdelay $0x2  }
0x5c1: {  	s17 =	spop (v2sf)  }
0x5c2: {  	[tilespmem:s2+$0x1D680] =	vst v62;
	s29 =	sadd.s32 s17, s2  }
0x5c3: {  	[tilespmem:s2+$0x1D700] =	vst v63;
	s2 =	sadd.s32 $0x80000000, s29  }
0x5c4: {  	p1 =	slt.s32 s2, $0x40  }
.Ltmp36:
0x5c5: {  	_ = 	snop;
	(pc) =	sbr.rel @p1 .LBB2_48-.Ltmp36, $1  }
0x5c6: {  	_ =	sdelay $0x3  }
0x5c7: {  	s9 =	sshra.s32 s30, $0x1F  }
0x5c8: {  	s9 =	sshrl.u32 s9, $0x1E  }
0x5c9: {  	s9 =	sadd.s32 s9, s30  }
0x5ca: {  	s9 =	sand.u32 $0xFFFFFFFC, s9  }
0x5cb: {  	s17 =	ssub.s32 s30, s9  }
0x5cc: {  	p1 =	sgt.s32 s17, $0x1  }
.Ltmp37:
0x5cd: {  	_ = 	snop;
	(pc) =	sbr.rel @p1 .LBB2_46-.Ltmp37, $1  }
0x5ce: {  	_ =	sdelay $0x3  }
0x5cf: {  	p1 =	seq.s32 s17, $0x0  }
0x5d0: {  	p2 =	slt.s32 @p1 s30, $0x4  }
0x5d1: {  	p2 =	por p2, !p1  }
0x5d2: {  	s9 =	simm.s32 @!p2 $0x5  }
0x5d3: {  	_ =	swait.ge @!p2 [sflag:s9], $0x2000  }
0x5d4: {  	[sflag:s9] =	ssyncset.done @!p2 $0x0  }
0x5d5: {  	[sflag:s9] =	ssyncadd.s32 @!p2 $0xFFFFE000;
	s9 =	simm.s32 @!p2 $0x9  }
0x5d6: {  	_ =	swait.ge @!p2 [sflag:s9], $0x40  }
0x5d7: {  	[sflag:s9] =	ssyncset.done @!p2 $0x0  }
0x5d8: {  	[sflag:s9] =	ssyncadd.s32 @!p2 $0xFFFFFFC0  }
0x5d9: {  	v12 =	vld @p1 [tilespmem:$0x1D680]  }
0x5da: {  	v13 =	vld @p1 [tilespmem:$0x1D700]  }
0x5db: {  	v14 =	vld @p1 [tilespmem:$0x1D690]  }
0x5dc: {  	v15 =	vld @p1 [tilespmem:$0x1D710]  }
0x5dd: {  	v16 =	vld @p1 [tilespmem:$0x1D6A0]  }
0x5de: {  	[tilespmem:$0x1D280] =	vst @p1 v12;
	v12 =	vld @p1 [tilespmem:$0x1D720]  }
0x5df: {  	[tilespmem:$0x1D480] =	vst @p1 v13;
	v13 =	vld @p1 [tilespmem:$0x1D6B0]  }
0x5e0: {  	[tilespmem:$0x1D290] =	vst @p1 v14;
	v14 =	vld @p1 [tilespmem:$0x1D730]  }
0x5e1: {  	[tilespmem:$0x1D490] =	vst @p1 v15  }
0x5e2: {  	[tilespmem:$0x1D2A0] =	vst @p1 v16  }
0x5e3: {  	[tilespmem:$0x1D4A0] =	vst @p1 v12  }
0x5e4: {  	s10 =	simm.s32 @p1 $0x1D280;
	p2 =	slt.s32 @p1 s30, $0x2;
	[tilespmem:$0x1D2B0] =	vst @p1 v13  }
0x5e5: {  	s12 =	simm.s32 @p1 $0x15280;
	s9 =	simm.s32 @p1 $0x40;
	p2 =	por p2, !p1;
	[tilespmem:$0x1D4B0] =	vst @p1 v14  }
0x5e6: {  	[tilespmem:s12], [sflag:$0x1] =	stream.indirect.gather @p1 [hbm4b:s0+s9], $0x80, s10, s9, $0xb8;
	[tilespmem:$0x1EB80] =	vst v63  }
0x5e7: {  	s9 =	simm.s32 @!p2 $0x3  }
0x5e8: {  	_ =	swait.ge @!p2 [sflag:s9], $0x2000  }
0x5e9: {  	s10 =	simm.s32 @!p2 $0x1D580;
	[sflag:s9] =	ssyncset.done @!p2 $0x0  }
0x5ea: {  	s12 =	simm.s32 @!p2 $0x19280;
	[sflag:s9] =	ssyncadd.s32 @!p2 $0xFFFFE000;
	s9 =	simm.s32 @!p2 $0x40  }
0x5eb: {  	[spmem:s3] =	stream.indirect.scatter.add.f32 @!p2 [tilespmem:s12], [sflag:$0x7], $0x80, s10, s9, $0xb8;
	[tilespmem:$0x1EB80] =	vst v63  }
0x5ec: {  	s12 =	simm.s32 @!p2 $0x1D880  }
0x5ed: {  	[spmem:s4] =	stream.indirect.scatter.add.f32 @!p2 [tilespmem:s12], [sflag:$0xB], $0x1, s10, s9, $0xb8;
	[tilespmem:$0x1EB80] =	vst v63  }
0x5ee: {  	p2 =	seq.s32 @!p1 s17, $0x1  }
0x5ef: {  	p3 =	por !p2, p1  }
0x5f0: {  	p4 =	slt.s32 @!p3 s30, $0x4  }
0x5f1: {  	p4 =	por @!p1 p4, !p2  }
0x5f2: {  	p4 =	por p4, p1  }
0x5f3: {  	s9 =	simm.s32 @!p4 $0x6  }
0x5f4: {  	_ =	swait.ge @!p4 [sflag:s9], $0x2000  }
0x5f5: {  	[sflag:s9] =	ssyncset.done @!p4 $0x0  }
0x5f6: {  	[sflag:s9] =	ssyncadd.s32 @!p4 $0xFFFFE000;
	s9 =	simm.s32 @!p4 $0xA  }
0x5f7: {  	_ =	swait.ge @!p4 [sflag:s9], $0x40  }
0x5f8: {  	[sflag:s9] =	ssyncset.done @!p4 $0x0  }
0x5f9: {  	[sflag:s9] =	ssyncadd.s32 @!p4 $0xFFFFFFC0  }
0x5fa: {  	v12 =	vld @!p3 [tilespmem:$0x1D680]  }
0x5fb: {  	v13 =	vld @!p3 [tilespmem:$0x1D700]  }
0x5fc: {  	v14 =	vld @!p3 [tilespmem:$0x1D690]  }
0x5fd: {  	v15 =	vld @!p3 [tilespmem:$0x1D710]  }
0x5fe: {  	v16 =	vld @!p3 [tilespmem:$0x1D6A0]  }
0x5ff: {  	[tilespmem:$0x1D300] =	vst @!p3 v12;
	v12 =	vld @!p3 [tilespmem:$0x1D720]  }
0x600: {  	[tilespmem:$0x1D500] =	vst @!p3 v13;
	v13 =	vld @!p3 [tilespmem:$0x1D6B0]  }
0x601: {  	[tilespmem:$0x1D310] =	vst @!p3 v14;
	v14 =	vld @!p3 [tilespmem:$0x1D730]  }
0x602: {  	[tilespmem:$0x1D510] =	vst @!p3 v15  }
0x603: {  	[tilespmem:$0x1D320] =	vst @!p3 v16  }
0x604: {  	[tilespmem:$0x1D520] =	vst @!p3 v12  }
0x605: {  	[tilespmem:$0x1D330] =	vst @!p3 v13  }
0x606: {  	s10 =	simm.s32 @!p3 $0x1D300;
	s12 =	simm.s32 @!p3 $0x17280;
	s9 =	simm.s32 @!p3 $0x40;
	[tilespmem:$0x1D530] =	vst @!p3 v14  }
0x607: {  	[tilespmem:s12], [sflag:$0x2] =	stream.indirect.gather @!p3 [hbm4b:s0+s9], $0x80, s10, s9, $0xb8;
	[tilespmem:$0x1EB80] =	vst v63  }
0x608: {  	p3 =	slt.s32 @!p3 s30, $0x2  }
0x609: {  	p2 =	por @!p1 p3, !p2  }
0x60a: {  	p1 =	por p2, p1  }
0x60b: {  	s9 =	simm.s32 @!p1 $0x4  }
0x60c: {  	_ =	swait.ge @!p1 [sflag:s9], $0x2000  }
.Ltmp38:
0x60d: {  	s10 =	simm.s32 @!p1 $0x1D600;
	[sflag:s9] =	ssyncset.done @!p1 $0x0;
	(pc) =	sbr.rel .LBB2_47-.Ltmp38, $4  }
0x60e: {  	s12 =	simm.s32 @!p1 $0x1B280;
	[sflag:s9] =	ssyncadd.s32 @!p1 $0xFFFFE000;
	s9 =	simm.s32 @!p1 $0x40  }
0x60f: {  	[spmem:s3] =	stream.indirect.scatter.add.f32 @!p1 [tilespmem:s12], [sflag:$0x8], $0x80, s10, s9, $0xb8;
	[tilespmem:$0x1EB80] =	vst v63  }
0x610: {  	s12 =	simm.s32 @!p1 $0x1D880  }
0x611: {  	[spmem:s4] =	stream.indirect.scatter.add.f32 @!p1 [tilespmem:s12], [sflag:$0xC], $0x1, s10, s9, $0xb8;
	[tilespmem:$0x1EB80] =	vst v63  }
.LBB2_50:
0x612: {  	v12 =	vld [tilespmem:$0x1D680]  }
0x613: {  	v13 =	vld [tilespmem:$0x1D700]  }
0x614: {  	v15 =	vld [tilespmem:$0x1D690]  }
0x615: {  	v16 =	vmov s2;
	v18 =	vld [tilespmem:$0x1D710];
	s1 =	sshra.s32 s30, $0x1F  }
0x616: {  	v20 =	vld [tilespmem:$0x1D6A0];
	vm1 =	vgt.s32 v16, v3;
	s1 =	sshrl.u32 s1, $0x1E  }
0x617: {  	s1 =	sadd.s32 s1, s30;
	v19 =	vnsel vm1, $0x0, v12;
	v12 =	vld [tilespmem:$0x1D720]  }
0x618: {  	v21 =	vld [tilespmem:$0x1D6B0];
	s1 =	sand.u32 $0xFFFFFFFC, s1;
	v14 =	vsel vm1, v13, v5;
	vm1 =	vgt.s32 v16, v6;
	[tilespmem:$0x1D680] =	vst v19  }
0x619: {  	v22 =	vld [tilespmem:$0x1D730];
	s1 =	ssub.s32 s30, s1;
	[tilespmem:$0x1D700] =	vst v14;
	v17 =	vnsel vm1, $0x0, v15  }
0x61a: {  	p1 =	sgt.s32 s1, $0x1;
	v15 =	vsel vm1, v18, v7;
	vm1 =	vgt.s32 v16, v8;
	[tilespmem:$0x1D690] =	vst v17  }
.Ltmp39:
0x61b: {  	[tilespmem:$0x1D710] =	vst v15;
	v18 =	vnsel vm1, $0x0, v20;
	(pc) =	sbr.rel @p1 .LBB2_53-.Ltmp39, $4  }
0x61c: {  	[tilespmem:$0x1D6A0] =	vst v18;
	v13 =	vsel vm1, v12, v9;
	vm1 =	vgt.s32 v16, v10  }
0x61d: {  	[tilespmem:$0x1D720] =	vst v13;
	v16 =	vnsel vm1, $0x0, v21  }
0x61e: {  	v12 =	vsel vm1, v22, v11;
	[tilespmem:$0x1D6B0] =	vst v16  }
0x61f: {  	[tilespmem:$0x1D730] =	vst v12  }
0x620: {  	p1 =	seq.s32 s1, $0x0  }
.Ltmp40:
0x621: {  	_ = 	snop;
	(pc) =	sbr.rel @p1 .LBB2_55-.Ltmp40, $1  }
0x622: {  	_ =	sdelay $0x3  }
0x623: {  	p2 =	seq.s32 s1, $0x1  }
0x624: {  	p1 =	slt.s32 @p2 s30, $0x4  }
0x625: {  	p1 =	por p1, !p2  }
0x626: {  	s2 =	simm.s32 @!p1 $0x6  }
0x627: {  	_ =	swait.ge @!p1 [sflag:s2], $0x2000  }
0x628: {  	[sflag:s2] =	ssyncset.done @!p1 $0x0  }
0x629: {  	[sflag:s2] =	ssyncadd.s32 @!p1 $0xFFFFE000;
	s2 =	simm.s32 @!p1 $0xA  }
0x62a: {  	_ =	swait.ge @!p1 [sflag:s2], $0x40  }
0x62b: {  	[sflag:s2] =	ssyncset.done @!p1 $0x0  }
0x62c: {  	[sflag:s2] =	ssyncadd.s32 @!p1 $0xFFFFFFC0  }
0x62d: {  	[tilespmem:$0x1D300] =	vst @p2 v19  }
0x62e: {  	[tilespmem:$0x1D500] =	vst @p2 v14  }
0x62f: {  	[tilespmem:$0x1D310] =	vst @p2 v17  }
0x630: {  	[tilespmem:$0x1D510] =	vst @p2 v15  }
0x631: {  	[tilespmem:$0x1D320] =	vst @p2 v18  }
0x632: {  	[tilespmem:$0x1D520] =	vst @p2 v13  }
0x633: {  	s9 =	simm.s32 @p2 $0x1D300;
	p3 =	slt.s32 @p2 s30, $0x2;
	[tilespmem:$0x1D330] =	vst @p2 v16  }
0x634: {  	s10 =	simm.s32 @p2 $0x17280;
	s2 =	simm.s32 @p2 $0x40;
	p1 =	por p3, !p2;
	[tilespmem:$0x1D530] =	vst @p2 v12  }
0x635: {  	[tilespmem:s10], [sflag:$0x2] =	stream.indirect.gather @p2 [hbm4b:s0+s2], $0x80, s9, s2, $0xb8;
	[tilespmem:$0x1EB80] =	vst v63  }
0x636: {  	s2 =	simm.s32 @!p1 $0x4  }
0x637: {  	p5 =	por @p2 $0x0, $0x0;
	_ =	swait.ge @!p1 [sflag:s2], $0x2000  }
0x638: {  	p6 =	por @p2 $0x1, $0x1;
	s9 =	simm.s32 @!p1 $0x1D600;
	[sflag:s2] =	ssyncset.done @!p1 $0x0  }
0x639: {  	s10 =	simm.s32 @!p1 $0x1B280;
	[sflag:s2] =	ssyncadd.s32 @!p1 $0xFFFFE000;
	s2 =	simm.s32 @!p1 $0x40  }
0x63a: {  	[spmem:s3] =	stream.indirect.scatter.add.f32 @!p1 [tilespmem:s10], [sflag:$0x8], $0x80, s9, s2, $0xb8;
	[tilespmem:$0x1EB80] =	vst v63  }
.Ltmp41:
0x63b: {  	p3 =	por !p3, !p2;
	p4 =	por @!p1 $0x0, $0x0;
	(pc) =	sbr.rel .LBB2_57-.Ltmp41, $4  }
0x63c: {  	p4 =	por @!p3 p5, p5;
	p5 =	por @!p1 $0x1, $0x1;
	s10 =	simm.s32 @!p1 $0x1D880  }
0x63d: {  	[spmem:s4] =	stream.indirect.scatter.add.f32 @!p1 [tilespmem:s10], [sflag:$0xC], $0x1, s9, s2, $0xb8;
	[tilespmem:$0x1EB80] =	vst v63  }
0x63e: {  	p5 =	por @!p3 p6, p6;
	p1 =	por p4, p4  }
0x63f: {  	p5 =	por @!p2 p0, p0;
	p4 =	por @!p2 p0, p0;
	p1 =	por @!p2 p0, p0  }
.LBB2_53:
0x640: {  	p1 =	seq.s32 s1, $0x2  }
.Ltmp42:
0x641: {  	_ = 	snop;
	(pc) =	sbr.rel @p1 .LBB2_56-.Ltmp42, $1  }
0x642: {  	_ =	sdelay $0x3  }
0x643: {  	p2 =	seq.s32 s1, $0x3  }
0x644: {  	p1 =	slt.s32 @p2 s30, $0x4  }
0x645: {  	p1 =	por p1, !p2  }
0x646: {  	s2 =	simm.s32 @!p1 $0x8  }
0x647: {  	_ =	swait.ge @!p1 [sflag:s2], $0x2000  }
0x648: {  	[sflag:s2] =	ssyncset.done @!p1 $0x0  }
0x649: {  	[sflag:s2] =	ssyncadd.s32 @!p1 $0xFFFFE000;
	s2 =	simm.s32 @!p1 $0xC  }
0x64a: {  	_ =	swait.ge @!p1 [sflag:s2], $0x40  }
0x64b: {  	[sflag:s2] =	ssyncset.done @!p1 $0x0  }
0x64c: {  	[sflag:s2] =	ssyncadd.s32 @!p1 $0xFFFFFFC0  }
0x64d: {  	[tilespmem:$0x1D400] =	vst @p2 v19  }
0x64e: {  	[tilespmem:$0x1D600] =	vst @p2 v14  }
0x64f: {  	[tilespmem:$0x1D410] =	vst @p2 v17  }
0x650: {  	[tilespmem:$0x1D610] =	vst @p2 v15  }
0x651: {  	[tilespmem:$0x1D420] =	vst @p2 v18  }
0x652: {  	[tilespmem:$0x1D620] =	vst @p2 v13  }
0x653: {  	s9 =	simm.s32 @p2 $0x1D400;
	p3 =	slt.s32 @p2 s30, $0x2;
	[tilespmem:$0x1D430] =	vst @p2 v16  }
0x654: {  	s10 =	simm.s32 @p2 $0x1B280;
	s2 =	simm.s32 @p2 $0x40;
	p1 =	por p3, !p2;
	[tilespmem:$0x1D630] =	vst @p2 v12  }
0x655: {  	[tilespmem:s10], [sflag:$0x4] =	stream.indirect.gather @p2 [hbm4b:s0+s2], $0x80, s9, s2, $0xb8;
	[tilespmem:$0x1EB80] =	vst v63  }
0x656: {  	s2 =	simm.s32 @!p1 $0x2  }
0x657: {  	p5 =	por @p2 $0x0, $0x0;
	_ =	swait.ge @!p1 [sflag:s2], $0x2000  }
0x658: {  	p3 =	por !p3, !p2;
	s9 =	simm.s32 @!p1 $0x1D500;
	[sflag:s2] =	ssyncset.done @!p1 $0x0  }
0x659: {  	s10 =	simm.s32 @!p1 $0x17280;
	[sflag:s2] =	ssyncadd.s32 @!p1 $0xFFFFE000;
	s2 =	simm.s32 @!p1 $0x40  }
0x65a: {  	[spmem:s3] =	stream.indirect.scatter.add.f32 @!p1 [tilespmem:s10], [sflag:$0x6], $0x80, s9, s2, $0xb8;
	[tilespmem:$0x1EB80] =	vst v63  }
.Ltmp43:
0x65b: {  	p4 =	por @!p1 $0x0, $0x0;
	s10 =	simm.s32 @!p1 $0x1D880;
	(pc) =	sbr.rel .LBB2_57-.Ltmp43, $4  }
0x65c: {  	[spmem:s4] =	stream.indirect.scatter.add.f32 @!p1 [tilespmem:s10], [sflag:$0xA], $0x1, s9, s2, $0xb8;
	[tilespmem:$0x1EB80] =	vst v63  }
0x65d: {  	p6 =	por @p2 $0x1, $0x1;
	p4 =	por @!p3 p5, p5;
	p1 =	por @!p1 $0x1, $0x1  }
0x65e: {  	p5 =	por p4, p4;
	p1 =	por @!p3 p6, p6  }
0x65f: {  	p4 =	por @!p2 p0, p0;
	p5 =	por @!p2 p0, p0;
	p1 =	por @!p2 p0, p0  }
.LBB2_28:
.Ltmp44:
0x660: {  	(pc) =	sbr.rel @p3 .LBB2_30-.Ltmp44, $4  }
.Ltmp45:
0x661: {  	(pc) =	sbr.rel @!p3 .LBB2_29-.Ltmp45, $4  }
0x662: {  	_ = 	snop  }
0x663: {  	_ = 	snop  }
0x664: {  	_ = 	snop  }
0x665: {  	_ = 	snop  }
.LBB2_55:
0x666: {  	p1 =	slt.s32 s30, $0x4  }
0x667: {  	s2 =	simm.s32 @!p1 $0x5  }
0x668: {  	_ =	swait.ge @!p1 [sflag:s2], $0x2000  }
0x669: {  	[sflag:s2] =	ssyncset.done @!p1 $0x0  }
0x66a: {  	[sflag:s2] =	ssyncadd.s32 @!p1 $0xFFFFE000;
	s2 =	simm.s32 @!p1 $0x9  }
0x66b: {  	_ =	swait.ge @!p1 [sflag:s2], $0x40  }
0x66c: {  	[sflag:s2] =	ssyncset.done @!p1 $0x0  }
0x66d: {  	[sflag:s2] =	ssyncadd.s32 @!p1 $0xFFFFFFC0  }
0x66e: {  	[tilespmem:$0x1D280] =	vst v19  }
0x66f: {  	[tilespmem:$0x1D480] =	vst v14  }
0x670: {  	[tilespmem:$0x1D290] =	vst v17  }
0x671: {  	[tilespmem:$0x1D490] =	vst v15  }
0x672: {  	[tilespmem:$0x1D2A0] =	vst v18  }
0x673: {  	s31 =	simm.s32 $0x40;
	s9 =	simm.s32 $0x1D280;
	[tilespmem:$0x1D4A0] =	vst v13  }
0x674: {  	s10 =	simm.s32 $0x15280;
	p2 =	slt.s32 s30, $0x2;
	p5 =	por $0x0, $0x0;
	[tilespmem:$0x1D2B0] =	vst v16  }
0x675: {  	p4 =	por $0x0, $0x0;
	p3 =	por @!p2 $0x0, $0x0;
	s2 =	simm.s32 @!p2 $0x3;
	[tilespmem:$0x1D4B0] =	vst v12  }
0x676: {  	[tilespmem:s10], [sflag:$0x1] =	stream.indirect.gather [hbm4b:s0+s31], $0x80, s9, s31, $0xb8;
	[tilespmem:$0x1EB80] =	vst v63  }
0x677: {  	p5 =	por @!p2 p3, p3;
	p1 =	por $0x0, $0x0;
	_ =	swait.ge @!p2 [sflag:s2], $0x2000  }
.Ltmp46:
0x678: {  	s9 =	simm.s32 @!p2 $0x1D580;
	[sflag:s2] =	ssyncset.done @!p2 $0x0;
	(pc) =	sbr.rel .LBB2_57-.Ltmp46, $4  }
0x679: {  	s10 =	simm.s32 @!p2 $0x19280;
	[sflag:s2] =	ssyncadd.s32 @!p2 $0xFFFFE000;
	s2 =	simm.s32 @!p2 $0x40  }
0x67a: {  	[spmem:s3] =	stream.indirect.scatter.add.f32 @!p2 [tilespmem:s10], [sflag:$0x7], $0x80, s9, s2, $0xb8;
	[tilespmem:$0x1EB80] =	vst v63  }
0x67b: {  	p4 =	por @!p2 p3, p3;
	p1 =	por @!p2 p3, p3;
	s10 =	simm.s32 @!p2 $0x1D880  }
0x67c: {  	[spmem:s4] =	stream.indirect.scatter.add.f32 @!p2 [tilespmem:s10], [sflag:$0xB], $0x1, s9, s2, $0xb8;
	[tilespmem:$0x1EB80] =	vst v63  }
.LBB2_62:
0x67d: {  	_ =	sfence.sel $0x180000  }
0x67e: {  	[bflag:$0x0] =	sbarrier.arrive $0xFFFF  }
0x67f: {  	_ =	strace $0x90000047  }
0x680: {  	s0 =	stileid.u32;
	[bflag:$0x2] =	sbarrier.arrive $0xFFFF  }
0x681: {  	p0 =	sne.s32 s0, $0x0;
	s0 =	rddreg [dreg:$0x5]  }
0x682: {  	s0 =	sadd.s32 @!p0 $0x100000, s0  }
0x683: {  	[sflag:s0] =	ssyncadd.tile.s32 @!p0 $0x1;
	_ =	shalt  }
.Lfunc_end2:
_tile_overlayer_lowered:
.L_overlay_start_2:
0x684: {  	(tag) =	ssettag $0x2  }
0x685: {  	s0 =	rddreg [dreg:$0x0];
	s2 =	stileid.u32  }
0x686: {  	s1 =	rddreg [dreg:$0x1];
	p0 =	sne.s32 s2, $0x0  }
0x687: {  	s3 =	rddreg [dreg:$0x2];
	[bflag:$0x3] =	sbarrier.arrive $0xFFFF;
	s2 =	simm.s32 @!p0 $0x1C01  }
0x688: {  	[timem:s3], [sflag:s2] =	dma.local @!p0 [hbm:s0], s1  }
0x689: {  	s0 =	simm.s32 @!p0 $0x1  }
0x68a: {  	_ =	swait.ge @!p0 [sflag:s0], s1  }
0x68b: {  	s1 =	ssub.s32 @!p0 $0x0, s1;
	[sflag:s0] =	ssyncset.done @!p0 $0x0  }
0x68c: {  	[sflag:s0] =	ssyncadd.s32 @!p0 s1  }
0x68d: {  	[bflag:$0x3] =	sbarrier.arrive $0xFFFF  }
0x68e: {  	_ =	shalt  }

</sc_bundles>
